<compile_context>
chip_gen: v7x
topology: tpu7x:2x2x1
jax: 0.10.2.dev20260603
libtpu: 0.0.44.dev20260713+nightly
codegen_flags: <defaults>
</compile_context>

<pallas_src>
import functools

import jax
import jax.numpy as jnp
from jax import lax
from jax.experimental import pallas as pl
from jax.experimental.pallas import tpu as pltpu
from jax.experimental.pallas import tpu_sc as plsc

N = 10000
E = 320000
D = 128
H = 128
C = 16
L = 16
NC = 2
NS = 16
NW = NC * NS
CHUNK = 80
NCHUNKS = E // CHUNK // NW
NBUF = 4
RPS = 640
RPS_LAST = N - 15 * RPS
UPAD = NS * RPS


def _sc_edge_pass(src, dst, x, w3pad):
    mesh = plsc.VectorSubcoreMesh(
        core_axis_name="c", subcore_axis_name="s", num_cores=NC, num_subcores=NS
    )

    @functools.partial(
        pl.kernel,
        out_type=(
            jax.ShapeDtypeStruct((NC, N, D), jnp.float32),
            jax.ShapeDtypeStruct((NC, UPAD), jnp.float32),
        ),
        mesh=mesh,
        scratch_types=[
            pltpu.VMEM_SHARED((N, D), jnp.float32),
            pltpu.VMEM_SHARED((UPAD,), jnp.float32),
            pltpu.VMEM((NBUF, CHUNK), jnp.int32),
            pltpu.VMEM((NBUF, CHUNK), jnp.int32),
            pltpu.VMEM((NBUF, CHUNK), jnp.int32),
            pltpu.VMEM((NBUF, CHUNK), jnp.int32),
            pltpu.VMEM((NBUF, CHUNK, D), jnp.float32),
            pltpu.VMEM((NBUF, CHUNK), jnp.float32),
            pltpu.VMEM((RPS,), jnp.float32),
        ] + [pltpu.SemaphoreType.DMA] * (5 * NBUF + 1),
    )
    def k(src_hbm, dst_hbm, x_hbm, w3_hbm, p_out, up_out,
          acc_sh, u_sh, idx_s, idx_d, sidx_s, sidx_d, rows, wvals, zbuf,
          *sems):
        core = lax.axis_index("c")
        sub = lax.axis_index("s")
        wid = core * NS + sub

        isems = sems[0:NBUF]
        gsems = sems[NBUF:2 * NBUF]
        wsems = sems[2 * NBUF:3 * NBUF]
        rsems = sems[3 * NBUF:4 * NBUF]
        usems = sems[4 * NBUF:5 * NBUF]
        zsem = sems[5 * NBUF]

        zero16 = jnp.zeros((L,), jnp.float32)

        crow0 = wid * NCHUNKS

        def issue_idx(c, b):
            pltpu.async_copy(src_hbm.at[crow0 + c], idx_s.at[b], isems[b])
            pltpu.async_copy(dst_hbm.at[crow0 + c], idx_d.at[b], isems[b])

        def drain_idx(c, b):
            pltpu.make_async_copy(src_hbm.at[crow0 + c], idx_s.at[b], isems[b]).wait()
            pltpu.make_async_copy(dst_hbm.at[crow0 + c], idx_d.at[b], isems[b]).wait()

        def issue_gather(b):
            pltpu.async_copy(x_hbm.at[idx_s.at[b]], rows.at[b], gsems[b])
            pltpu.async_copy(w3_hbm.at[idx_d.at[b]], wvals.at[b], wsems[b])

        def drain_gather(b):
            pltpu.make_async_copy(x_hbm.at[idx_s.at[b]], rows.at[b], gsems[b]).wait()
            pltpu.make_async_copy(w3_hbm.at[idx_d.at[b]], wvals.at[b], wsems[b]).wait()

        def copy_sidx(b):
            for j in range(CHUNK // L):
                sidx_s[b, pl.ds(j * L, L)] = idx_s[b, pl.ds(j * L, L)]
                sidx_d[b, pl.ds(j * L, L)] = idx_d[b, pl.ds(j * L, L)]

        def issue_scatter(b):
            pltpu.async_copy(rows.at[b], acc_sh.at[sidx_d.at[b]], rsems[b], add=True)
            pltpu.async_copy(wvals.at[b], u_sh.at[sidx_s.at[b]], usems[b], add=True)

        def drain_scatter(b):
            pltpu.make_async_copy(rows.at[b], acc_sh.at[sidx_d.at[b]], rsems[b]).wait()
            pltpu.make_async_copy(wvals.at[b], u_sh.at[sidx_s.at[b]], usems[b]).wait()


        issue_idx(0, 0)
        issue_idx(1, 1)
        issue_idx(2, 2)

        def zero_zbuf(i, carry):
            zbuf[pl.ds(i * L, L)] = zero16
            return carry

        lax.fori_loop(0, RPS // L, zero_zbuf, 0)

        def zero_rows(i, carry):
            for j in range(D // L):
                rows[3, i, pl.ds(j * L, L)] = zero16
            return carry

        lax.fori_loop(0, CHUNK, zero_rows, 0)

        pltpu.async_copy(zbuf, u_sh.at[pl.ds(sub * RPS, RPS)], zsem)

        @pl.when(sub < NS - 1)
        def _zero_main():
            for t in range(RPS // CHUNK):
                pltpu.async_copy(
                    rows.at[3], acc_sh.at[pl.ds(sub * RPS + t * CHUNK, CHUNK)],
                    zsem,
                )

        @pl.when(sub == NS - 1)
        def _zero_last():
            for t in range(RPS_LAST // CHUNK):
                pltpu.async_copy(
                    rows.at[3],
                    acc_sh.at[pl.ds((NS - 1) * RPS + t * CHUNK, CHUNK)],
                    zsem,
                )

        drain_idx(0, 0)
        issue_gather(0)
        issue_idx(3, 3)
        drain_idx(1, 1)
        issue_gather(1)
        drain_gather(0)
        copy_sidx(0)

        pltpu.make_async_copy(zbuf, u_sh.at[pl.ds(sub * RPS, RPS)], zsem).wait()

        @pl.when(sub < NS - 1)
        def _zero_main_wait():
            for t in range(RPS // CHUNK):
                pltpu.make_async_copy(
                    rows.at[3], acc_sh.at[pl.ds(sub * RPS + t * CHUNK, CHUNK)],
                    zsem,
                ).wait()

        @pl.when(sub == NS - 1)
        def _zero_last_wait():
            for t in range(RPS_LAST // CHUNK):
                pltpu.make_async_copy(
                    rows.at[3],
                    acc_sh.at[pl.ds((NS - 1) * RPS + t * CHUNK, CHUNK)],
                    zsem,
                ).wait()

        plsc.subcore_barrier()

        issue_scatter(0)
        issue_idx(4, 0)
        drain_idx(2, 2)
        issue_gather(2)
        drain_gather(1)
        copy_sidx(1)
        issue_scatter(1)
        issue_idx(5, 1)
        drain_idx(3, 3)
        issue_gather(3)
        drain_gather(2)
        copy_sidx(2)
        issue_scatter(2)

        def step(i, b):
            drain_scatter(b)
            issue_idx(i + 2, (b + 2) % NBUF)
            drain_idx(i, b)
            issue_gather(b)
            drain_gather((b - 1) % NBUF)
            copy_sidx((b - 1) % NBUF)
            issue_scatter((b - 1) % NBUF)

        def body(g, carry):
            i0 = g * NBUF
            step(i0 + 0, 0)
            step(i0 + 1, 1)
            step(i0 + 2, 2)
            step(i0 + 3, 3)
            return carry

        lax.fori_loop(1, (NCHUNKS - 1) // NBUF - 1, body, 0)

        for i in range(NCHUNKS - 5, NCHUNKS - 2):
            b = i % NBUF
            drain_scatter(b)
            issue_idx(i + 2, (b + 2) % NBUF)
            drain_idx(i, b)
            issue_gather(b)
            drain_gather((b - 1) % NBUF)
            copy_sidx((b - 1) % NBUF)
            issue_scatter((b - 1) % NBUF)
        for i in (NCHUNKS - 2, NCHUNKS - 1):
            b = i % NBUF
            drain_scatter(b)
            drain_idx(i, b)
            issue_gather(b)
            drain_gather((b - 1) % NBUF)
            copy_sidx((b - 1) % NBUF)
            issue_scatter((b - 1) % NBUF)
        bl = (NCHUNKS - 1) % NBUF
        drain_gather(bl)
        copy_sidx(bl)
        issue_scatter(bl)
        for i in range(NCHUNKS - 4, NCHUNKS):
            drain_scatter(i % NBUF)
        plsc.subcore_barrier()

        pltpu.sync_copy(
            u_sh.at[pl.ds(sub * RPS, RPS)],
            up_out.at[core, pl.ds(sub * RPS, RPS)],
        )

        @pl.when(sub < NS - 1)
        def _pub_main():
            pltpu.sync_copy(
                acc_sh.at[pl.ds(sub * RPS, RPS)],
                p_out.at[core, pl.ds(sub * RPS, RPS)],
            )

        @pl.when(sub == NS - 1)
        def _pub_last():
            pltpu.sync_copy(
                acc_sh.at[pl.ds((NS - 1) * RPS, RPS_LAST)],
                p_out.at[core, pl.ds((NS - 1) * RPS, RPS_LAST)],
            )

    return k(src, dst, x, w3pad)


def _tc_tail(p, up, W1, b1, W2, b2, w3pad, b3):

    def body(p_ref, up_ref, w1_ref, b1_ref, w2_ref, b2_ref, w3_ref, b3_ref, o_ref):
        agg = p_ref[0] + p_ref[1]
        h1 = jnp.dot(agg, w1_ref[...], preferred_element_type=jnp.float32)
        h1 = jnp.maximum(h1 + b1_ref[...][None, :], 0.0)
        u = (up_ref[0] + up_ref[1])[:N]
        v = jnp.dot(u[None, :], h1, preferred_element_type=jnp.float32)
        s = jnp.sum(w3_ref[...])
        logits = jnp.dot(v, w2_ref[...], preferred_element_type=jnp.float32)
        logits = logits + s * b2_ref[...][None, :] + b3_ref[...][None, :]
        o_ref[...] = (1.0 / (1.0 + jnp.exp(-logits))).reshape(C, 1)

    return pl.pallas_call(
        body,
        out_shape=jax.ShapeDtypeStruct((C, 1), jnp.float32),
    )(p, up, W1, b1, W2, b2, w3pad, b3)


@jax.jit
def kernel(inputs, edge_index, W1, b1, W2, b2, W3, b3):
    src = edge_index[0].reshape(E // CHUNK, CHUNK)
    dst = edge_index[1].reshape(E // CHUNK, CHUNK)
    w3flat = W3[:, 0]
    p, up = _sc_edge_pass(src, dst, inputs, w3flat)
    return _tc_tail(p, up, W1, b1, W2, b2, w3flat, b3)

# --- scband reference (transcript-rebuilt; emitter-appended) ---
"""Pipeline reference for scband-gnn-62285615726745 (READ-ONLY COPY).

The authoritative reference and input builder live on the scoring server;
editing this copy changes nothing except your own understanding.
"""

import jax, jax.numpy as jnp
import numpy as np

N, E, D, H, C = 10000, 320000, 128, 128, 16

def setup_inputs(seed: int = 0):
    key = jax.random.key(seed)
    ks = jax.random.split(key, 8)
    inputs = jax.random.normal(ks[0], (N, D), dtype=jnp.float32)
    edge_index = jax.random.randint(ks[1], (2, E), 0, N, dtype=jnp.int32)
    W1 = jax.random.normal(ks[2], (D, H), dtype=jnp.float32) * (1.0 / np.sqrt(D))
    b1 = jnp.zeros((H,), dtype=jnp.float32)
    W2 = jax.random.normal(ks[3], (H, C), dtype=jnp.float32) * (1.0 / np.sqrt(H))
    b2 = jnp.zeros((C,), dtype=jnp.float32)
    # linear_2: INUNITS = n_nodes (config), maps transposed node dim N -> 1
    W3 = jax.random.normal(ks[4], (N, 1), dtype=jnp.float32) * (1.0 / np.sqrt(N))
    b3 = jnp.zeros((1,), dtype=jnp.float32)
    return {"inputs": inputs, "edge_index": edge_index, "W1": W1, "b1": b1,
            "W2": W2, "b2": b2, "W3": W3, "b3": b3}

def reference(inputs, edge_index, W1, b1, W2, b2, W3, b3):
    src = edge_index[0]
    dst = edge_index[1]
    n = inputs.shape[0]
    # GNNLayer 1: update_all(copy_src, sum) then linear
    agg1 = jax.ops.segment_sum(jnp.take(inputs, src, axis=0), dst, num_segments=n)
    h = agg1 @ W1 + b1
    h = jax.nn.relu(h)
    # GNNLayer 2
    agg2 = jax.ops.segment_sum(jnp.take(h, src, axis=0), dst, num_segments=n)
    h = agg2 @ W2 + b2
    # transpose, linear_2 over node dimension, sigmoid
    h = h.T  # [C, N]
    h = h @ W3 + b3  # [C, 1]
    return jax.nn.sigmoid(h)

if __name__ == "__main__":
    import jax
    _d = setup_inputs()
    print(jax.jit(kernel)(*tuple(_d.values())))

</pallas_src>

<mosaic_0001>
#map = affine_map<(d0, d1) -> (0, 0)>
#map1 = affine_map<(d0, d1) -> (0)>
#map2 = affine_map<(d0, d1) -> (0, 0, 0)>
module attributes {stable_mosaic.version = 14 : i64} {
  func.func @k(%arg0: i32, %arg1: i32, %arg2: memref<4000x80xi32, #tpu.memory_space<hbm>>, %arg3: memref<4000x80xi32, #tpu.memory_space<hbm>>, %arg4: memref<10000x128xf32, #tpu.memory_space<hbm>>, %arg5: memref<10000xf32, #tpu.memory_space<hbm>>, %arg6: memref<2x10000x128xf32, #tpu.memory_space<hbm>>, %arg7: memref<2x10240xf32, #tpu.memory_space<hbm>>, %arg8: memref<10000x128xf32, #tpu.memory_space<vmem_shared>>, %arg9: memref<10240xf32, #tpu.memory_space<vmem_shared>>, %arg10: memref<4x80xi32, #tpu.memory_space<vmem>>, %arg11: memref<4x80xi32, #tpu.memory_space<vmem>>, %arg12: memref<4x80xi32, #tpu.memory_space<vmem>>, %arg13: memref<4x80xi32, #tpu.memory_space<vmem>>, %arg14: memref<4x80x128xf32, #tpu.memory_space<vmem>>, %arg15: memref<4x80xf32, #tpu.memory_space<vmem>>, %arg16: memref<640xf32, #tpu.memory_space<vmem>>, %arg17: memref<!tpu.dma_semaphore, #tpu.memory_space<semaphore_mem>>, %arg18: memref<!tpu.dma_semaphore, #tpu.memory_space<semaphore_mem>>, %arg19: memref<!tpu.dma_semaphore, #tpu.memory_space<semaphore_mem>>, %arg20: memref<!tpu.dma_semaphore, #tpu.memory_space<semaphore_mem>>, %arg21: memref<!tpu.dma_semaphore, #tpu.memory_space<semaphore_mem>>, %arg22: memref<!tpu.dma_semaphore, #tpu.memory_space<semaphore_mem>>, %arg23: memref<!tpu.dma_semaphore, #tpu.memory_space<semaphore_mem>>, %arg24: memref<!tpu.dma_semaphore, #tpu.memory_space<semaphore_mem>>, %arg25: memref<!tpu.dma_semaphore, #tpu.memory_space<semaphore_mem>>, %arg26: memref<!tpu.dma_semaphore, #tpu.memory_space<semaphore_mem>>, %arg27: memref<!tpu.dma_semaphore, #tpu.memory_space<semaphore_mem>>, %arg28: memref<!tpu.dma_semaphore, #tpu.memory_space<semaphore_mem>>, %arg29: memref<!tpu.dma_semaphore, #tpu.memory_space<semaphore_mem>>, %arg30: memref<!tpu.dma_semaphore, #tpu.memory_space<semaphore_mem>>, %arg31: memref<!tpu.dma_semaphore, #tpu.memory_space<semaphore_mem>>, %arg32: memref<!tpu.dma_semaphore, #tpu.memory_space<semaphore_mem>>, %arg33: memref<!tpu.dma_semaphore, #tpu.memory_space<semaphore_mem>>, %arg34: memref<!tpu.dma_semaphore, #tpu.memory_space<semaphore_mem>>, %arg35: memref<!tpu.dma_semaphore, #tpu.memory_space<semaphore_mem>>, %arg36: memref<!tpu.dma_semaphore, #tpu.memory_space<semaphore_mem>>, %arg37: memref<!tpu.dma_semaphore, #tpu.memory_space<semaphore_mem>>) attributes {dimension_semantics = [#tpu.dimension_semantics<core_parallel>, #tpu.dimension_semantics<subcore_parallel>], iteration_bounds = array<i64: 2, 16>, scalar_prefetch = 0 : i64, scratch_operands = 30 : i64, tpu.core_type = #tpu.core_type<sc_vector_subcore>, window_params = [{transform_indices = #map}, {transform_indices = #map}, {transform_indices = #map}, {transform_indices = #map1}, {transform_indices = #map2}, {transform_indices = #map}]} {
    %mul3A = arith.constant 16 : i32
    %mul3A_0 = arith.muli %arg0, %mul3A : i32
    %add3A = arith.addi %mul3A_0, %arg1 : i32
    %broadcast_in_dim3A = arith.constant 0.000000e+00 : f32
    %broadcast_in_dim3A_1 = vector.broadcast %broadcast_in_dim3A : f32 to vector<16xf32>
    %mul3A_2 = arith.constant 125 : i32
    %mul3A_3 = arith.muli %add3A, %mul3A_2 : i32
    %add3A_4 = arith.constant 0 : i32
    %add3A_5 = arith.addi %mul3A_3, %add3A_4 : i32
    %dma_start3A = arith.constant 0 : i32
    %dma_start3A_6 = arith.constant 0 : i32
    %dma_start3A_7 = tpu.memref_slice %arg10[%dma_start3A, %dma_start3A_6] : memref<4x80xi32, #tpu.memory_space<vmem>> -> memref<1x80xi32, #tpu.memory_space<vmem>>
    %dma_start3A_8 = tpu.memref_squeeze %dma_start3A_7 : memref<1x80xi32, #tpu.memory_space<vmem>> -> memref<80xi32, #tpu.memory_space<vmem>>
    %dma_start3A_9 = arith.constant 0 : i32
    %dma_start3A_10 = tpu.memref_slice %arg2[%add3A_5, %dma_start3A_9] : memref<4000x80xi32, #tpu.memory_space<hbm>> -> memref<1x80xi32, #tpu.memory_space<hbm>>
    %dma_start3A_11 = tpu.memref_squeeze %dma_start3A_10 : memref<1x80xi32, #tpu.memory_space<hbm>> -> memref<80xi32, #tpu.memory_space<hbm>>
    %dma_start3A_12 = arith.constant 0 : i32
    %dma_start3A_13 = tpu.memref_slice %arg10[%dma_start3A, %dma_start3A_12] : memref<4x80xi32, #tpu.memory_space<vmem>> -> memref<1x80xi32, #tpu.memory_space<vmem>>
    %dma_start3A_14 = tpu.memref_squeeze %dma_start3A_13 : memref<1x80xi32, #tpu.memory_space<vmem>> -> memref<80xi32, #tpu.memory_space<vmem>>
    %dma_start3A_15 = arith.constant 0 : i32
    %dma_start3A_16 = tpu.memref_slice %arg2[%add3A_5, %dma_start3A_15] : memref<4000x80xi32, #tpu.memory_space<hbm>> -> memref<1x80xi32, #tpu.memory_space<hbm>>
    %dma_start3A_17 = tpu.memref_squeeze %dma_start3A_16 : memref<1x80xi32, #tpu.memory_space<hbm>> -> memref<80xi32, #tpu.memory_space<hbm>>
    tpu.enqueue_dma source(%dma_start3A_17 : memref<80xi32, #tpu.memory_space<hbm>>) target(%dma_start3A_14 : memref<80xi32, #tpu.memory_space<vmem>>) target_semaphore(%arg17 : memref<!tpu.dma_semaphore, #tpu.memory_space<semaphore_mem>>)
    %add3A_18 = arith.constant 0 : i32
    %add3A_19 = arith.addi %mul3A_3, %add3A_18 : i32
    %dma_start3A_20 = arith.constant 0 : i32
    %dma_start3A_21 = arith.constant 0 : i32
    %dma_start3A_22 = tpu.memref_slice %arg11[%dma_start3A_20, %dma_start3A_21] : memref<4x80xi32, #tpu.memory_space<vmem>> -> memref<1x80xi32, #tpu.memory_space<vmem>>
    %dma_start3A_23 = tpu.memref_squeeze %dma_start3A_22 : memref<1x80xi32, #tpu.memory_space<vmem>> -> memref<80xi32, #tpu.memory_space<vmem>>
    %dma_start3A_24 = arith.constant 0 : i32
    %dma_start3A_25 = tpu.memref_slice %arg3[%add3A_19, %dma_start3A_24] : memref<4000x80xi32, #tpu.memory_space<hbm>> -> memref<1x80xi32, #tpu.memory_space<hbm>>
    %dma_start3A_26 = tpu.memref_squeeze %dma_start3A_25 : memref<1x80xi32, #tpu.memory_space<hbm>> -> memref<80xi32, #tpu.memory_space<hbm>>
    %dma_start3A_27 = arith.constant 0 : i32
    %dma_start3A_28 = tpu.memref_slice %arg11[%dma_start3A_20, %dma_start3A_27] : memref<4x80xi32, #tpu.memory_space<vmem>> -> memref<1x80xi32, #tpu.memory_space<vmem>>
    %dma_start3A_29 = tpu.memref_squeeze %dma_start3A_28 : memref<1x80xi32, #tpu.memory_space<vmem>> -> memref<80xi32, #tpu.memory_space<vmem>>
    %dma_start3A_30 = arith.constant 0 : i32
    %dma_start3A_31 = tpu.memref_slice %arg3[%add3A_19, %dma_start3A_30] : memref<4000x80xi32, #tpu.memory_space<hbm>> -> memref<1x80xi32, #tpu.memory_space<hbm>>
    %dma_start3A_32 = tpu.memref_squeeze %dma_start3A_31 : memref<1x80xi32, #tpu.memory_space<hbm>> -> memref<80xi32, #tpu.memory_space<hbm>>
    tpu.enqueue_dma source(%dma_start3A_32 : memref<80xi32, #tpu.memory_space<hbm>>) target(%dma_start3A_29 : memref<80xi32, #tpu.memory_space<vmem>>) target_semaphore(%arg17 : memref<!tpu.dma_semaphore, #tpu.memory_space<semaphore_mem>>)
    %add3A_33 = arith.constant 1 : i32
    %add3A_34 = arith.addi %mul3A_3, %add3A_33 : i32
    %dma_start3A_35 = arith.constant 1 : i32
    %dma_start3A_36 = arith.constant 0 : i32
    %dma_start3A_37 = tpu.memref_slice %arg10[%dma_start3A_35, %dma_start3A_36] : memref<4x80xi32, #tpu.memory_space<vmem>> -> memref<1x80xi32, #tpu.memory_space<vmem>>
    %dma_start3A_38 = tpu.memref_squeeze %dma_start3A_37 : memref<1x80xi32, #tpu.memory_space<vmem>> -> memref<80xi32, #tpu.memory_space<vmem>>
    %dma_start3A_39 = arith.constant 0 : i32
    %dma_start3A_40 = tpu.memref_slice %arg2[%add3A_34, %dma_start3A_39] : memref<4000x80xi32, #tpu.memory_space<hbm>> -> memref<1x80xi32, #tpu.memory_space<hbm>>
    %dma_start3A_41 = tpu.memref_squeeze %dma_start3A_40 : memref<1x80xi32, #tpu.memory_space<hbm>> -> memref<80xi32, #tpu.memory_space<hbm>>
    %dma_start3A_42 = arith.constant 0 : i32
    %dma_start3A_43 = tpu.memref_slice %arg10[%dma_start3A_35, %dma_start3A_42] : memref<4x80xi32, #tpu.memory_space<vmem>> -> memref<1x80xi32, #tpu.memory_space<vmem>>
    %dma_start3A_44 = tpu.memref_squeeze %dma_start3A_43 : memref<1x80xi32, #tpu.memory_space<vmem>> -> memref<80xi32, #tpu.memory_space<vmem>>
    %dma_start3A_45 = arith.constant 0 : i32
    %dma_start3A_46 = tpu.memref_slice %arg2[%add3A_34, %dma_start3A_45] : memref<4000x80xi32, #tpu.memory_space<hbm>> -> memref<1x80xi32, #tpu.memory_space<hbm>>
    %dma_start3A_47 = tpu.memref_squeeze %dma_start3A_46 : memref<1x80xi32, #tpu.memory_space<hbm>> -> memref<80xi32, #tpu.memory_space<hbm>>
    tpu.enqueue_dma source(%dma_start3A_47 : memref<80xi32, #tpu.memory_space<hbm>>) target(%dma_start3A_44 : memref<80xi32, #tpu.memory_space<vmem>>) target_semaphore(%arg18 : memref<!tpu.dma_semaphore, #tpu.memory_space<semaphore_mem>>)
    %add3A_48 = arith.constant 1 : i32
    %add3A_49 = arith.addi %mul3A_3, %add3A_48 : i32
    %dma_start3A_50 = arith.constant 1 : i32
    %dma_start3A_51 = arith.constant 0 : i32
    %dma_start3A_52 = tpu.memref_slice %arg11[%dma_start3A_50, %dma_start3A_51] : memref<4x80xi32, #tpu.memory_space<vmem>> -> memref<1x80xi32, #tpu.memory_space<vmem>>
    %dma_start3A_53 = tpu.memref_squeeze %dma_start3A_52 : memref<1x80xi32, #tpu.memory_space<vmem>> -> memref<80xi32, #tpu.memory_space<vmem>>
    %dma_start3A_54 = arith.constant 0 : i32
    %dma_start3A_55 = tpu.memref_slice %arg3[%add3A_49, %dma_start3A_54] : memref<4000x80xi32, #tpu.memory_space<hbm>> -> memref<1x80xi32, #tpu.memory_space<hbm>>
    %dma_start3A_56 = tpu.memref_squeeze %dma_start3A_55 : memref<1x80xi32, #tpu.memory_space<hbm>> -> memref<80xi32, #tpu.memory_space<hbm>>
    %dma_start3A_57 = arith.constant 0 : i32
    %dma_start3A_58 = tpu.memref_slice %arg11[%dma_start3A_50, %dma_start3A_57] : memref<4x80xi32, #tpu.memory_space<vmem>> -> memref<1x80xi32, #tpu.memory_space<vmem>>
    %dma_start3A_59 = tpu.memref_squeeze %dma_start3A_58 : memref<1x80xi32, #tpu.memory_space<vmem>> -> memref<80xi32, #tpu.memory_space<vmem>>
    %dma_start3A_60 = arith.constant 0 : i32
    %dma_start3A_61 = tpu.memref_slice %arg3[%add3A_49, %dma_start3A_60] : memref<4000x80xi32, #tpu.memory_space<hbm>> -> memref<1x80xi32, #tpu.memory_space<hbm>>
    %dma_start3A_62 = tpu.memref_squeeze %dma_start3A_61 : memref<1x80xi32, #tpu.memory_space<hbm>> -> memref<80xi32, #tpu.memory_space<hbm>>
    tpu.enqueue_dma source(%dma_start3A_62 : memref<80xi32, #tpu.memory_space<hbm>>) target(%dma_start3A_59 : memref<80xi32, #tpu.memory_space<vmem>>) target_semaphore(%arg18 : memref<!tpu.dma_semaphore, #tpu.memory_space<semaphore_mem>>)
    %add3A_63 = arith.constant 2 : i32
    %add3A_64 = arith.addi %mul3A_3, %add3A_63 : i32
    %dma_start3A_65 = arith.constant 2 : i32
    %dma_start3A_66 = arith.constant 0 : i32
    %dma_start3A_67 = tpu.memref_slice %arg10[%dma_start3A_65, %dma_start3A_66] : memref<4x80xi32, #tpu.memory_space<vmem>> -> memref<1x80xi32, #tpu.memory_space<vmem>>
    %dma_start3A_68 = tpu.memref_squeeze %dma_start3A_67 : memref<1x80xi32, #tpu.memory_space<vmem>> -> memref<80xi32, #tpu.memory_space<vmem>>
    %dma_start3A_69 = arith.constant 0 : i32
    %dma_start3A_70 = tpu.memref_slice %arg2[%add3A_64, %dma_start3A_69] : memref<4000x80xi32, #tpu.memory_space<hbm>> -> memref<1x80xi32, #tpu.memory_space<hbm>>
    %dma_start3A_71 = tpu.memref_squeeze %dma_start3A_70 : memref<1x80xi32, #tpu.memory_space<hbm>> -> memref<80xi32, #tpu.memory_space<hbm>>
    %dma_start3A_72 = arith.constant 0 : i32
    %dma_start3A_73 = tpu.memref_slice %arg10[%dma_start3A_65, %dma_start3A_72] : memref<4x80xi32, #tpu.memory_space<vmem>> -> memref<1x80xi32, #tpu.memory_space<vmem>>
    %dma_start3A_74 = tpu.memref_squeeze %dma_start3A_73 : memref<1x80xi32, #tpu.memory_space<vmem>> -> memref<80xi32, #tpu.memory_space<vmem>>
    %dma_start3A_75 = arith.constant 0 : i32
    %dma_start3A_76 = tpu.memref_slice %arg2[%add3A_64, %dma_start3A_75] : memref<4000x80xi32, #tpu.memory_space<hbm>> -> memref<1x80xi32, #tpu.memory_space<hbm>>
    %dma_start3A_77 = tpu.memref_squeeze %dma_start3A_76 : memref<1x80xi32, #tpu.memory_space<hbm>> -> memref<80xi32, #tpu.memory_space<hbm>>
    tpu.enqueue_dma source(%dma_start3A_77 : memref<80xi32, #tpu.memory_space<hbm>>) target(%dma_start3A_74 : memref<80xi32, #tpu.memory_space<vmem>>) target_semaphore(%arg19 : memref<!tpu.dma_semaphore, #tpu.memory_space<semaphore_mem>>)
    %add3A_78 = arith.constant 2 : i32
    %add3A_79 = arith.addi %mul3A_3, %add3A_78 : i32
    %dma_start3A_80 = arith.constant 2 : i32
    %dma_start3A_81 = arith.constant 0 : i32
    %dma_start3A_82 = tpu.memref_slice %arg11[%dma_start3A_80, %dma_start3A_81] : memref<4x80xi32, #tpu.memory_space<vmem>> -> memref<1x80xi32, #tpu.memory_space<vmem>>
    %dma_start3A_83 = tpu.memref_squeeze %dma_start3A_82 : memref<1x80xi32, #tpu.memory_space<vmem>> -> memref<80xi32, #tpu.memory_space<vmem>>
    %dma_start3A_84 = arith.constant 0 : i32
    %dma_start3A_85 = tpu.memref_slice %arg3[%add3A_79, %dma_start3A_84] : memref<4000x80xi32, #tpu.memory_space<hbm>> -> memref<1x80xi32, #tpu.memory_space<hbm>>
    %dma_start3A_86 = tpu.memref_squeeze %dma_start3A_85 : memref<1x80xi32, #tpu.memory_space<hbm>> -> memref<80xi32, #tpu.memory_space<hbm>>
    %dma_start3A_87 = arith.constant 0 : i32
    %dma_start3A_88 = tpu.memref_slice %arg11[%dma_start3A_80, %dma_start3A_87] : memref<4x80xi32, #tpu.memory_space<vmem>> -> memref<1x80xi32, #tpu.memory_space<vmem>>
    %dma_start3A_89 = tpu.memref_squeeze %dma_start3A_88 : memref<1x80xi32, #tpu.memory_space<vmem>> -> memref<80xi32, #tpu.memory_space<vmem>>
    %dma_start3A_90 = arith.constant 0 : i32
    %dma_start3A_91 = tpu.memref_slice %arg3[%add3A_79, %dma_start3A_90] : memref<4000x80xi32, #tpu.memory_space<hbm>> -> memref<1x80xi32, #tpu.memory_space<hbm>>
    %dma_start3A_92 = tpu.memref_squeeze %dma_start3A_91 : memref<1x80xi32, #tpu.memory_space<hbm>> -> memref<80xi32, #tpu.memory_space<hbm>>
    tpu.enqueue_dma source(%dma_start3A_92 : memref<80xi32, #tpu.memory_space<hbm>>) target(%dma_start3A_89 : memref<80xi32, #tpu.memory_space<vmem>>) target_semaphore(%arg19 : memref<!tpu.dma_semaphore, #tpu.memory_space<semaphore_mem>>)
    %scan3A = arith.constant 0 : i32
    %scan3A_93 = arith.constant 0 : i32
    %scan3A_94 = arith.constant 40 : i32
    %scan3A_95 = arith.addi %scan3A_93, %scan3A_94 : i32
    %scan3A_96 = arith.constant 1 : i32
    scf.for %scan3A_2378 = %scan3A_93 to %scan3A_95 step %scan3A_96  : i32 {
      %mul3A_2379 = arith.constant 16 : i32
      %mul3A_2380 = arith.muli %scan3A_2378, %mul3A_2379 : i32
      %swap3A_2381 = arith.index_cast %mul3A_2380 : i32 to index
      %swap3A_2382 = tpu.vector_load %arg16[%swap3A_2381] {strides = array<i32>} : memref<640xf32, #tpu.memory_space<vmem>>, vector<16xf32>,
      %swap3A_2383 = vector.shape_cast %swap3A_2382 : vector<16xf32> to vector<16xf32>
      %swap3A_2384 = vector.shape_cast %broadcast_in_dim3A_1 : vector<16xf32> to vector<16xf32>
      tpu.vector_store %arg16[%swap3A_2381], %swap3A_2384 {strides = array<i32>} : memref<640xf32, #tpu.memory_space<vmem>>, vector<16xf32>,
    }
    %scan3A_97 = arith.constant 40 : i32
    %scan3A_98 = arith.constant 0 : i32
    %scan3A_99 = arith.constant 0 : i32
    %scan3A_100 = arith.constant 80 : i32
    %scan3A_101 = arith.addi %scan3A_99, %scan3A_100 : i32
    %scan3A_102 = arith.constant 1 : i32
    scf.for %scan3A_2378 = %scan3A_99 to %scan3A_101 step %scan3A_102  : i32 {
      %swap3A_2379 = arith.constant 3 : i32
      %swap3A_2380 = arith.index_cast %swap3A_2379 : i32 to index
      %swap3A_2381 = arith.index_cast %scan3A_2378 : i32 to index
      %swap3A_2382 = arith.constant 0 : index
      %swap3A_2383 = tpu.vector_load %arg14[%swap3A_2380, %swap3A_2381, %swap3A_2382] {strides = array<i32>} : memref<4x80x128xf32, #tpu.memory_space<vmem>>, vector<1x1x16xf32>,
      %swap3A_2384 = vector.shape_cast %swap3A_2383 : vector<1x1x16xf32> to vector<16xf32>
      %swap3A_2385 = vector.shape_cast %broadcast_in_dim3A_1 : vector<16xf32> to vector<1x1x16xf32>
      tpu.vector_store %arg14[%swap3A_2380, %swap3A_2381, %swap3A_2382], %swap3A_2385 {strides = array<i32>} : memref<4x80x128xf32, #tpu.memory_space<vmem>>, vector<1x1x16xf32>,
      %swap3A_2386 = arith.constant 3 : i32
      %swap3A_2387 = arith.index_cast %swap3A_2386 : i32 to index
      %swap3A_2388 = arith.index_cast %scan3A_2378 : i32 to index
      %swap3A_2389 = arith.constant 16 : index
      %swap3A_2390 = tpu.vector_load %arg14[%swap3A_2387, %swap3A_2388, %swap3A_2389] {strides = array<i32>} : memref<4x80x128xf32, #tpu.memory_space<vmem>>, vector<1x1x16xf32>,
      %swap3A_2391 = vector.shape_cast %swap3A_2390 : vector<1x1x16xf32> to vector<16xf32>
      %swap3A_2392 = vector.shape_cast %broadcast_in_dim3A_1 : vector<16xf32> to vector<1x1x16xf32>
      tpu.vector_store %arg14[%swap3A_2387, %swap3A_2388, %swap3A_2389], %swap3A_2392 {strides = array<i32>} : memref<4x80x128xf32, #tpu.memory_space<vmem>>, vector<1x1x16xf32>,
      %swap3A_2393 = arith.constant 3 : i32
      %swap3A_2394 = arith.index_cast %swap3A_2393 : i32 to index
      %swap3A_2395 = arith.index_cast %scan3A_2378 : i32 to index
      %swap3A_2396 = arith.constant 32 : index
      %swap3A_2397 = tpu.vector_load %arg14[%swap3A_2394, %swap3A_2395, %swap3A_2396] {strides = array<i32>} : memref<4x80x128xf32, #tpu.memory_space<vmem>>, vector<1x1x16xf32>,
      %swap3A_2398 = vector.shape_cast %swap3A_2397 : vector<1x1x16xf32> to vector<16xf32>
      %swap3A_2399 = vector.shape_cast %broadcast_in_dim3A_1 : vector<16xf32> to vector<1x1x16xf32>
      tpu.vector_store %arg14[%swap3A_2394, %swap3A_2395, %swap3A_2396], %swap3A_2399 {strides = array<i32>} : memref<4x80x128xf32, #tpu.memory_space<vmem>>, vector<1x1x16xf32>,
      %swap3A_2400 = arith.constant 3 : i32
      %swap3A_2401 = arith.index_cast %swap3A_2400 : i32 to index
      %swap3A_2402 = arith.index_cast %scan3A_2378 : i32 to index
      %swap3A_2403 = arith.constant 48 : index
      %swap3A_2404 = tpu.vector_load %arg14[%swap3A_2401, %swap3A_2402, %swap3A_2403] {strides = array<i32>} : memref<4x80x128xf32, #tpu.memory_space<vmem>>, vector<1x1x16xf32>,
      %swap3A_2405 = vector.shape_cast %swap3A_2404 : vector<1x1x16xf32> to vector<16xf32>
      %swap3A_2406 = vector.shape_cast %broadcast_in_dim3A_1 : vector<16xf32> to vector<1x1x16xf32>
      tpu.vector_store %arg14[%swap3A_2401, %swap3A_2402, %swap3A_2403], %swap3A_2406 {strides = array<i32>} : memref<4x80x128xf32, #tpu.memory_space<vmem>>, vector<1x1x16xf32>,
      %swap3A_2407 = arith.constant 3 : i32
      %swap3A_2408 = arith.index_cast %swap3A_2407 : i32 to index
      %swap3A_2409 = arith.index_cast %scan3A_2378 : i32 to index
      %swap3A_2410 = arith.constant 64 : index
      %swap3A_2411 = tpu.vector_load %arg14[%swap3A_2408, %swap3A_2409, %swap3A_2410] {strides = array<i32>} : memref<4x80x128xf32, #tpu.memory_space<vmem>>, vector<1x1x16xf32>,
      %swap3A_2412 = vector.shape_cast %swap3A_2411 : vector<1x1x16xf32> to vector<16xf32>
      %swap3A_2413 = vector.shape_cast %broadcast_in_dim3A_1 : vector<16xf32> to vector<1x1x16xf32>
      tpu.vector_store %arg14[%swap3A_2408, %swap3A_2409, %swap3A_2410], %swap3A_2413 {strides = array<i32>} : memref<4x80x128xf32, #tpu.memory_space<vmem>>, vector<1x1x16xf32>,
      %swap3A_2414 = arith.constant 3 : i32
      %swap3A_2415 = arith.index_cast %swap3A_2414 : i32 to index
      %swap3A_2416 = arith.index_cast %scan3A_2378 : i32 to index
      %swap3A_2417 = arith.constant 80 : index
      %swap3A_2418 = tpu.vector_load %arg14[%swap3A_2415, %swap3A_2416, %swap3A_2417] {strides = array<i32>} : memref<4x80x128xf32, #tpu.memory_space<vmem>>, vector<1x1x16xf32>,
      %swap3A_2419 = vector.shape_cast %swap3A_2418 : vector<1x1x16xf32> to vector<16xf32>
      %swap3A_2420 = vector.shape_cast %broadcast_in_dim3A_1 : vector<16xf32> to vector<1x1x16xf32>
      tpu.vector_store %arg14[%swap3A_2415, %swap3A_2416, %swap3A_2417], %swap3A_2420 {strides = array<i32>} : memref<4x80x128xf32, #tpu.memory_space<vmem>>, vector<1x1x16xf32>,
      %swap3A_2421 = arith.constant 3 : i32
      %swap3A_2422 = arith.index_cast %swap3A_2421 : i32 to index
      %swap3A_2423 = arith.index_cast %scan3A_2378 : i32 to index
      %swap3A_2424 = arith.constant 96 : index
      %swap3A_2425 = tpu.vector_load %arg14[%swap3A_2422, %swap3A_2423, %swap3A_2424] {strides = array<i32>} : memref<4x80x128xf32, #tpu.memory_space<vmem>>, vector<1x1x16xf32>,
      %swap3A_2426 = vector.shape_cast %swap3A_2425 : vector<1x1x16xf32> to vector<16xf32>
      %swap3A_2427 = vector.shape_cast %broadcast_in_dim3A_1 : vector<16xf32> to vector<1x1x16xf32>
      tpu.vector_store %arg14[%swap3A_2422, %swap3A_2423, %swap3A_2424], %swap3A_2427 {strides = array<i32>} : memref<4x80x128xf32, #tpu.memory_space<vmem>>, vector<1x1x16xf32>,
      %swap3A_2428 = arith.constant 3 : i32
      %swap3A_2429 = arith.index_cast %swap3A_2428 : i32 to index
      %swap3A_2430 = arith.index_cast %scan3A_2378 : i32 to index
      %swap3A_2431 = arith.constant 112 : index
      %swap3A_2432 = tpu.vector_load %arg14[%swap3A_2429, %swap3A_2430, %swap3A_2431] {strides = array<i32>} : memref<4x80x128xf32, #tpu.memory_space<vmem>>, vector<1x1x16xf32>,
      %swap3A_2433 = vector.shape_cast %swap3A_2432 : vector<1x1x16xf32> to vector<16xf32>
      %swap3A_2434 = vector.shape_cast %broadcast_in_dim3A_1 : vector<16xf32> to vector<1x1x16xf32>
      tpu.vector_store %arg14[%swap3A_2429, %swap3A_2430, %swap3A_2431], %swap3A_2434 {strides = array<i32>} : memref<4x80x128xf32, #tpu.memory_space<vmem>>, vector<1x1x16xf32>,
    }
    %scan3A_103 = arith.constant 80 : i32
    %mul3A_104 = arith.constant 640 : i32
    %mul3A_105 = arith.muli %arg1, %mul3A_104 : i32
    %dma_start3A_106 = tpu.memref_slice %arg9[%mul3A_105] : memref<10240xf32, #tpu.memory_space<vmem_shared>> -> memref<640xf32, #tpu.memory_space<vmem_shared>>
    %dma_start3A_107 = tpu.memref_slice %arg9[%mul3A_105] : memref<10240xf32, #tpu.memory_space<vmem_shared>> -> memref<640xf32, #tpu.memory_space<vmem_shared>>
    tpu.enqueue_dma source(%arg16 : memref<640xf32, #tpu.memory_space<vmem>>) target(%dma_start3A_107 : memref<640xf32, #tpu.memory_space<vmem_shared>>) target_semaphore(%arg37 : memref<!tpu.dma_semaphore, #tpu.memory_space<semaphore_mem>>)
    %lt3A = arith.constant 15 : i32
    %lt3A_108 = arith.cmpi slt, %arg1, %lt3A : i32
    %convert_element_type3A = arith.extui %lt3A_108 : i1 to i32
    %cond3A = arith.constant 0 : i32
    %cond3A_109 = arith.cmpi ne, %convert_element_type3A, %cond3A : i32
    scf.if %cond3A_109 {
      %mul3A_2378 = arith.constant 640 : i32
      %mul3A_2379 = arith.muli %arg1, %mul3A_2378 : i32
      %add3A_2380 = arith.constant 0 : i32
      %add3A_2381 = arith.addi %mul3A_2379, %add3A_2380 : i32
      %dma_start3A_2382 = arith.constant 3 : i32
      %dma_start3A_2383 = arith.constant 0 : i32
      %dma_start3A_2384 = arith.constant 0 : i32
      %dma_start3A_2385 = tpu.memref_slice %arg14[%dma_start3A_2382, %dma_start3A_2383, %dma_start3A_2384] : memref<4x80x128xf32, #tpu.memory_space<vmem>> -> memref<1x80x128xf32, #tpu.memory_space<vmem>>
      %dma_start3A_2386 = tpu.memref_squeeze %dma_start3A_2385 : memref<1x80x128xf32, #tpu.memory_space<vmem>> -> memref<80x128xf32, #tpu.memory_space<vmem>>
      %dma_start3A_2387 = arith.constant 0 : i32
      %dma_start3A_2388 = tpu.memref_slice %arg8[%add3A_2381, %dma_start3A_2387] : memref<10000x128xf32, #tpu.memory_space<vmem_shared>> -> memref<80x128xf32, #tpu.memory_space<vmem_shared>>
      %dma_start3A_2389 = arith.constant 0 : i32
      %dma_start3A_2390 = tpu.memref_slice %arg8[%add3A_2381, %dma_start3A_2389] : memref<10000x128xf32, #tpu.memory_space<vmem_shared>> -> memref<80x128xf32, #tpu.memory_space<vmem_shared>>
      %dma_start3A_2391 = arith.constant 0 : i32
      %dma_start3A_2392 = arith.constant 0 : i32
      %dma_start3A_2393 = tpu.memref_slice %arg14[%dma_start3A_2382, %dma_start3A_2391, %dma_start3A_2392] : memref<4x80x128xf32, #tpu.memory_space<vmem>> -> memref<1x80x128xf32, #tpu.memory_space<vmem>>
      %dma_start3A_2394 = tpu.memref_squeeze %dma_start3A_2393 : memref<1x80x128xf32, #tpu.memory_space<vmem>> -> memref<80x128xf32, #tpu.memory_space<vmem>>
      tpu.enqueue_dma source(%dma_start3A_2394 : memref<80x128xf32, #tpu.memory_space<vmem>>) target(%dma_start3A_2390 : memref<80x128xf32, #tpu.memory_space<vmem_shared>>) target_semaphore(%arg37 : memref<!tpu.dma_semaphore, #tpu.memory_space<semaphore_mem>>)
      %mul3A_2395 = arith.constant 640 : i32
      %mul3A_2396 = arith.muli %arg1, %mul3A_2395 : i32
      %add3A_2397 = arith.constant 80 : i32
      %add3A_2398 = arith.addi %mul3A_2396, %add3A_2397 : i32
      %dma_start3A_2399 = arith.constant 3 : i32
      %dma_start3A_2400 = arith.constant 0 : i32
      %dma_start3A_2401 = arith.constant 0 : i32
      %dma_start3A_2402 = tpu.memref_slice %arg14[%dma_start3A_2399, %dma_start3A_2400, %dma_start3A_2401] : memref<4x80x128xf32, #tpu.memory_space<vmem>> -> memref<1x80x128xf32, #tpu.memory_space<vmem>>
      %dma_start3A_2403 = tpu.memref_squeeze %dma_start3A_2402 : memref<1x80x128xf32, #tpu.memory_space<vmem>> -> memref<80x128xf32, #tpu.memory_space<vmem>>
      %dma_start3A_2404 = arith.constant 0 : i32
      %dma_start3A_2405 = tpu.memref_slice %arg8[%add3A_2398, %dma_start3A_2404] : memref<10000x128xf32, #tpu.memory_space<vmem_shared>> -> memref<80x128xf32, #tpu.memory_space<vmem_shared>>
      %dma_start3A_2406 = arith.constant 0 : i32
      %dma_start3A_2407 = tpu.memref_slice %arg8[%add3A_2398, %dma_start3A_2406] : memref<10000x128xf32, #tpu.memory_space<vmem_shared>> -> memref<80x128xf32, #tpu.memory_space<vmem_shared>>
      %dma_start3A_2408 = arith.constant 0 : i32
      %dma_start3A_2409 = arith.constant 0 : i32
      %dma_start3A_2410 = tpu.memref_slice %arg14[%dma_start3A_2399, %dma_start3A_2408, %dma_start3A_2409] : memref<4x80x128xf32, #tpu.memory_space<vmem>> -> memref<1x80x128xf32, #tpu.memory_space<vmem>>
      %dma_start3A_2411 = tpu.memref_squeeze %dma_start3A_2410 : memref<1x80x128xf32, #tpu.memory_space<vmem>> -> memref<80x128xf32, #tpu.memory_space<vmem>>
      tpu.enqueue_dma source(%dma_start3A_2411 : memref<80x128xf32, #tpu.memory_space<vmem>>) target(%dma_start3A_2407 : memref<80x128xf32, #tpu.memory_space<vmem_shared>>) target_semaphore(%arg37 : memref<!tpu.dma_semaphore, #tpu.memory_space<semaphore_mem>>)
      %mul3A_2412 = arith.constant 640 : i32
      %mul3A_2413 = arith.muli %arg1, %mul3A_2412 : i32
      %add3A_2414 = arith.constant 160 : i32
      %add3A_2415 = arith.addi %mul3A_2413, %add3A_2414 : i32
      %dma_start3A_2416 = arith.constant 3 : i32
      %dma_start3A_2417 = arith.constant 0 : i32
      %dma_start3A_2418 = arith.constant 0 : i32
      %dma_start3A_2419 = tpu.memref_slice %arg14[%dma_start3A_2416, %dma_start3A_2417, %dma_start3A_2418] : memref<4x80x128xf32, #tpu.memory_space<vmem>> -> memref<1x80x128xf32, #tpu.memory_space<vmem>>
      %dma_start3A_2420 = tpu.memref_squeeze %dma_start3A_2419 : memref<1x80x128xf32, #tpu.memory_space<vmem>> -> memref<80x128xf32, #tpu.memory_space<vmem>>
      %dma_start3A_2421 = arith.constant 0 : i32
      %dma_start3A_2422 = tpu.memref_slice %arg8[%add3A_2415, %dma_start3A_2421] : memref<10000x128xf32, #tpu.memory_space<vmem_shared>> -> memref<80x128xf32, #tpu.memory_space<vmem_shared>>
      %dma_start3A_2423 = arith.constant 0 : i32
      %dma_start3A_2424 = tpu.memref_slice %arg8[%add3A_2415, %dma_start3A_2423] : memref<10000x128xf32, #tpu.memory_space<vmem_shared>> -> memref<80x128xf32, #tpu.memory_space<vmem_shared>>
      %dma_start3A_2425 = arith.constant 0 : i32
      %dma_start3A_2426 = arith.constant 0 : i32
      %dma_start3A_2427 = tpu.memref_slice %arg14[%dma_start3A_2416, %dma_start3A_2425, %dma_start3A_2426] : memref<4x80x128xf32, #tpu.memory_space<vmem>> -> memref<1x80x128xf32, #tpu.memory_space<vmem>>
      %dma_start3A_2428 = tpu.memref_squeeze %dma_start3A_2427 : memref<1x80x128xf32, #tpu.memory_space<vmem>> -> memref<80x128xf32, #tpu.memory_space<vmem>>
      tpu.enqueue_dma source(%dma_start3A_2428 : memref<80x128xf32, #tpu.memory_space<vmem>>) target(%dma_start3A_2424 : memref<80x128xf32, #tpu.memory_space<vmem_shared>>) target_semaphore(%arg37 : memref<!tpu.dma_semaphore, #tpu.memory_space<semaphore_mem>>)
      %mul3A_2429 = arith.constant 640 : i32
      %mul3A_2430 = arith.muli %arg1, %mul3A_2429 : i32
      %add3A_2431 = arith.constant 240 : i32
      %add3A_2432 = arith.addi %mul3A_2430, %add3A_2431 : i32
      %dma_start3A_2433 = arith.constant 3 : i32
      %dma_start3A_2434 = arith.constant 0 : i32
      %dma_start3A_2435 = arith.constant 0 : i32
      %dma_start3A_2436 = tpu.memref_slice %arg14[%dma_start3A_2433, %dma_start3A_2434, %dma_start3A_2435] : memref<4x80x128xf32, #tpu.memory_space<vmem>> -> memref<1x80x128xf32, #tpu.memory_space<vmem>>
      %dma_start3A_2437 = tpu.memref_squeeze %dma_start3A_2436 : memref<1x80x128xf32, #tpu.memory_space<vmem>> -> memref<80x128xf32, #tpu.memory_space<vmem>>
      %dma_start3A_2438 = arith.constant 0 : i32
      %dma_start3A_2439 = tpu.memref_slice %arg8[%add3A_2432, %dma_start3A_2438] : memref<10000x128xf32, #tpu.memory_space<vmem_shared>> -> memref<80x128xf32, #tpu.memory_space<vmem_shared>>
      %dma_start3A_2440 = arith.constant 0 : i32
      %dma_start3A_2441 = tpu.memref_slice %arg8[%add3A_2432, %dma_start3A_2440] : memref<10000x128xf32, #tpu.memory_space<vmem_shared>> -> memref<80x128xf32, #tpu.memory_space<vmem_shared>>
      %dma_start3A_2442 = arith.constant 0 : i32
      %dma_start3A_2443 = arith.constant 0 : i32
      %dma_start3A_2444 = tpu.memref_slice %arg14[%dma_start3A_2433, %dma_start3A_2442, %dma_start3A_2443] : memref<4x80x128xf32, #tpu.memory_space<vmem>> -> memref<1x80x128xf32, #tpu.memory_space<vmem>>
      %dma_start3A_2445 = tpu.memref_squeeze %dma_start3A_2444 : memref<1x80x128xf32, #tpu.memory_space<vmem>> -> memref<80x128xf32, #tpu.memory_space<vmem>>
      tpu.enqueue_dma source(%dma_start3A_2445 : memref<80x128xf32, #tpu.memory_space<vmem>>) target(%dma_start3A_2441 : memref<80x128xf32, #tpu.memory_space<vmem_shared>>) target_semaphore(%arg37 : memref<!tpu.dma_semaphore, #tpu.memory_space<semaphore_mem>>)
      %mul3A_2446 = arith.constant 640 : i32
      %mul3A_2447 = arith.muli %arg1, %mul3A_2446 : i32
      %add3A_2448 = arith.constant 320 : i32
      %add3A_2449 = arith.addi %mul3A_2447, %add3A_2448 : i32
      %dma_start3A_2450 = arith.constant 3 : i32
      %dma_start3A_2451 = arith.constant 0 : i32
      %dma_start3A_2452 = arith.constant 0 : i32
      %dma_start3A_2453 = tpu.memref_slice %arg14[%dma_start3A_2450, %dma_start3A_2451, %dma_start3A_2452] : memref<4x80x128xf32, #tpu.memory_space<vmem>> -> memref<1x80x128xf32, #tpu.memory_space<vmem>>
      %dma_start3A_2454 = tpu.memref_squeeze %dma_start3A_2453 : memref<1x80x128xf32, #tpu.memory_space<vmem>> -> memref<80x128xf32, #tpu.memory_space<vmem>>
      %dma_start3A_2455 = arith.constant 0 : i32
      %dma_start3A_2456 = tpu.memref_slice %arg8[%add3A_2449, %dma_start3A_2455] : memref<10000x128xf32, #tpu.memory_space<vmem_shared>> -> memref<80x128xf32, #tpu.memory_space<vmem_shared>>
      %dma_start3A_2457 = arith.constant 0 : i32
      %dma_start3A_2458 = tpu.memref_slice %arg8[%add3A_2449, %dma_start3A_2457] : memref<10000x128xf32, #tpu.memory_space<vmem_shared>> -> memref<80x128xf32, #tpu.memory_space<vmem_shared>>
      %dma_start3A_2459 = arith.constant 0 : i32
      %dma_start3A_2460 = arith.constant 0 : i32
      %dma_start3A_2461 = tpu.memref_slice %arg14[%dma_start3A_2450, %dma_start3A_2459, %dma_start3A_2460] : memref<4x80x128xf32, #tpu.memory_space<vmem>> -> memref<1x80x128xf32, #tpu.memory_space<vmem>>
      %dma_start3A_2462 = tpu.memref_squeeze %dma_start3A_2461 : memref<1x80x128xf32, #tpu.memory_space<vmem>> -> memref<80x128xf32, #tpu.memory_space<vmem>>
      tpu.enqueue_dma source(%dma_start3A_2462 : memref<80x128xf32, #tpu.memory_space<vmem>>) target(%dma_start3A_2458 : memref<80x128xf32, #tpu.memory_space<vmem_shared>>) target_semaphore(%arg37 : memref<!tpu.dma_semaphore, #tpu.memory_space<semaphore_mem>>)
      %mul3A_2463 = arith.constant 640 : i32
      %mul3A_2464 = arith.muli %arg1, %mul3A_2463 : i32
      %add3A_2465 = arith.constant 400 : i32
      %add3A_2466 = arith.addi %mul3A_2464, %add3A_2465 : i32
      %dma_start3A_2467 = arith.constant 3 : i32
      %dma_start3A_2468 = arith.constant 0 : i32
      %dma_start3A_2469 = arith.constant 0 : i32
      %dma_start3A_2470 = tpu.memref_slice %arg14[%dma_start3A_2467, %dma_start3A_2468, %dma_start3A_2469] : memref<4x80x128xf32, #tpu.memory_space<vmem>> -> memref<1x80x128xf32, #tpu.memory_space<vmem>>
      %dma_start3A_2471 = tpu.memref_squeeze %dma_start3A_2470 : memref<1x80x128xf32, #tpu.memory_space<vmem>> -> memref<80x128xf32, #tpu.memory_space<vmem>>
      %dma_start3A_2472 = arith.constant 0 : i32
      %dma_start3A_2473 = tpu.memref_slice %arg8[%add3A_2466, %dma_start3A_2472] : memref<10000x128xf32, #tpu.memory_space<vmem_shared>> -> memref<80x128xf32, #tpu.memory_space<vmem_shared>>
      %dma_start3A_2474 = arith.constant 0 : i32
      %dma_start3A_2475 = tpu.memref_slice %arg8[%add3A_2466, %dma_start3A_2474] : memref<10000x128xf32, #tpu.memory_space<vmem_shared>> -> memref<80x128xf32, #tpu.memory_space<vmem_shared>>
      %dma_start3A_2476 = arith.constant 0 : i32
      %dma_start3A_2477 = arith.constant 0 : i32
      %dma_start3A_2478 = tpu.memref_slice %arg14[%dma_start3A_2467, %dma_start3A_2476, %dma_start3A_2477] : memref<4x80x128xf32, #tpu.memory_space<vmem>> -> memref<1x80x128xf32, #tpu.memory_space<vmem>>
      %dma_start3A_2479 = tpu.memref_squeeze %dma_start3A_2478 : memref<1x80x128xf32, #tpu.memory_space<vmem>> -> memref<80x128xf32, #tpu.memory_space<vmem>>
      tpu.enqueue_dma source(%dma_start3A_2479 : memref<80x128xf32, #tpu.memory_space<vmem>>) target(%dma_start3A_2475 : memref<80x128xf32, #tpu.memory_space<vmem_shared>>) target_semaphore(%arg37 : memref<!tpu.dma_semaphore, #tpu.memory_space<semaphore_mem>>)
      %mul3A_2480 = arith.constant 640 : i32
      %mul3A_2481 = arith.muli %arg1, %mul3A_2480 : i32
      %add3A_2482 = arith.constant 480 : i32
      %add3A_2483 = arith.addi %mul3A_2481, %add3A_2482 : i32
      %dma_start3A_2484 = arith.constant 3 : i32
      %dma_start3A_2485 = arith.constant 0 : i32
      %dma_start3A_2486 = arith.constant 0 : i32
      %dma_start3A_2487 = tpu.memref_slice %arg14[%dma_start3A_2484, %dma_start3A_2485, %dma_start3A_2486] : memref<4x80x128xf32, #tpu.memory_space<vmem>> -> memref<1x80x128xf32, #tpu.memory_space<vmem>>
      %dma_start3A_2488 = tpu.memref_squeeze %dma_start3A_2487 : memref<1x80x128xf32, #tpu.memory_space<vmem>> -> memref<80x128xf32, #tpu.memory_space<vmem>>
      %dma_start3A_2489 = arith.constant 0 : i32
      %dma_start3A_2490 = tpu.memref_slice %arg8[%add3A_2483, %dma_start3A_2489] : memref<10000x128xf32, #tpu.memory_space<vmem_shared>> -> memref<80x128xf32, #tpu.memory_space<vmem_shared>>
      %dma_start3A_2491 = arith.constant 0 : i32
      %dma_start3A_2492 = tpu.memref_slice %arg8[%add3A_2483, %dma_start3A_2491] : memref<10000x128xf32, #tpu.memory_space<vmem_shared>> -> memref<80x128xf32, #tpu.memory_space<vmem_shared>>
      %dma_start3A_2493 = arith.constant 0 : i32
      %dma_start3A_2494 = arith.constant 0 : i32
      %dma_start3A_2495 = tpu.memref_slice %arg14[%dma_start3A_2484, %dma_start3A_2493, %dma_start3A_2494] : memref<4x80x128xf32, #tpu.memory_space<vmem>> -> memref<1x80x128xf32, #tpu.memory_space<vmem>>
      %dma_start3A_2496 = tpu.memref_squeeze %dma_start3A_2495 : memref<1x80x128xf32, #tpu.memory_space<vmem>> -> memref<80x128xf32, #tpu.memory_space<vmem>>
      tpu.enqueue_dma source(%dma_start3A_2496 : memref<80x128xf32, #tpu.memory_space<vmem>>) target(%dma_start3A_2492 : memref<80x128xf32, #tpu.memory_space<vmem_shared>>) target_semaphore(%arg37 : memref<!tpu.dma_semaphore, #tpu.memory_space<semaphore_mem>>)
      %mul3A_2497 = arith.constant 640 : i32
      %mul3A_2498 = arith.muli %arg1, %mul3A_2497 : i32
      %add3A_2499 = arith.constant 560 : i32
      %add3A_2500 = arith.addi %mul3A_2498, %add3A_2499 : i32
      %dma_start3A_2501 = arith.constant 3 : i32
      %dma_start3A_2502 = arith.constant 0 : i32
      %dma_start3A_2503 = arith.constant 0 : i32
      %dma_start3A_2504 = tpu.memref_slice %arg14[%dma_start3A_2501, %dma_start3A_2502, %dma_start3A_2503] : memref<4x80x128xf32, #tpu.memory_space<vmem>> -> memref<1x80x128xf32, #tpu.memory_space<vmem>>
      %dma_start3A_2505 = tpu.memref_squeeze %dma_start3A_2504 : memref<1x80x128xf32, #tpu.memory_space<vmem>> -> memref<80x128xf32, #tpu.memory_space<vmem>>
      %dma_start3A_2506 = arith.constant 0 : i32
      %dma_start3A_2507 = tpu.memref_slice %arg8[%add3A_2500, %dma_start3A_2506] : memref<10000x128xf32, #tpu.memory_space<vmem_shared>> -> memref<80x128xf32, #tpu.memory_space<vmem_shared>>
      %dma_start3A_2508 = arith.constant 0 : i32
      %dma_start3A_2509 = tpu.memref_slice %arg8[%add3A_2500, %dma_start3A_2508] : memref<10000x128xf32, #tpu.memory_space<vmem_shared>> -> memref<80x128xf32, #tpu.memory_space<vmem_shared>>
      %dma_start3A_2510 = arith.constant 0 : i32
      %dma_start3A_2511 = arith.constant 0 : i32
      %dma_start3A_2512 = tpu.memref_slice %arg14[%dma_start3A_2501, %dma_start3A_2510, %dma_start3A_2511] : memref<4x80x128xf32, #tpu.memory_space<vmem>> -> memref<1x80x128xf32, #tpu.memory_space<vmem>>
      %dma_start3A_2513 = tpu.memref_squeeze %dma_start3A_2512 : memref<1x80x128xf32, #tpu.memory_space<vmem>> -> memref<80x128xf32, #tpu.memory_space<vmem>>
      tpu.enqueue_dma source(%dma_start3A_2513 : memref<80x128xf32, #tpu.memory_space<vmem>>) target(%dma_start3A_2509 : memref<80x128xf32, #tpu.memory_space<vmem_shared>>) target_semaphore(%arg37 : memref<!tpu.dma_semaphore, #tpu.memory_space<semaphore_mem>>)
    } else {
    }
    %eq3A = arith.constant 15 : i32
    %eq3A_110 = arith.cmpi eq, %arg1, %eq3A : i32
    %convert_element_type3A_111 = arith.extui %eq3A_110 : i1 to i32
    %cond3A_112 = arith.constant 0 : i32
    %cond3A_113 = arith.cmpi ne, %convert_element_type3A_111, %cond3A_112 : i32
    scf.if %cond3A_113 {
      %dma_start3A_2378 = arith.constant 3 : i32
      %dma_start3A_2379 = arith.constant 0 : i32
      %dma_start3A_2380 = arith.constant 0 : i32
      %dma_start3A_2381 = tpu.memref_slice %arg14[%dma_start3A_2378, %dma_start3A_2379, %dma_start3A_2380] : memref<4x80x128xf32, #tpu.memory_space<vmem>> -> memref<1x80x128xf32, #tpu.memory_space<vmem>>
      %dma_start3A_2382 = tpu.memref_squeeze %dma_start3A_2381 : memref<1x80x128xf32, #tpu.memory_space<vmem>> -> memref<80x128xf32, #tpu.memory_space<vmem>>
      %dma_start3A_2383 = arith.constant 9600 : i32
      %dma_start3A_2384 = arith.constant 0 : i32
      %dma_start3A_2385 = tpu.memref_slice %arg8[%dma_start3A_2383, %dma_start3A_2384] : memref<10000x128xf32, #tpu.memory_space<vmem_shared>> -> memref<80x128xf32, #tpu.memory_space<vmem_shared>>
      %dma_start3A_2386 = arith.constant 9600 : i32
      %dma_start3A_2387 = arith.constant 0 : i32
      %dma_start3A_2388 = tpu.memref_slice %arg8[%dma_start3A_2386, %dma_start3A_2387] : memref<10000x128xf32, #tpu.memory_space<vmem_shared>> -> memref<80x128xf32, #tpu.memory_space<vmem_shared>>
      %dma_start3A_2389 = arith.constant 0 : i32
      %dma_start3A_2390 = arith.constant 0 : i32
      %dma_start3A_2391 = tpu.memref_slice %arg14[%dma_start3A_2378, %dma_start3A_2389, %dma_start3A_2390] : memref<4x80x128xf32, #tpu.memory_space<vmem>> -> memref<1x80x128xf32, #tpu.memory_space<vmem>>
      %dma_start3A_2392 = tpu.memref_squeeze %dma_start3A_2391 : memref<1x80x128xf32, #tpu.memory_space<vmem>> -> memref<80x128xf32, #tpu.memory_space<vmem>>
      tpu.enqueue_dma source(%dma_start3A_2392 : memref<80x128xf32, #tpu.memory_space<vmem>>) target(%dma_start3A_2388 : memref<80x128xf32, #tpu.memory_space<vmem_shared>>) target_semaphore(%arg37 : memref<!tpu.dma_semaphore, #tpu.memory_space<semaphore_mem>>)
      %dma_start3A_2393 = arith.constant 3 : i32
      %dma_start3A_2394 = arith.constant 0 : i32
      %dma_start3A_2395 = arith.constant 0 : i32
      %dma_start3A_2396 = tpu.memref_slice %arg14[%dma_start3A_2393, %dma_start3A_2394, %dma_start3A_2395] : memref<4x80x128xf32, #tpu.memory_space<vmem>> -> memref<1x80x128xf32, #tpu.memory_space<vmem>>
      %dma_start3A_2397 = tpu.memref_squeeze %dma_start3A_2396 : memref<1x80x128xf32, #tpu.memory_space<vmem>> -> memref<80x128xf32, #tpu.memory_space<vmem>>
      %dma_start3A_2398 = arith.constant 9680 : i32
      %dma_start3A_2399 = arith.constant 0 : i32
      %dma_start3A_2400 = tpu.memref_slice %arg8[%dma_start3A_2398, %dma_start3A_2399] : memref<10000x128xf32, #tpu.memory_space<vmem_shared>> -> memref<80x128xf32, #tpu.memory_space<vmem_shared>>
      %dma_start3A_2401 = arith.constant 9680 : i32
      %dma_start3A_2402 = arith.constant 0 : i32
      %dma_start3A_2403 = tpu.memref_slice %arg8[%dma_start3A_2401, %dma_start3A_2402] : memref<10000x128xf32, #tpu.memory_space<vmem_shared>> -> memref<80x128xf32, #tpu.memory_space<vmem_shared>>
      %dma_start3A_2404 = arith.constant 0 : i32
      %dma_start3A_2405 = arith.constant 0 : i32
      %dma_start3A_2406 = tpu.memref_slice %arg14[%dma_start3A_2393, %dma_start3A_2404, %dma_start3A_2405] : memref<4x80x128xf32, #tpu.memory_space<vmem>> -> memref<1x80x128xf32, #tpu.memory_space<vmem>>
      %dma_start3A_2407 = tpu.memref_squeeze %dma_start3A_2406 : memref<1x80x128xf32, #tpu.memory_space<vmem>> -> memref<80x128xf32, #tpu.memory_space<vmem>>
      tpu.enqueue_dma source(%dma_start3A_2407 : memref<80x128xf32, #tpu.memory_space<vmem>>) target(%dma_start3A_2403 : memref<80x128xf32, #tpu.memory_space<vmem_shared>>) target_semaphore(%arg37 : memref<!tpu.dma_semaphore, #tpu.memory_space<semaphore_mem>>)
      %dma_start3A_2408 = arith.constant 3 : i32
      %dma_start3A_2409 = arith.constant 0 : i32
      %dma_start3A_2410 = arith.constant 0 : i32
      %dma_start3A_2411 = tpu.memref_slice %arg14[%dma_start3A_2408, %dma_start3A_2409, %dma_start3A_2410] : memref<4x80x128xf32, #tpu.memory_space<vmem>> -> memref<1x80x128xf32, #tpu.memory_space<vmem>>
      %dma_start3A_2412 = tpu.memref_squeeze %dma_start3A_2411 : memref<1x80x128xf32, #tpu.memory_space<vmem>> -> memref<80x128xf32, #tpu.memory_space<vmem>>
      %dma_start3A_2413 = arith.constant 9760 : i32
      %dma_start3A_2414 = arith.constant 0 : i32
      %dma_start3A_2415 = tpu.memref_slice %arg8[%dma_start3A_2413, %dma_start3A_2414] : memref<10000x128xf32, #tpu.memory_space<vmem_shared>> -> memref<80x128xf32, #tpu.memory_space<vmem_shared>>
      %dma_start3A_2416 = arith.constant 9760 : i32
      %dma_start3A_2417 = arith.constant 0 : i32
      %dma_start3A_2418 = tpu.memref_slice %arg8[%dma_start3A_2416, %dma_start3A_2417] : memref<10000x128xf32, #tpu.memory_space<vmem_shared>> -> memref<80x128xf32, #tpu.memory_space<vmem_shared>>
      %dma_start3A_2419 = arith.constant 0 : i32
      %dma_start3A_2420 = arith.constant 0 : i32
      %dma_start3A_2421 = tpu.memref_slice %arg14[%dma_start3A_2408, %dma_start3A_2419, %dma_start3A_2420] : memref<4x80x128xf32, #tpu.memory_space<vmem>> -> memref<1x80x128xf32, #tpu.memory_space<vmem>>
      %dma_start3A_2422 = tpu.memref_squeeze %dma_start3A_2421 : memref<1x80x128xf32, #tpu.memory_space<vmem>> -> memref<80x128xf32, #tpu.memory_space<vmem>>
      tpu.enqueue_dma source(%dma_start3A_2422 : memref<80x128xf32, #tpu.memory_space<vmem>>) target(%dma_start3A_2418 : memref<80x128xf32, #tpu.memory_space<vmem_shared>>) target_semaphore(%arg37 : memref<!tpu.dma_semaphore, #tpu.memory_space<semaphore_mem>>)
      %dma_start3A_2423 = arith.constant 3 : i32
      %dma_start3A_2424 = arith.constant 0 : i32
      %dma_start3A_2425 = arith.constant 0 : i32
      %dma_start3A_2426 = tpu.memref_slice %arg14[%dma_start3A_2423, %dma_start3A_2424, %dma_start3A_2425] : memref<4x80x128xf32, #tpu.memory_space<vmem>> -> memref<1x80x128xf32, #tpu.memory_space<vmem>>
      %dma_start3A_2427 = tpu.memref_squeeze %dma_start3A_2426 : memref<1x80x128xf32, #tpu.memory_space<vmem>> -> memref<80x128xf32, #tpu.memory_space<vmem>>
      %dma_start3A_2428 = arith.constant 9840 : i32
      %dma_start3A_2429 = arith.constant 0 : i32
      %dma_start3A_2430 = tpu.memref_slice %arg8[%dma_start3A_2428, %dma_start3A_2429] : memref<10000x128xf32, #tpu.memory_space<vmem_shared>> -> memref<80x128xf32, #tpu.memory_space<vmem_shared>>
      %dma_start3A_2431 = arith.constant 9840 : i32
      %dma_start3A_2432 = arith.constant 0 : i32
      %dma_start3A_2433 = tpu.memref_slice %arg8[%dma_start3A_2431, %dma_start3A_2432] : memref<10000x128xf32, #tpu.memory_space<vmem_shared>> -> memref<80x128xf32, #tpu.memory_space<vmem_shared>>
      %dma_start3A_2434 = arith.constant 0 : i32
      %dma_start3A_2435 = arith.constant 0 : i32
      %dma_start3A_2436 = tpu.memref_slice %arg14[%dma_start3A_2423, %dma_start3A_2434, %dma_start3A_2435] : memref<4x80x128xf32, #tpu.memory_space<vmem>> -> memref<1x80x128xf32, #tpu.memory_space<vmem>>
      %dma_start3A_2437 = tpu.memref_squeeze %dma_start3A_2436 : memref<1x80x128xf32, #tpu.memory_space<vmem>> -> memref<80x128xf32, #tpu.memory_space<vmem>>
      tpu.enqueue_dma source(%dma_start3A_2437 : memref<80x128xf32, #tpu.memory_space<vmem>>) target(%dma_start3A_2433 : memref<80x128xf32, #tpu.memory_space<vmem_shared>>) target_semaphore(%arg37 : memref<!tpu.dma_semaphore, #tpu.memory_space<semaphore_mem>>)
      %dma_start3A_2438 = arith.constant 3 : i32
      %dma_start3A_2439 = arith.constant 0 : i32
      %dma_start3A_2440 = arith.constant 0 : i32
      %dma_start3A_2441 = tpu.memref_slice %arg14[%dma_start3A_2438, %dma_start3A_2439, %dma_start3A_2440] : memref<4x80x128xf32, #tpu.memory_space<vmem>> -> memref<1x80x128xf32, #tpu.memory_space<vmem>>
      %dma_start3A_2442 = tpu.memref_squeeze %dma_start3A_2441 : memref<1x80x128xf32, #tpu.memory_space<vmem>> -> memref<80x128xf32, #tpu.memory_space<vmem>>
      %dma_start3A_2443 = arith.constant 9920 : i32
      %dma_start3A_2444 = arith.constant 0 : i32
      %dma_start3A_2445 = tpu.memref_slice %arg8[%dma_start3A_2443, %dma_start3A_2444] : memref<10000x128xf32, #tpu.memory_space<vmem_shared>> -> memref<80x128xf32, #tpu.memory_space<vmem_shared>>
      %dma_start3A_2446 = arith.constant 9920 : i32
      %dma_start3A_2447 = arith.constant 0 : i32
      %dma_start3A_2448 = tpu.memref_slice %arg8[%dma_start3A_2446, %dma_start3A_2447] : memref<10000x128xf32, #tpu.memory_space<vmem_shared>> -> memref<80x128xf32, #tpu.memory_space<vmem_shared>>
      %dma_start3A_2449 = arith.constant 0 : i32
      %dma_start3A_2450 = arith.constant 0 : i32
      %dma_start3A_2451 = tpu.memref_slice %arg14[%dma_start3A_2438, %dma_start3A_2449, %dma_start3A_2450] : memref<4x80x128xf32, #tpu.memory_space<vmem>> -> memref<1x80x128xf32, #tpu.memory_space<vmem>>
      %dma_start3A_2452 = tpu.memref_squeeze %dma_start3A_2451 : memref<1x80x128xf32, #tpu.memory_space<vmem>> -> memref<80x128xf32, #tpu.memory_space<vmem>>
      tpu.enqueue_dma source(%dma_start3A_2452 : memref<80x128xf32, #tpu.memory_space<vmem>>) target(%dma_start3A_2448 : memref<80x128xf32, #tpu.memory_space<vmem_shared>>) target_semaphore(%arg37 : memref<!tpu.dma_semaphore, #tpu.memory_space<semaphore_mem>>)
    } else {
    }
    %add3A_114 = arith.constant 0 : i32
    %add3A_115 = arith.addi %mul3A_3, %add3A_114 : i32
    %dma_wait3A = arith.constant 0 : i32
    %dma_wait3A_116 = arith.constant 0 : i32
    %dma_wait3A_117 = tpu.memref_slice %arg10[%dma_wait3A, %dma_wait3A_116] : memref<4x80xi32, #tpu.memory_space<vmem>> -> memref<1x80xi32, #tpu.memory_space<vmem>>
    %dma_wait3A_118 = tpu.memref_squeeze %dma_wait3A_117 : memref<1x80xi32, #tpu.memory_space<vmem>> -> memref<80xi32, #tpu.memory_space<vmem>>
    %dma_wait3A_119 = arith.constant 0 : i32
    %dma_wait3A_120 = tpu.memref_slice %arg2[%add3A_115, %dma_wait3A_119] : memref<4000x80xi32, #tpu.memory_space<hbm>> -> memref<1x80xi32, #tpu.memory_space<hbm>>
    %dma_wait3A_121 = tpu.memref_squeeze %dma_wait3A_120 : memref<1x80xi32, #tpu.memory_space<hbm>> -> memref<80xi32, #tpu.memory_space<hbm>>
    %dma_wait3A_122 = arith.constant 0 : i32
    %dma_wait3A_123 = tpu.memref_slice %arg10[%dma_wait3A, %dma_wait3A_122] : memref<4x80xi32, #tpu.memory_space<vmem>> -> memref<1x80xi32, #tpu.memory_space<vmem>>
    %dma_wait3A_124 = tpu.memref_squeeze %dma_wait3A_123 : memref<1x80xi32, #tpu.memory_space<vmem>> -> memref<80xi32, #tpu.memory_space<vmem>>
    %dma_wait3A_125 = arith.constant 0 : i32
    %dma_wait3A_126 = tpu.memref_slice %arg2[%add3A_115, %dma_wait3A_125] : memref<4000x80xi32, #tpu.memory_space<hbm>> -> memref<1x80xi32, #tpu.memory_space<hbm>>
    %dma_wait3A_127 = tpu.memref_squeeze %dma_wait3A_126 : memref<1x80xi32, #tpu.memory_space<hbm>> -> memref<80xi32, #tpu.memory_space<hbm>>
    tpu.wait_dma2 semaphore(%arg17 : memref<!tpu.dma_semaphore, #tpu.memory_space<semaphore_mem>>) src(%dma_wait3A_127 : memref<80xi32, #tpu.memory_space<hbm>>) dst(%dma_wait3A_124 : memref<80xi32, #tpu.memory_space<vmem>>)
    %add3A_128 = arith.constant 0 : i32
    %add3A_129 = arith.addi %mul3A_3, %add3A_128 : i32
    %dma_wait3A_130 = arith.constant 0 : i32
    %dma_wait3A_131 = arith.constant 0 : i32
    %dma_wait3A_132 = tpu.memref_slice %arg11[%dma_wait3A_130, %dma_wait3A_131] : memref<4x80xi32, #tpu.memory_space<vmem>> -> memref<1x80xi32, #tpu.memory_space<vmem>>
    %dma_wait3A_133 = tpu.memref_squeeze %dma_wait3A_132 : memref<1x80xi32, #tpu.memory_space<vmem>> -> memref<80xi32, #tpu.memory_space<vmem>>
    %dma_wait3A_134 = arith.constant 0 : i32
    %dma_wait3A_135 = tpu.memref_slice %arg3[%add3A_129, %dma_wait3A_134] : memref<4000x80xi32, #tpu.memory_space<hbm>> -> memref<1x80xi32, #tpu.memory_space<hbm>>
    %dma_wait3A_136 = tpu.memref_squeeze %dma_wait3A_135 : memref<1x80xi32, #tpu.memory_space<hbm>> -> memref<80xi32, #tpu.memory_space<hbm>>
    %dma_wait3A_137 = arith.constant 0 : i32
    %dma_wait3A_138 = tpu.memref_slice %arg11[%dma_wait3A_130, %dma_wait3A_137] : memref<4x80xi32, #tpu.memory_space<vmem>> -> memref<1x80xi32, #tpu.memory_space<vmem>>
    %dma_wait3A_139 = tpu.memref_squeeze %dma_wait3A_138 : memref<1x80xi32, #tpu.memory_space<vmem>> -> memref<80xi32, #tpu.memory_space<vmem>>
    %dma_wait3A_140 = arith.constant 0 : i32
    %dma_wait3A_141 = tpu.memref_slice %arg3[%add3A_129, %dma_wait3A_140] : memref<4000x80xi32, #tpu.memory_space<hbm>> -> memref<1x80xi32, #tpu.memory_space<hbm>>
    %dma_wait3A_142 = tpu.memref_squeeze %dma_wait3A_141 : memref<1x80xi32, #tpu.memory_space<hbm>> -> memref<80xi32, #tpu.memory_space<hbm>>
    tpu.wait_dma2 semaphore(%arg17 : memref<!tpu.dma_semaphore, #tpu.memory_space<semaphore_mem>>) src(%dma_wait3A_142 : memref<80xi32, #tpu.memory_space<hbm>>) dst(%dma_wait3A_139 : memref<80xi32, #tpu.memory_space<vmem>>)
    %dma_start3A_143 = arith.constant 0 : i32
    %dma_start3A_144 = arith.constant 0 : i32
    %dma_start3A_145 = arith.constant 0 : i32
    %dma_start3A_146 = arith.constant 0 : i32
    %dma_start3A_147 = tpu.memref_slice %arg14[%dma_start3A_144, %dma_start3A_145, %dma_start3A_146] : memref<4x80x128xf32, #tpu.memory_space<vmem>> -> memref<1x80x128xf32, #tpu.memory_space<vmem>>
    %dma_start3A_148 = tpu.memref_squeeze %dma_start3A_147 : memref<1x80x128xf32, #tpu.memory_space<vmem>> -> memref<80x128xf32, #tpu.memory_space<vmem>>
    %dma_start3A_149 = arith.constant 0 : i32
    %dma_start3A_150 = tpu.memref_slice %arg10[%dma_start3A_143, %dma_start3A_149] : memref<4x80xi32, #tpu.memory_space<vmem>> -> memref<1x80xi32, #tpu.memory_space<vmem>>
    %dma_start3A_151 = tpu.memref_squeeze %dma_start3A_150 : memref<1x80xi32, #tpu.memory_space<vmem>> -> memref<80xi32, #tpu.memory_space<vmem>>
    %dma_start3A_152 = arith.constant 0 : i32
    %dma_start3A_153 = arith.constant 0 : i32
    %dma_start3A_154 = tpu.memref_slice %arg4[%dma_start3A_152, %dma_start3A_153] : memref<10000x128xf32, #tpu.memory_space<hbm>> -> memref<10000x128xf32, #tpu.memory_space<hbm>>
    tpu.enqueue_indirect_dma source(%dma_start3A_154 : memref<10000x128xf32, #tpu.memory_space<hbm>>) target(%dma_start3A_148 : memref<80x128xf32, #tpu.memory_space<vmem>>) offsets(%dma_start3A_151 : memref<80xi32, #tpu.memory_space<vmem>>) semaphore(%arg21 : memref<!tpu.dma_semaphore, #tpu.memory_space<semaphore_mem>>)
    %dma_start3A_155 = arith.constant 0 : i32
    %dma_start3A_156 = arith.constant 0 : i32
    %dma_start3A_157 = arith.constant 0 : i32
    %dma_start3A_158 = tpu.memref_slice %arg15[%dma_start3A_156, %dma_start3A_157] : memref<4x80xf32, #tpu.memory_space<vmem>> -> memref<1x80xf32, #tpu.memory_space<vmem>>
    %dma_start3A_159 = tpu.memref_squeeze %dma_start3A_158 : memref<1x80xf32, #tpu.memory_space<vmem>> -> memref<80xf32, #tpu.memory_space<vmem>>
    %dma_start3A_160 = arith.constant 0 : i32
    %dma_start3A_161 = tpu.memref_slice %arg11[%dma_start3A_155, %dma_start3A_160] : memref<4x80xi32, #tpu.memory_space<vmem>> -> memref<1x80xi32, #tpu.memory_space<vmem>>
    %dma_start3A_162 = tpu.memref_squeeze %dma_start3A_161 : memref<1x80xi32, #tpu.memory_space<vmem>> -> memref<80xi32, #tpu.memory_space<vmem>>
    %dma_start3A_163 = arith.constant 0 : i32
    %dma_start3A_164 = tpu.memref_slice %arg5[%dma_start3A_163] : memref<10000xf32, #tpu.memory_space<hbm>> -> memref<10000xf32, #tpu.memory_space<hbm>>
    tpu.enqueue_indirect_dma source(%dma_start3A_164 : memref<10000xf32, #tpu.memory_space<hbm>>) target(%dma_start3A_159 : memref<80xf32, #tpu.memory_space<vmem>>) offsets(%dma_start3A_162 : memref<80xi32, #tpu.memory_space<vmem>>) semaphore(%arg25 : memref<!tpu.dma_semaphore, #tpu.memory_space<semaphore_mem>>)
    %add3A_165 = arith.constant 3 : i32
    %add3A_166 = arith.addi %mul3A_3, %add3A_165 : i32
    %dma_start3A_167 = arith.constant 3 : i32
    %dma_start3A_168 = arith.constant 0 : i32
    %dma_start3A_169 = tpu.memref_slice %arg10[%dma_start3A_167, %dma_start3A_168] : memref<4x80xi32, #tpu.memory_space<vmem>> -> memref<1x80xi32, #tpu.memory_space<vmem>>
    %dma_start3A_170 = tpu.memref_squeeze %dma_start3A_169 : memref<1x80xi32, #tpu.memory_space<vmem>> -> memref<80xi32, #tpu.memory_space<vmem>>
    %dma_start3A_171 = arith.constant 0 : i32
    %dma_start3A_172 = tpu.memref_slice %arg2[%add3A_166, %dma_start3A_171] : memref<4000x80xi32, #tpu.memory_space<hbm>> -> memref<1x80xi32, #tpu.memory_space<hbm>>
    %dma_start3A_173 = tpu.memref_squeeze %dma_start3A_172 : memref<1x80xi32, #tpu.memory_space<hbm>> -> memref<80xi32, #tpu.memory_space<hbm>>
    %dma_start3A_174 = arith.constant 0 : i32
    %dma_start3A_175 = tpu.memref_slice %arg10[%dma_start3A_167, %dma_start3A_174] : memref<4x80xi32, #tpu.memory_space<vmem>> -> memref<1x80xi32, #tpu.memory_space<vmem>>
    %dma_start3A_176 = tpu.memref_squeeze %dma_start3A_175 : memref<1x80xi32, #tpu.memory_space<vmem>> -> memref<80xi32, #tpu.memory_space<vmem>>
    %dma_start3A_177 = arith.constant 0 : i32
    %dma_start3A_178 = tpu.memref_slice %arg2[%add3A_166, %dma_start3A_177] : memref<4000x80xi32, #tpu.memory_space<hbm>> -> memref<1x80xi32, #tpu.memory_space<hbm>>
    %dma_start3A_179 = tpu.memref_squeeze %dma_start3A_178 : memref<1x80xi32, #tpu.memory_space<hbm>> -> memref<80xi32, #tpu.memory_space<hbm>>
    tpu.enqueue_dma source(%dma_start3A_179 : memref<80xi32, #tpu.memory_space<hbm>>) target(%dma_start3A_176 : memref<80xi32, #tpu.memory_space<vmem>>) target_semaphore(%arg20 : memref<!tpu.dma_semaphore, #tpu.memory_space<semaphore_mem>>)
    %add3A_180 = arith.constant 3 : i32
    %add3A_181 = arith.addi %mul3A_3, %add3A_180 : i32
    %dma_start3A_182 = arith.constant 3 : i32
    %dma_start3A_183 = arith.constant 0 : i32
    %dma_start3A_184 = tpu.memref_slice %arg11[%dma_start3A_182, %dma_start3A_183] : memref<4x80xi32, #tpu.memory_space<vmem>> -> memref<1x80xi32, #tpu.memory_space<vmem>>
    %dma_start3A_185 = tpu.memref_squeeze %dma_start3A_184 : memref<1x80xi32, #tpu.memory_space<vmem>> -> memref<80xi32, #tpu.memory_space<vmem>>
    %dma_start3A_186 = arith.constant 0 : i32
    %dma_start3A_187 = tpu.memref_slice %arg3[%add3A_181, %dma_start3A_186] : memref<4000x80xi32, #tpu.memory_space<hbm>> -> memref<1x80xi32, #tpu.memory_space<hbm>>
    %dma_start3A_188 = tpu.memref_squeeze %dma_start3A_187 : memref<1x80xi32, #tpu.memory_space<hbm>> -> memref<80xi32, #tpu.memory_space<hbm>>
    %dma_start3A_189 = arith.constant 0 : i32
    %dma_start3A_190 = tpu.memref_slice %arg11[%dma_start3A_182, %dma_start3A_189] : memref<4x80xi32, #tpu.memory_space<vmem>> -> memref<1x80xi32, #tpu.memory_space<vmem>>
    %dma_start3A_191 = tpu.memref_squeeze %dma_start3A_190 : memref<1x80xi32, #tpu.memory_space<vmem>> -> memref<80xi32, #tpu.memory_space<vmem>>
    %dma_start3A_192 = arith.constant 0 : i32
    %dma_start3A_193 = tpu.memref_slice %arg3[%add3A_181, %dma_start3A_192] : memref<4000x80xi32, #tpu.memory_space<hbm>> -> memref<1x80xi32, #tpu.memory_space<hbm>>
    %dma_start3A_194 = tpu.memref_squeeze %dma_start3A_193 : memref<1x80xi32, #tpu.memory_space<hbm>> -> memref<80xi32, #tpu.memory_space<hbm>>
    tpu.enqueue_dma source(%dma_start3A_194 : memref<80xi32, #tpu.memory_space<hbm>>) target(%dma_start3A_191 : memref<80xi32, #tpu.memory_space<vmem>>) target_semaphore(%arg20 : memref<!tpu.dma_semaphore, #tpu.memory_space<semaphore_mem>>)
    %add3A_195 = arith.constant 1 : i32
    %add3A_196 = arith.addi %mul3A_3, %add3A_195 : i32
    %dma_wait3A_197 = arith.constant 1 : i32
    %dma_wait3A_198 = arith.constant 0 : i32
    %dma_wait3A_199 = tpu.memref_slice %arg10[%dma_wait3A_197, %dma_wait3A_198] : memref<4x80xi32, #tpu.memory_space<vmem>> -> memref<1x80xi32, #tpu.memory_space<vmem>>
    %dma_wait3A_200 = tpu.memref_squeeze %dma_wait3A_199 : memref<1x80xi32, #tpu.memory_space<vmem>> -> memref<80xi32, #tpu.memory_space<vmem>>
    %dma_wait3A_201 = arith.constant 0 : i32
    %dma_wait3A_202 = tpu.memref_slice %arg2[%add3A_196, %dma_wait3A_201] : memref<4000x80xi32, #tpu.memory_space<hbm>> -> memref<1x80xi32, #tpu.memory_space<hbm>>
    %dma_wait3A_203 = tpu.memref_squeeze %dma_wait3A_202 : memref<1x80xi32, #tpu.memory_space<hbm>> -> memref<80xi32, #tpu.memory_space<hbm>>
    %dma_wait3A_204 = arith.constant 0 : i32
    %dma_wait3A_205 = tpu.memref_slice %arg10[%dma_wait3A_197, %dma_wait3A_204] : memref<4x80xi32, #tpu.memory_space<vmem>> -> memref<1x80xi32, #tpu.memory_space<vmem>>
    %dma_wait3A_206 = tpu.memref_squeeze %dma_wait3A_205 : memref<1x80xi32, #tpu.memory_space<vmem>> -> memref<80xi32, #tpu.memory_space<vmem>>
    %dma_wait3A_207 = arith.constant 0 : i32
    %dma_wait3A_208 = tpu.memref_slice %arg2[%add3A_196, %dma_wait3A_207] : memref<4000x80xi32, #tpu.memory_space<hbm>> -> memref<1x80xi32, #tpu.memory_space<hbm>>
    %dma_wait3A_209 = tpu.memref_squeeze %dma_wait3A_208 : memref<1x80xi32, #tpu.memory_space<hbm>> -> memref<80xi32, #tpu.memory_space<hbm>>
    tpu.wait_dma2 semaphore(%arg18 : memref<!tpu.dma_semaphore, #tpu.memory_space<semaphore_mem>>) src(%dma_wait3A_209 : memref<80xi32, #tpu.memory_space<hbm>>) dst(%dma_wait3A_206 : memref<80xi32, #tpu.memory_space<vmem>>)
    %add3A_210 = arith.constant 1 : i32
    %add3A_211 = arith.addi %mul3A_3, %add3A_210 : i32
    %dma_wait3A_212 = arith.constant 1 : i32
    %dma_wait3A_213 = arith.constant 0 : i32
    %dma_wait3A_214 = tpu.memref_slice %arg11[%dma_wait3A_212, %dma_wait3A_213] : memref<4x80xi32, #tpu.memory_space<vmem>> -> memref<1x80xi32, #tpu.memory_space<vmem>>
    %dma_wait3A_215 = tpu.memref_squeeze %dma_wait3A_214 : memref<1x80xi32, #tpu.memory_space<vmem>> -> memref<80xi32, #tpu.memory_space<vmem>>
    %dma_wait3A_216 = arith.constant 0 : i32
    %dma_wait3A_217 = tpu.memref_slice %arg3[%add3A_211, %dma_wait3A_216] : memref<4000x80xi32, #tpu.memory_space<hbm>> -> memref<1x80xi32, #tpu.memory_space<hbm>>
    %dma_wait3A_218 = tpu.memref_squeeze %dma_wait3A_217 : memref<1x80xi32, #tpu.memory_space<hbm>> -> memref<80xi32, #tpu.memory_space<hbm>>
    %dma_wait3A_219 = arith.constant 0 : i32
    %dma_wait3A_220 = tpu.memref_slice %arg11[%dma_wait3A_212, %dma_wait3A_219] : memref<4x80xi32, #tpu.memory_space<vmem>> -> memref<1x80xi32, #tpu.memory_space<vmem>>
    %dma_wait3A_221 = tpu.memref_squeeze %dma_wait3A_220 : memref<1x80xi32, #tpu.memory_space<vmem>> -> memref<80xi32, #tpu.memory_space<vmem>>
    %dma_wait3A_222 = arith.constant 0 : i32
    %dma_wait3A_223 = tpu.memref_slice %arg3[%add3A_211, %dma_wait3A_222] : memref<4000x80xi32, #tpu.memory_space<hbm>> -> memref<1x80xi32, #tpu.memory_space<hbm>>
    %dma_wait3A_224 = tpu.memref_squeeze %dma_wait3A_223 : memref<1x80xi32, #tpu.memory_space<hbm>> -> memref<80xi32, #tpu.memory_space<hbm>>
    tpu.wait_dma2 semaphore(%arg18 : memref<!tpu.dma_semaphore, #tpu.memory_space<semaphore_mem>>) src(%dma_wait3A_224 : memref<80xi32, #tpu.memory_space<hbm>>) dst(%dma_wait3A_221 : memref<80xi32, #tpu.memory_space<vmem>>)
    %dma_start3A_225 = arith.constant 1 : i32
    %dma_start3A_226 = arith.constant 1 : i32
    %dma_start3A_227 = arith.constant 0 : i32
    %dma_start3A_228 = arith.constant 0 : i32
    %dma_start3A_229 = tpu.memref_slice %arg14[%dma_start3A_226, %dma_start3A_227, %dma_start3A_228] : memref<4x80x128xf32, #tpu.memory_space<vmem>> -> memref<1x80x128xf32, #tpu.memory_space<vmem>>
    %dma_start3A_230 = tpu.memref_squeeze %dma_start3A_229 : memref<1x80x128xf32, #tpu.memory_space<vmem>> -> memref<80x128xf32, #tpu.memory_space<vmem>>
    %dma_start3A_231 = arith.constant 0 : i32
    %dma_start3A_232 = tpu.memref_slice %arg10[%dma_start3A_225, %dma_start3A_231] : memref<4x80xi32, #tpu.memory_space<vmem>> -> memref<1x80xi32, #tpu.memory_space<vmem>>
    %dma_start3A_233 = tpu.memref_squeeze %dma_start3A_232 : memref<1x80xi32, #tpu.memory_space<vmem>> -> memref<80xi32, #tpu.memory_space<vmem>>
    %dma_start3A_234 = arith.constant 0 : i32
    %dma_start3A_235 = arith.constant 0 : i32
    %dma_start3A_236 = tpu.memref_slice %arg4[%dma_start3A_234, %dma_start3A_235] : memref<10000x128xf32, #tpu.memory_space<hbm>> -> memref<10000x128xf32, #tpu.memory_space<hbm>>
    tpu.enqueue_indirect_dma source(%dma_start3A_236 : memref<10000x128xf32, #tpu.memory_space<hbm>>) target(%dma_start3A_230 : memref<80x128xf32, #tpu.memory_space<vmem>>) offsets(%dma_start3A_233 : memref<80xi32, #tpu.memory_space<vmem>>) semaphore(%arg22 : memref<!tpu.dma_semaphore, #tpu.memory_space<semaphore_mem>>)
    %dma_start3A_237 = arith.constant 1 : i32
    %dma_start3A_238 = arith.constant 1 : i32
    %dma_start3A_239 = arith.constant 0 : i32
    %dma_start3A_240 = tpu.memref_slice %arg15[%dma_start3A_238, %dma_start3A_239] : memref<4x80xf32, #tpu.memory_space<vmem>> -> memref<1x80xf32, #tpu.memory_space<vmem>>
    %dma_start3A_241 = tpu.memref_squeeze %dma_start3A_240 : memref<1x80xf32, #tpu.memory_space<vmem>> -> memref<80xf32, #tpu.memory_space<vmem>>
    %dma_start3A_242 = arith.constant 0 : i32
    %dma_start3A_243 = tpu.memref_slice %arg11[%dma_start3A_237, %dma_start3A_242] : memref<4x80xi32, #tpu.memory_space<vmem>> -> memref<1x80xi32, #tpu.memory_space<vmem>>
    %dma_start3A_244 = tpu.memref_squeeze %dma_start3A_243 : memref<1x80xi32, #tpu.memory_space<vmem>> -> memref<80xi32, #tpu.memory_space<vmem>>
    %dma_start3A_245 = arith.constant 0 : i32
    %dma_start3A_246 = tpu.memref_slice %arg5[%dma_start3A_245] : memref<10000xf32, #tpu.memory_space<hbm>> -> memref<10000xf32, #tpu.memory_space<hbm>>
    tpu.enqueue_indirect_dma source(%dma_start3A_246 : memref<10000xf32, #tpu.memory_space<hbm>>) target(%dma_start3A_241 : memref<80xf32, #tpu.memory_space<vmem>>) offsets(%dma_start3A_244 : memref<80xi32, #tpu.memory_space<vmem>>) semaphore(%arg26 : memref<!tpu.dma_semaphore, #tpu.memory_space<semaphore_mem>>)
    %dma_wait3A_247 = arith.constant 0 : i32
    %dma_wait3A_248 = arith.constant 0 : i32
    %dma_wait3A_249 = arith.constant 0 : i32
    %dma_wait3A_250 = arith.constant 0 : i32
    %dma_wait3A_251 = tpu.memref_slice %arg14[%dma_wait3A_248, %dma_wait3A_249, %dma_wait3A_250] : memref<4x80x128xf32, #tpu.memory_space<vmem>> -> memref<1x80x128xf32, #tpu.memory_space<vmem>>
    %dma_wait3A_252 = tpu.memref_squeeze %dma_wait3A_251 : memref<1x80x128xf32, #tpu.memory_space<vmem>> -> memref<80x128xf32, #tpu.memory_space<vmem>>
    %dma_wait3A_253 = arith.constant 0 : i32
    %dma_wait3A_254 = tpu.memref_slice %arg10[%dma_wait3A_247, %dma_wait3A_253] : memref<4x80xi32, #tpu.memory_space<vmem>> -> memref<1x80xi32, #tpu.memory_space<vmem>>
    %dma_wait3A_255 = tpu.memref_squeeze %dma_wait3A_254 : memref<1x80xi32, #tpu.memory_space<vmem>> -> memref<80xi32, #tpu.memory_space<vmem>>
    %dma_wait3A_256 = arith.constant 0 : i32
    %dma_wait3A_257 = arith.constant 0 : i32
    %dma_wait3A_258 = tpu.memref_slice %arg4[%dma_wait3A_256, %dma_wait3A_257] : memref<10000x128xf32, #tpu.memory_space<hbm>> -> memref<10000x128xf32, #tpu.memory_space<hbm>>
    tpu.wait_indirect_dma semaphore(%arg21 : memref<!tpu.dma_semaphore, #tpu.memory_space<semaphore_mem>>) src(%dma_wait3A_258 : memref<10000x128xf32, #tpu.memory_space<hbm>>) dst(%dma_wait3A_252 : memref<80x128xf32, #tpu.memory_space<vmem>>)
    %dma_wait3A_259 = arith.constant 0 : i32
    %dma_wait3A_260 = arith.constant 0 : i32
    %dma_wait3A_261 = arith.constant 0 : i32
    %dma_wait3A_262 = tpu.memref_slice %arg15[%dma_wait3A_260, %dma_wait3A_261] : memref<4x80xf32, #tpu.memory_space<vmem>> -> memref<1x80xf32, #tpu.memory_space<vmem>>
    %dma_wait3A_263 = tpu.memref_squeeze %dma_wait3A_262 : memref<1x80xf32, #tpu.memory_space<vmem>> -> memref<80xf32, #tpu.memory_space<vmem>>
    %dma_wait3A_264 = arith.constant 0 : i32
    %dma_wait3A_265 = tpu.memref_slice %arg11[%dma_wait3A_259, %dma_wait3A_264] : memref<4x80xi32, #tpu.memory_space<vmem>> -> memref<1x80xi32, #tpu.memory_space<vmem>>
    %dma_wait3A_266 = tpu.memref_squeeze %dma_wait3A_265 : memref<1x80xi32, #tpu.memory_space<vmem>> -> memref<80xi32, #tpu.memory_space<vmem>>
    %dma_wait3A_267 = arith.constant 0 : i32
    %dma_wait3A_268 = tpu.memref_slice %arg5[%dma_wait3A_267] : memref<10000xf32, #tpu.memory_space<hbm>> -> memref<10000xf32, #tpu.memory_space<hbm>>
    tpu.wait_indirect_dma semaphore(%arg25 : memref<!tpu.dma_semaphore, #tpu.memory_space<semaphore_mem>>) src(%dma_wait3A_268 : memref<10000xf32, #tpu.memory_space<hbm>>) dst(%dma_wait3A_263 : memref<80xf32, #tpu.memory_space<vmem>>)
    %get3A = arith.constant 0 : i32
    %get3A_269 = arith.index_cast %get3A : i32 to index
    %get3A_270 = arith.constant 0 : index
    %get3A_271 = tpu.vector_load %arg10[%get3A_269, %get3A_270] {strides = array<i32>} : memref<4x80xi32, #tpu.memory_space<vmem>>, vector<1x16xi32>,
    %get3A_272 = vector.shape_cast %get3A_271 : vector<1x16xi32> to vector<16xi32>
    %swap3A = arith.constant 0 : i32
    %swap3A_273 = arith.index_cast %swap3A : i32 to index
    %swap3A_274 = arith.constant 0 : index
    %swap3A_275 = tpu.vector_load %arg12[%swap3A_273, %swap3A_274] {strides = array<i32>} : memref<4x80xi32, #tpu.memory_space<vmem>>, vector<1x16xi32>,
    %swap3A_276 = vector.shape_cast %swap3A_275 : vector<1x16xi32> to vector<16xi32>
    %swap3A_277 = vector.shape_cast %get3A_272 : vector<16xi32> to vector<1x16xi32>
    tpu.vector_store %arg12[%swap3A_273, %swap3A_274], %swap3A_277 {strides = array<i32>} : memref<4x80xi32, #tpu.memory_space<vmem>>, vector<1x16xi32>,
    %get3A_278 = arith.constant 0 : i32
    %get3A_279 = arith.index_cast %get3A_278 : i32 to index
    %get3A_280 = arith.constant 0 : index
    %get3A_281 = tpu.vector_load %arg11[%get3A_279, %get3A_280] {strides = array<i32>} : memref<4x80xi32, #tpu.memory_space<vmem>>, vector<1x16xi32>,
    %get3A_282 = vector.shape_cast %get3A_281 : vector<1x16xi32> to vector<16xi32>
    %swap3A_283 = arith.constant 0 : i32
    %swap3A_284 = arith.index_cast %swap3A_283 : i32 to index
    %swap3A_285 = arith.constant 0 : index
    %swap3A_286 = tpu.vector_load %arg13[%swap3A_284, %swap3A_285] {strides = array<i32>} : memref<4x80xi32, #tpu.memory_space<vmem>>, vector<1x16xi32>,
    %swap3A_287 = vector.shape_cast %swap3A_286 : vector<1x16xi32> to vector<16xi32>
    %swap3A_288 = vector.shape_cast %get3A_282 : vector<16xi32> to vector<1x16xi32>
    tpu.vector_store %arg13[%swap3A_284, %swap3A_285], %swap3A_288 {strides = array<i32>} : memref<4x80xi32, #tpu.memory_space<vmem>>, vector<1x16xi32>,
    %get3A_289 = arith.constant 0 : i32
    %get3A_290 = arith.index_cast %get3A_289 : i32 to index
    %get3A_291 = arith.constant 16 : index
    %get3A_292 = tpu.vector_load %arg10[%get3A_290, %get3A_291] {strides = array<i32>} : memref<4x80xi32, #tpu.memory_space<vmem>>, vector<1x16xi32>,
    %get3A_293 = vector.shape_cast %get3A_292 : vector<1x16xi32> to vector<16xi32>
    %swap3A_294 = arith.constant 0 : i32
    %swap3A_295 = arith.index_cast %swap3A_294 : i32 to index
    %swap3A_296 = arith.constant 16 : index
    %swap3A_297 = tpu.vector_load %arg12[%swap3A_295, %swap3A_296] {strides = array<i32>} : memref<4x80xi32, #tpu.memory_space<vmem>>, vector<1x16xi32>,
    %swap3A_298 = vector.shape_cast %swap3A_297 : vector<1x16xi32> to vector<16xi32>
    %swap3A_299 = vector.shape_cast %get3A_293 : vector<16xi32> to vector<1x16xi32>
    tpu.vector_store %arg12[%swap3A_295, %swap3A_296], %swap3A_299 {strides = array<i32>} : memref<4x80xi32, #tpu.memory_space<vmem>>, vector<1x16xi32>,
    %get3A_300 = arith.constant 0 : i32
    %get3A_301 = arith.index_cast %get3A_300 : i32 to index
    %get3A_302 = arith.constant 16 : index
    %get3A_303 = tpu.vector_load %arg11[%get3A_301, %get3A_302] {strides = array<i32>} : memref<4x80xi32, #tpu.memory_space<vmem>>, vector<1x16xi32>,
    %get3A_304 = vector.shape_cast %get3A_303 : vector<1x16xi32> to vector<16xi32>
    %swap3A_305 = arith.constant 0 : i32
    %swap3A_306 = arith.index_cast %swap3A_305 : i32 to index
    %swap3A_307 = arith.constant 16 : index
    %swap3A_308 = tpu.vector_load %arg13[%swap3A_306, %swap3A_307] {strides = array<i32>} : memref<4x80xi32, #tpu.memory_space<vmem>>, vector<1x16xi32>,
    %swap3A_309 = vector.shape_cast %swap3A_308 : vector<1x16xi32> to vector<16xi32>
    %swap3A_310 = vector.shape_cast %get3A_304 : vector<16xi32> to vector<1x16xi32>
    tpu.vector_store %arg13[%swap3A_306, %swap3A_307], %swap3A_310 {strides = array<i32>} : memref<4x80xi32, #tpu.memory_space<vmem>>, vector<1x16xi32>,
    %get3A_311 = arith.constant 0 : i32
    %get3A_312 = arith.index_cast %get3A_311 : i32 to index
    %get3A_313 = arith.constant 32 : index
    %get3A_314 = tpu.vector_load %arg10[%get3A_312, %get3A_313] {strides = array<i32>} : memref<4x80xi32, #tpu.memory_space<vmem>>, vector<1x16xi32>,
    %get3A_315 = vector.shape_cast %get3A_314 : vector<1x16xi32> to vector<16xi32>
    %swap3A_316 = arith.constant 0 : i32
    %swap3A_317 = arith.index_cast %swap3A_316 : i32 to index
    %swap3A_318 = arith.constant 32 : index
    %swap3A_319 = tpu.vector_load %arg12[%swap3A_317, %swap3A_318] {strides = array<i32>} : memref<4x80xi32, #tpu.memory_space<vmem>>, vector<1x16xi32>,
    %swap3A_320 = vector.shape_cast %swap3A_319 : vector<1x16xi32> to vector<16xi32>
    %swap3A_321 = vector.shape_cast %get3A_315 : vector<16xi32> to vector<1x16xi32>
    tpu.vector_store %arg12[%swap3A_317, %swap3A_318], %swap3A_321 {strides = array<i32>} : memref<4x80xi32, #tpu.memory_space<vmem>>, vector<1x16xi32>,
    %get3A_322 = arith.constant 0 : i32
    %get3A_323 = arith.index_cast %get3A_322 : i32 to index
    %get3A_324 = arith.constant 32 : index
    %get3A_325 = tpu.vector_load %arg11[%get3A_323, %get3A_324] {strides = array<i32>} : memref<4x80xi32, #tpu.memory_space<vmem>>, vector<1x16xi32>,
    %get3A_326 = vector.shape_cast %get3A_325 : vector<1x16xi32> to vector<16xi32>
    %swap3A_327 = arith.constant 0 : i32
    %swap3A_328 = arith.index_cast %swap3A_327 : i32 to index
    %swap3A_329 = arith.constant 32 : index
    %swap3A_330 = tpu.vector_load %arg13[%swap3A_328, %swap3A_329] {strides = array<i32>} : memref<4x80xi32, #tpu.memory_space<vmem>>, vector<1x16xi32>,
    %swap3A_331 = vector.shape_cast %swap3A_330 : vector<1x16xi32> to vector<16xi32>
    %swap3A_332 = vector.shape_cast %get3A_326 : vector<16xi32> to vector<1x16xi32>
    tpu.vector_store %arg13[%swap3A_328, %swap3A_329], %swap3A_332 {strides = array<i32>} : memref<4x80xi32, #tpu.memory_space<vmem>>, vector<1x16xi32>,
    %get3A_333 = arith.constant 0 : i32
    %get3A_334 = arith.index_cast %get3A_333 : i32 to index
    %get3A_335 = arith.constant 48 : index
    %get3A_336 = tpu.vector_load %arg10[%get3A_334, %get3A_335] {strides = array<i32>} : memref<4x80xi32, #tpu.memory_space<vmem>>, vector<1x16xi32>,
    %get3A_337 = vector.shape_cast %get3A_336 : vector<1x16xi32> to vector<16xi32>
    %swap3A_338 = arith.constant 0 : i32
    %swap3A_339 = arith.index_cast %swap3A_338 : i32 to index
    %swap3A_340 = arith.constant 48 : index
    %swap3A_341 = tpu.vector_load %arg12[%swap3A_339, %swap3A_340] {strides = array<i32>} : memref<4x80xi32, #tpu.memory_space<vmem>>, vector<1x16xi32>,
    %swap3A_342 = vector.shape_cast %swap3A_341 : vector<1x16xi32> to vector<16xi32>
    %swap3A_343 = vector.shape_cast %get3A_337 : vector<16xi32> to vector<1x16xi32>
    tpu.vector_store %arg12[%swap3A_339, %swap3A_340], %swap3A_343 {strides = array<i32>} : memref<4x80xi32, #tpu.memory_space<vmem>>, vector<1x16xi32>,
    %get3A_344 = arith.constant 0 : i32
    %get3A_345 = arith.index_cast %get3A_344 : i32 to index
    %get3A_346 = arith.constant 48 : index
    %get3A_347 = tpu.vector_load %arg11[%get3A_345, %get3A_346] {strides = array<i32>} : memref<4x80xi32, #tpu.memory_space<vmem>>, vector<1x16xi32>,
    %get3A_348 = vector.shape_cast %get3A_347 : vector<1x16xi32> to vector<16xi32>
    %swap3A_349 = arith.constant 0 : i32
    %swap3A_350 = arith.index_cast %swap3A_349 : i32 to index
    %swap3A_351 = arith.constant 48 : index
    %swap3A_352 = tpu.vector_load %arg13[%swap3A_350, %swap3A_351] {strides = array<i32>} : memref<4x80xi32, #tpu.memory_space<vmem>>, vector<1x16xi32>,
    %swap3A_353 = vector.shape_cast %swap3A_352 : vector<1x16xi32> to vector<16xi32>
    %swap3A_354 = vector.shape_cast %get3A_348 : vector<16xi32> to vector<1x16xi32>
    tpu.vector_store %arg13[%swap3A_350, %swap3A_351], %swap3A_354 {strides = array<i32>} : memref<4x80xi32, #tpu.memory_space<vmem>>, vector<1x16xi32>,
    %get3A_355 = arith.constant 0 : i32
    %get3A_356 = arith.index_cast %get3A_355 : i32 to index
    %get3A_357 = arith.constant 64 : index
    %get3A_358 = tpu.vector_load %arg10[%get3A_356, %get3A_357] {strides = array<i32>} : memref<4x80xi32, #tpu.memory_space<vmem>>, vector<1x16xi32>,
    %get3A_359 = vector.shape_cast %get3A_358 : vector<1x16xi32> to vector<16xi32>
    %swap3A_360 = arith.constant 0 : i32
    %swap3A_361 = arith.index_cast %swap3A_360 : i32 to index
    %swap3A_362 = arith.constant 64 : index
    %swap3A_363 = tpu.vector_load %arg12[%swap3A_361, %swap3A_362] {strides = array<i32>} : memref<4x80xi32, #tpu.memory_space<vmem>>, vector<1x16xi32>,
    %swap3A_364 = vector.shape_cast %swap3A_363 : vector<1x16xi32> to vector<16xi32>
    %swap3A_365 = vector.shape_cast %get3A_359 : vector<16xi32> to vector<1x16xi32>
    tpu.vector_store %arg12[%swap3A_361, %swap3A_362], %swap3A_365 {strides = array<i32>} : memref<4x80xi32, #tpu.memory_space<vmem>>, vector<1x16xi32>,
    %get3A_366 = arith.constant 0 : i32
    %get3A_367 = arith.index_cast %get3A_366 : i32 to index
    %get3A_368 = arith.constant 64 : index
    %get3A_369 = tpu.vector_load %arg11[%get3A_367, %get3A_368] {strides = array<i32>} : memref<4x80xi32, #tpu.memory_space<vmem>>, vector<1x16xi32>,
    %get3A_370 = vector.shape_cast %get3A_369 : vector<1x16xi32> to vector<16xi32>
    %swap3A_371 = arith.constant 0 : i32
    %swap3A_372 = arith.index_cast %swap3A_371 : i32 to index
    %swap3A_373 = arith.constant 64 : index
    %swap3A_374 = tpu.vector_load %arg13[%swap3A_372, %swap3A_373] {strides = array<i32>} : memref<4x80xi32, #tpu.memory_space<vmem>>, vector<1x16xi32>,
    %swap3A_375 = vector.shape_cast %swap3A_374 : vector<1x16xi32> to vector<16xi32>
    %swap3A_376 = vector.shape_cast %get3A_370 : vector<16xi32> to vector<1x16xi32>
    tpu.vector_store %arg13[%swap3A_372, %swap3A_373], %swap3A_376 {strides = array<i32>} : memref<4x80xi32, #tpu.memory_space<vmem>>, vector<1x16xi32>,
    %mul3A_377 = arith.constant 640 : i32
    %mul3A_378 = arith.muli %arg1, %mul3A_377 : i32
    %dma_wait3A_379 = tpu.memref_slice %arg9[%mul3A_378] : memref<10240xf32, #tpu.memory_space<vmem_shared>> -> memref<640xf32, #tpu.memory_space<vmem_shared>>
    %dma_wait3A_380 = tpu.memref_slice %arg9[%mul3A_378] : memref<10240xf32, #tpu.memory_space<vmem_shared>> -> memref<640xf32, #tpu.memory_space<vmem_shared>>
    tpu.wait_dma2 semaphore(%arg37 : memref<!tpu.dma_semaphore, #tpu.memory_space<semaphore_mem>>) src(%arg16 : memref<640xf32, #tpu.memory_space<vmem>>) dst(%dma_wait3A_380 : memref<640xf32, #tpu.memory_space<vmem_shared>>)
    %lt3A_381 = arith.constant 15 : i32
    %lt3A_382 = arith.cmpi slt, %arg1, %lt3A_381 : i32
    %convert_element_type3A_383 = arith.extui %lt3A_382 : i1 to i32
    %cond3A_384 = arith.constant 0 : i32
    %cond3A_385 = arith.cmpi ne, %convert_element_type3A_383, %cond3A_384 : i32
    scf.if %cond3A_385 {
      %mul3A_2378 = arith.constant 640 : i32
      %mul3A_2379 = arith.muli %arg1, %mul3A_2378 : i32
      %add3A_2380 = arith.constant 0 : i32
      %add3A_2381 = arith.addi %mul3A_2379, %add3A_2380 : i32
      %dma_wait3A_2382 = arith.constant 3 : i32
      %dma_wait3A_2383 = arith.constant 0 : i32
      %dma_wait3A_2384 = arith.constant 0 : i32
      %dma_wait3A_2385 = tpu.memref_slice %arg14[%dma_wait3A_2382, %dma_wait3A_2383, %dma_wait3A_2384] : memref<4x80x128xf32, #tpu.memory_space<vmem>> -> memref<1x80x128xf32, #tpu.memory_space<vmem>>
      %dma_wait3A_2386 = tpu.memref_squeeze %dma_wait3A_2385 : memref<1x80x128xf32, #tpu.memory_space<vmem>> -> memref<80x128xf32, #tpu.memory_space<vmem>>
      %dma_wait3A_2387 = arith.constant 0 : i32
      %dma_wait3A_2388 = tpu.memref_slice %arg8[%add3A_2381, %dma_wait3A_2387] : memref<10000x128xf32, #tpu.memory_space<vmem_shared>> -> memref<80x128xf32, #tpu.memory_space<vmem_shared>>
      %dma_wait3A_2389 = arith.constant 0 : i32
      %dma_wait3A_2390 = tpu.memref_slice %arg8[%add3A_2381, %dma_wait3A_2389] : memref<10000x128xf32, #tpu.memory_space<vmem_shared>> -> memref<80x128xf32, #tpu.memory_space<vmem_shared>>
      %dma_wait3A_2391 = arith.constant 0 : i32
      %dma_wait3A_2392 = arith.constant 0 : i32
      %dma_wait3A_2393 = tpu.memref_slice %arg14[%dma_wait3A_2382, %dma_wait3A_2391, %dma_wait3A_2392] : memref<4x80x128xf32, #tpu.memory_space<vmem>> -> memref<1x80x128xf32, #tpu.memory_space<vmem>>
      %dma_wait3A_2394 = tpu.memref_squeeze %dma_wait3A_2393 : memref<1x80x128xf32, #tpu.memory_space<vmem>> -> memref<80x128xf32, #tpu.memory_space<vmem>>
      tpu.wait_dma2 semaphore(%arg37 : memref<!tpu.dma_semaphore, #tpu.memory_space<semaphore_mem>>) src(%dma_wait3A_2394 : memref<80x128xf32, #tpu.memory_space<vmem>>) dst(%dma_wait3A_2390 : memref<80x128xf32, #tpu.memory_space<vmem_shared>>)
      %mul3A_2395 = arith.constant 640 : i32
      %mul3A_2396 = arith.muli %arg1, %mul3A_2395 : i32
      %add3A_2397 = arith.constant 80 : i32
      %add3A_2398 = arith.addi %mul3A_2396, %add3A_2397 : i32
      %dma_wait3A_2399 = arith.constant 3 : i32
      %dma_wait3A_2400 = arith.constant 0 : i32
      %dma_wait3A_2401 = arith.constant 0 : i32
      %dma_wait3A_2402 = tpu.memref_slice %arg14[%dma_wait3A_2399, %dma_wait3A_2400, %dma_wait3A_2401] : memref<4x80x128xf32, #tpu.memory_space<vmem>> -> memref<1x80x128xf32, #tpu.memory_space<vmem>>
      %dma_wait3A_2403 = tpu.memref_squeeze %dma_wait3A_2402 : memref<1x80x128xf32, #tpu.memory_space<vmem>> -> memref<80x128xf32, #tpu.memory_space<vmem>>
      %dma_wait3A_2404 = arith.constant 0 : i32
      %dma_wait3A_2405 = tpu.memref_slice %arg8[%add3A_2398, %dma_wait3A_2404] : memref<10000x128xf32, #tpu.memory_space<vmem_shared>> -> memref<80x128xf32, #tpu.memory_space<vmem_shared>>
      %dma_wait3A_2406 = arith.constant 0 : i32
      %dma_wait3A_2407 = tpu.memref_slice %arg8[%add3A_2398, %dma_wait3A_2406] : memref<10000x128xf32, #tpu.memory_space<vmem_shared>> -> memref<80x128xf32, #tpu.memory_space<vmem_shared>>
      %dma_wait3A_2408 = arith.constant 0 : i32
      %dma_wait3A_2409 = arith.constant 0 : i32
      %dma_wait3A_2410 = tpu.memref_slice %arg14[%dma_wait3A_2399, %dma_wait3A_2408, %dma_wait3A_2409] : memref<4x80x128xf32, #tpu.memory_space<vmem>> -> memref<1x80x128xf32, #tpu.memory_space<vmem>>
      %dma_wait3A_2411 = tpu.memref_squeeze %dma_wait3A_2410 : memref<1x80x128xf32, #tpu.memory_space<vmem>> -> memref<80x128xf32, #tpu.memory_space<vmem>>
      tpu.wait_dma2 semaphore(%arg37 : memref<!tpu.dma_semaphore, #tpu.memory_space<semaphore_mem>>) src(%dma_wait3A_2411 : memref<80x128xf32, #tpu.memory_space<vmem>>) dst(%dma_wait3A_2407 : memref<80x128xf32, #tpu.memory_space<vmem_shared>>)
      %mul3A_2412 = arith.constant 640 : i32
      %mul3A_2413 = arith.muli %arg1, %mul3A_2412 : i32
      %add3A_2414 = arith.constant 160 : i32
      %add3A_2415 = arith.addi %mul3A_2413, %add3A_2414 : i32
      %dma_wait3A_2416 = arith.constant 3 : i32
      %dma_wait3A_2417 = arith.constant 0 : i32
      %dma_wait3A_2418 = arith.constant 0 : i32
      %dma_wait3A_2419 = tpu.memref_slice %arg14[%dma_wait3A_2416, %dma_wait3A_2417, %dma_wait3A_2418] : memref<4x80x128xf32, #tpu.memory_space<vmem>> -> memref<1x80x128xf32, #tpu.memory_space<vmem>>
      %dma_wait3A_2420 = tpu.memref_squeeze %dma_wait3A_2419 : memref<1x80x128xf32, #tpu.memory_space<vmem>> -> memref<80x128xf32, #tpu.memory_space<vmem>>
      %dma_wait3A_2421 = arith.constant 0 : i32
      %dma_wait3A_2422 = tpu.memref_slice %arg8[%add3A_2415, %dma_wait3A_2421] : memref<10000x128xf32, #tpu.memory_space<vmem_shared>> -> memref<80x128xf32, #tpu.memory_space<vmem_shared>>
      %dma_wait3A_2423 = arith.constant 0 : i32
      %dma_wait3A_2424 = tpu.memref_slice %arg8[%add3A_2415, %dma_wait3A_2423] : memref<10000x128xf32, #tpu.memory_space<vmem_shared>> -> memref<80x128xf32, #tpu.memory_space<vmem_shared>>
      %dma_wait3A_2425 = arith.constant 0 : i32
      %dma_wait3A_2426 = arith.constant 0 : i32
      %dma_wait3A_2427 = tpu.memref_slice %arg14[%dma_wait3A_2416, %dma_wait3A_2425, %dma_wait3A_2426] : memref<4x80x128xf32, #tpu.memory_space<vmem>> -> memref<1x80x128xf32, #tpu.memory_space<vmem>>
      %dma_wait3A_2428 = tpu.memref_squeeze %dma_wait3A_2427 : memref<1x80x128xf32, #tpu.memory_space<vmem>> -> memref<80x128xf32, #tpu.memory_space<vmem>>
      tpu.wait_dma2 semaphore(%arg37 : memref<!tpu.dma_semaphore, #tpu.memory_space<semaphore_mem>>) src(%dma_wait3A_2428 : memref<80x128xf32, #tpu.memory_space<vmem>>) dst(%dma_wait3A_2424 : memref<80x128xf32, #tpu.memory_space<vmem_shared>>)
      %mul3A_2429 = arith.constant 640 : i32
      %mul3A_2430 = arith.muli %arg1, %mul3A_2429 : i32
      %add3A_2431 = arith.constant 240 : i32
      %add3A_2432 = arith.addi %mul3A_2430, %add3A_2431 : i32
      %dma_wait3A_2433 = arith.constant 3 : i32
      %dma_wait3A_2434 = arith.constant 0 : i32
      %dma_wait3A_2435 = arith.constant 0 : i32
      %dma_wait3A_2436 = tpu.memref_slice %arg14[%dma_wait3A_2433, %dma_wait3A_2434, %dma_wait3A_2435] : memref<4x80x128xf32, #tpu.memory_space<vmem>> -> memref<1x80x128xf32, #tpu.memory_space<vmem>>
      %dma_wait3A_2437 = tpu.memref_squeeze %dma_wait3A_2436 : memref<1x80x128xf32, #tpu.memory_space<vmem>> -> memref<80x128xf32, #tpu.memory_space<vmem>>
      %dma_wait3A_2438 = arith.constant 0 : i32
      %dma_wait3A_2439 = tpu.memref_slice %arg8[%add3A_2432, %dma_wait3A_2438] : memref<10000x128xf32, #tpu.memory_space<vmem_shared>> -> memref<80x128xf32, #tpu.memory_space<vmem_shared>>
      %dma_wait3A_2440 = arith.constant 0 : i32
      %dma_wait3A_2441 = tpu.memref_slice %arg8[%add3A_2432, %dma_wait3A_2440] : memref<10000x128xf32, #tpu.memory_space<vmem_shared>> -> memref<80x128xf32, #tpu.memory_space<vmem_shared>>
      %dma_wait3A_2442 = arith.constant 0 : i32
      %dma_wait3A_2443 = arith.constant 0 : i32
      %dma_wait3A_2444 = tpu.memref_slice %arg14[%dma_wait3A_2433, %dma_wait3A_2442, %dma_wait3A_2443] : memref<4x80x128xf32, #tpu.memory_space<vmem>> -> memref<1x80x128xf32, #tpu.memory_space<vmem>>
      %dma_wait3A_2445 = tpu.memref_squeeze %dma_wait3A_2444 : memref<1x80x128xf32, #tpu.memory_space<vmem>> -> memref<80x128xf32, #tpu.memory_space<vmem>>
      tpu.wait_dma2 semaphore(%arg37 : memref<!tpu.dma_semaphore, #tpu.memory_space<semaphore_mem>>) src(%dma_wait3A_2445 : memref<80x128xf32, #tpu.memory_space<vmem>>) dst(%dma_wait3A_2441 : memref<80x128xf32, #tpu.memory_space<vmem_shared>>)
      %mul3A_2446 = arith.constant 640 : i32
      %mul3A_2447 = arith.muli %arg1, %mul3A_2446 : i32
      %add3A_2448 = arith.constant 320 : i32
      %add3A_2449 = arith.addi %mul3A_2447, %add3A_2448 : i32
      %dma_wait3A_2450 = arith.constant 3 : i32
      %dma_wait3A_2451 = arith.constant 0 : i32
      %dma_wait3A_2452 = arith.constant 0 : i32
      %dma_wait3A_2453 = tpu.memref_slice %arg14[%dma_wait3A_2450, %dma_wait3A_2451, %dma_wait3A_2452] : memref<4x80x128xf32, #tpu.memory_space<vmem>> -> memref<1x80x128xf32, #tpu.memory_space<vmem>>
      %dma_wait3A_2454 = tpu.memref_squeeze %dma_wait3A_2453 : memref<1x80x128xf32, #tpu.memory_space<vmem>> -> memref<80x128xf32, #tpu.memory_space<vmem>>
      %dma_wait3A_2455 = arith.constant 0 : i32
      %dma_wait3A_2456 = tpu.memref_slice %arg8[%add3A_2449, %dma_wait3A_2455] : memref<10000x128xf32, #tpu.memory_space<vmem_shared>> -> memref<80x128xf32, #tpu.memory_space<vmem_shared>>
      %dma_wait3A_2457 = arith.constant 0 : i32
      %dma_wait3A_2458 = tpu.memref_slice %arg8[%add3A_2449, %dma_wait3A_2457] : memref<10000x128xf32, #tpu.memory_space<vmem_shared>> -> memref<80x128xf32, #tpu.memory_space<vmem_shared>>
      %dma_wait3A_2459 = arith.constant 0 : i32
      %dma_wait3A_2460 = arith.constant 0 : i32
      %dma_wait3A_2461 = tpu.memref_slice %arg14[%dma_wait3A_2450, %dma_wait3A_2459, %dma_wait3A_2460] : memref<4x80x128xf32, #tpu.memory_space<vmem>> -> memref<1x80x128xf32, #tpu.memory_space<vmem>>
      %dma_wait3A_2462 = tpu.memref_squeeze %dma_wait3A_2461 : memref<1x80x128xf32, #tpu.memory_space<vmem>> -> memref<80x128xf32, #tpu.memory_space<vmem>>
      tpu.wait_dma2 semaphore(%arg37 : memref<!tpu.dma_semaphore, #tpu.memory_space<semaphore_mem>>) src(%dma_wait3A_2462 : memref<80x128xf32, #tpu.memory_space<vmem>>) dst(%dma_wait3A_2458 : memref<80x128xf32, #tpu.memory_space<vmem_shared>>)
      %mul3A_2463 = arith.constant 640 : i32
      %mul3A_2464 = arith.muli %arg1, %mul3A_2463 : i32
      %add3A_2465 = arith.constant 400 : i32
      %add3A_2466 = arith.addi %mul3A_2464, %add3A_2465 : i32
      %dma_wait3A_2467 = arith.constant 3 : i32
      %dma_wait3A_2468 = arith.constant 0 : i32
      %dma_wait3A_2469 = arith.constant 0 : i32
      %dma_wait3A_2470 = tpu.memref_slice %arg14[%dma_wait3A_2467, %dma_wait3A_2468, %dma_wait3A_2469] : memref<4x80x128xf32, #tpu.memory_space<vmem>> -> memref<1x80x128xf32, #tpu.memory_space<vmem>>
      %dma_wait3A_2471 = tpu.memref_squeeze %dma_wait3A_2470 : memref<1x80x128xf32, #tpu.memory_space<vmem>> -> memref<80x128xf32, #tpu.memory_space<vmem>>
      %dma_wait3A_2472 = arith.constant 0 : i32
      %dma_wait3A_2473 = tpu.memref_slice %arg8[%add3A_2466, %dma_wait3A_2472] : memref<10000x128xf32, #tpu.memory_space<vmem_shared>> -> memref<80x128xf32, #tpu.memory_space<vmem_shared>>
      %dma_wait3A_2474 = arith.constant 0 : i32
      %dma_wait3A_2475 = tpu.memref_slice %arg8[%add3A_2466, %dma_wait3A_2474] : memref<10000x128xf32, #tpu.memory_space<vmem_shared>> -> memref<80x128xf32, #tpu.memory_space<vmem_shared>>
      %dma_wait3A_2476 = arith.constant 0 : i32
      %dma_wait3A_2477 = arith.constant 0 : i32
      %dma_wait3A_2478 = tpu.memref_slice %arg14[%dma_wait3A_2467, %dma_wait3A_2476, %dma_wait3A_2477] : memref<4x80x128xf32, #tpu.memory_space<vmem>> -> memref<1x80x128xf32, #tpu.memory_space<vmem>>
      %dma_wait3A_2479 = tpu.memref_squeeze %dma_wait3A_2478 : memref<1x80x128xf32, #tpu.memory_space<vmem>> -> memref<80x128xf32, #tpu.memory_space<vmem>>
      tpu.wait_dma2 semaphore(%arg37 : memref<!tpu.dma_semaphore, #tpu.memory_space<semaphore_mem>>) src(%dma_wait3A_2479 : memref<80x128xf32, #tpu.memory_space<vmem>>) dst(%dma_wait3A_2475 : memref<80x128xf32, #tpu.memory_space<vmem_shared>>)
      %mul3A_2480 = arith.constant 640 : i32
      %mul3A_2481 = arith.muli %arg1, %mul3A_2480 : i32
      %add3A_2482 = arith.constant 480 : i32
      %add3A_2483 = arith.addi %mul3A_2481, %add3A_2482 : i32
      %dma_wait3A_2484 = arith.constant 3 : i32
      %dma_wait3A_2485 = arith.constant 0 : i32
      %dma_wait3A_2486 = arith.constant 0 : i32
      %dma_wait3A_2487 = tpu.memref_slice %arg14[%dma_wait3A_2484, %dma_wait3A_2485, %dma_wait3A_2486] : memref<4x80x128xf32, #tpu.memory_space<vmem>> -> memref<1x80x128xf32, #tpu.memory_space<vmem>>
      %dma_wait3A_2488 = tpu.memref_squeeze %dma_wait3A_2487 : memref<1x80x128xf32, #tpu.memory_space<vmem>> -> memref<80x128xf32, #tpu.memory_space<vmem>>
      %dma_wait3A_2489 = arith.constant 0 : i32
      %dma_wait3A_2490 = tpu.memref_slice %arg8[%add3A_2483, %dma_wait3A_2489] : memref<10000x128xf32, #tpu.memory_space<vmem_shared>> -> memref<80x128xf32, #tpu.memory_space<vmem_shared>>
      %dma_wait3A_2491 = arith.constant 0 : i32
      %dma_wait3A_2492 = tpu.memref_slice %arg8[%add3A_2483, %dma_wait3A_2491] : memref<10000x128xf32, #tpu.memory_space<vmem_shared>> -> memref<80x128xf32, #tpu.memory_space<vmem_shared>>
      %dma_wait3A_2493 = arith.constant 0 : i32
      %dma_wait3A_2494 = arith.constant 0 : i32
      %dma_wait3A_2495 = tpu.memref_slice %arg14[%dma_wait3A_2484, %dma_wait3A_2493, %dma_wait3A_2494] : memref<4x80x128xf32, #tpu.memory_space<vmem>> -> memref<1x80x128xf32, #tpu.memory_space<vmem>>
      %dma_wait3A_2496 = tpu.memref_squeeze %dma_wait3A_2495 : memref<1x80x128xf32, #tpu.memory_space<vmem>> -> memref<80x128xf32, #tpu.memory_space<vmem>>
      tpu.wait_dma2 semaphore(%arg37 : memref<!tpu.dma_semaphore, #tpu.memory_space<semaphore_mem>>) src(%dma_wait3A_2496 : memref<80x128xf32, #tpu.memory_space<vmem>>) dst(%dma_wait3A_2492 : memref<80x128xf32, #tpu.memory_space<vmem_shared>>)
      %mul3A_2497 = arith.constant 640 : i32
      %mul3A_2498 = arith.muli %arg1, %mul3A_2497 : i32
      %add3A_2499 = arith.constant 560 : i32
      %add3A_2500 = arith.addi %mul3A_2498, %add3A_2499 : i32
      %dma_wait3A_2501 = arith.constant 3 : i32
      %dma_wait3A_2502 = arith.constant 0 : i32
      %dma_wait3A_2503 = arith.constant 0 : i32
      %dma_wait3A_2504 = tpu.memref_slice %arg14[%dma_wait3A_2501, %dma_wait3A_2502, %dma_wait3A_2503] : memref<4x80x128xf32, #tpu.memory_space<vmem>> -> memref<1x80x128xf32, #tpu.memory_space<vmem>>
      %dma_wait3A_2505 = tpu.memref_squeeze %dma_wait3A_2504 : memref<1x80x128xf32, #tpu.memory_space<vmem>> -> memref<80x128xf32, #tpu.memory_space<vmem>>
      %dma_wait3A_2506 = arith.constant 0 : i32
      %dma_wait3A_2507 = tpu.memref_slice %arg8[%add3A_2500, %dma_wait3A_2506] : memref<10000x128xf32, #tpu.memory_space<vmem_shared>> -> memref<80x128xf32, #tpu.memory_space<vmem_shared>>
      %dma_wait3A_2508 = arith.constant 0 : i32
      %dma_wait3A_2509 = tpu.memref_slice %arg8[%add3A_2500, %dma_wait3A_2508] : memref<10000x128xf32, #tpu.memory_space<vmem_shared>> -> memref<80x128xf32, #tpu.memory_space<vmem_shared>>
      %dma_wait3A_2510 = arith.constant 0 : i32
      %dma_wait3A_2511 = arith.constant 0 : i32
      %dma_wait3A_2512 = tpu.memref_slice %arg14[%dma_wait3A_2501, %dma_wait3A_2510, %dma_wait3A_2511] : memref<4x80x128xf32, #tpu.memory_space<vmem>> -> memref<1x80x128xf32, #tpu.memory_space<vmem>>
      %dma_wait3A_2513 = tpu.memref_squeeze %dma_wait3A_2512 : memref<1x80x128xf32, #tpu.memory_space<vmem>> -> memref<80x128xf32, #tpu.memory_space<vmem>>
      tpu.wait_dma2 semaphore(%arg37 : memref<!tpu.dma_semaphore, #tpu.memory_space<semaphore_mem>>) src(%dma_wait3A_2513 : memref<80x128xf32, #tpu.memory_space<vmem>>) dst(%dma_wait3A_2509 : memref<80x128xf32, #tpu.memory_space<vmem_shared>>)
    } else {
    }
    %eq3A_386 = arith.constant 15 : i32
    %eq3A_387 = arith.cmpi eq, %arg1, %eq3A_386 : i32
    %convert_element_type3A_388 = arith.extui %eq3A_387 : i1 to i32
    %cond3A_389 = arith.constant 0 : i32
    %cond3A_390 = arith.cmpi ne, %convert_element_type3A_388, %cond3A_389 : i32
    scf.if %cond3A_390 {
      %dma_wait3A_2378 = arith.constant 3 : i32
      %dma_wait3A_2379 = arith.constant 0 : i32
      %dma_wait3A_2380 = arith.constant 0 : i32
      %dma_wait3A_2381 = tpu.memref_slice %arg14[%dma_wait3A_2378, %dma_wait3A_2379, %dma_wait3A_2380] : memref<4x80x128xf32, #tpu.memory_space<vmem>> -> memref<1x80x128xf32, #tpu.memory_space<vmem>>
      %dma_wait3A_2382 = tpu.memref_squeeze %dma_wait3A_2381 : memref<1x80x128xf32, #tpu.memory_space<vmem>> -> memref<80x128xf32, #tpu.memory_space<vmem>>
      %dma_wait3A_2383 = arith.constant 9600 : i32
      %dma_wait3A_2384 = arith.constant 0 : i32
      %dma_wait3A_2385 = tpu.memref_slice %arg8[%dma_wait3A_2383, %dma_wait3A_2384] : memref<10000x128xf32, #tpu.memory_space<vmem_shared>> -> memref<80x128xf32, #tpu.memory_space<vmem_shared>>
      %dma_wait3A_2386 = arith.constant 9600 : i32
      %dma_wait3A_2387 = arith.constant 0 : i32
      %dma_wait3A_2388 = tpu.memref_slice %arg8[%dma_wait3A_2386, %dma_wait3A_2387] : memref<10000x128xf32, #tpu.memory_space<vmem_shared>> -> memref<80x128xf32, #tpu.memory_space<vmem_shared>>
      %dma_wait3A_2389 = arith.constant 0 : i32
      %dma_wait3A_2390 = arith.constant 0 : i32
      %dma_wait3A_2391 = tpu.memref_slice %arg14[%dma_wait3A_2378, %dma_wait3A_2389, %dma_wait3A_2390] : memref<4x80x128xf32, #tpu.memory_space<vmem>> -> memref<1x80x128xf32, #tpu.memory_space<vmem>>
      %dma_wait3A_2392 = tpu.memref_squeeze %dma_wait3A_2391 : memref<1x80x128xf32, #tpu.memory_space<vmem>> -> memref<80x128xf32, #tpu.memory_space<vmem>>
      tpu.wait_dma2 semaphore(%arg37 : memref<!tpu.dma_semaphore, #tpu.memory_space<semaphore_mem>>) src(%dma_wait3A_2392 : memref<80x128xf32, #tpu.memory_space<vmem>>) dst(%dma_wait3A_2388 : memref<80x128xf32, #tpu.memory_space<vmem_shared>>)
      %dma_wait3A_2393 = arith.constant 3 : i32
      %dma_wait3A_2394 = arith.constant 0 : i32
      %dma_wait3A_2395 = arith.constant 0 : i32
      %dma_wait3A_2396 = tpu.memref_slice %arg14[%dma_wait3A_2393, %dma_wait3A_2394, %dma_wait3A_2395] : memref<4x80x128xf32, #tpu.memory_space<vmem>> -> memref<1x80x128xf32, #tpu.memory_space<vmem>>
      %dma_wait3A_2397 = tpu.memref_squeeze %dma_wait3A_2396 : memref<1x80x128xf32, #tpu.memory_space<vmem>> -> memref<80x128xf32, #tpu.memory_space<vmem>>
      %dma_wait3A_2398 = arith.constant 9680 : i32
      %dma_wait3A_2399 = arith.constant 0 : i32
      %dma_wait3A_2400 = tpu.memref_slice %arg8[%dma_wait3A_2398, %dma_wait3A_2399] : memref<10000x128xf32, #tpu.memory_space<vmem_shared>> -> memref<80x128xf32, #tpu.memory_space<vmem_shared>>
      %dma_wait3A_2401 = arith.constant 9680 : i32
      %dma_wait3A_2402 = arith.constant 0 : i32
      %dma_wait3A_2403 = tpu.memref_slice %arg8[%dma_wait3A_2401, %dma_wait3A_2402] : memref<10000x128xf32, #tpu.memory_space<vmem_shared>> -> memref<80x128xf32, #tpu.memory_space<vmem_shared>>
      %dma_wait3A_2404 = arith.constant 0 : i32
      %dma_wait3A_2405 = arith.constant 0 : i32
      %dma_wait3A_2406 = tpu.memref_slice %arg14[%dma_wait3A_2393, %dma_wait3A_2404, %dma_wait3A_2405] : memref<4x80x128xf32, #tpu.memory_space<vmem>> -> memref<1x80x128xf32, #tpu.memory_space<vmem>>
      %dma_wait3A_2407 = tpu.memref_squeeze %dma_wait3A_2406 : memref<1x80x128xf32, #tpu.memory_space<vmem>> -> memref<80x128xf32, #tpu.memory_space<vmem>>
      tpu.wait_dma2 semaphore(%arg37 : memref<!tpu.dma_semaphore, #tpu.memory_space<semaphore_mem>>) src(%dma_wait3A_2407 : memref<80x128xf32, #tpu.memory_space<vmem>>) dst(%dma_wait3A_2403 : memref<80x128xf32, #tpu.memory_space<vmem_shared>>)
      %dma_wait3A_2408 = arith.constant 3 : i32
      %dma_wait3A_2409 = arith.constant 0 : i32
      %dma_wait3A_2410 = arith.constant 0 : i32
      %dma_wait3A_2411 = tpu.memref_slice %arg14[%dma_wait3A_2408, %dma_wait3A_2409, %dma_wait3A_2410] : memref<4x80x128xf32, #tpu.memory_space<vmem>> -> memref<1x80x128xf32, #tpu.memory_space<vmem>>
      %dma_wait3A_2412 = tpu.memref_squeeze %dma_wait3A_2411 : memref<1x80x128xf32, #tpu.memory_space<vmem>> -> memref<80x128xf32, #tpu.memory_space<vmem>>
      %dma_wait3A_2413 = arith.constant 9760 : i32
      %dma_wait3A_2414 = arith.constant 0 : i32
      %dma_wait3A_2415 = tpu.memref_slice %arg8[%dma_wait3A_2413, %dma_wait3A_2414] : memref<10000x128xf32, #tpu.memory_space<vmem_shared>> -> memref<80x128xf32, #tpu.memory_space<vmem_shared>>
      %dma_wait3A_2416 = arith.constant 9760 : i32
      %dma_wait3A_2417 = arith.constant 0 : i32
      %dma_wait3A_2418 = tpu.memref_slice %arg8[%dma_wait3A_2416, %dma_wait3A_2417] : memref<10000x128xf32, #tpu.memory_space<vmem_shared>> -> memref<80x128xf32, #tpu.memory_space<vmem_shared>>
      %dma_wait3A_2419 = arith.constant 0 : i32
      %dma_wait3A_2420 = arith.constant 0 : i32
      %dma_wait3A_2421 = tpu.memref_slice %arg14[%dma_wait3A_2408, %dma_wait3A_2419, %dma_wait3A_2420] : memref<4x80x128xf32, #tpu.memory_space<vmem>> -> memref<1x80x128xf32, #tpu.memory_space<vmem>>
      %dma_wait3A_2422 = tpu.memref_squeeze %dma_wait3A_2421 : memref<1x80x128xf32, #tpu.memory_space<vmem>> -> memref<80x128xf32, #tpu.memory_space<vmem>>
      tpu.wait_dma2 semaphore(%arg37 : memref<!tpu.dma_semaphore, #tpu.memory_space<semaphore_mem>>) src(%dma_wait3A_2422 : memref<80x128xf32, #tpu.memory_space<vmem>>) dst(%dma_wait3A_2418 : memref<80x128xf32, #tpu.memory_space<vmem_shared>>)
      %dma_wait3A_2423 = arith.constant 3 : i32
      %dma_wait3A_2424 = arith.constant 0 : i32
      %dma_wait3A_2425 = arith.constant 0 : i32
      %dma_wait3A_2426 = tpu.memref_slice %arg14[%dma_wait3A_2423, %dma_wait3A_2424, %dma_wait3A_2425] : memref<4x80x128xf32, #tpu.memory_space<vmem>> -> memref<1x80x128xf32, #tpu.memory_space<vmem>>
      %dma_wait3A_2427 = tpu.memref_squeeze %dma_wait3A_2426 : memref<1x80x128xf32, #tpu.memory_space<vmem>> -> memref<80x128xf32, #tpu.memory_space<vmem>>
      %dma_wait3A_2428 = arith.constant 9840 : i32
      %dma_wait3A_2429 = arith.constant 0 : i32
      %dma_wait3A_2430 = tpu.memref_slice %arg8[%dma_wait3A_2428, %dma_wait3A_2429] : memref<10000x128xf32, #tpu.memory_space<vmem_shared>> -> memref<80x128xf32, #tpu.memory_space<vmem_shared>>
      %dma_wait3A_2431 = arith.constant 9840 : i32
      %dma_wait3A_2432 = arith.constant 0 : i32
      %dma_wait3A_2433 = tpu.memref_slice %arg8[%dma_wait3A_2431, %dma_wait3A_2432] : memref<10000x128xf32, #tpu.memory_space<vmem_shared>> -> memref<80x128xf32, #tpu.memory_space<vmem_shared>>
      %dma_wait3A_2434 = arith.constant 0 : i32
      %dma_wait3A_2435 = arith.constant 0 : i32
      %dma_wait3A_2436 = tpu.memref_slice %arg14[%dma_wait3A_2423, %dma_wait3A_2434, %dma_wait3A_2435] : memref<4x80x128xf32, #tpu.memory_space<vmem>> -> memref<1x80x128xf32, #tpu.memory_space<vmem>>
      %dma_wait3A_2437 = tpu.memref_squeeze %dma_wait3A_2436 : memref<1x80x128xf32, #tpu.memory_space<vmem>> -> memref<80x128xf32, #tpu.memory_space<vmem>>
      tpu.wait_dma2 semaphore(%arg37 : memref<!tpu.dma_semaphore, #tpu.memory_space<semaphore_mem>>) src(%dma_wait3A_2437 : memref<80x128xf32, #tpu.memory_space<vmem>>) dst(%dma_wait3A_2433 : memref<80x128xf32, #tpu.memory_space<vmem_shared>>)
      %dma_wait3A_2438 = arith.constant 3 : i32
      %dma_wait3A_2439 = arith.constant 0 : i32
      %dma_wait3A_2440 = arith.constant 0 : i32
      %dma_wait3A_2441 = tpu.memref_slice %arg14[%dma_wait3A_2438, %dma_wait3A_2439, %dma_wait3A_2440] : memref<4x80x128xf32, #tpu.memory_space<vmem>> -> memref<1x80x128xf32, #tpu.memory_space<vmem>>
      %dma_wait3A_2442 = tpu.memref_squeeze %dma_wait3A_2441 : memref<1x80x128xf32, #tpu.memory_space<vmem>> -> memref<80x128xf32, #tpu.memory_space<vmem>>
      %dma_wait3A_2443 = arith.constant 9920 : i32
      %dma_wait3A_2444 = arith.constant 0 : i32
      %dma_wait3A_2445 = tpu.memref_slice %arg8[%dma_wait3A_2443, %dma_wait3A_2444] : memref<10000x128xf32, #tpu.memory_space<vmem_shared>> -> memref<80x128xf32, #tpu.memory_space<vmem_shared>>
      %dma_wait3A_2446 = arith.constant 9920 : i32
      %dma_wait3A_2447 = arith.constant 0 : i32
      %dma_wait3A_2448 = tpu.memref_slice %arg8[%dma_wait3A_2446, %dma_wait3A_2447] : memref<10000x128xf32, #tpu.memory_space<vmem_shared>> -> memref<80x128xf32, #tpu.memory_space<vmem_shared>>
      %dma_wait3A_2449 = arith.constant 0 : i32
      %dma_wait3A_2450 = arith.constant 0 : i32
      %dma_wait3A_2451 = tpu.memref_slice %arg14[%dma_wait3A_2438, %dma_wait3A_2449, %dma_wait3A_2450] : memref<4x80x128xf32, #tpu.memory_space<vmem>> -> memref<1x80x128xf32, #tpu.memory_space<vmem>>
      %dma_wait3A_2452 = tpu.memref_squeeze %dma_wait3A_2451 : memref<1x80x128xf32, #tpu.memory_space<vmem>> -> memref<80x128xf32, #tpu.memory_space<vmem>>
      tpu.wait_dma2 semaphore(%arg37 : memref<!tpu.dma_semaphore, #tpu.memory_space<semaphore_mem>>) src(%dma_wait3A_2452 : memref<80x128xf32, #tpu.memory_space<vmem>>) dst(%dma_wait3A_2448 : memref<80x128xf32, #tpu.memory_space<vmem_shared>>)
    } else {
    }
    %barrier3A = arith.constant 0 : index
    tpu.barrier barrier_id(%barrier3A)
    %dma_start3A_391 = arith.constant 0 : i32
    %dma_start3A_392 = arith.constant 0 : i32
    %dma_start3A_393 = arith.constant 0 : i32
    %dma_start3A_394 = arith.constant 0 : i32
    %dma_start3A_395 = tpu.memref_slice %arg14[%dma_start3A_391, %dma_start3A_393, %dma_start3A_394] : memref<4x80x128xf32, #tpu.memory_space<vmem>> -> memref<1x80x128xf32, #tpu.memory_space<vmem>>
    %dma_start3A_396 = tpu.memref_squeeze %dma_start3A_395 : memref<1x80x128xf32, #tpu.memory_space<vmem>> -> memref<80x128xf32, #tpu.memory_space<vmem>>
    %dma_start3A_397 = arith.constant 0 : i32
    %dma_start3A_398 = tpu.memref_slice %arg13[%dma_start3A_392, %dma_start3A_397] : memref<4x80xi32, #tpu.memory_space<vmem>> -> memref<1x80xi32, #tpu.memory_space<vmem>>
    %dma_start3A_399 = tpu.memref_squeeze %dma_start3A_398 : memref<1x80xi32, #tpu.memory_space<vmem>> -> memref<80xi32, #tpu.memory_space<vmem>>
    %dma_start3A_400 = arith.constant 0 : i32
    %dma_start3A_401 = arith.constant 0 : i32
    %dma_start3A_402 = tpu.memref_slice %arg8[%dma_start3A_400, %dma_start3A_401] : memref<10000x128xf32, #tpu.memory_space<vmem_shared>> -> memref<10000x128xf32, #tpu.memory_space<vmem_shared>>
    tpu.enqueue_indirect_dma source(%dma_start3A_396 : memref<80x128xf32, #tpu.memory_space<vmem>>) target(%dma_start3A_402 : memref<10000x128xf32, #tpu.memory_space<vmem_shared>>) offsets(%dma_start3A_399 : memref<80xi32, #tpu.memory_space<vmem>>) semaphore(%arg29 : memref<!tpu.dma_semaphore, #tpu.memory_space<semaphore_mem>>) {add = true}
    %dma_start3A_403 = arith.constant 0 : i32
    %dma_start3A_404 = arith.constant 0 : i32
    %dma_start3A_405 = arith.constant 0 : i32
    %dma_start3A_406 = tpu.memref_slice %arg15[%dma_start3A_403, %dma_start3A_405] : memref<4x80xf32, #tpu.memory_space<vmem>> -> memref<1x80xf32, #tpu.memory_space<vmem>>
    %dma_start3A_407 = tpu.memref_squeeze %dma_start3A_406 : memref<1x80xf32, #tpu.memory_space<vmem>> -> memref<80xf32, #tpu.memory_space<vmem>>
    %dma_start3A_408 = arith.constant 0 : i32
    %dma_start3A_409 = tpu.memref_slice %arg12[%dma_start3A_404, %dma_start3A_408] : memref<4x80xi32, #tpu.memory_space<vmem>> -> memref<1x80xi32, #tpu.memory_space<vmem>>
    %dma_start3A_410 = tpu.memref_squeeze %dma_start3A_409 : memref<1x80xi32, #tpu.memory_space<vmem>> -> memref<80xi32, #tpu.memory_space<vmem>>
    %dma_start3A_411 = arith.constant 0 : i32
    %dma_start3A_412 = tpu.memref_slice %arg9[%dma_start3A_411] : memref<10240xf32, #tpu.memory_space<vmem_shared>> -> memref<10240xf32, #tpu.memory_space<vmem_shared>>
    tpu.enqueue_indirect_dma source(%dma_start3A_407 : memref<80xf32, #tpu.memory_space<vmem>>) target(%dma_start3A_412 : memref<10240xf32, #tpu.memory_space<vmem_shared>>) offsets(%dma_start3A_410 : memref<80xi32, #tpu.memory_space<vmem>>) semaphore(%arg33 : memref<!tpu.dma_semaphore, #tpu.memory_space<semaphore_mem>>) {add = true}
    %add3A_413 = arith.constant 4 : i32
    %add3A_414 = arith.addi %mul3A_3, %add3A_413 : i32
    %dma_start3A_415 = arith.constant 0 : i32
    %dma_start3A_416 = arith.constant 0 : i32
    %dma_start3A_417 = tpu.memref_slice %arg10[%dma_start3A_415, %dma_start3A_416] : memref<4x80xi32, #tpu.memory_space<vmem>> -> memref<1x80xi32, #tpu.memory_space<vmem>>
    %dma_start3A_418 = tpu.memref_squeeze %dma_start3A_417 : memref<1x80xi32, #tpu.memory_space<vmem>> -> memref<80xi32, #tpu.memory_space<vmem>>
    %dma_start3A_419 = arith.constant 0 : i32
    %dma_start3A_420 = tpu.memref_slice %arg2[%add3A_414, %dma_start3A_419] : memref<4000x80xi32, #tpu.memory_space<hbm>> -> memref<1x80xi32, #tpu.memory_space<hbm>>
    %dma_start3A_421 = tpu.memref_squeeze %dma_start3A_420 : memref<1x80xi32, #tpu.memory_space<hbm>> -> memref<80xi32, #tpu.memory_space<hbm>>
    %dma_start3A_422 = arith.constant 0 : i32
    %dma_start3A_423 = tpu.memref_slice %arg10[%dma_start3A_415, %dma_start3A_422] : memref<4x80xi32, #tpu.memory_space<vmem>> -> memref<1x80xi32, #tpu.memory_space<vmem>>
    %dma_start3A_424 = tpu.memref_squeeze %dma_start3A_423 : memref<1x80xi32, #tpu.memory_space<vmem>> -> memref<80xi32, #tpu.memory_space<vmem>>
    %dma_start3A_425 = arith.constant 0 : i32
    %dma_start3A_426 = tpu.memref_slice %arg2[%add3A_414, %dma_start3A_425] : memref<4000x80xi32, #tpu.memory_space<hbm>> -> memref<1x80xi32, #tpu.memory_space<hbm>>
    %dma_start3A_427 = tpu.memref_squeeze %dma_start3A_426 : memref<1x80xi32, #tpu.memory_space<hbm>> -> memref<80xi32, #tpu.memory_space<hbm>>
    tpu.enqueue_dma source(%dma_start3A_427 : memref<80xi32, #tpu.memory_space<hbm>>) target(%dma_start3A_424 : memref<80xi32, #tpu.memory_space<vmem>>) target_semaphore(%arg17 : memref<!tpu.dma_semaphore, #tpu.memory_space<semaphore_mem>>)
    %add3A_428 = arith.constant 4 : i32
    %add3A_429 = arith.addi %mul3A_3, %add3A_428 : i32
    %dma_start3A_430 = arith.constant 0 : i32
    %dma_start3A_431 = arith.constant 0 : i32
    %dma_start3A_432 = tpu.memref_slice %arg11[%dma_start3A_430, %dma_start3A_431] : memref<4x80xi32, #tpu.memory_space<vmem>> -> memref<1x80xi32, #tpu.memory_space<vmem>>
    %dma_start3A_433 = tpu.memref_squeeze %dma_start3A_432 : memref<1x80xi32, #tpu.memory_space<vmem>> -> memref<80xi32, #tpu.memory_space<vmem>>
    %dma_start3A_434 = arith.constant 0 : i32
    %dma_start3A_435 = tpu.memref_slice %arg3[%add3A_429, %dma_start3A_434] : memref<4000x80xi32, #tpu.memory_space<hbm>> -> memref<1x80xi32, #tpu.memory_space<hbm>>
    %dma_start3A_436 = tpu.memref_squeeze %dma_start3A_435 : memref<1x80xi32, #tpu.memory_space<hbm>> -> memref<80xi32, #tpu.memory_space<hbm>>
    %dma_start3A_437 = arith.constant 0 : i32
    %dma_start3A_438 = tpu.memref_slice %arg11[%dma_start3A_430, %dma_start3A_437] : memref<4x80xi32, #tpu.memory_space<vmem>> -> memref<1x80xi32, #tpu.memory_space<vmem>>
    %dma_start3A_439 = tpu.memref_squeeze %dma_start3A_438 : memref<1x80xi32, #tpu.memory_space<vmem>> -> memref<80xi32, #tpu.memory_space<vmem>>
    %dma_start3A_440 = arith.constant 0 : i32
    %dma_start3A_441 = tpu.memref_slice %arg3[%add3A_429, %dma_start3A_440] : memref<4000x80xi32, #tpu.memory_space<hbm>> -> memref<1x80xi32, #tpu.memory_space<hbm>>
    %dma_start3A_442 = tpu.memref_squeeze %dma_start3A_441 : memref<1x80xi32, #tpu.memory_space<hbm>> -> memref<80xi32, #tpu.memory_space<hbm>>
    tpu.enqueue_dma source(%dma_start3A_442 : memref<80xi32, #tpu.memory_space<hbm>>) target(%dma_start3A_439 : memref<80xi32, #tpu.memory_space<vmem>>) target_semaphore(%arg17 : memref<!tpu.dma_semaphore, #tpu.memory_space<semaphore_mem>>)
    %add3A_443 = arith.constant 2 : i32
    %add3A_444 = arith.addi %mul3A_3, %add3A_443 : i32
    %dma_wait3A_445 = arith.constant 2 : i32
    %dma_wait3A_446 = arith.constant 0 : i32
    %dma_wait3A_447 = tpu.memref_slice %arg10[%dma_wait3A_445, %dma_wait3A_446] : memref<4x80xi32, #tpu.memory_space<vmem>> -> memref<1x80xi32, #tpu.memory_space<vmem>>
    %dma_wait3A_448 = tpu.memref_squeeze %dma_wait3A_447 : memref<1x80xi32, #tpu.memory_space<vmem>> -> memref<80xi32, #tpu.memory_space<vmem>>
    %dma_wait3A_449 = arith.constant 0 : i32
    %dma_wait3A_450 = tpu.memref_slice %arg2[%add3A_444, %dma_wait3A_449] : memref<4000x80xi32, #tpu.memory_space<hbm>> -> memref<1x80xi32, #tpu.memory_space<hbm>>
    %dma_wait3A_451 = tpu.memref_squeeze %dma_wait3A_450 : memref<1x80xi32, #tpu.memory_space<hbm>> -> memref<80xi32, #tpu.memory_space<hbm>>
    %dma_wait3A_452 = arith.constant 0 : i32
    %dma_wait3A_453 = tpu.memref_slice %arg10[%dma_wait3A_445, %dma_wait3A_452] : memref<4x80xi32, #tpu.memory_space<vmem>> -> memref<1x80xi32, #tpu.memory_space<vmem>>
    %dma_wait3A_454 = tpu.memref_squeeze %dma_wait3A_453 : memref<1x80xi32, #tpu.memory_space<vmem>> -> memref<80xi32, #tpu.memory_space<vmem>>
    %dma_wait3A_455 = arith.constant 0 : i32
    %dma_wait3A_456 = tpu.memref_slice %arg2[%add3A_444, %dma_wait3A_455] : memref<4000x80xi32, #tpu.memory_space<hbm>> -> memref<1x80xi32, #tpu.memory_space<hbm>>
    %dma_wait3A_457 = tpu.memref_squeeze %dma_wait3A_456 : memref<1x80xi32, #tpu.memory_space<hbm>> -> memref<80xi32, #tpu.memory_space<hbm>>
    tpu.wait_dma2 semaphore(%arg19 : memref<!tpu.dma_semaphore, #tpu.memory_space<semaphore_mem>>) src(%dma_wait3A_457 : memref<80xi32, #tpu.memory_space<hbm>>) dst(%dma_wait3A_454 : memref<80xi32, #tpu.memory_space<vmem>>)
    %add3A_458 = arith.constant 2 : i32
    %add3A_459 = arith.addi %mul3A_3, %add3A_458 : i32
    %dma_wait3A_460 = arith.constant 2 : i32
    %dma_wait3A_461 = arith.constant 0 : i32
    %dma_wait3A_462 = tpu.memref_slice %arg11[%dma_wait3A_460, %dma_wait3A_461] : memref<4x80xi32, #tpu.memory_space<vmem>> -> memref<1x80xi32, #tpu.memory_space<vmem>>
    %dma_wait3A_463 = tpu.memref_squeeze %dma_wait3A_462 : memref<1x80xi32, #tpu.memory_space<vmem>> -> memref<80xi32, #tpu.memory_space<vmem>>
    %dma_wait3A_464 = arith.constant 0 : i32
    %dma_wait3A_465 = tpu.memref_slice %arg3[%add3A_459, %dma_wait3A_464] : memref<4000x80xi32, #tpu.memory_space<hbm>> -> memref<1x80xi32, #tpu.memory_space<hbm>>
    %dma_wait3A_466 = tpu.memref_squeeze %dma_wait3A_465 : memref<1x80xi32, #tpu.memory_space<hbm>> -> memref<80xi32, #tpu.memory_space<hbm>>
    %dma_wait3A_467 = arith.constant 0 : i32
    %dma_wait3A_468 = tpu.memref_slice %arg11[%dma_wait3A_460, %dma_wait3A_467] : memref<4x80xi32, #tpu.memory_space<vmem>> -> memref<1x80xi32, #tpu.memory_space<vmem>>
    %dma_wait3A_469 = tpu.memref_squeeze %dma_wait3A_468 : memref<1x80xi32, #tpu.memory_space<vmem>> -> memref<80xi32, #tpu.memory_space<vmem>>
    %dma_wait3A_470 = arith.constant 0 : i32
    %dma_wait3A_471 = tpu.memref_slice %arg3[%add3A_459, %dma_wait3A_470] : memref<4000x80xi32, #tpu.memory_space<hbm>> -> memref<1x80xi32, #tpu.memory_space<hbm>>
    %dma_wait3A_472 = tpu.memref_squeeze %dma_wait3A_471 : memref<1x80xi32, #tpu.memory_space<hbm>> -> memref<80xi32, #tpu.memory_space<hbm>>
    tpu.wait_dma2 semaphore(%arg19 : memref<!tpu.dma_semaphore, #tpu.memory_space<semaphore_mem>>) src(%dma_wait3A_472 : memref<80xi32, #tpu.memory_space<hbm>>) dst(%dma_wait3A_469 : memref<80xi32, #tpu.memory_space<vmem>>)
    %dma_start3A_473 = arith.constant 2 : i32
    %dma_start3A_474 = arith.constant 2 : i32
    %dma_start3A_475 = arith.constant 0 : i32
    %dma_start3A_476 = arith.constant 0 : i32
    %dma_start3A_477 = tpu.memref_slice %arg14[%dma_start3A_474, %dma_start3A_475, %dma_start3A_476] : memref<4x80x128xf32, #tpu.memory_space<vmem>> -> memref<1x80x128xf32, #tpu.memory_space<vmem>>
    %dma_start3A_478 = tpu.memref_squeeze %dma_start3A_477 : memref<1x80x128xf32, #tpu.memory_space<vmem>> -> memref<80x128xf32, #tpu.memory_space<vmem>>
    %dma_start3A_479 = arith.constant 0 : i32
    %dma_start3A_480 = tpu.memref_slice %arg10[%dma_start3A_473, %dma_start3A_479] : memref<4x80xi32, #tpu.memory_space<vmem>> -> memref<1x80xi32, #tpu.memory_space<vmem>>
    %dma_start3A_481 = tpu.memref_squeeze %dma_start3A_480 : memref<1x80xi32, #tpu.memory_space<vmem>> -> memref<80xi32, #tpu.memory_space<vmem>>
    %dma_start3A_482 = arith.constant 0 : i32
    %dma_start3A_483 = arith.constant 0 : i32
    %dma_start3A_484 = tpu.memref_slice %arg4[%dma_start3A_482, %dma_start3A_483] : memref<10000x128xf32, #tpu.memory_space<hbm>> -> memref<10000x128xf32, #tpu.memory_space<hbm>>
    tpu.enqueue_indirect_dma source(%dma_start3A_484 : memref<10000x128xf32, #tpu.memory_space<hbm>>) target(%dma_start3A_478 : memref<80x128xf32, #tpu.memory_space<vmem>>) offsets(%dma_start3A_481 : memref<80xi32, #tpu.memory_space<vmem>>) semaphore(%arg23 : memref<!tpu.dma_semaphore, #tpu.memory_space<semaphore_mem>>)
    %dma_start3A_485 = arith.constant 2 : i32
    %dma_start3A_486 = arith.constant 2 : i32
    %dma_start3A_487 = arith.constant 0 : i32
    %dma_start3A_488 = tpu.memref_slice %arg15[%dma_start3A_486, %dma_start3A_487] : memref<4x80xf32, #tpu.memory_space<vmem>> -> memref<1x80xf32, #tpu.memory_space<vmem>>
    %dma_start3A_489 = tpu.memref_squeeze %dma_start3A_488 : memref<1x80xf32, #tpu.memory_space<vmem>> -> memref<80xf32, #tpu.memory_space<vmem>>
    %dma_start3A_490 = arith.constant 0 : i32
    %dma_start3A_491 = tpu.memref_slice %arg11[%dma_start3A_485, %dma_start3A_490] : memref<4x80xi32, #tpu.memory_space<vmem>> -> memref<1x80xi32, #tpu.memory_space<vmem>>
    %dma_start3A_492 = tpu.memref_squeeze %dma_start3A_491 : memref<1x80xi32, #tpu.memory_space<vmem>> -> memref<80xi32, #tpu.memory_space<vmem>>
    %dma_start3A_493 = arith.constant 0 : i32
    %dma_start3A_494 = tpu.memref_slice %arg5[%dma_start3A_493] : memref<10000xf32, #tpu.memory_space<hbm>> -> memref<10000xf32, #tpu.memory_space<hbm>>
    tpu.enqueue_indirect_dma source(%dma_start3A_494 : memref<10000xf32, #tpu.memory_space<hbm>>) target(%dma_start3A_489 : memref<80xf32, #tpu.memory_space<vmem>>) offsets(%dma_start3A_492 : memref<80xi32, #tpu.memory_space<vmem>>) semaphore(%arg27 : memref<!tpu.dma_semaphore, #tpu.memory_space<semaphore_mem>>)
    %dma_wait3A_495 = arith.constant 1 : i32
    %dma_wait3A_496 = arith.constant 1 : i32
    %dma_wait3A_497 = arith.constant 0 : i32
    %dma_wait3A_498 = arith.constant 0 : i32
    %dma_wait3A_499 = tpu.memref_slice %arg14[%dma_wait3A_496, %dma_wait3A_497, %dma_wait3A_498] : memref<4x80x128xf32, #tpu.memory_space<vmem>> -> memref<1x80x128xf32, #tpu.memory_space<vmem>>
    %dma_wait3A_500 = tpu.memref_squeeze %dma_wait3A_499 : memref<1x80x128xf32, #tpu.memory_space<vmem>> -> memref<80x128xf32, #tpu.memory_space<vmem>>
    %dma_wait3A_501 = arith.constant 0 : i32
    %dma_wait3A_502 = tpu.memref_slice %arg10[%dma_wait3A_495, %dma_wait3A_501] : memref<4x80xi32, #tpu.memory_space<vmem>> -> memref<1x80xi32, #tpu.memory_space<vmem>>
    %dma_wait3A_503 = tpu.memref_squeeze %dma_wait3A_502 : memref<1x80xi32, #tpu.memory_space<vmem>> -> memref<80xi32, #tpu.memory_space<vmem>>
    %dma_wait3A_504 = arith.constant 0 : i32
    %dma_wait3A_505 = arith.constant 0 : i32
    %dma_wait3A_506 = tpu.memref_slice %arg4[%dma_wait3A_504, %dma_wait3A_505] : memref<10000x128xf32, #tpu.memory_space<hbm>> -> memref<10000x128xf32, #tpu.memory_space<hbm>>
    tpu.wait_indirect_dma semaphore(%arg22 : memref<!tpu.dma_semaphore, #tpu.memory_space<semaphore_mem>>) src(%dma_wait3A_506 : memref<10000x128xf32, #tpu.memory_space<hbm>>) dst(%dma_wait3A_500 : memref<80x128xf32, #tpu.memory_space<vmem>>)
    %dma_wait3A_507 = arith.constant 1 : i32
    %dma_wait3A_508 = arith.constant 1 : i32
    %dma_wait3A_509 = arith.constant 0 : i32
    %dma_wait3A_510 = tpu.memref_slice %arg15[%dma_wait3A_508, %dma_wait3A_509] : memref<4x80xf32, #tpu.memory_space<vmem>> -> memref<1x80xf32, #tpu.memory_space<vmem>>
    %dma_wait3A_511 = tpu.memref_squeeze %dma_wait3A_510 : memref<1x80xf32, #tpu.memory_space<vmem>> -> memref<80xf32, #tpu.memory_space<vmem>>
    %dma_wait3A_512 = arith.constant 0 : i32
    %dma_wait3A_513 = tpu.memref_slice %arg11[%dma_wait3A_507, %dma_wait3A_512] : memref<4x80xi32, #tpu.memory_space<vmem>> -> memref<1x80xi32, #tpu.memory_space<vmem>>
    %dma_wait3A_514 = tpu.memref_squeeze %dma_wait3A_513 : memref<1x80xi32, #tpu.memory_space<vmem>> -> memref<80xi32, #tpu.memory_space<vmem>>
    %dma_wait3A_515 = arith.constant 0 : i32
    %dma_wait3A_516 = tpu.memref_slice %arg5[%dma_wait3A_515] : memref<10000xf32, #tpu.memory_space<hbm>> -> memref<10000xf32, #tpu.memory_space<hbm>>
    tpu.wait_indirect_dma semaphore(%arg26 : memref<!tpu.dma_semaphore, #tpu.memory_space<semaphore_mem>>) src(%dma_wait3A_516 : memref<10000xf32, #tpu.memory_space<hbm>>) dst(%dma_wait3A_511 : memref<80xf32, #tpu.memory_space<vmem>>)
    %get3A_517 = arith.constant 1 : i32
    %get3A_518 = arith.index_cast %get3A_517 : i32 to index
    %get3A_519 = arith.constant 0 : index
    %get3A_520 = tpu.vector_load %arg10[%get3A_518, %get3A_519] {strides = array<i32>} : memref<4x80xi32, #tpu.memory_space<vmem>>, vector<1x16xi32>,
    %get3A_521 = vector.shape_cast %get3A_520 : vector<1x16xi32> to vector<16xi32>
    %swap3A_522 = arith.constant 1 : i32
    %swap3A_523 = arith.index_cast %swap3A_522 : i32 to index
    %swap3A_524 = arith.constant 0 : index
    %swap3A_525 = tpu.vector_load %arg12[%swap3A_523, %swap3A_524] {strides = array<i32>} : memref<4x80xi32, #tpu.memory_space<vmem>>, vector<1x16xi32>,
    %swap3A_526 = vector.shape_cast %swap3A_525 : vector<1x16xi32> to vector<16xi32>
    %swap3A_527 = vector.shape_cast %get3A_521 : vector<16xi32> to vector<1x16xi32>
    tpu.vector_store %arg12[%swap3A_523, %swap3A_524], %swap3A_527 {strides = array<i32>} : memref<4x80xi32, #tpu.memory_space<vmem>>, vector<1x16xi32>,
    %get3A_528 = arith.constant 1 : i32
    %get3A_529 = arith.index_cast %get3A_528 : i32 to index
    %get3A_530 = arith.constant 0 : index
    %get3A_531 = tpu.vector_load %arg11[%get3A_529, %get3A_530] {strides = array<i32>} : memref<4x80xi32, #tpu.memory_space<vmem>>, vector<1x16xi32>,
    %get3A_532 = vector.shape_cast %get3A_531 : vector<1x16xi32> to vector<16xi32>
    %swap3A_533 = arith.constant 1 : i32
    %swap3A_534 = arith.index_cast %swap3A_533 : i32 to index
    %swap3A_535 = arith.constant 0 : index
    %swap3A_536 = tpu.vector_load %arg13[%swap3A_534, %swap3A_535] {strides = array<i32>} : memref<4x80xi32, #tpu.memory_space<vmem>>, vector<1x16xi32>,
    %swap3A_537 = vector.shape_cast %swap3A_536 : vector<1x16xi32> to vector<16xi32>
    %swap3A_538 = vector.shape_cast %get3A_532 : vector<16xi32> to vector<1x16xi32>
    tpu.vector_store %arg13[%swap3A_534, %swap3A_535], %swap3A_538 {strides = array<i32>} : memref<4x80xi32, #tpu.memory_space<vmem>>, vector<1x16xi32>,
    %get3A_539 = arith.constant 1 : i32
    %get3A_540 = arith.index_cast %get3A_539 : i32 to index
    %get3A_541 = arith.constant 16 : index
    %get3A_542 = tpu.vector_load %arg10[%get3A_540, %get3A_541] {strides = array<i32>} : memref<4x80xi32, #tpu.memory_space<vmem>>, vector<1x16xi32>,
    %get3A_543 = vector.shape_cast %get3A_542 : vector<1x16xi32> to vector<16xi32>
    %swap3A_544 = arith.constant 1 : i32
    %swap3A_545 = arith.index_cast %swap3A_544 : i32 to index
    %swap3A_546 = arith.constant 16 : index
    %swap3A_547 = tpu.vector_load %arg12[%swap3A_545, %swap3A_546] {strides = array<i32>} : memref<4x80xi32, #tpu.memory_space<vmem>>, vector<1x16xi32>,
    %swap3A_548 = vector.shape_cast %swap3A_547 : vector<1x16xi32> to vector<16xi32>
    %swap3A_549 = vector.shape_cast %get3A_543 : vector<16xi32> to vector<1x16xi32>
    tpu.vector_store %arg12[%swap3A_545, %swap3A_546], %swap3A_549 {strides = array<i32>} : memref<4x80xi32, #tpu.memory_space<vmem>>, vector<1x16xi32>,
    %get3A_550 = arith.constant 1 : i32
    %get3A_551 = arith.index_cast %get3A_550 : i32 to index
    %get3A_552 = arith.constant 16 : index
    %get3A_553 = tpu.vector_load %arg11[%get3A_551, %get3A_552] {strides = array<i32>} : memref<4x80xi32, #tpu.memory_space<vmem>>, vector<1x16xi32>,
    %get3A_554 = vector.shape_cast %get3A_553 : vector<1x16xi32> to vector<16xi32>
    %swap3A_555 = arith.constant 1 : i32
    %swap3A_556 = arith.index_cast %swap3A_555 : i32 to index
    %swap3A_557 = arith.constant 16 : index
    %swap3A_558 = tpu.vector_load %arg13[%swap3A_556, %swap3A_557] {strides = array<i32>} : memref<4x80xi32, #tpu.memory_space<vmem>>, vector<1x16xi32>,
    %swap3A_559 = vector.shape_cast %swap3A_558 : vector<1x16xi32> to vector<16xi32>
    %swap3A_560 = vector.shape_cast %get3A_554 : vector<16xi32> to vector<1x16xi32>
    tpu.vector_store %arg13[%swap3A_556, %swap3A_557], %swap3A_560 {strides = array<i32>} : memref<4x80xi32, #tpu.memory_space<vmem>>, vector<1x16xi32>,
    %get3A_561 = arith.constant 1 : i32
    %get3A_562 = arith.index_cast %get3A_561 : i32 to index
    %get3A_563 = arith.constant 32 : index
    %get3A_564 = tpu.vector_load %arg10[%get3A_562, %get3A_563] {strides = array<i32>} : memref<4x80xi32, #tpu.memory_space<vmem>>, vector<1x16xi32>,
    %get3A_565 = vector.shape_cast %get3A_564 : vector<1x16xi32> to vector<16xi32>
    %swap3A_566 = arith.constant 1 : i32
    %swap3A_567 = arith.index_cast %swap3A_566 : i32 to index
    %swap3A_568 = arith.constant 32 : index
    %swap3A_569 = tpu.vector_load %arg12[%swap3A_567, %swap3A_568] {strides = array<i32>} : memref<4x80xi32, #tpu.memory_space<vmem>>, vector<1x16xi32>,
    %swap3A_570 = vector.shape_cast %swap3A_569 : vector<1x16xi32> to vector<16xi32>
    %swap3A_571 = vector.shape_cast %get3A_565 : vector<16xi32> to vector<1x16xi32>
    tpu.vector_store %arg12[%swap3A_567, %swap3A_568], %swap3A_571 {strides = array<i32>} : memref<4x80xi32, #tpu.memory_space<vmem>>, vector<1x16xi32>,
    %get3A_572 = arith.constant 1 : i32
    %get3A_573 = arith.index_cast %get3A_572 : i32 to index
    %get3A_574 = arith.constant 32 : index
    %get3A_575 = tpu.vector_load %arg11[%get3A_573, %get3A_574] {strides = array<i32>} : memref<4x80xi32, #tpu.memory_space<vmem>>, vector<1x16xi32>,
    %get3A_576 = vector.shape_cast %get3A_575 : vector<1x16xi32> to vector<16xi32>
    %swap3A_577 = arith.constant 1 : i32
    %swap3A_578 = arith.index_cast %swap3A_577 : i32 to index
    %swap3A_579 = arith.constant 32 : index
    %swap3A_580 = tpu.vector_load %arg13[%swap3A_578, %swap3A_579] {strides = array<i32>} : memref<4x80xi32, #tpu.memory_space<vmem>>, vector<1x16xi32>,
    %swap3A_581 = vector.shape_cast %swap3A_580 : vector<1x16xi32> to vector<16xi32>
    %swap3A_582 = vector.shape_cast %get3A_576 : vector<16xi32> to vector<1x16xi32>
    tpu.vector_store %arg13[%swap3A_578, %swap3A_579], %swap3A_582 {strides = array<i32>} : memref<4x80xi32, #tpu.memory_space<vmem>>, vector<1x16xi32>,
    %get3A_583 = arith.constant 1 : i32
    %get3A_584 = arith.index_cast %get3A_583 : i32 to index
    %get3A_585 = arith.constant 48 : index
    %get3A_586 = tpu.vector_load %arg10[%get3A_584, %get3A_585] {strides = array<i32>} : memref<4x80xi32, #tpu.memory_space<vmem>>, vector<1x16xi32>,
    %get3A_587 = vector.shape_cast %get3A_586 : vector<1x16xi32> to vector<16xi32>
    %swap3A_588 = arith.constant 1 : i32
    %swap3A_589 = arith.index_cast %swap3A_588 : i32 to index
    %swap3A_590 = arith.constant 48 : index
    %swap3A_591 = tpu.vector_load %arg12[%swap3A_589, %swap3A_590] {strides = array<i32>} : memref<4x80xi32, #tpu.memory_space<vmem>>, vector<1x16xi32>,
    %swap3A_592 = vector.shape_cast %swap3A_591 : vector<1x16xi32> to vector<16xi32>
    %swap3A_593 = vector.shape_cast %get3A_587 : vector<16xi32> to vector<1x16xi32>
    tpu.vector_store %arg12[%swap3A_589, %swap3A_590], %swap3A_593 {strides = array<i32>} : memref<4x80xi32, #tpu.memory_space<vmem>>, vector<1x16xi32>,
    %get3A_594 = arith.constant 1 : i32
    %get3A_595 = arith.index_cast %get3A_594 : i32 to index
    %get3A_596 = arith.constant 48 : index
    %get3A_597 = tpu.vector_load %arg11[%get3A_595, %get3A_596] {strides = array<i32>} : memref<4x80xi32, #tpu.memory_space<vmem>>, vector<1x16xi32>,
    %get3A_598 = vector.shape_cast %get3A_597 : vector<1x16xi32> to vector<16xi32>
    %swap3A_599 = arith.constant 1 : i32
    %swap3A_600 = arith.index_cast %swap3A_599 : i32 to index
    %swap3A_601 = arith.constant 48 : index
    %swap3A_602 = tpu.vector_load %arg13[%swap3A_600, %swap3A_601] {strides = array<i32>} : memref<4x80xi32, #tpu.memory_space<vmem>>, vector<1x16xi32>,
    %swap3A_603 = vector.shape_cast %swap3A_602 : vector<1x16xi32> to vector<16xi32>
    %swap3A_604 = vector.shape_cast %get3A_598 : vector<16xi32> to vector<1x16xi32>
    tpu.vector_store %arg13[%swap3A_600, %swap3A_601], %swap3A_604 {strides = array<i32>} : memref<4x80xi32, #tpu.memory_space<vmem>>, vector<1x16xi32>,
    %get3A_605 = arith.constant 1 : i32
    %get3A_606 = arith.index_cast %get3A_605 : i32 to index
    %get3A_607 = arith.constant 64 : index
    %get3A_608 = tpu.vector_load %arg10[%get3A_606, %get3A_607] {strides = array<i32>} : memref<4x80xi32, #tpu.memory_space<vmem>>, vector<1x16xi32>,
    %get3A_609 = vector.shape_cast %get3A_608 : vector<1x16xi32> to vector<16xi32>
    %swap3A_610 = arith.constant 1 : i32
    %swap3A_611 = arith.index_cast %swap3A_610 : i32 to index
    %swap3A_612 = arith.constant 64 : index
    %swap3A_613 = tpu.vector_load %arg12[%swap3A_611, %swap3A_612] {strides = array<i32>} : memref<4x80xi32, #tpu.memory_space<vmem>>, vector<1x16xi32>,
    %swap3A_614 = vector.shape_cast %swap3A_613 : vector<1x16xi32> to vector<16xi32>
    %swap3A_615 = vector.shape_cast %get3A_609 : vector<16xi32> to vector<1x16xi32>
    tpu.vector_store %arg12[%swap3A_611, %swap3A_612], %swap3A_615 {strides = array<i32>} : memref<4x80xi32, #tpu.memory_space<vmem>>, vector<1x16xi32>,
    %get3A_616 = arith.constant 1 : i32
    %get3A_617 = arith.index_cast %get3A_616 : i32 to index
    %get3A_618 = arith.constant 64 : index
    %get3A_619 = tpu.vector_load %arg11[%get3A_617, %get3A_618] {strides = array<i32>} : memref<4x80xi32, #tpu.memory_space<vmem>>, vector<1x16xi32>,
    %get3A_620 = vector.shape_cast %get3A_619 : vector<1x16xi32> to vector<16xi32>
    %swap3A_621 = arith.constant 1 : i32
    %swap3A_622 = arith.index_cast %swap3A_621 : i32 to index
    %swap3A_623 = arith.constant 64 : index
    %swap3A_624 = tpu.vector_load %arg13[%swap3A_622, %swap3A_623] {strides = array<i32>} : memref<4x80xi32, #tpu.memory_space<vmem>>, vector<1x16xi32>,
    %swap3A_625 = vector.shape_cast %swap3A_624 : vector<1x16xi32> to vector<16xi32>
    %swap3A_626 = vector.shape_cast %get3A_620 : vector<16xi32> to vector<1x16xi32>
    tpu.vector_store %arg13[%swap3A_622, %swap3A_623], %swap3A_626 {strides = array<i32>} : memref<4x80xi32, #tpu.memory_space<vmem>>, vector<1x16xi32>,
    %dma_start3A_627 = arith.constant 1 : i32
    %dma_start3A_628 = arith.constant 1 : i32
    %dma_start3A_629 = arith.constant 0 : i32
    %dma_start3A_630 = arith.constant 0 : i32
    %dma_start3A_631 = tpu.memref_slice %arg14[%dma_start3A_627, %dma_start3A_629, %dma_start3A_630] : memref<4x80x128xf32, #tpu.memory_space<vmem>> -> memref<1x80x128xf32, #tpu.memory_space<vmem>>
    %dma_start3A_632 = tpu.memref_squeeze %dma_start3A_631 : memref<1x80x128xf32, #tpu.memory_space<vmem>> -> memref<80x128xf32, #tpu.memory_space<vmem>>
    %dma_start3A_633 = arith.constant 0 : i32
    %dma_start3A_634 = tpu.memref_slice %arg13[%dma_start3A_628, %dma_start3A_633] : memref<4x80xi32, #tpu.memory_space<vmem>> -> memref<1x80xi32, #tpu.memory_space<vmem>>
    %dma_start3A_635 = tpu.memref_squeeze %dma_start3A_634 : memref<1x80xi32, #tpu.memory_space<vmem>> -> memref<80xi32, #tpu.memory_space<vmem>>
    %dma_start3A_636 = arith.constant 0 : i32
    %dma_start3A_637 = arith.constant 0 : i32
    %dma_start3A_638 = tpu.memref_slice %arg8[%dma_start3A_636, %dma_start3A_637] : memref<10000x128xf32, #tpu.memory_space<vmem_shared>> -> memref<10000x128xf32, #tpu.memory_space<vmem_shared>>
    tpu.enqueue_indirect_dma source(%dma_start3A_632 : memref<80x128xf32, #tpu.memory_space<vmem>>) target(%dma_start3A_638 : memref<10000x128xf32, #tpu.memory_space<vmem_shared>>) offsets(%dma_start3A_635 : memref<80xi32, #tpu.memory_space<vmem>>) semaphore(%arg30 : memref<!tpu.dma_semaphore, #tpu.memory_space<semaphore_mem>>) {add = true}
    %dma_start3A_639 = arith.constant 1 : i32
    %dma_start3A_640 = arith.constant 1 : i32
    %dma_start3A_641 = arith.constant 0 : i32
    %dma_start3A_642 = tpu.memref_slice %arg15[%dma_start3A_639, %dma_start3A_641] : memref<4x80xf32, #tpu.memory_space<vmem>> -> memref<1x80xf32, #tpu.memory_space<vmem>>
    %dma_start3A_643 = tpu.memref_squeeze %dma_start3A_642 : memref<1x80xf32, #tpu.memory_space<vmem>> -> memref<80xf32, #tpu.memory_space<vmem>>
    %dma_start3A_644 = arith.constant 0 : i32
    %dma_start3A_645 = tpu.memref_slice %arg12[%dma_start3A_640, %dma_start3A_644] : memref<4x80xi32, #tpu.memory_space<vmem>> -> memref<1x80xi32, #tpu.memory_space<vmem>>
    %dma_start3A_646 = tpu.memref_squeeze %dma_start3A_645 : memref<1x80xi32, #tpu.memory_space<vmem>> -> memref<80xi32, #tpu.memory_space<vmem>>
    %dma_start3A_647 = arith.constant 0 : i32
    %dma_start3A_648 = tpu.memref_slice %arg9[%dma_start3A_647] : memref<10240xf32, #tpu.memory_space<vmem_shared>> -> memref<10240xf32, #tpu.memory_space<vmem_shared>>
    tpu.enqueue_indirect_dma source(%dma_start3A_643 : memref<80xf32, #tpu.memory_space<vmem>>) target(%dma_start3A_648 : memref<10240xf32, #tpu.memory_space<vmem_shared>>) offsets(%dma_start3A_646 : memref<80xi32, #tpu.memory_space<vmem>>) semaphore(%arg34 : memref<!tpu.dma_semaphore, #tpu.memory_space<semaphore_mem>>) {add = true}
    %add3A_649 = arith.constant 5 : i32
    %add3A_650 = arith.addi %mul3A_3, %add3A_649 : i32
    %dma_start3A_651 = arith.constant 1 : i32
    %dma_start3A_652 = arith.constant 0 : i32
    %dma_start3A_653 = tpu.memref_slice %arg10[%dma_start3A_651, %dma_start3A_652] : memref<4x80xi32, #tpu.memory_space<vmem>> -> memref<1x80xi32, #tpu.memory_space<vmem>>
    %dma_start3A_654 = tpu.memref_squeeze %dma_start3A_653 : memref<1x80xi32, #tpu.memory_space<vmem>> -> memref<80xi32, #tpu.memory_space<vmem>>
    %dma_start3A_655 = arith.constant 0 : i32
    %dma_start3A_656 = tpu.memref_slice %arg2[%add3A_650, %dma_start3A_655] : memref<4000x80xi32, #tpu.memory_space<hbm>> -> memref<1x80xi32, #tpu.memory_space<hbm>>
    %dma_start3A_657 = tpu.memref_squeeze %dma_start3A_656 : memref<1x80xi32, #tpu.memory_space<hbm>> -> memref<80xi32, #tpu.memory_space<hbm>>
    %dma_start3A_658 = arith.constant 0 : i32
    %dma_start3A_659 = tpu.memref_slice %arg10[%dma_start3A_651, %dma_start3A_658] : memref<4x80xi32, #tpu.memory_space<vmem>> -> memref<1x80xi32, #tpu.memory_space<vmem>>
    %dma_start3A_660 = tpu.memref_squeeze %dma_start3A_659 : memref<1x80xi32, #tpu.memory_space<vmem>> -> memref<80xi32, #tpu.memory_space<vmem>>
    %dma_start3A_661 = arith.constant 0 : i32
    %dma_start3A_662 = tpu.memref_slice %arg2[%add3A_650, %dma_start3A_661] : memref<4000x80xi32, #tpu.memory_space<hbm>> -> memref<1x80xi32, #tpu.memory_space<hbm>>
    %dma_start3A_663 = tpu.memref_squeeze %dma_start3A_662 : memref<1x80xi32, #tpu.memory_space<hbm>> -> memref<80xi32, #tpu.memory_space<hbm>>
    tpu.enqueue_dma source(%dma_start3A_663 : memref<80xi32, #tpu.memory_space<hbm>>) target(%dma_start3A_660 : memref<80xi32, #tpu.memory_space<vmem>>) target_semaphore(%arg18 : memref<!tpu.dma_semaphore, #tpu.memory_space<semaphore_mem>>)
    %add3A_664 = arith.constant 5 : i32
    %add3A_665 = arith.addi %mul3A_3, %add3A_664 : i32
    %dma_start3A_666 = arith.constant 1 : i32
    %dma_start3A_667 = arith.constant 0 : i32
    %dma_start3A_668 = tpu.memref_slice %arg11[%dma_start3A_666, %dma_start3A_667] : memref<4x80xi32, #tpu.memory_space<vmem>> -> memref<1x80xi32, #tpu.memory_space<vmem>>
    %dma_start3A_669 = tpu.memref_squeeze %dma_start3A_668 : memref<1x80xi32, #tpu.memory_space<vmem>> -> memref<80xi32, #tpu.memory_space<vmem>>
    %dma_start3A_670 = arith.constant 0 : i32
    %dma_start3A_671 = tpu.memref_slice %arg3[%add3A_665, %dma_start3A_670] : memref<4000x80xi32, #tpu.memory_space<hbm>> -> memref<1x80xi32, #tpu.memory_space<hbm>>
    %dma_start3A_672 = tpu.memref_squeeze %dma_start3A_671 : memref<1x80xi32, #tpu.memory_space<hbm>> -> memref<80xi32, #tpu.memory_space<hbm>>
    %dma_start3A_673 = arith.constant 0 : i32
    %dma_start3A_674 = tpu.memref_slice %arg11[%dma_start3A_666, %dma_start3A_673] : memref<4x80xi32, #tpu.memory_space<vmem>> -> memref<1x80xi32, #tpu.memory_space<vmem>>
    %dma_start3A_675 = tpu.memref_squeeze %dma_start3A_674 : memref<1x80xi32, #tpu.memory_space<vmem>> -> memref<80xi32, #tpu.memory_space<vmem>>
    %dma_start3A_676 = arith.constant 0 : i32
    %dma_start3A_677 = tpu.memref_slice %arg3[%add3A_665, %dma_start3A_676] : memref<4000x80xi32, #tpu.memory_space<hbm>> -> memref<1x80xi32, #tpu.memory_space<hbm>>
    %dma_start3A_678 = tpu.memref_squeeze %dma_start3A_677 : memref<1x80xi32, #tpu.memory_space<hbm>> -> memref<80xi32, #tpu.memory_space<hbm>>
    tpu.enqueue_dma source(%dma_start3A_678 : memref<80xi32, #tpu.memory_space<hbm>>) target(%dma_start3A_675 : memref<80xi32, #tpu.memory_space<vmem>>) target_semaphore(%arg18 : memref<!tpu.dma_semaphore, #tpu.memory_space<semaphore_mem>>)
    %add3A_679 = arith.constant 3 : i32
    %add3A_680 = arith.addi %mul3A_3, %add3A_679 : i32
    %dma_wait3A_681 = arith.constant 3 : i32
    %dma_wait3A_682 = arith.constant 0 : i32
    %dma_wait3A_683 = tpu.memref_slice %arg10[%dma_wait3A_681, %dma_wait3A_682] : memref<4x80xi32, #tpu.memory_space<vmem>> -> memref<1x80xi32, #tpu.memory_space<vmem>>
    %dma_wait3A_684 = tpu.memref_squeeze %dma_wait3A_683 : memref<1x80xi32, #tpu.memory_space<vmem>> -> memref<80xi32, #tpu.memory_space<vmem>>
    %dma_wait3A_685 = arith.constant 0 : i32
    %dma_wait3A_686 = tpu.memref_slice %arg2[%add3A_680, %dma_wait3A_685] : memref<4000x80xi32, #tpu.memory_space<hbm>> -> memref<1x80xi32, #tpu.memory_space<hbm>>
    %dma_wait3A_687 = tpu.memref_squeeze %dma_wait3A_686 : memref<1x80xi32, #tpu.memory_space<hbm>> -> memref<80xi32, #tpu.memory_space<hbm>>
    %dma_wait3A_688 = arith.constant 0 : i32
    %dma_wait3A_689 = tpu.memref_slice %arg10[%dma_wait3A_681, %dma_wait3A_688] : memref<4x80xi32, #tpu.memory_space<vmem>> -> memref<1x80xi32, #tpu.memory_space<vmem>>
    %dma_wait3A_690 = tpu.memref_squeeze %dma_wait3A_689 : memref<1x80xi32, #tpu.memory_space<vmem>> -> memref<80xi32, #tpu.memory_space<vmem>>
    %dma_wait3A_691 = arith.constant 0 : i32
    %dma_wait3A_692 = tpu.memref_slice %arg2[%add3A_680, %dma_wait3A_691] : memref<4000x80xi32, #tpu.memory_space<hbm>> -> memref<1x80xi32, #tpu.memory_space<hbm>>
    %dma_wait3A_693 = tpu.memref_squeeze %dma_wait3A_692 : memref<1x80xi32, #tpu.memory_space<hbm>> -> memref<80xi32, #tpu.memory_space<hbm>>
    tpu.wait_dma2 semaphore(%arg20 : memref<!tpu.dma_semaphore, #tpu.memory_space<semaphore_mem>>) src(%dma_wait3A_693 : memref<80xi32, #tpu.memory_space<hbm>>) dst(%dma_wait3A_690 : memref<80xi32, #tpu.memory_space<vmem>>)
    %add3A_694 = arith.constant 3 : i32
    %add3A_695 = arith.addi %mul3A_3, %add3A_694 : i32
    %dma_wait3A_696 = arith.constant 3 : i32
    %dma_wait3A_697 = arith.constant 0 : i32
    %dma_wait3A_698 = tpu.memref_slice %arg11[%dma_wait3A_696, %dma_wait3A_697] : memref<4x80xi32, #tpu.memory_space<vmem>> -> memref<1x80xi32, #tpu.memory_space<vmem>>
    %dma_wait3A_699 = tpu.memref_squeeze %dma_wait3A_698 : memref<1x80xi32, #tpu.memory_space<vmem>> -> memref<80xi32, #tpu.memory_space<vmem>>
    %dma_wait3A_700 = arith.constant 0 : i32
    %dma_wait3A_701 = tpu.memref_slice %arg3[%add3A_695, %dma_wait3A_700] : memref<4000x80xi32, #tpu.memory_space<hbm>> -> memref<1x80xi32, #tpu.memory_space<hbm>>
    %dma_wait3A_702 = tpu.memref_squeeze %dma_wait3A_701 : memref<1x80xi32, #tpu.memory_space<hbm>> -> memref<80xi32, #tpu.memory_space<hbm>>
    %dma_wait3A_703 = arith.constant 0 : i32
    %dma_wait3A_704 = tpu.memref_slice %arg11[%dma_wait3A_696, %dma_wait3A_703] : memref<4x80xi32, #tpu.memory_space<vmem>> -> memref<1x80xi32, #tpu.memory_space<vmem>>
    %dma_wait3A_705 = tpu.memref_squeeze %dma_wait3A_704 : memref<1x80xi32, #tpu.memory_space<vmem>> -> memref<80xi32, #tpu.memory_space<vmem>>
    %dma_wait3A_706 = arith.constant 0 : i32
    %dma_wait3A_707 = tpu.memref_slice %arg3[%add3A_695, %dma_wait3A_706] : memref<4000x80xi32, #tpu.memory_space<hbm>> -> memref<1x80xi32, #tpu.memory_space<hbm>>
    %dma_wait3A_708 = tpu.memref_squeeze %dma_wait3A_707 : memref<1x80xi32, #tpu.memory_space<hbm>> -> memref<80xi32, #tpu.memory_space<hbm>>
    tpu.wait_dma2 semaphore(%arg20 : memref<!tpu.dma_semaphore, #tpu.memory_space<semaphore_mem>>) src(%dma_wait3A_708 : memref<80xi32, #tpu.memory_space<hbm>>) dst(%dma_wait3A_705 : memref<80xi32, #tpu.memory_space<vmem>>)
    %dma_start3A_709 = arith.constant 3 : i32
    %dma_start3A_710 = arith.constant 3 : i32
    %dma_start3A_711 = arith.constant 0 : i32
    %dma_start3A_712 = arith.constant 0 : i32
    %dma_start3A_713 = tpu.memref_slice %arg14[%dma_start3A_710, %dma_start3A_711, %dma_start3A_712] : memref<4x80x128xf32, #tpu.memory_space<vmem>> -> memref<1x80x128xf32, #tpu.memory_space<vmem>>
    %dma_start3A_714 = tpu.memref_squeeze %dma_start3A_713 : memref<1x80x128xf32, #tpu.memory_space<vmem>> -> memref<80x128xf32, #tpu.memory_space<vmem>>
    %dma_start3A_715 = arith.constant 0 : i32
    %dma_start3A_716 = tpu.memref_slice %arg10[%dma_start3A_709, %dma_start3A_715] : memref<4x80xi32, #tpu.memory_space<vmem>> -> memref<1x80xi32, #tpu.memory_space<vmem>>
    %dma_start3A_717 = tpu.memref_squeeze %dma_start3A_716 : memref<1x80xi32, #tpu.memory_space<vmem>> -> memref<80xi32, #tpu.memory_space<vmem>>
    %dma_start3A_718 = arith.constant 0 : i32
    %dma_start3A_719 = arith.constant 0 : i32
    %dma_start3A_720 = tpu.memref_slice %arg4[%dma_start3A_718, %dma_start3A_719] : memref<10000x128xf32, #tpu.memory_space<hbm>> -> memref<10000x128xf32, #tpu.memory_space<hbm>>
    tpu.enqueue_indirect_dma source(%dma_start3A_720 : memref<10000x128xf32, #tpu.memory_space<hbm>>) target(%dma_start3A_714 : memref<80x128xf32, #tpu.memory_space<vmem>>) offsets(%dma_start3A_717 : memref<80xi32, #tpu.memory_space<vmem>>) semaphore(%arg24 : memref<!tpu.dma_semaphore, #tpu.memory_space<semaphore_mem>>)
    %dma_start3A_721 = arith.constant 3 : i32
    %dma_start3A_722 = arith.constant 3 : i32
    %dma_start3A_723 = arith.constant 0 : i32
    %dma_start3A_724 = tpu.memref_slice %arg15[%dma_start3A_722, %dma_start3A_723] : memref<4x80xf32, #tpu.memory_space<vmem>> -> memref<1x80xf32, #tpu.memory_space<vmem>>
    %dma_start3A_725 = tpu.memref_squeeze %dma_start3A_724 : memref<1x80xf32, #tpu.memory_space<vmem>> -> memref<80xf32, #tpu.memory_space<vmem>>
    %dma_start3A_726 = arith.constant 0 : i32
    %dma_start3A_727 = tpu.memref_slice %arg11[%dma_start3A_721, %dma_start3A_726] : memref<4x80xi32, #tpu.memory_space<vmem>> -> memref<1x80xi32, #tpu.memory_space<vmem>>
    %dma_start3A_728 = tpu.memref_squeeze %dma_start3A_727 : memref<1x80xi32, #tpu.memory_space<vmem>> -> memref<80xi32, #tpu.memory_space<vmem>>
    %dma_start3A_729 = arith.constant 0 : i32
    %dma_start3A_730 = tpu.memref_slice %arg5[%dma_start3A_729] : memref<10000xf32, #tpu.memory_space<hbm>> -> memref<10000xf32, #tpu.memory_space<hbm>>
    tpu.enqueue_indirect_dma source(%dma_start3A_730 : memref<10000xf32, #tpu.memory_space<hbm>>) target(%dma_start3A_725 : memref<80xf32, #tpu.memory_space<vmem>>) offsets(%dma_start3A_728 : memref<80xi32, #tpu.memory_space<vmem>>) semaphore(%arg28 : memref<!tpu.dma_semaphore, #tpu.memory_space<semaphore_mem>>)
    %dma_wait3A_731 = arith.constant 2 : i32
    %dma_wait3A_732 = arith.constant 2 : i32
    %dma_wait3A_733 = arith.constant 0 : i32
    %dma_wait3A_734 = arith.constant 0 : i32
    %dma_wait3A_735 = tpu.memref_slice %arg14[%dma_wait3A_732, %dma_wait3A_733, %dma_wait3A_734] : memref<4x80x128xf32, #tpu.memory_space<vmem>> -> memref<1x80x128xf32, #tpu.memory_space<vmem>>
    %dma_wait3A_736 = tpu.memref_squeeze %dma_wait3A_735 : memref<1x80x128xf32, #tpu.memory_space<vmem>> -> memref<80x128xf32, #tpu.memory_space<vmem>>
    %dma_wait3A_737 = arith.constant 0 : i32
    %dma_wait3A_738 = tpu.memref_slice %arg10[%dma_wait3A_731, %dma_wait3A_737] : memref<4x80xi32, #tpu.memory_space<vmem>> -> memref<1x80xi32, #tpu.memory_space<vmem>>
    %dma_wait3A_739 = tpu.memref_squeeze %dma_wait3A_738 : memref<1x80xi32, #tpu.memory_space<vmem>> -> memref<80xi32, #tpu.memory_space<vmem>>
    %dma_wait3A_740 = arith.constant 0 : i32
    %dma_wait3A_741 = arith.constant 0 : i32
    %dma_wait3A_742 = tpu.memref_slice %arg4[%dma_wait3A_740, %dma_wait3A_741] : memref<10000x128xf32, #tpu.memory_space<hbm>> -> memref<10000x128xf32, #tpu.memory_space<hbm>>
    tpu.wait_indirect_dma semaphore(%arg23 : memref<!tpu.dma_semaphore, #tpu.memory_space<semaphore_mem>>) src(%dma_wait3A_742 : memref<10000x128xf32, #tpu.memory_space<hbm>>) dst(%dma_wait3A_736 : memref<80x128xf32, #tpu.memory_space<vmem>>)
    %dma_wait3A_743 = arith.constant 2 : i32
    %dma_wait3A_744 = arith.constant 2 : i32
    %dma_wait3A_745 = arith.constant 0 : i32
    %dma_wait3A_746 = tpu.memref_slice %arg15[%dma_wait3A_744, %dma_wait3A_745] : memref<4x80xf32, #tpu.memory_space<vmem>> -> memref<1x80xf32, #tpu.memory_space<vmem>>
    %dma_wait3A_747 = tpu.memref_squeeze %dma_wait3A_746 : memref<1x80xf32, #tpu.memory_space<vmem>> -> memref<80xf32, #tpu.memory_space<vmem>>
    %dma_wait3A_748 = arith.constant 0 : i32
    %dma_wait3A_749 = tpu.memref_slice %arg11[%dma_wait3A_743, %dma_wait3A_748] : memref<4x80xi32, #tpu.memory_space<vmem>> -> memref<1x80xi32, #tpu.memory_space<vmem>>
    %dma_wait3A_750 = tpu.memref_squeeze %dma_wait3A_749 : memref<1x80xi32, #tpu.memory_space<vmem>> -> memref<80xi32, #tpu.memory_space<vmem>>
    %dma_wait3A_751 = arith.constant 0 : i32
    %dma_wait3A_752 = tpu.memref_slice %arg5[%dma_wait3A_751] : memref<10000xf32, #tpu.memory_space<hbm>> -> memref<10000xf32, #tpu.memory_space<hbm>>
    tpu.wait_indirect_dma semaphore(%arg27 : memref<!tpu.dma_semaphore, #tpu.memory_space<semaphore_mem>>) src(%dma_wait3A_752 : memref<10000xf32, #tpu.memory_space<hbm>>) dst(%dma_wait3A_747 : memref<80xf32, #tpu.memory_space<vmem>>)
    %get3A_753 = arith.constant 2 : i32
    %get3A_754 = arith.index_cast %get3A_753 : i32 to index
    %get3A_755 = arith.constant 0 : index
    %get3A_756 = tpu.vector_load %arg10[%get3A_754, %get3A_755] {strides = array<i32>} : memref<4x80xi32, #tpu.memory_space<vmem>>, vector<1x16xi32>,
    %get3A_757 = vector.shape_cast %get3A_756 : vector<1x16xi32> to vector<16xi32>
    %swap3A_758 = arith.constant 2 : i32
    %swap3A_759 = arith.index_cast %swap3A_758 : i32 to index
    %swap3A_760 = arith.constant 0 : index
    %swap3A_761 = tpu.vector_load %arg12[%swap3A_759, %swap3A_760] {strides = array<i32>} : memref<4x80xi32, #tpu.memory_space<vmem>>, vector<1x16xi32>,
    %swap3A_762 = vector.shape_cast %swap3A_761 : vector<1x16xi32> to vector<16xi32>
    %swap3A_763 = vector.shape_cast %get3A_757 : vector<16xi32> to vector<1x16xi32>
    tpu.vector_store %arg12[%swap3A_759, %swap3A_760], %swap3A_763 {strides = array<i32>} : memref<4x80xi32, #tpu.memory_space<vmem>>, vector<1x16xi32>,
    %get3A_764 = arith.constant 2 : i32
    %get3A_765 = arith.index_cast %get3A_764 : i32 to index
    %get3A_766 = arith.constant 0 : index
    %get3A_767 = tpu.vector_load %arg11[%get3A_765, %get3A_766] {strides = array<i32>} : memref<4x80xi32, #tpu.memory_space<vmem>>, vector<1x16xi32>,
    %get3A_768 = vector.shape_cast %get3A_767 : vector<1x16xi32> to vector<16xi32>
    %swap3A_769 = arith.constant 2 : i32
    %swap3A_770 = arith.index_cast %swap3A_769 : i32 to index
    %swap3A_771 = arith.constant 0 : index
    %swap3A_772 = tpu.vector_load %arg13[%swap3A_770, %swap3A_771] {strides = array<i32>} : memref<4x80xi32, #tpu.memory_space<vmem>>, vector<1x16xi32>,
    %swap3A_773 = vector.shape_cast %swap3A_772 : vector<1x16xi32> to vector<16xi32>
    %swap3A_774 = vector.shape_cast %get3A_768 : vector<16xi32> to vector<1x16xi32>
    tpu.vector_store %arg13[%swap3A_770, %swap3A_771], %swap3A_774 {strides = array<i32>} : memref<4x80xi32, #tpu.memory_space<vmem>>, vector<1x16xi32>,
    %get3A_775 = arith.constant 2 : i32
    %get3A_776 = arith.index_cast %get3A_775 : i32 to index
    %get3A_777 = arith.constant 16 : index
    %get3A_778 = tpu.vector_load %arg10[%get3A_776, %get3A_777] {strides = array<i32>} : memref<4x80xi32, #tpu.memory_space<vmem>>, vector<1x16xi32>,
    %get3A_779 = vector.shape_cast %get3A_778 : vector<1x16xi32> to vector<16xi32>
    %swap3A_780 = arith.constant 2 : i32
    %swap3A_781 = arith.index_cast %swap3A_780 : i32 to index
    %swap3A_782 = arith.constant 16 : index
    %swap3A_783 = tpu.vector_load %arg12[%swap3A_781, %swap3A_782] {strides = array<i32>} : memref<4x80xi32, #tpu.memory_space<vmem>>, vector<1x16xi32>,
    %swap3A_784 = vector.shape_cast %swap3A_783 : vector<1x16xi32> to vector<16xi32>
    %swap3A_785 = vector.shape_cast %get3A_779 : vector<16xi32> to vector<1x16xi32>
    tpu.vector_store %arg12[%swap3A_781, %swap3A_782], %swap3A_785 {strides = array<i32>} : memref<4x80xi32, #tpu.memory_space<vmem>>, vector<1x16xi32>,
    %get3A_786 = arith.constant 2 : i32
    %get3A_787 = arith.index_cast %get3A_786 : i32 to index
    %get3A_788 = arith.constant 16 : index
    %get3A_789 = tpu.vector_load %arg11[%get3A_787, %get3A_788] {strides = array<i32>} : memref<4x80xi32, #tpu.memory_space<vmem>>, vector<1x16xi32>,
    %get3A_790 = vector.shape_cast %get3A_789 : vector<1x16xi32> to vector<16xi32>
    %swap3A_791 = arith.constant 2 : i32
    %swap3A_792 = arith.index_cast %swap3A_791 : i32 to index
    %swap3A_793 = arith.constant 16 : index
    %swap3A_794 = tpu.vector_load %arg13[%swap3A_792, %swap3A_793] {strides = array<i32>} : memref<4x80xi32, #tpu.memory_space<vmem>>, vector<1x16xi32>,
    %swap3A_795 = vector.shape_cast %swap3A_794 : vector<1x16xi32> to vector<16xi32>
    %swap3A_796 = vector.shape_cast %get3A_790 : vector<16xi32> to vector<1x16xi32>
    tpu.vector_store %arg13[%swap3A_792, %swap3A_793], %swap3A_796 {strides = array<i32>} : memref<4x80xi32, #tpu.memory_space<vmem>>, vector<1x16xi32>,
    %get3A_797 = arith.constant 2 : i32
    %get3A_798 = arith.index_cast %get3A_797 : i32 to index
    %get3A_799 = arith.constant 32 : index
    %get3A_800 = tpu.vector_load %arg10[%get3A_798, %get3A_799] {strides = array<i32>} : memref<4x80xi32, #tpu.memory_space<vmem>>, vector<1x16xi32>,
    %get3A_801 = vector.shape_cast %get3A_800 : vector<1x16xi32> to vector<16xi32>
    %swap3A_802 = arith.constant 2 : i32
    %swap3A_803 = arith.index_cast %swap3A_802 : i32 to index
    %swap3A_804 = arith.constant 32 : index
    %swap3A_805 = tpu.vector_load %arg12[%swap3A_803, %swap3A_804] {strides = array<i32>} : memref<4x80xi32, #tpu.memory_space<vmem>>, vector<1x16xi32>,
    %swap3A_806 = vector.shape_cast %swap3A_805 : vector<1x16xi32> to vector<16xi32>
    %swap3A_807 = vector.shape_cast %get3A_801 : vector<16xi32> to vector<1x16xi32>
    tpu.vector_store %arg12[%swap3A_803, %swap3A_804], %swap3A_807 {strides = array<i32>} : memref<4x80xi32, #tpu.memory_space<vmem>>, vector<1x16xi32>,
    %get3A_808 = arith.constant 2 : i32
    %get3A_809 = arith.index_cast %get3A_808 : i32 to index
    %get3A_810 = arith.constant 32 : index
    %get3A_811 = tpu.vector_load %arg11[%get3A_809, %get3A_810] {strides = array<i32>} : memref<4x80xi32, #tpu.memory_space<vmem>>, vector<1x16xi32>,
    %get3A_812 = vector.shape_cast %get3A_811 : vector<1x16xi32> to vector<16xi32>
    %swap3A_813 = arith.constant 2 : i32
    %swap3A_814 = arith.index_cast %swap3A_813 : i32 to index
    %swap3A_815 = arith.constant 32 : index
    %swap3A_816 = tpu.vector_load %arg13[%swap3A_814, %swap3A_815] {strides = array<i32>} : memref<4x80xi32, #tpu.memory_space<vmem>>, vector<1x16xi32>,
    %swap3A_817 = vector.shape_cast %swap3A_816 : vector<1x16xi32> to vector<16xi32>
    %swap3A_818 = vector.shape_cast %get3A_812 : vector<16xi32> to vector<1x16xi32>
    tpu.vector_store %arg13[%swap3A_814, %swap3A_815], %swap3A_818 {strides = array<i32>} : memref<4x80xi32, #tpu.memory_space<vmem>>, vector<1x16xi32>,
    %get3A_819 = arith.constant 2 : i32
    %get3A_820 = arith.index_cast %get3A_819 : i32 to index
    %get3A_821 = arith.constant 48 : index
    %get3A_822 = tpu.vector_load %arg10[%get3A_820, %get3A_821] {strides = array<i32>} : memref<4x80xi32, #tpu.memory_space<vmem>>, vector<1x16xi32>,
    %get3A_823 = vector.shape_cast %get3A_822 : vector<1x16xi32> to vector<16xi32>
    %swap3A_824 = arith.constant 2 : i32
    %swap3A_825 = arith.index_cast %swap3A_824 : i32 to index
    %swap3A_826 = arith.constant 48 : index
    %swap3A_827 = tpu.vector_load %arg12[%swap3A_825, %swap3A_826] {strides = array<i32>} : memref<4x80xi32, #tpu.memory_space<vmem>>, vector<1x16xi32>,
    %swap3A_828 = vector.shape_cast %swap3A_827 : vector<1x16xi32> to vector<16xi32>
    %swap3A_829 = vector.shape_cast %get3A_823 : vector<16xi32> to vector<1x16xi32>
    tpu.vector_store %arg12[%swap3A_825, %swap3A_826], %swap3A_829 {strides = array<i32>} : memref<4x80xi32, #tpu.memory_space<vmem>>, vector<1x16xi32>,
    %get3A_830 = arith.constant 2 : i32
    %get3A_831 = arith.index_cast %get3A_830 : i32 to index
    %get3A_832 = arith.constant 48 : index
    %get3A_833 = tpu.vector_load %arg11[%get3A_831, %get3A_832] {strides = array<i32>} : memref<4x80xi32, #tpu.memory_space<vmem>>, vector<1x16xi32>,
    %get3A_834 = vector.shape_cast %get3A_833 : vector<1x16xi32> to vector<16xi32>
    %swap3A_835 = arith.constant 2 : i32
    %swap3A_836 = arith.index_cast %swap3A_835 : i32 to index
    %swap3A_837 = arith.constant 48 : index
    %swap3A_838 = tpu.vector_load %arg13[%swap3A_836, %swap3A_837] {strides = array<i32>} : memref<4x80xi32, #tpu.memory_space<vmem>>, vector<1x16xi32>,
    %swap3A_839 = vector.shape_cast %swap3A_838 : vector<1x16xi32> to vector<16xi32>
    %swap3A_840 = vector.shape_cast %get3A_834 : vector<16xi32> to vector<1x16xi32>
    tpu.vector_store %arg13[%swap3A_836, %swap3A_837], %swap3A_840 {strides = array<i32>} : memref<4x80xi32, #tpu.memory_space<vmem>>, vector<1x16xi32>,
    %get3A_841 = arith.constant 2 : i32
    %get3A_842 = arith.index_cast %get3A_841 : i32 to index
    %get3A_843 = arith.constant 64 : index
    %get3A_844 = tpu.vector_load %arg10[%get3A_842, %get3A_843] {strides = array<i32>} : memref<4x80xi32, #tpu.memory_space<vmem>>, vector<1x16xi32>,
    %get3A_845 = vector.shape_cast %get3A_844 : vector<1x16xi32> to vector<16xi32>
    %swap3A_846 = arith.constant 2 : i32
    %swap3A_847 = arith.index_cast %swap3A_846 : i32 to index
    %swap3A_848 = arith.constant 64 : index
    %swap3A_849 = tpu.vector_load %arg12[%swap3A_847, %swap3A_848] {strides = array<i32>} : memref<4x80xi32, #tpu.memory_space<vmem>>, vector<1x16xi32>,
    %swap3A_850 = vector.shape_cast %swap3A_849 : vector<1x16xi32> to vector<16xi32>
    %swap3A_851 = vector.shape_cast %get3A_845 : vector<16xi32> to vector<1x16xi32>
    tpu.vector_store %arg12[%swap3A_847, %swap3A_848], %swap3A_851 {strides = array<i32>} : memref<4x80xi32, #tpu.memory_space<vmem>>, vector<1x16xi32>,
    %get3A_852 = arith.constant 2 : i32
    %get3A_853 = arith.index_cast %get3A_852 : i32 to index
    %get3A_854 = arith.constant 64 : index
    %get3A_855 = tpu.vector_load %arg11[%get3A_853, %get3A_854] {strides = array<i32>} : memref<4x80xi32, #tpu.memory_space<vmem>>, vector<1x16xi32>,
    %get3A_856 = vector.shape_cast %get3A_855 : vector<1x16xi32> to vector<16xi32>
    %swap3A_857 = arith.constant 2 : i32
    %swap3A_858 = arith.index_cast %swap3A_857 : i32 to index
    %swap3A_859 = arith.constant 64 : index
    %swap3A_860 = tpu.vector_load %arg13[%swap3A_858, %swap3A_859] {strides = array<i32>} : memref<4x80xi32, #tpu.memory_space<vmem>>, vector<1x16xi32>,
    %swap3A_861 = vector.shape_cast %swap3A_860 : vector<1x16xi32> to vector<16xi32>
    %swap3A_862 = vector.shape_cast %get3A_856 : vector<16xi32> to vector<1x16xi32>
    tpu.vector_store %arg13[%swap3A_858, %swap3A_859], %swap3A_862 {strides = array<i32>} : memref<4x80xi32, #tpu.memory_space<vmem>>, vector<1x16xi32>,
    %dma_start3A_863 = arith.constant 2 : i32
    %dma_start3A_864 = arith.constant 2 : i32
    %dma_start3A_865 = arith.constant 0 : i32
    %dma_start3A_866 = arith.constant 0 : i32
    %dma_start3A_867 = tpu.memref_slice %arg14[%dma_start3A_863, %dma_start3A_865, %dma_start3A_866] : memref<4x80x128xf32, #tpu.memory_space<vmem>> -> memref<1x80x128xf32, #tpu.memory_space<vmem>>
    %dma_start3A_868 = tpu.memref_squeeze %dma_start3A_867 : memref<1x80x128xf32, #tpu.memory_space<vmem>> -> memref<80x128xf32, #tpu.memory_space<vmem>>
    %dma_start3A_869 = arith.constant 0 : i32
    %dma_start3A_870 = tpu.memref_slice %arg13[%dma_start3A_864, %dma_start3A_869] : memref<4x80xi32, #tpu.memory_space<vmem>> -> memref<1x80xi32, #tpu.memory_space<vmem>>
    %dma_start3A_871 = tpu.memref_squeeze %dma_start3A_870 : memref<1x80xi32, #tpu.memory_space<vmem>> -> memref<80xi32, #tpu.memory_space<vmem>>
    %dma_start3A_872 = arith.constant 0 : i32
    %dma_start3A_873 = arith.constant 0 : i32
    %dma_start3A_874 = tpu.memref_slice %arg8[%dma_start3A_872, %dma_start3A_873] : memref<10000x128xf32, #tpu.memory_space<vmem_shared>> -> memref<10000x128xf32, #tpu.memory_space<vmem_shared>>
    tpu.enqueue_indirect_dma source(%dma_start3A_868 : memref<80x128xf32, #tpu.memory_space<vmem>>) target(%dma_start3A_874 : memref<10000x128xf32, #tpu.memory_space<vmem_shared>>) offsets(%dma_start3A_871 : memref<80xi32, #tpu.memory_space<vmem>>) semaphore(%arg31 : memref<!tpu.dma_semaphore, #tpu.memory_space<semaphore_mem>>) {add = true}
    %dma_start3A_875 = arith.constant 2 : i32
    %dma_start3A_876 = arith.constant 2 : i32
    %dma_start3A_877 = arith.constant 0 : i32
    %dma_start3A_878 = tpu.memref_slice %arg15[%dma_start3A_875, %dma_start3A_877] : memref<4x80xf32, #tpu.memory_space<vmem>> -> memref<1x80xf32, #tpu.memory_space<vmem>>
    %dma_start3A_879 = tpu.memref_squeeze %dma_start3A_878 : memref<1x80xf32, #tpu.memory_space<vmem>> -> memref<80xf32, #tpu.memory_space<vmem>>
    %dma_start3A_880 = arith.constant 0 : i32
    %dma_start3A_881 = tpu.memref_slice %arg12[%dma_start3A_876, %dma_start3A_880] : memref<4x80xi32, #tpu.memory_space<vmem>> -> memref<1x80xi32, #tpu.memory_space<vmem>>
    %dma_start3A_882 = tpu.memref_squeeze %dma_start3A_881 : memref<1x80xi32, #tpu.memory_space<vmem>> -> memref<80xi32, #tpu.memory_space<vmem>>
    %dma_start3A_883 = arith.constant 0 : i32
    %dma_start3A_884 = tpu.memref_slice %arg9[%dma_start3A_883] : memref<10240xf32, #tpu.memory_space<vmem_shared>> -> memref<10240xf32, #tpu.memory_space<vmem_shared>>
    tpu.enqueue_indirect_dma source(%dma_start3A_879 : memref<80xf32, #tpu.memory_space<vmem>>) target(%dma_start3A_884 : memref<10240xf32, #tpu.memory_space<vmem_shared>>) offsets(%dma_start3A_882 : memref<80xi32, #tpu.memory_space<vmem>>) semaphore(%arg35 : memref<!tpu.dma_semaphore, #tpu.memory_space<semaphore_mem>>) {add = true}
    %scan3A_885 = arith.constant 0 : i32
    %scan3A_886 = arith.constant 1 : i32
    %scan3A_887 = arith.constant 29 : i32
    %scan3A_888 = arith.addi %scan3A_886, %scan3A_887 : i32
    %scan3A_889 = arith.constant 1 : i32
    scf.for %scan3A_2378 = %scan3A_886 to %scan3A_888 step %scan3A_889  : i32 {
      %mul3A_2379 = arith.constant 4 : i32
      %mul3A_2380 = arith.muli %scan3A_2378, %mul3A_2379 : i32
      %add3A_2381 = arith.constant 0 : i32
      %add3A_2382 = arith.addi %mul3A_2380, %add3A_2381 : i32
      %dma_wait3A_2383 = arith.constant 0 : i32
      %dma_wait3A_2384 = arith.constant 0 : i32
      %dma_wait3A_2385 = arith.constant 0 : i32
      %dma_wait3A_2386 = arith.constant 0 : i32
      %dma_wait3A_2387 = tpu.memref_slice %arg14[%dma_wait3A_2383, %dma_wait3A_2385, %dma_wait3A_2386] : memref<4x80x128xf32, #tpu.memory_space<vmem>> -> memref<1x80x128xf32, #tpu.memory_space<vmem>>
      %dma_wait3A_2388 = tpu.memref_squeeze %dma_wait3A_2387 : memref<1x80x128xf32, #tpu.memory_space<vmem>> -> memref<80x128xf32, #tpu.memory_space<vmem>>
      %dma_wait3A_2389 = arith.constant 0 : i32
      %dma_wait3A_2390 = tpu.memref_slice %arg13[%dma_wait3A_2384, %dma_wait3A_2389] : memref<4x80xi32, #tpu.memory_space<vmem>> -> memref<1x80xi32, #tpu.memory_space<vmem>>
      %dma_wait3A_2391 = tpu.memref_squeeze %dma_wait3A_2390 : memref<1x80xi32, #tpu.memory_space<vmem>> -> memref<80xi32, #tpu.memory_space<vmem>>
      %dma_wait3A_2392 = arith.constant 0 : i32
      %dma_wait3A_2393 = arith.constant 0 : i32
      %dma_wait3A_2394 = tpu.memref_slice %arg8[%dma_wait3A_2392, %dma_wait3A_2393] : memref<10000x128xf32, #tpu.memory_space<vmem_shared>> -> memref<10000x128xf32, #tpu.memory_space<vmem_shared>>
      tpu.wait_indirect_dma semaphore(%arg29 : memref<!tpu.dma_semaphore, #tpu.memory_space<semaphore_mem>>) src(%dma_wait3A_2388 : memref<80x128xf32, #tpu.memory_space<vmem>>) dst(%dma_wait3A_2394 : memref<10000x128xf32, #tpu.memory_space<vmem_shared>>)
      %dma_wait3A_2395 = arith.constant 0 : i32
      %dma_wait3A_2396 = arith.constant 0 : i32
      %dma_wait3A_2397 = arith.constant 0 : i32
      %dma_wait3A_2398 = tpu.memref_slice %arg15[%dma_wait3A_2395, %dma_wait3A_2397] : memref<4x80xf32, #tpu.memory_space<vmem>> -> memref<1x80xf32, #tpu.memory_space<vmem>>
      %dma_wait3A_2399 = tpu.memref_squeeze %dma_wait3A_2398 : memref<1x80xf32, #tpu.memory_space<vmem>> -> memref<80xf32, #tpu.memory_space<vmem>>
      %dma_wait3A_2400 = arith.constant 0 : i32
      %dma_wait3A_2401 = tpu.memref_slice %arg12[%dma_wait3A_2396, %dma_wait3A_2400] : memref<4x80xi32, #tpu.memory_space<vmem>> -> memref<1x80xi32, #tpu.memory_space<vmem>>
      %dma_wait3A_2402 = tpu.memref_squeeze %dma_wait3A_2401 : memref<1x80xi32, #tpu.memory_space<vmem>> -> memref<80xi32, #tpu.memory_space<vmem>>
      %dma_wait3A_2403 = arith.constant 0 : i32
      %dma_wait3A_2404 = tpu.memref_slice %arg9[%dma_wait3A_2403] : memref<10240xf32, #tpu.memory_space<vmem_shared>> -> memref<10240xf32, #tpu.memory_space<vmem_shared>>
      tpu.wait_indirect_dma semaphore(%arg33 : memref<!tpu.dma_semaphore, #tpu.memory_space<semaphore_mem>>) src(%dma_wait3A_2399 : memref<80xf32, #tpu.memory_space<vmem>>) dst(%dma_wait3A_2404 : memref<10240xf32, #tpu.memory_space<vmem_shared>>)
      %add3A_2405 = arith.constant 2 : i32
      %add3A_2406 = arith.addi %add3A_2382, %add3A_2405 : i32
      %add3A_2407 = arith.addi %mul3A_3, %add3A_2406 : i32
      %dma_start3A_2408 = arith.constant 2 : i32
      %dma_start3A_2409 = arith.constant 0 : i32
      %dma_start3A_2410 = tpu.memref_slice %arg10[%dma_start3A_2408, %dma_start3A_2409] : memref<4x80xi32, #tpu.memory_space<vmem>> -> memref<1x80xi32, #tpu.memory_space<vmem>>
      %dma_start3A_2411 = tpu.memref_squeeze %dma_start3A_2410 : memref<1x80xi32, #tpu.memory_space<vmem>> -> memref<80xi32, #tpu.memory_space<vmem>>
      %dma_start3A_2412 = arith.constant 0 : i32
      %dma_start3A_2413 = tpu.memref_slice %arg2[%add3A_2407, %dma_start3A_2412] : memref<4000x80xi32, #tpu.memory_space<hbm>> -> memref<1x80xi32, #tpu.memory_space<hbm>>
      %dma_start3A_2414 = tpu.memref_squeeze %dma_start3A_2413 : memref<1x80xi32, #tpu.memory_space<hbm>> -> memref<80xi32, #tpu.memory_space<hbm>>
      %dma_start3A_2415 = arith.constant 0 : i32
      %dma_start3A_2416 = tpu.memref_slice %arg10[%dma_start3A_2408, %dma_start3A_2415] : memref<4x80xi32, #tpu.memory_space<vmem>> -> memref<1x80xi32, #tpu.memory_space<vmem>>
      %dma_start3A_2417 = tpu.memref_squeeze %dma_start3A_2416 : memref<1x80xi32, #tpu.memory_space<vmem>> -> memref<80xi32, #tpu.memory_space<vmem>>
      %dma_start3A_2418 = arith.constant 0 : i32
      %dma_start3A_2419 = tpu.memref_slice %arg2[%add3A_2407, %dma_start3A_2418] : memref<4000x80xi32, #tpu.memory_space<hbm>> -> memref<1x80xi32, #tpu.memory_space<hbm>>
      %dma_start3A_2420 = tpu.memref_squeeze %dma_start3A_2419 : memref<1x80xi32, #tpu.memory_space<hbm>> -> memref<80xi32, #tpu.memory_space<hbm>>
      tpu.enqueue_dma source(%dma_start3A_2420 : memref<80xi32, #tpu.memory_space<hbm>>) target(%dma_start3A_2417 : memref<80xi32, #tpu.memory_space<vmem>>) target_semaphore(%arg19 : memref<!tpu.dma_semaphore, #tpu.memory_space<semaphore_mem>>)
      %add3A_2421 = arith.addi %mul3A_3, %add3A_2406 : i32
      %dma_start3A_2422 = arith.constant 2 : i32
      %dma_start3A_2423 = arith.constant 0 : i32
      %dma_start3A_2424 = tpu.memref_slice %arg11[%dma_start3A_2422, %dma_start3A_2423] : memref<4x80xi32, #tpu.memory_space<vmem>> -> memref<1x80xi32, #tpu.memory_space<vmem>>
      %dma_start3A_2425 = tpu.memref_squeeze %dma_start3A_2424 : memref<1x80xi32, #tpu.memory_space<vmem>> -> memref<80xi32, #tpu.memory_space<vmem>>
      %dma_start3A_2426 = arith.constant 0 : i32
      %dma_start3A_2427 = tpu.memref_slice %arg3[%add3A_2421, %dma_start3A_2426] : memref<4000x80xi32, #tpu.memory_space<hbm>> -> memref<1x80xi32, #tpu.memory_space<hbm>>
      %dma_start3A_2428 = tpu.memref_squeeze %dma_start3A_2427 : memref<1x80xi32, #tpu.memory_space<hbm>> -> memref<80xi32, #tpu.memory_space<hbm>>
      %dma_start3A_2429 = arith.constant 0 : i32
      %dma_start3A_2430 = tpu.memref_slice %arg11[%dma_start3A_2422, %dma_start3A_2429] : memref<4x80xi32, #tpu.memory_space<vmem>> -> memref<1x80xi32, #tpu.memory_space<vmem>>
      %dma_start3A_2431 = tpu.memref_squeeze %dma_start3A_2430 : memref<1x80xi32, #tpu.memory_space<vmem>> -> memref<80xi32, #tpu.memory_space<vmem>>
      %dma_start3A_2432 = arith.constant 0 : i32
      %dma_start3A_2433 = tpu.memref_slice %arg3[%add3A_2421, %dma_start3A_2432] : memref<4000x80xi32, #tpu.memory_space<hbm>> -> memref<1x80xi32, #tpu.memory_space<hbm>>
      %dma_start3A_2434 = tpu.memref_squeeze %dma_start3A_2433 : memref<1x80xi32, #tpu.memory_space<hbm>> -> memref<80xi32, #tpu.memory_space<hbm>>
      tpu.enqueue_dma source(%dma_start3A_2434 : memref<80xi32, #tpu.memory_space<hbm>>) target(%dma_start3A_2431 : memref<80xi32, #tpu.memory_space<vmem>>) target_semaphore(%arg19 : memref<!tpu.dma_semaphore, #tpu.memory_space<semaphore_mem>>)
      %add3A_2435 = arith.addi %mul3A_3, %add3A_2382 : i32
      %dma_wait3A_2436 = arith.constant 0 : i32
      %dma_wait3A_2437 = arith.constant 0 : i32
      %dma_wait3A_2438 = tpu.memref_slice %arg10[%dma_wait3A_2436, %dma_wait3A_2437] : memref<4x80xi32, #tpu.memory_space<vmem>> -> memref<1x80xi32, #tpu.memory_space<vmem>>
      %dma_wait3A_2439 = tpu.memref_squeeze %dma_wait3A_2438 : memref<1x80xi32, #tpu.memory_space<vmem>> -> memref<80xi32, #tpu.memory_space<vmem>>
      %dma_wait3A_2440 = arith.constant 0 : i32
      %dma_wait3A_2441 = tpu.memref_slice %arg2[%add3A_2435, %dma_wait3A_2440] : memref<4000x80xi32, #tpu.memory_space<hbm>> -> memref<1x80xi32, #tpu.memory_space<hbm>>
      %dma_wait3A_2442 = tpu.memref_squeeze %dma_wait3A_2441 : memref<1x80xi32, #tpu.memory_space<hbm>> -> memref<80xi32, #tpu.memory_space<hbm>>
      %dma_wait3A_2443 = arith.constant 0 : i32
      %dma_wait3A_2444 = tpu.memref_slice %arg10[%dma_wait3A_2436, %dma_wait3A_2443] : memref<4x80xi32, #tpu.memory_space<vmem>> -> memref<1x80xi32, #tpu.memory_space<vmem>>
      %dma_wait3A_2445 = tpu.memref_squeeze %dma_wait3A_2444 : memref<1x80xi32, #tpu.memory_space<vmem>> -> memref<80xi32, #tpu.memory_space<vmem>>
      %dma_wait3A_2446 = arith.constant 0 : i32
      %dma_wait3A_2447 = tpu.memref_slice %arg2[%add3A_2435, %dma_wait3A_2446] : memref<4000x80xi32, #tpu.memory_space<hbm>> -> memref<1x80xi32, #tpu.memory_space<hbm>>
      %dma_wait3A_2448 = tpu.memref_squeeze %dma_wait3A_2447 : memref<1x80xi32, #tpu.memory_space<hbm>> -> memref<80xi32, #tpu.memory_space<hbm>>
      tpu.wait_dma2 semaphore(%arg17 : memref<!tpu.dma_semaphore, #tpu.memory_space<semaphore_mem>>) src(%dma_wait3A_2448 : memref<80xi32, #tpu.memory_space<hbm>>) dst(%dma_wait3A_2445 : memref<80xi32, #tpu.memory_space<vmem>>)
      %add3A_2449 = arith.addi %mul3A_3, %add3A_2382 : i32
      %dma_wait3A_2450 = arith.constant 0 : i32
      %dma_wait3A_2451 = arith.constant 0 : i32
      %dma_wait3A_2452 = tpu.memref_slice %arg11[%dma_wait3A_2450, %dma_wait3A_2451] : memref<4x80xi32, #tpu.memory_space<vmem>> -> memref<1x80xi32, #tpu.memory_space<vmem>>
      %dma_wait3A_2453 = tpu.memref_squeeze %dma_wait3A_2452 : memref<1x80xi32, #tpu.memory_space<vmem>> -> memref<80xi32, #tpu.memory_space<vmem>>
      %dma_wait3A_2454 = arith.constant 0 : i32
      %dma_wait3A_2455 = tpu.memref_slice %arg3[%add3A_2449, %dma_wait3A_2454] : memref<4000x80xi32, #tpu.memory_space<hbm>> -> memref<1x80xi32, #tpu.memory_space<hbm>>
      %dma_wait3A_2456 = tpu.memref_squeeze %dma_wait3A_2455 : memref<1x80xi32, #tpu.memory_space<hbm>> -> memref<80xi32, #tpu.memory_space<hbm>>
      %dma_wait3A_2457 = arith.constant 0 : i32
      %dma_wait3A_2458 = tpu.memref_slice %arg11[%dma_wait3A_2450, %dma_wait3A_2457] : memref<4x80xi32, #tpu.memory_space<vmem>> -> memref<1x80xi32, #tpu.memory_space<vmem>>
      %dma_wait3A_2459 = tpu.memref_squeeze %dma_wait3A_2458 : memref<1x80xi32, #tpu.memory_space<vmem>> -> memref<80xi32, #tpu.memory_space<vmem>>
      %dma_wait3A_2460 = arith.constant 0 : i32
      %dma_wait3A_2461 = tpu.memref_slice %arg3[%add3A_2449, %dma_wait3A_2460] : memref<4000x80xi32, #tpu.memory_space<hbm>> -> memref<1x80xi32, #tpu.memory_space<hbm>>
      %dma_wait3A_2462 = tpu.memref_squeeze %dma_wait3A_2461 : memref<1x80xi32, #tpu.memory_space<hbm>> -> memref<80xi32, #tpu.memory_space<hbm>>
      tpu.wait_dma2 semaphore(%arg17 : memref<!tpu.dma_semaphore, #tpu.memory_space<semaphore_mem>>) src(%dma_wait3A_2462 : memref<80xi32, #tpu.memory_space<hbm>>) dst(%dma_wait3A_2459 : memref<80xi32, #tpu.memory_space<vmem>>)
      %dma_start3A_2463 = arith.constant 0 : i32
      %dma_start3A_2464 = arith.constant 0 : i32
      %dma_start3A_2465 = arith.constant 0 : i32
      %dma_start3A_2466 = arith.constant 0 : i32
      %dma_start3A_2467 = tpu.memref_slice %arg14[%dma_start3A_2464, %dma_start3A_2465, %dma_start3A_2466] : memref<4x80x128xf32, #tpu.memory_space<vmem>> -> memref<1x80x128xf32, #tpu.memory_space<vmem>>
      %dma_start3A_2468 = tpu.memref_squeeze %dma_start3A_2467 : memref<1x80x128xf32, #tpu.memory_space<vmem>> -> memref<80x128xf32, #tpu.memory_space<vmem>>
      %dma_start3A_2469 = arith.constant 0 : i32
      %dma_start3A_2470 = tpu.memref_slice %arg10[%dma_start3A_2463, %dma_start3A_2469] : memref<4x80xi32, #tpu.memory_space<vmem>> -> memref<1x80xi32, #tpu.memory_space<vmem>>
      %dma_start3A_2471 = tpu.memref_squeeze %dma_start3A_2470 : memref<1x80xi32, #tpu.memory_space<vmem>> -> memref<80xi32, #tpu.memory_space<vmem>>
      %dma_start3A_2472 = arith.constant 0 : i32
      %dma_start3A_2473 = arith.constant 0 : i32
      %dma_start3A_2474 = tpu.memref_slice %arg4[%dma_start3A_2472, %dma_start3A_2473] : memref<10000x128xf32, #tpu.memory_space<hbm>> -> memref<10000x128xf32, #tpu.memory_space<hbm>>
      tpu.enqueue_indirect_dma source(%dma_start3A_2474 : memref<10000x128xf32, #tpu.memory_space<hbm>>) target(%dma_start3A_2468 : memref<80x128xf32, #tpu.memory_space<vmem>>) offsets(%dma_start3A_2471 : memref<80xi32, #tpu.memory_space<vmem>>) semaphore(%arg21 : memref<!tpu.dma_semaphore, #tpu.memory_space<semaphore_mem>>)
      %dma_start3A_2475 = arith.constant 0 : i32
      %dma_start3A_2476 = arith.constant 0 : i32
      %dma_start3A_2477 = arith.constant 0 : i32
      %dma_start3A_2478 = tpu.memref_slice %arg15[%dma_start3A_2476, %dma_start3A_2477] : memref<4x80xf32, #tpu.memory_space<vmem>> -> memref<1x80xf32, #tpu.memory_space<vmem>>
      %dma_start3A_2479 = tpu.memref_squeeze %dma_start3A_2478 : memref<1x80xf32, #tpu.memory_space<vmem>> -> memref<80xf32, #tpu.memory_space<vmem>>
      %dma_start3A_2480 = arith.constant 0 : i32
      %dma_start3A_2481 = tpu.memref_slice %arg11[%dma_start3A_2475, %dma_start3A_2480] : memref<4x80xi32, #tpu.memory_space<vmem>> -> memref<1x80xi32, #tpu.memory_space<vmem>>
      %dma_start3A_2482 = tpu.memref_squeeze %dma_start3A_2481 : memref<1x80xi32, #tpu.memory_space<vmem>> -> memref<80xi32, #tpu.memory_space<vmem>>
      %dma_start3A_2483 = arith.constant 0 : i32
      %dma_start3A_2484 = tpu.memref_slice %arg5[%dma_start3A_2483] : memref<10000xf32, #tpu.memory_space<hbm>> -> memref<10000xf32, #tpu.memory_space<hbm>>
      tpu.enqueue_indirect_dma source(%dma_start3A_2484 : memref<10000xf32, #tpu.memory_space<hbm>>) target(%dma_start3A_2479 : memref<80xf32, #tpu.memory_space<vmem>>) offsets(%dma_start3A_2482 : memref<80xi32, #tpu.memory_space<vmem>>) semaphore(%arg25 : memref<!tpu.dma_semaphore, #tpu.memory_space<semaphore_mem>>)
      %dma_wait3A_2485 = arith.constant 3 : i32
      %dma_wait3A_2486 = arith.constant 3 : i32
      %dma_wait3A_2487 = arith.constant 0 : i32
      %dma_wait3A_2488 = arith.constant 0 : i32
      %dma_wait3A_2489 = tpu.memref_slice %arg14[%dma_wait3A_2486, %dma_wait3A_2487, %dma_wait3A_2488] : memref<4x80x128xf32, #tpu.memory_space<vmem>> -> memref<1x80x128xf32, #tpu.memory_space<vmem>>
      %dma_wait3A_2490 = tpu.memref_squeeze %dma_wait3A_2489 : memref<1x80x128xf32, #tpu.memory_space<vmem>> -> memref<80x128xf32, #tpu.memory_space<vmem>>
      %dma_wait3A_2491 = arith.constant 0 : i32
      %dma_wait3A_2492 = tpu.memref_slice %arg10[%dma_wait3A_2485, %dma_wait3A_2491] : memref<4x80xi32, #tpu.memory_space<vmem>> -> memref<1x80xi32, #tpu.memory_space<vmem>>
      %dma_wait3A_2493 = tpu.memref_squeeze %dma_wait3A_2492 : memref<1x80xi32, #tpu.memory_space<vmem>> -> memref<80xi32, #tpu.memory_space<vmem>>
      %dma_wait3A_2494 = arith.constant 0 : i32
      %dma_wait3A_2495 = arith.constant 0 : i32
      %dma_wait3A_2496 = tpu.memref_slice %arg4[%dma_wait3A_2494, %dma_wait3A_2495] : memref<10000x128xf32, #tpu.memory_space<hbm>> -> memref<10000x128xf32, #tpu.memory_space<hbm>>
      tpu.wait_indirect_dma semaphore(%arg24 : memref<!tpu.dma_semaphore, #tpu.memory_space<semaphore_mem>>) src(%dma_wait3A_2496 : memref<10000x128xf32, #tpu.memory_space<hbm>>) dst(%dma_wait3A_2490 : memref<80x128xf32, #tpu.memory_space<vmem>>)
      %dma_wait3A_2497 = arith.constant 3 : i32
      %dma_wait3A_2498 = arith.constant 3 : i32
      %dma_wait3A_2499 = arith.constant 0 : i32
      %dma_wait3A_2500 = tpu.memref_slice %arg15[%dma_wait3A_2498, %dma_wait3A_2499] : memref<4x80xf32, #tpu.memory_space<vmem>> -> memref<1x80xf32, #tpu.memory_space<vmem>>
      %dma_wait3A_2501 = tpu.memref_squeeze %dma_wait3A_2500 : memref<1x80xf32, #tpu.memory_space<vmem>> -> memref<80xf32, #tpu.memory_space<vmem>>
      %dma_wait3A_2502 = arith.constant 0 : i32
      %dma_wait3A_2503 = tpu.memref_slice %arg11[%dma_wait3A_2497, %dma_wait3A_2502] : memref<4x80xi32, #tpu.memory_space<vmem>> -> memref<1x80xi32, #tpu.memory_space<vmem>>
      %dma_wait3A_2504 = tpu.memref_squeeze %dma_wait3A_2503 : memref<1x80xi32, #tpu.memory_space<vmem>> -> memref<80xi32, #tpu.memory_space<vmem>>
      %dma_wait3A_2505 = arith.constant 0 : i32
      %dma_wait3A_2506 = tpu.memref_slice %arg5[%dma_wait3A_2505] : memref<10000xf32, #tpu.memory_space<hbm>> -> memref<10000xf32, #tpu.memory_space<hbm>>
      tpu.wait_indirect_dma semaphore(%arg28 : memref<!tpu.dma_semaphore, #tpu.memory_space<semaphore_mem>>) src(%dma_wait3A_2506 : memref<10000xf32, #tpu.memory_space<hbm>>) dst(%dma_wait3A_2501 : memref<80xf32, #tpu.memory_space<vmem>>)
      %get3A_2507 = arith.constant 3 : i32
      %get3A_2508 = arith.index_cast %get3A_2507 : i32 to index
      %get3A_2509 = arith.constant 0 : index
      %get3A_2510 = tpu.vector_load %arg10[%get3A_2508, %get3A_2509] {strides = array<i32>} : memref<4x80xi32, #tpu.memory_space<vmem>>, vector<1x16xi32>,
      %get3A_2511 = vector.shape_cast %get3A_2510 : vector<1x16xi32> to vector<16xi32>
      %swap3A_2512 = arith.constant 3 : i32
      %swap3A_2513 = arith.index_cast %swap3A_2512 : i32 to index
      %swap3A_2514 = arith.constant 0 : index
      %swap3A_2515 = tpu.vector_load %arg12[%swap3A_2513, %swap3A_2514] {strides = array<i32>} : memref<4x80xi32, #tpu.memory_space<vmem>>, vector<1x16xi32>,
      %swap3A_2516 = vector.shape_cast %swap3A_2515 : vector<1x16xi32> to vector<16xi32>
      %swap3A_2517 = vector.shape_cast %get3A_2511 : vector<16xi32> to vector<1x16xi32>
      tpu.vector_store %arg12[%swap3A_2513, %swap3A_2514], %swap3A_2517 {strides = array<i32>} : memref<4x80xi32, #tpu.memory_space<vmem>>, vector<1x16xi32>,
      %get3A_2518 = arith.constant 3 : i32
      %get3A_2519 = arith.index_cast %get3A_2518 : i32 to index
      %get3A_2520 = arith.constant 0 : index
      %get3A_2521 = tpu.vector_load %arg11[%get3A_2519, %get3A_2520] {strides = array<i32>} : memref<4x80xi32, #tpu.memory_space<vmem>>, vector<1x16xi32>,
      %get3A_2522 = vector.shape_cast %get3A_2521 : vector<1x16xi32> to vector<16xi32>
      %swap3A_2523 = arith.constant 3 : i32
      %swap3A_2524 = arith.index_cast %swap3A_2523 : i32 to index
      %swap3A_2525 = arith.constant 0 : index
      %swap3A_2526 = tpu.vector_load %arg13[%swap3A_2524, %swap3A_2525] {strides = array<i32>} : memref<4x80xi32, #tpu.memory_space<vmem>>, vector<1x16xi32>,
      %swap3A_2527 = vector.shape_cast %swap3A_2526 : vector<1x16xi32> to vector<16xi32>
      %swap3A_2528 = vector.shape_cast %get3A_2522 : vector<16xi32> to vector<1x16xi32>
      tpu.vector_store %arg13[%swap3A_2524, %swap3A_2525], %swap3A_2528 {strides = array<i32>} : memref<4x80xi32, #tpu.memory_space<vmem>>, vector<1x16xi32>,
      %get3A_2529 = arith.constant 3 : i32
      %get3A_2530 = arith.index_cast %get3A_2529 : i32 to index
      %get3A_2531 = arith.constant 16 : index
      %get3A_2532 = tpu.vector_load %arg10[%get3A_2530, %get3A_2531] {strides = array<i32>} : memref<4x80xi32, #tpu.memory_space<vmem>>, vector<1x16xi32>,
      %get3A_2533 = vector.shape_cast %get3A_2532 : vector<1x16xi32> to vector<16xi32>
      %swap3A_2534 = arith.constant 3 : i32
      %swap3A_2535 = arith.index_cast %swap3A_2534 : i32 to index
      %swap3A_2536 = arith.constant 16 : index
      %swap3A_2537 = tpu.vector_load %arg12[%swap3A_2535, %swap3A_2536] {strides = array<i32>} : memref<4x80xi32, #tpu.memory_space<vmem>>, vector<1x16xi32>,
      %swap3A_2538 = vector.shape_cast %swap3A_2537 : vector<1x16xi32> to vector<16xi32>
      %swap3A_2539 = vector.shape_cast %get3A_2533 : vector<16xi32> to vector<1x16xi32>
      tpu.vector_store %arg12[%swap3A_2535, %swap3A_2536], %swap3A_2539 {strides = array<i32>} : memref<4x80xi32, #tpu.memory_space<vmem>>, vector<1x16xi32>,
      %get3A_2540 = arith.constant 3 : i32
      %get3A_2541 = arith.index_cast %get3A_2540 : i32 to index
      %get3A_2542 = arith.constant 16 : index
      %get3A_2543 = tpu.vector_load %arg11[%get3A_2541, %get3A_2542] {strides = array<i32>} : memref<4x80xi32, #tpu.memory_space<vmem>>, vector<1x16xi32>,
      %get3A_2544 = vector.shape_cast %get3A_2543 : vector<1x16xi32> to vector<16xi32>
      %swap3A_2545 = arith.constant 3 : i32
      %swap3A_2546 = arith.index_cast %swap3A_2545 : i32 to index
      %swap3A_2547 = arith.constant 16 : index
      %swap3A_2548 = tpu.vector_load %arg13[%swap3A_2546, %swap3A_2547] {strides = array<i32>} : memref<4x80xi32, #tpu.memory_space<vmem>>, vector<1x16xi32>,
      %swap3A_2549 = vector.shape_cast %swap3A_2548 : vector<1x16xi32> to vector<16xi32>
      %swap3A_2550 = vector.shape_cast %get3A_2544 : vector<16xi32> to vector<1x16xi32>
      tpu.vector_store %arg13[%swap3A_2546, %swap3A_2547], %swap3A_2550 {strides = array<i32>} : memref<4x80xi32, #tpu.memory_space<vmem>>, vector<1x16xi32>,
      %get3A_2551 = arith.constant 3 : i32
      %get3A_2552 = arith.index_cast %get3A_2551 : i32 to index
      %get3A_2553 = arith.constant 32 : index
      %get3A_2554 = tpu.vector_load %arg10[%get3A_2552, %get3A_2553] {strides = array<i32>} : memref<4x80xi32, #tpu.memory_space<vmem>>, vector<1x16xi32>,
      %get3A_2555 = vector.shape_cast %get3A_2554 : vector<1x16xi32> to vector<16xi32>
      %swap3A_2556 = arith.constant 3 : i32
      %swap3A_2557 = arith.index_cast %swap3A_2556 : i32 to index
      %swap3A_2558 = arith.constant 32 : index
      %swap3A_2559 = tpu.vector_load %arg12[%swap3A_2557, %swap3A_2558] {strides = array<i32>} : memref<4x80xi32, #tpu.memory_space<vmem>>, vector<1x16xi32>,
      %swap3A_2560 = vector.shape_cast %swap3A_2559 : vector<1x16xi32> to vector<16xi32>
      %swap3A_2561 = vector.shape_cast %get3A_2555 : vector<16xi32> to vector<1x16xi32>
      tpu.vector_store %arg12[%swap3A_2557, %swap3A_2558], %swap3A_2561 {strides = array<i32>} : memref<4x80xi32, #tpu.memory_space<vmem>>, vector<1x16xi32>,
      %get3A_2562 = arith.constant 3 : i32
      %get3A_2563 = arith.index_cast %get3A_2562 : i32 to index
      %get3A_2564 = arith.constant 32 : index
      %get3A_2565 = tpu.vector_load %arg11[%get3A_2563, %get3A_2564] {strides = array<i32>} : memref<4x80xi32, #tpu.memory_space<vmem>>, vector<1x16xi32>,
      %get3A_2566 = vector.shape_cast %get3A_2565 : vector<1x16xi32> to vector<16xi32>
      %swap3A_2567 = arith.constant 3 : i32
      %swap3A_2568 = arith.index_cast %swap3A_2567 : i32 to index
      %swap3A_2569 = arith.constant 32 : index
      %swap3A_2570 = tpu.vector_load %arg13[%swap3A_2568, %swap3A_2569] {strides = array<i32>} : memref<4x80xi32, #tpu.memory_space<vmem>>, vector<1x16xi32>,
      %swap3A_2571 = vector.shape_cast %swap3A_2570 : vector<1x16xi32> to vector<16xi32>
      %swap3A_2572 = vector.shape_cast %get3A_2566 : vector<16xi32> to vector<1x16xi32>
      tpu.vector_store %arg13[%swap3A_2568, %swap3A_2569], %swap3A_2572 {strides = array<i32>} : memref<4x80xi32, #tpu.memory_space<vmem>>, vector<1x16xi32>,
      %get3A_2573 = arith.constant 3 : i32
      %get3A_2574 = arith.index_cast %get3A_2573 : i32 to index
      %get3A_2575 = arith.constant 48 : index
      %get3A_2576 = tpu.vector_load %arg10[%get3A_2574, %get3A_2575] {strides = array<i32>} : memref<4x80xi32, #tpu.memory_space<vmem>>, vector<1x16xi32>,
      %get3A_2577 = vector.shape_cast %get3A_2576 : vector<1x16xi32> to vector<16xi32>
      %swap3A_2578 = arith.constant 3 : i32
      %swap3A_2579 = arith.index_cast %swap3A_2578 : i32 to index
      %swap3A_2580 = arith.constant 48 : index
      %swap3A_2581 = tpu.vector_load %arg12[%swap3A_2579, %swap3A_2580] {strides = array<i32>} : memref<4x80xi32, #tpu.memory_space<vmem>>, vector<1x16xi32>,
      %swap3A_2582 = vector.shape_cast %swap3A_2581 : vector<1x16xi32> to vector<16xi32>
      %swap3A_2583 = vector.shape_cast %get3A_2577 : vector<16xi32> to vector<1x16xi32>
      tpu.vector_store %arg12[%swap3A_2579, %swap3A_2580], %swap3A_2583 {strides = array<i32>} : memref<4x80xi32, #tpu.memory_space<vmem>>, vector<1x16xi32>,
      %get3A_2584 = arith.constant 3 : i32
      %get3A_2585 = arith.index_cast %get3A_2584 : i32 to index
      %get3A_2586 = arith.constant 48 : index
      %get3A_2587 = tpu.vector_load %arg11[%get3A_2585, %get3A_2586] {strides = array<i32>} : memref<4x80xi32, #tpu.memory_space<vmem>>, vector<1x16xi32>,
      %get3A_2588 = vector.shape_cast %get3A_2587 : vector<1x16xi32> to vector<16xi32>
      %swap3A_2589 = arith.constant 3 : i32
      %swap3A_2590 = arith.index_cast %swap3A_2589 : i32 to index
      %swap3A_2591 = arith.constant 48 : index
      %swap3A_2592 = tpu.vector_load %arg13[%swap3A_2590, %swap3A_2591] {strides = array<i32>} : memref<4x80xi32, #tpu.memory_space<vmem>>, vector<1x16xi32>,
      %swap3A_2593 = vector.shape_cast %swap3A_2592 : vector<1x16xi32> to vector<16xi32>
      %swap3A_2594 = vector.shape_cast %get3A_2588 : vector<16xi32> to vector<1x16xi32>
      tpu.vector_store %arg13[%swap3A_2590, %swap3A_2591], %swap3A_2594 {strides = array<i32>} : memref<4x80xi32, #tpu.memory_space<vmem>>, vector<1x16xi32>,
      %get3A_2595 = arith.constant 3 : i32
      %get3A_2596 = arith.index_cast %get3A_2595 : i32 to index
      %get3A_2597 = arith.constant 64 : index
      %get3A_2598 = tpu.vector_load %arg10[%get3A_2596, %get3A_2597] {strides = array<i32>} : memref<4x80xi32, #tpu.memory_space<vmem>>, vector<1x16xi32>,
      %get3A_2599 = vector.shape_cast %get3A_2598 : vector<1x16xi32> to vector<16xi32>
      %swap3A_2600 = arith.constant 3 : i32
      %swap3A_2601 = arith.index_cast %swap3A_2600 : i32 to index
      %swap3A_2602 = arith.constant 64 : index
      %swap3A_2603 = tpu.vector_load %arg12[%swap3A_2601, %swap3A_2602] {strides = array<i32>} : memref<4x80xi32, #tpu.memory_space<vmem>>, vector<1x16xi32>,
      %swap3A_2604 = vector.shape_cast %swap3A_2603 : vector<1x16xi32> to vector<16xi32>
      %swap3A_2605 = vector.shape_cast %get3A_2599 : vector<16xi32> to vector<1x16xi32>
      tpu.vector_store %arg12[%swap3A_2601, %swap3A_2602], %swap3A_2605 {strides = array<i32>} : memref<4x80xi32, #tpu.memory_space<vmem>>, vector<1x16xi32>,
      %get3A_2606 = arith.constant 3 : i32
      %get3A_2607 = arith.index_cast %get3A_2606 : i32 to index
      %get3A_2608 = arith.constant 64 : index
      %get3A_2609 = tpu.vector_load %arg11[%get3A_2607, %get3A_2608] {strides = array<i32>} : memref<4x80xi32, #tpu.memory_space<vmem>>, vector<1x16xi32>,
      %get3A_2610 = vector.shape_cast %get3A_2609 : vector<1x16xi32> to vector<16xi32>
      %swap3A_2611 = arith.constant 3 : i32
      %swap3A_2612 = arith.index_cast %swap3A_2611 : i32 to index
      %swap3A_2613 = arith.constant 64 : index
      %swap3A_2614 = tpu.vector_load %arg13[%swap3A_2612, %swap3A_2613] {strides = array<i32>} : memref<4x80xi32, #tpu.memory_space<vmem>>, vector<1x16xi32>,
      %swap3A_2615 = vector.shape_cast %swap3A_2614 : vector<1x16xi32> to vector<16xi32>
      %swap3A_2616 = vector.shape_cast %get3A_2610 : vector<16xi32> to vector<1x16xi32>
      tpu.vector_store %arg13[%swap3A_2612, %swap3A_2613], %swap3A_2616 {strides = array<i32>} : memref<4x80xi32, #tpu.memory_space<vmem>>, vector<1x16xi32>,
      %dma_start3A_2617 = arith.constant 3 : i32
      %dma_start3A_2618 = arith.constant 3 : i32
      %dma_start3A_2619 = arith.constant 0 : i32
      %dma_start3A_2620 = arith.constant 0 : i32
      %dma_start3A_2621 = tpu.memref_slice %arg14[%dma_start3A_2617, %dma_start3A_2619, %dma_start3A_2620] : memref<4x80x128xf32, #tpu.memory_space<vmem>> -> memref<1x80x128xf32, #tpu.memory_space<vmem>>
      %dma_start3A_2622 = tpu.memref_squeeze %dma_start3A_2621 : memref<1x80x128xf32, #tpu.memory_space<vmem>> -> memref<80x128xf32, #tpu.memory_space<vmem>>
      %dma_start3A_2623 = arith.constant 0 : i32
      %dma_start3A_2624 = tpu.memref_slice %arg13[%dma_start3A_2618, %dma_start3A_2623] : memref<4x80xi32, #tpu.memory_space<vmem>> -> memref<1x80xi32, #tpu.memory_space<vmem>>
      %dma_start3A_2625 = tpu.memref_squeeze %dma_start3A_2624 : memref<1x80xi32, #tpu.memory_space<vmem>> -> memref<80xi32, #tpu.memory_space<vmem>>
      %dma_start3A_2626 = arith.constant 0 : i32
      %dma_start3A_2627 = arith.constant 0 : i32
      %dma_start3A_2628 = tpu.memref_slice %arg8[%dma_start3A_2626, %dma_start3A_2627] : memref<10000x128xf32, #tpu.memory_space<vmem_shared>> -> memref<10000x128xf32, #tpu.memory_space<vmem_shared>>
      tpu.enqueue_indirect_dma source(%dma_start3A_2622 : memref<80x128xf32, #tpu.memory_space<vmem>>) target(%dma_start3A_2628 : memref<10000x128xf32, #tpu.memory_space<vmem_shared>>) offsets(%dma_start3A_2625 : memref<80xi32, #tpu.memory_space<vmem>>) semaphore(%arg32 : memref<!tpu.dma_semaphore, #tpu.memory_space<semaphore_mem>>) {add = true}
      %dma_start3A_2629 = arith.constant 3 : i32
      %dma_start3A_2630 = arith.constant 3 : i32
      %dma_start3A_2631 = arith.constant 0 : i32
      %dma_start3A_2632 = tpu.memref_slice %arg15[%dma_start3A_2629, %dma_start3A_2631] : memref<4x80xf32, #tpu.memory_space<vmem>> -> memref<1x80xf32, #tpu.memory_space<vmem>>
      %dma_start3A_2633 = tpu.memref_squeeze %dma_start3A_2632 : memref<1x80xf32, #tpu.memory_space<vmem>> -> memref<80xf32, #tpu.memory_space<vmem>>
      %dma_start3A_2634 = arith.constant 0 : i32
      %dma_start3A_2635 = tpu.memref_slice %arg12[%dma_start3A_2630, %dma_start3A_2634] : memref<4x80xi32, #tpu.memory_space<vmem>> -> memref<1x80xi32, #tpu.memory_space<vmem>>
      %dma_start3A_2636 = tpu.memref_squeeze %dma_start3A_2635 : memref<1x80xi32, #tpu.memory_space<vmem>> -> memref<80xi32, #tpu.memory_space<vmem>>
      %dma_start3A_2637 = arith.constant 0 : i32
      %dma_start3A_2638 = tpu.memref_slice %arg9[%dma_start3A_2637] : memref<10240xf32, #tpu.memory_space<vmem_shared>> -> memref<10240xf32, #tpu.memory_space<vmem_shared>>
      tpu.enqueue_indirect_dma source(%dma_start3A_2633 : memref<80xf32, #tpu.memory_space<vmem>>) target(%dma_start3A_2638 : memref<10240xf32, #tpu.memory_space<vmem_shared>>) offsets(%dma_start3A_2636 : memref<80xi32, #tpu.memory_space<vmem>>) semaphore(%arg36 : memref<!tpu.dma_semaphore, #tpu.memory_space<semaphore_mem>>) {add = true}
      %add3A_2639 = arith.constant 1 : i32
      %add3A_2640 = arith.addi %mul3A_2380, %add3A_2639 : i32
      %dma_wait3A_2641 = arith.constant 1 : i32
      %dma_wait3A_2642 = arith.constant 1 : i32
      %dma_wait3A_2643 = arith.constant 0 : i32
      %dma_wait3A_2644 = arith.constant 0 : i32
      %dma_wait3A_2645 = tpu.memref_slice %arg14[%dma_wait3A_2641, %dma_wait3A_2643, %dma_wait3A_2644] : memref<4x80x128xf32, #tpu.memory_space<vmem>> -> memref<1x80x128xf32, #tpu.memory_space<vmem>>
      %dma_wait3A_2646 = tpu.memref_squeeze %dma_wait3A_2645 : memref<1x80x128xf32, #tpu.memory_space<vmem>> -> memref<80x128xf32, #tpu.memory_space<vmem>>
      %dma_wait3A_2647 = arith.constant 0 : i32
      %dma_wait3A_2648 = tpu.memref_slice %arg13[%dma_wait3A_2642, %dma_wait3A_2647] : memref<4x80xi32, #tpu.memory_space<vmem>> -> memref<1x80xi32, #tpu.memory_space<vmem>>
      %dma_wait3A_2649 = tpu.memref_squeeze %dma_wait3A_2648 : memref<1x80xi32, #tpu.memory_space<vmem>> -> memref<80xi32, #tpu.memory_space<vmem>>
      %dma_wait3A_2650 = arith.constant 0 : i32
      %dma_wait3A_2651 = arith.constant 0 : i32
      %dma_wait3A_2652 = tpu.memref_slice %arg8[%dma_wait3A_2650, %dma_wait3A_2651] : memref<10000x128xf32, #tpu.memory_space<vmem_shared>> -> memref<10000x128xf32, #tpu.memory_space<vmem_shared>>
      tpu.wait_indirect_dma semaphore(%arg30 : memref<!tpu.dma_semaphore, #tpu.memory_space<semaphore_mem>>) src(%dma_wait3A_2646 : memref<80x128xf32, #tpu.memory_space<vmem>>) dst(%dma_wait3A_2652 : memref<10000x128xf32, #tpu.memory_space<vmem_shared>>)
      %dma_wait3A_2653 = arith.constant 1 : i32
      %dma_wait3A_2654 = arith.constant 1 : i32
      %dma_wait3A_2655 = arith.constant 0 : i32
      %dma_wait3A_2656 = tpu.memref_slice %arg15[%dma_wait3A_2653, %dma_wait3A_2655] : memref<4x80xf32, #tpu.memory_space<vmem>> -> memref<1x80xf32, #tpu.memory_space<vmem>>
      %dma_wait3A_2657 = tpu.memref_squeeze %dma_wait3A_2656 : memref<1x80xf32, #tpu.memory_space<vmem>> -> memref<80xf32, #tpu.memory_space<vmem>>
      %dma_wait3A_2658 = arith.constant 0 : i32
      %dma_wait3A_2659 = tpu.memref_slice %arg12[%dma_wait3A_2654, %dma_wait3A_2658] : memref<4x80xi32, #tpu.memory_space<vmem>> -> memref<1x80xi32, #tpu.memory_space<vmem>>
      %dma_wait3A_2660 = tpu.memref_squeeze %dma_wait3A_2659 : memref<1x80xi32, #tpu.memory_space<vmem>> -> memref<80xi32, #tpu.memory_space<vmem>>
      %dma_wait3A_2661 = arith.constant 0 : i32
      %dma_wait3A_2662 = tpu.memref_slice %arg9[%dma_wait3A_2661] : memref<10240xf32, #tpu.memory_space<vmem_shared>> -> memref<10240xf32, #tpu.memory_space<vmem_shared>>
      tpu.wait_indirect_dma semaphore(%arg34 : memref<!tpu.dma_semaphore, #tpu.memory_space<semaphore_mem>>) src(%dma_wait3A_2657 : memref<80xf32, #tpu.memory_space<vmem>>) dst(%dma_wait3A_2662 : memref<10240xf32, #tpu.memory_space<vmem_shared>>)
      %add3A_2663 = arith.constant 2 : i32
      %add3A_2664 = arith.addi %add3A_2640, %add3A_2663 : i32
      %add3A_2665 = arith.addi %mul3A_3, %add3A_2664 : i32
      %dma_start3A_2666 = arith.constant 3 : i32
      %dma_start3A_2667 = arith.constant 0 : i32
      %dma_start3A_2668 = tpu.memref_slice %arg10[%dma_start3A_2666, %dma_start3A_2667] : memref<4x80xi32, #tpu.memory_space<vmem>> -> memref<1x80xi32, #tpu.memory_space<vmem>>
      %dma_start3A_2669 = tpu.memref_squeeze %dma_start3A_2668 : memref<1x80xi32, #tpu.memory_space<vmem>> -> memref<80xi32, #tpu.memory_space<vmem>>
      %dma_start3A_2670 = arith.constant 0 : i32
      %dma_start3A_2671 = tpu.memref_slice %arg2[%add3A_2665, %dma_start3A_2670] : memref<4000x80xi32, #tpu.memory_space<hbm>> -> memref<1x80xi32, #tpu.memory_space<hbm>>
      %dma_start3A_2672 = tpu.memref_squeeze %dma_start3A_2671 : memref<1x80xi32, #tpu.memory_space<hbm>> -> memref<80xi32, #tpu.memory_space<hbm>>
      %dma_start3A_2673 = arith.constant 0 : i32
      %dma_start3A_2674 = tpu.memref_slice %arg10[%dma_start3A_2666, %dma_start3A_2673] : memref<4x80xi32, #tpu.memory_space<vmem>> -> memref<1x80xi32, #tpu.memory_space<vmem>>
      %dma_start3A_2675 = tpu.memref_squeeze %dma_start3A_2674 : memref<1x80xi32, #tpu.memory_space<vmem>> -> memref<80xi32, #tpu.memory_space<vmem>>
      %dma_start3A_2676 = arith.constant 0 : i32
      %dma_start3A_2677 = tpu.memref_slice %arg2[%add3A_2665, %dma_start3A_2676] : memref<4000x80xi32, #tpu.memory_space<hbm>> -> memref<1x80xi32, #tpu.memory_space<hbm>>
      %dma_start3A_2678 = tpu.memref_squeeze %dma_start3A_2677 : memref<1x80xi32, #tpu.memory_space<hbm>> -> memref<80xi32, #tpu.memory_space<hbm>>
      tpu.enqueue_dma source(%dma_start3A_2678 : memref<80xi32, #tpu.memory_space<hbm>>) target(%dma_start3A_2675 : memref<80xi32, #tpu.memory_space<vmem>>) target_semaphore(%arg20 : memref<!tpu.dma_semaphore, #tpu.memory_space<semaphore_mem>>)
      %add3A_2679 = arith.addi %mul3A_3, %add3A_2664 : i32
      %dma_start3A_2680 = arith.constant 3 : i32
      %dma_start3A_2681 = arith.constant 0 : i32
      %dma_start3A_2682 = tpu.memref_slice %arg11[%dma_start3A_2680, %dma_start3A_2681] : memref<4x80xi32, #tpu.memory_space<vmem>> -> memref<1x80xi32, #tpu.memory_space<vmem>>
      %dma_start3A_2683 = tpu.memref_squeeze %dma_start3A_2682 : memref<1x80xi32, #tpu.memory_space<vmem>> -> memref<80xi32, #tpu.memory_space<vmem>>
      %dma_start3A_2684 = arith.constant 0 : i32
      %dma_start3A_2685 = tpu.memref_slice %arg3[%add3A_2679, %dma_start3A_2684] : memref<4000x80xi32, #tpu.memory_space<hbm>> -> memref<1x80xi32, #tpu.memory_space<hbm>>
      %dma_start3A_2686 = tpu.memref_squeeze %dma_start3A_2685 : memref<1x80xi32, #tpu.memory_space<hbm>> -> memref<80xi32, #tpu.memory_space<hbm>>
      %dma_start3A_2687 = arith.constant 0 : i32
      %dma_start3A_2688 = tpu.memref_slice %arg11[%dma_start3A_2680, %dma_start3A_2687] : memref<4x80xi32, #tpu.memory_space<vmem>> -> memref<1x80xi32, #tpu.memory_space<vmem>>
      %dma_start3A_2689 = tpu.memref_squeeze %dma_start3A_2688 : memref<1x80xi32, #tpu.memory_space<vmem>> -> memref<80xi32, #tpu.memory_space<vmem>>
      %dma_start3A_2690 = arith.constant 0 : i32
      %dma_start3A_2691 = tpu.memref_slice %arg3[%add3A_2679, %dma_start3A_2690] : memref<4000x80xi32, #tpu.memory_space<hbm>> -> memref<1x80xi32, #tpu.memory_space<hbm>>
      %dma_start3A_2692 = tpu.memref_squeeze %dma_start3A_2691 : memref<1x80xi32, #tpu.memory_space<hbm>> -> memref<80xi32, #tpu.memory_space<hbm>>
      tpu.enqueue_dma source(%dma_start3A_2692 : memref<80xi32, #tpu.memory_space<hbm>>) target(%dma_start3A_2689 : memref<80xi32, #tpu.memory_space<vmem>>) target_semaphore(%arg20 : memref<!tpu.dma_semaphore, #tpu.memory_space<semaphore_mem>>)
      %add3A_2693 = arith.addi %mul3A_3, %add3A_2640 : i32
      %dma_wait3A_2694 = arith.constant 1 : i32
      %dma_wait3A_2695 = arith.constant 0 : i32
      %dma_wait3A_2696 = tpu.memref_slice %arg10[%dma_wait3A_2694, %dma_wait3A_2695] : memref<4x80xi32, #tpu.memory_space<vmem>> -> memref<1x80xi32, #tpu.memory_space<vmem>>
      %dma_wait3A_2697 = tpu.memref_squeeze %dma_wait3A_2696 : memref<1x80xi32, #tpu.memory_space<vmem>> -> memref<80xi32, #tpu.memory_space<vmem>>
      %dma_wait3A_2698 = arith.constant 0 : i32
      %dma_wait3A_2699 = tpu.memref_slice %arg2[%add3A_2693, %dma_wait3A_2698] : memref<4000x80xi32, #tpu.memory_space<hbm>> -> memref<1x80xi32, #tpu.memory_space<hbm>>
      %dma_wait3A_2700 = tpu.memref_squeeze %dma_wait3A_2699 : memref<1x80xi32, #tpu.memory_space<hbm>> -> memref<80xi32, #tpu.memory_space<hbm>>
      %dma_wait3A_2701 = arith.constant 0 : i32
      %dma_wait3A_2702 = tpu.memref_slice %arg10[%dma_wait3A_2694, %dma_wait3A_2701] : memref<4x80xi32, #tpu.memory_space<vmem>> -> memref<1x80xi32, #tpu.memory_space<vmem>>
      %dma_wait3A_2703 = tpu.memref_squeeze %dma_wait3A_2702 : memref<1x80xi32, #tpu.memory_space<vmem>> -> memref<80xi32, #tpu.memory_space<vmem>>
      %dma_wait3A_2704 = arith.constant 0 : i32
      %dma_wait3A_2705 = tpu.memref_slice %arg2[%add3A_2693, %dma_wait3A_2704] : memref<4000x80xi32, #tpu.memory_space<hbm>> -> memref<1x80xi32, #tpu.memory_space<hbm>>
      %dma_wait3A_2706 = tpu.memref_squeeze %dma_wait3A_2705 : memref<1x80xi32, #tpu.memory_space<hbm>> -> memref<80xi32, #tpu.memory_space<hbm>>
      tpu.wait_dma2 semaphore(%arg18 : memref<!tpu.dma_semaphore, #tpu.memory_space<semaphore_mem>>) src(%dma_wait3A_2706 : memref<80xi32, #tpu.memory_space<hbm>>) dst(%dma_wait3A_2703 : memref<80xi32, #tpu.memory_space<vmem>>)
      %add3A_2707 = arith.addi %mul3A_3, %add3A_2640 : i32
      %dma_wait3A_2708 = arith.constant 1 : i32
      %dma_wait3A_2709 = arith.constant 0 : i32
      %dma_wait3A_2710 = tpu.memref_slice %arg11[%dma_wait3A_2708, %dma_wait3A_2709] : memref<4x80xi32, #tpu.memory_space<vmem>> -> memref<1x80xi32, #tpu.memory_space<vmem>>
      %dma_wait3A_2711 = tpu.memref_squeeze %dma_wait3A_2710 : memref<1x80xi32, #tpu.memory_space<vmem>> -> memref<80xi32, #tpu.memory_space<vmem>>
      %dma_wait3A_2712 = arith.constant 0 : i32
      %dma_wait3A_2713 = tpu.memref_slice %arg3[%add3A_2707, %dma_wait3A_2712] : memref<4000x80xi32, #tpu.memory_space<hbm>> -> memref<1x80xi32, #tpu.memory_space<hbm>>
      %dma_wait3A_2714 = tpu.memref_squeeze %dma_wait3A_2713 : memref<1x80xi32, #tpu.memory_space<hbm>> -> memref<80xi32, #tpu.memory_space<hbm>>
      %dma_wait3A_2715 = arith.constant 0 : i32
      %dma_wait3A_2716 = tpu.memref_slice %arg11[%dma_wait3A_2708, %dma_wait3A_2715] : memref<4x80xi32, #tpu.memory_space<vmem>> -> memref<1x80xi32, #tpu.memory_space<vmem>>
      %dma_wait3A_2717 = tpu.memref_squeeze %dma_wait3A_2716 : memref<1x80xi32, #tpu.memory_space<vmem>> -> memref<80xi32, #tpu.memory_space<vmem>>
      %dma_wait3A_2718 = arith.constant 0 : i32
      %dma_wait3A_2719 = tpu.memref_slice %arg3[%add3A_2707, %dma_wait3A_2718] : memref<4000x80xi32, #tpu.memory_space<hbm>> -> memref<1x80xi32, #tpu.memory_space<hbm>>
      %dma_wait3A_2720 = tpu.memref_squeeze %dma_wait3A_2719 : memref<1x80xi32, #tpu.memory_space<hbm>> -> memref<80xi32, #tpu.memory_space<hbm>>
      tpu.wait_dma2 semaphore(%arg18 : memref<!tpu.dma_semaphore, #tpu.memory_space<semaphore_mem>>) src(%dma_wait3A_2720 : memref<80xi32, #tpu.memory_space<hbm>>) dst(%dma_wait3A_2717 : memref<80xi32, #tpu.memory_space<vmem>>)
      %dma_start3A_2721 = arith.constant 1 : i32
      %dma_start3A_2722 = arith.constant 1 : i32
      %dma_start3A_2723 = arith.constant 0 : i32
      %dma_start3A_2724 = arith.constant 0 : i32
      %dma_start3A_2725 = tpu.memref_slice %arg14[%dma_start3A_2722, %dma_start3A_2723, %dma_start3A_2724] : memref<4x80x128xf32, #tpu.memory_space<vmem>> -> memref<1x80x128xf32, #tpu.memory_space<vmem>>
      %dma_start3A_2726 = tpu.memref_squeeze %dma_start3A_2725 : memref<1x80x128xf32, #tpu.memory_space<vmem>> -> memref<80x128xf32, #tpu.memory_space<vmem>>
      %dma_start3A_2727 = arith.constant 0 : i32
      %dma_start3A_2728 = tpu.memref_slice %arg10[%dma_start3A_2721, %dma_start3A_2727] : memref<4x80xi32, #tpu.memory_space<vmem>> -> memref<1x80xi32, #tpu.memory_space<vmem>>
      %dma_start3A_2729 = tpu.memref_squeeze %dma_start3A_2728 : memref<1x80xi32, #tpu.memory_space<vmem>> -> memref<80xi32, #tpu.memory_space<vmem>>
      %dma_start3A_2730 = arith.constant 0 : i32
      %dma_start3A_2731 = arith.constant 0 : i32
      %dma_start3A_2732 = tpu.memref_slice %arg4[%dma_start3A_2730, %dma_start3A_2731] : memref<10000x128xf32, #tpu.memory_space<hbm>> -> memref<10000x128xf32, #tpu.memory_space<hbm>>
      tpu.enqueue_indirect_dma source(%dma_start3A_2732 : memref<10000x128xf32, #tpu.memory_space<hbm>>) target(%dma_start3A_2726 : memref<80x128xf32, #tpu.memory_space<vmem>>) offsets(%dma_start3A_2729 : memref<80xi32, #tpu.memory_space<vmem>>) semaphore(%arg22 : memref<!tpu.dma_semaphore, #tpu.memory_space<semaphore_mem>>)
      %dma_start3A_2733 = arith.constant 1 : i32
      %dma_start3A_2734 = arith.constant 1 : i32
      %dma_start3A_2735 = arith.constant 0 : i32
      %dma_start3A_2736 = tpu.memref_slice %arg15[%dma_start3A_2734, %dma_start3A_2735] : memref<4x80xf32, #tpu.memory_space<vmem>> -> memref<1x80xf32, #tpu.memory_space<vmem>>
      %dma_start3A_2737 = tpu.memref_squeeze %dma_start3A_2736 : memref<1x80xf32, #tpu.memory_space<vmem>> -> memref<80xf32, #tpu.memory_space<vmem>>
      %dma_start3A_2738 = arith.constant 0 : i32
      %dma_start3A_2739 = tpu.memref_slice %arg11[%dma_start3A_2733, %dma_start3A_2738] : memref<4x80xi32, #tpu.memory_space<vmem>> -> memref<1x80xi32, #tpu.memory_space<vmem>>
      %dma_start3A_2740 = tpu.memref_squeeze %dma_start3A_2739 : memref<1x80xi32, #tpu.memory_space<vmem>> -> memref<80xi32, #tpu.memory_space<vmem>>
      %dma_start3A_2741 = arith.constant 0 : i32
      %dma_start3A_2742 = tpu.memref_slice %arg5[%dma_start3A_2741] : memref<10000xf32, #tpu.memory_space<hbm>> -> memref<10000xf32, #tpu.memory_space<hbm>>
      tpu.enqueue_indirect_dma source(%dma_start3A_2742 : memref<10000xf32, #tpu.memory_space<hbm>>) target(%dma_start3A_2737 : memref<80xf32, #tpu.memory_space<vmem>>) offsets(%dma_start3A_2740 : memref<80xi32, #tpu.memory_space<vmem>>) semaphore(%arg26 : memref<!tpu.dma_semaphore, #tpu.memory_space<semaphore_mem>>)
      %dma_wait3A_2743 = arith.constant 0 : i32
      %dma_wait3A_2744 = arith.constant 0 : i32
      %dma_wait3A_2745 = arith.constant 0 : i32
      %dma_wait3A_2746 = arith.constant 0 : i32
      %dma_wait3A_2747 = tpu.memref_slice %arg14[%dma_wait3A_2744, %dma_wait3A_2745, %dma_wait3A_2746] : memref<4x80x128xf32, #tpu.memory_space<vmem>> -> memref<1x80x128xf32, #tpu.memory_space<vmem>>
      %dma_wait3A_2748 = tpu.memref_squeeze %dma_wait3A_2747 : memref<1x80x128xf32, #tpu.memory_space<vmem>> -> memref<80x128xf32, #tpu.memory_space<vmem>>
      %dma_wait3A_2749 = arith.constant 0 : i32
      %dma_wait3A_2750 = tpu.memref_slice %arg10[%dma_wait3A_2743, %dma_wait3A_2749] : memref<4x80xi32, #tpu.memory_space<vmem>> -> memref<1x80xi32, #tpu.memory_space<vmem>>
      %dma_wait3A_2751 = tpu.memref_squeeze %dma_wait3A_2750 : memref<1x80xi32, #tpu.memory_space<vmem>> -> memref<80xi32, #tpu.memory_space<vmem>>
      %dma_wait3A_2752 = arith.constant 0 : i32
      %dma_wait3A_2753 = arith.constant 0 : i32
      %dma_wait3A_2754 = tpu.memref_slice %arg4[%dma_wait3A_2752, %dma_wait3A_2753] : memref<10000x128xf32, #tpu.memory_space<hbm>> -> memref<10000x128xf32, #tpu.memory_space<hbm>>
      tpu.wait_indirect_dma semaphore(%arg21 : memref<!tpu.dma_semaphore, #tpu.memory_space<semaphore_mem>>) src(%dma_wait3A_2754 : memref<10000x128xf32, #tpu.memory_space<hbm>>) dst(%dma_wait3A_2748 : memref<80x128xf32, #tpu.memory_space<vmem>>)
      %dma_wait3A_2755 = arith.constant 0 : i32
      %dma_wait3A_2756 = arith.constant 0 : i32
      %dma_wait3A_2757 = arith.constant 0 : i32
      %dma_wait3A_2758 = tpu.memref_slice %arg15[%dma_wait3A_2756, %dma_wait3A_2757] : memref<4x80xf32, #tpu.memory_space<vmem>> -> memref<1x80xf32, #tpu.memory_space<vmem>>
      %dma_wait3A_2759 = tpu.memref_squeeze %dma_wait3A_2758 : memref<1x80xf32, #tpu.memory_space<vmem>> -> memref<80xf32, #tpu.memory_space<vmem>>
      %dma_wait3A_2760 = arith.constant 0 : i32
      %dma_wait3A_2761 = tpu.memref_slice %arg11[%dma_wait3A_2755, %dma_wait3A_2760] : memref<4x80xi32, #tpu.memory_space<vmem>> -> memref<1x80xi32, #tpu.memory_space<vmem>>
      %dma_wait3A_2762 = tpu.memref_squeeze %dma_wait3A_2761 : memref<1x80xi32, #tpu.memory_space<vmem>> -> memref<80xi32, #tpu.memory_space<vmem>>
      %dma_wait3A_2763 = arith.constant 0 : i32
      %dma_wait3A_2764 = tpu.memref_slice %arg5[%dma_wait3A_2763] : memref<10000xf32, #tpu.memory_space<hbm>> -> memref<10000xf32, #tpu.memory_space<hbm>>
      tpu.wait_indirect_dma semaphore(%arg25 : memref<!tpu.dma_semaphore, #tpu.memory_space<semaphore_mem>>) src(%dma_wait3A_2764 : memref<10000xf32, #tpu.memory_space<hbm>>) dst(%dma_wait3A_2759 : memref<80xf32, #tpu.memory_space<vmem>>)
      %get3A_2765 = arith.constant 0 : i32
      %get3A_2766 = arith.index_cast %get3A_2765 : i32 to index
      %get3A_2767 = arith.constant 0 : index
      %get3A_2768 = tpu.vector_load %arg10[%get3A_2766, %get3A_2767] {strides = array<i32>} : memref<4x80xi32, #tpu.memory_space<vmem>>, vector<1x16xi32>,
      %get3A_2769 = vector.shape_cast %get3A_2768 : vector<1x16xi32> to vector<16xi32>
      %swap3A_2770 = arith.constant 0 : i32
      %swap3A_2771 = arith.index_cast %swap3A_2770 : i32 to index
      %swap3A_2772 = arith.constant 0 : index
      %swap3A_2773 = tpu.vector_load %arg12[%swap3A_2771, %swap3A_2772] {strides = array<i32>} : memref<4x80xi32, #tpu.memory_space<vmem>>, vector<1x16xi32>,
      %swap3A_2774 = vector.shape_cast %swap3A_2773 : vector<1x16xi32> to vector<16xi32>
      %swap3A_2775 = vector.shape_cast %get3A_2769 : vector<16xi32> to vector<1x16xi32>
      tpu.vector_store %arg12[%swap3A_2771, %swap3A_2772], %swap3A_2775 {strides = array<i32>} : memref<4x80xi32, #tpu.memory_space<vmem>>, vector<1x16xi32>,
      %get3A_2776 = arith.constant 0 : i32
      %get3A_2777 = arith.index_cast %get3A_2776 : i32 to index
      %get3A_2778 = arith.constant 0 : index
      %get3A_2779 = tpu.vector_load %arg11[%get3A_2777, %get3A_2778] {strides = array<i32>} : memref<4x80xi32, #tpu.memory_space<vmem>>, vector<1x16xi32>,
      %get3A_2780 = vector.shape_cast %get3A_2779 : vector<1x16xi32> to vector<16xi32>
      %swap3A_2781 = arith.constant 0 : i32
      %swap3A_2782 = arith.index_cast %swap3A_2781 : i32 to index
      %swap3A_2783 = arith.constant 0 : index
      %swap3A_2784 = tpu.vector_load %arg13[%swap3A_2782, %swap3A_2783] {strides = array<i32>} : memref<4x80xi32, #tpu.memory_space<vmem>>, vector<1x16xi32>,
      %swap3A_2785 = vector.shape_cast %swap3A_2784 : vector<1x16xi32> to vector<16xi32>
      %swap3A_2786 = vector.shape_cast %get3A_2780 : vector<16xi32> to vector<1x16xi32>
      tpu.vector_store %arg13[%swap3A_2782, %swap3A_2783], %swap3A_2786 {strides = array<i32>} : memref<4x80xi32, #tpu.memory_space<vmem>>, vector<1x16xi32>,
      %get3A_2787 = arith.constant 0 : i32
      %get3A_2788 = arith.index_cast %get3A_2787 : i32 to index
      %get3A_2789 = arith.constant 16 : index
      %get3A_2790 = tpu.vector_load %arg10[%get3A_2788, %get3A_2789] {strides = array<i32>} : memref<4x80xi32, #tpu.memory_space<vmem>>, vector<1x16xi32>,
      %get3A_2791 = vector.shape_cast %get3A_2790 : vector<1x16xi32> to vector<16xi32>
      %swap3A_2792 = arith.constant 0 : i32
      %swap3A_2793 = arith.index_cast %swap3A_2792 : i32 to index
      %swap3A_2794 = arith.constant 16 : index
      %swap3A_2795 = tpu.vector_load %arg12[%swap3A_2793, %swap3A_2794] {strides = array<i32>} : memref<4x80xi32, #tpu.memory_space<vmem>>, vector<1x16xi32>,
      %swap3A_2796 = vector.shape_cast %swap3A_2795 : vector<1x16xi32> to vector<16xi32>
      %swap3A_2797 = vector.shape_cast %get3A_2791 : vector<16xi32> to vector<1x16xi32>
      tpu.vector_store %arg12[%swap3A_2793, %swap3A_2794], %swap3A_2797 {strides = array<i32>} : memref<4x80xi32, #tpu.memory_space<vmem>>, vector<1x16xi32>,
      %get3A_2798 = arith.constant 0 : i32
      %get3A_2799 = arith.index_cast %get3A_2798 : i32 to index
      %get3A_2800 = arith.constant 16 : index
      %get3A_2801 = tpu.vector_load %arg11[%get3A_2799, %get3A_2800] {strides = array<i32>} : memref<4x80xi32, #tpu.memory_space<vmem>>, vector<1x16xi32>,
      %get3A_2802 = vector.shape_cast %get3A_2801 : vector<1x16xi32> to vector<16xi32>
      %swap3A_2803 = arith.constant 0 : i32
      %swap3A_2804 = arith.index_cast %swap3A_2803 : i32 to index
      %swap3A_2805 = arith.constant 16 : index
      %swap3A_2806 = tpu.vector_load %arg13[%swap3A_2804, %swap3A_2805] {strides = array<i32>} : memref<4x80xi32, #tpu.memory_space<vmem>>, vector<1x16xi32>,
      %swap3A_2807 = vector.shape_cast %swap3A_2806 : vector<1x16xi32> to vector<16xi32>
      %swap3A_2808 = vector.shape_cast %get3A_2802 : vector<16xi32> to vector<1x16xi32>
      tpu.vector_store %arg13[%swap3A_2804, %swap3A_2805], %swap3A_2808 {strides = array<i32>} : memref<4x80xi32, #tpu.memory_space<vmem>>, vector<1x16xi32>,
      %get3A_2809 = arith.constant 0 : i32
      %get3A_2810 = arith.index_cast %get3A_2809 : i32 to index
      %get3A_2811 = arith.constant 32 : index
      %get3A_2812 = tpu.vector_load %arg10[%get3A_2810, %get3A_2811] {strides = array<i32>} : memref<4x80xi32, #tpu.memory_space<vmem>>, vector<1x16xi32>,
      %get3A_2813 = vector.shape_cast %get3A_2812 : vector<1x16xi32> to vector<16xi32>
      %swap3A_2814 = arith.constant 0 : i32
      %swap3A_2815 = arith.index_cast %swap3A_2814 : i32 to index
      %swap3A_2816 = arith.constant 32 : index
      %swap3A_2817 = tpu.vector_load %arg12[%swap3A_2815, %swap3A_2816] {strides = array<i32>} : memref<4x80xi32, #tpu.memory_space<vmem>>, vector<1x16xi32>,
      %swap3A_2818 = vector.shape_cast %swap3A_2817 : vector<1x16xi32> to vector<16xi32>
      %swap3A_2819 = vector.shape_cast %get3A_2813 : vector<16xi32> to vector<1x16xi32>
      tpu.vector_store %arg12[%swap3A_2815, %swap3A_2816], %swap3A_2819 {strides = array<i32>} : memref<4x80xi32, #tpu.memory_space<vmem>>, vector<1x16xi32>,
      %get3A_2820 = arith.constant 0 : i32
      %get3A_2821 = arith.index_cast %get3A_2820 : i32 to index
      %get3A_2822 = arith.constant 32 : index
      %get3A_2823 = tpu.vector_load %arg11[%get3A_2821, %get3A_2822] {strides = array<i32>} : memref<4x80xi32, #tpu.memory_space<vmem>>, vector<1x16xi32>,
      %get3A_2824 = vector.shape_cast %get3A_2823 : vector<1x16xi32> to vector<16xi32>
      %swap3A_2825 = arith.constant 0 : i32
      %swap3A_2826 = arith.index_cast %swap3A_2825 : i32 to index
      %swap3A_2827 = arith.constant 32 : index
      %swap3A_2828 = tpu.vector_load %arg13[%swap3A_2826, %swap3A_2827] {strides = array<i32>} : memref<4x80xi32, #tpu.memory_space<vmem>>, vector<1x16xi32>,
      %swap3A_2829 = vector.shape_cast %swap3A_2828 : vector<1x16xi32> to vector<16xi32>
      %swap3A_2830 = vector.shape_cast %get3A_2824 : vector<16xi32> to vector<1x16xi32>
      tpu.vector_store %arg13[%swap3A_2826, %swap3A_2827], %swap3A_2830 {strides = array<i32>} : memref<4x80xi32, #tpu.memory_space<vmem>>, vector<1x16xi32>,
      %get3A_2831 = arith.constant 0 : i32
      %get3A_2832 = arith.index_cast %get3A_2831 : i32 to index
      %get3A_2833 = arith.constant 48 : index
      %get3A_2834 = tpu.vector_load %arg10[%get3A_2832, %get3A_2833] {strides = array<i32>} : memref<4x80xi32, #tpu.memory_space<vmem>>, vector<1x16xi32>,
      %get3A_2835 = vector.shape_cast %get3A_2834 : vector<1x16xi32> to vector<16xi32>
      %swap3A_2836 = arith.constant 0 : i32
      %swap3A_2837 = arith.index_cast %swap3A_2836 : i32 to index
      %swap3A_2838 = arith.constant 48 : index
      %swap3A_2839 = tpu.vector_load %arg12[%swap3A_2837, %swap3A_2838] {strides = array<i32>} : memref<4x80xi32, #tpu.memory_space<vmem>>, vector<1x16xi32>,
      %swap3A_2840 = vector.shape_cast %swap3A_2839 : vector<1x16xi32> to vector<16xi32>
      %swap3A_2841 = vector.shape_cast %get3A_2835 : vector<16xi32> to vector<1x16xi32>
      tpu.vector_store %arg12[%swap3A_2837, %swap3A_2838], %swap3A_2841 {strides = array<i32>} : memref<4x80xi32, #tpu.memory_space<vmem>>, vector<1x16xi32>,
      %get3A_2842 = arith.constant 0 : i32
      %get3A_2843 = arith.index_cast %get3A_2842 : i32 to index
      %get3A_2844 = arith.constant 48 : index
      %get3A_2845 = tpu.vector_load %arg11[%get3A_2843, %get3A_2844] {strides = array<i32>} : memref<4x80xi32, #tpu.memory_space<vmem>>, vector<1x16xi32>,
      %get3A_2846 = vector.shape_cast %get3A_2845 : vector<1x16xi32> to vector<16xi32>
      %swap3A_2847 = arith.constant 0 : i32
      %swap3A_2848 = arith.index_cast %swap3A_2847 : i32 to index
      %swap3A_2849 = arith.constant 48 : index
      %swap3A_2850 = tpu.vector_load %arg13[%swap3A_2848, %swap3A_2849] {strides = array<i32>} : memref<4x80xi32, #tpu.memory_space<vmem>>, vector<1x16xi32>,
      %swap3A_2851 = vector.shape_cast %swap3A_2850 : vector<1x16xi32> to vector<16xi32>
      %swap3A_2852 = vector.shape_cast %get3A_2846 : vector<16xi32> to vector<1x16xi32>
      tpu.vector_store %arg13[%swap3A_2848, %swap3A_2849], %swap3A_2852 {strides = array<i32>} : memref<4x80xi32, #tpu.memory_space<vmem>>, vector<1x16xi32>,
      %get3A_2853 = arith.constant 0 : i32
      %get3A_2854 = arith.index_cast %get3A_2853 : i32 to index
      %get3A_2855 = arith.constant 64 : index
      %get3A_2856 = tpu.vector_load %arg10[%get3A_2854, %get3A_2855] {strides = array<i32>} : memref<4x80xi32, #tpu.memory_space<vmem>>, vector<1x16xi32>,
      %get3A_2857 = vector.shape_cast %get3A_2856 : vector<1x16xi32> to vector<16xi32>
      %swap3A_2858 = arith.constant 0 : i32
      %swap3A_2859 = arith.index_cast %swap3A_2858 : i32 to index
      %swap3A_2860 = arith.constant 64 : index
      %swap3A_2861 = tpu.vector_load %arg12[%swap3A_2859, %swap3A_2860] {strides = array<i32>} : memref<4x80xi32, #tpu.memory_space<vmem>>, vector<1x16xi32>,
      %swap3A_2862 = vector.shape_cast %swap3A_2861 : vector<1x16xi32> to vector<16xi32>
      %swap3A_2863 = vector.shape_cast %get3A_2857 : vector<16xi32> to vector<1x16xi32>
      tpu.vector_store %arg12[%swap3A_2859, %swap3A_2860], %swap3A_2863 {strides = array<i32>} : memref<4x80xi32, #tpu.memory_space<vmem>>, vector<1x16xi32>,
      %get3A_2864 = arith.constant 0 : i32
      %get3A_2865 = arith.index_cast %get3A_2864 : i32 to index
      %get3A_2866 = arith.constant 64 : index
      %get3A_2867 = tpu.vector_load %arg11[%get3A_2865, %get3A_2866] {strides = array<i32>} : memref<4x80xi32, #tpu.memory_space<vmem>>, vector<1x16xi32>,
      %get3A_2868 = vector.shape_cast %get3A_2867 : vector<1x16xi32> to vector<16xi32>
      %swap3A_2869 = arith.constant 0 : i32
      %swap3A_2870 = arith.index_cast %swap3A_2869 : i32 to index
      %swap3A_2871 = arith.constant 64 : index
      %swap3A_2872 = tpu.vector_load %arg13[%swap3A_2870, %swap3A_2871] {strides = array<i32>} : memref<4x80xi32, #tpu.memory_space<vmem>>, vector<1x16xi32>,
      %swap3A_2873 = vector.shape_cast %swap3A_2872 : vector<1x16xi32> to vector<16xi32>
      %swap3A_2874 = vector.shape_cast %get3A_2868 : vector<16xi32> to vector<1x16xi32>
      tpu.vector_store %arg13[%swap3A_2870, %swap3A_2871], %swap3A_2874 {strides = array<i32>} : memref<4x80xi32, #tpu.memory_space<vmem>>, vector<1x16xi32>,
      %dma_start3A_2875 = arith.constant 0 : i32
      %dma_start3A_2876 = arith.constant 0 : i32
      %dma_start3A_2877 = arith.constant 0 : i32
      %dma_start3A_2878 = arith.constant 0 : i32
      %dma_start3A_2879 = tpu.memref_slice %arg14[%dma_start3A_2875, %dma_start3A_2877, %dma_start3A_2878] : memref<4x80x128xf32, #tpu.memory_space<vmem>> -> memref<1x80x128xf32, #tpu.memory_space<vmem>>
      %dma_start3A_2880 = tpu.memref_squeeze %dma_start3A_2879 : memref<1x80x128xf32, #tpu.memory_space<vmem>> -> memref<80x128xf32, #tpu.memory_space<vmem>>
      %dma_start3A_2881 = arith.constant 0 : i32
      %dma_start3A_2882 = tpu.memref_slice %arg13[%dma_start3A_2876, %dma_start3A_2881] : memref<4x80xi32, #tpu.memory_space<vmem>> -> memref<1x80xi32, #tpu.memory_space<vmem>>
      %dma_start3A_2883 = tpu.memref_squeeze %dma_start3A_2882 : memref<1x80xi32, #tpu.memory_space<vmem>> -> memref<80xi32, #tpu.memory_space<vmem>>
      %dma_start3A_2884 = arith.constant 0 : i32
      %dma_start3A_2885 = arith.constant 0 : i32
      %dma_start3A_2886 = tpu.memref_slice %arg8[%dma_start3A_2884, %dma_start3A_2885] : memref<10000x128xf32, #tpu.memory_space<vmem_shared>> -> memref<10000x128xf32, #tpu.memory_space<vmem_shared>>
      tpu.enqueue_indirect_dma source(%dma_start3A_2880 : memref<80x128xf32, #tpu.memory_space<vmem>>) target(%dma_start3A_2886 : memref<10000x128xf32, #tpu.memory_space<vmem_shared>>) offsets(%dma_start3A_2883 : memref<80xi32, #tpu.memory_space<vmem>>) semaphore(%arg29 : memref<!tpu.dma_semaphore, #tpu.memory_space<semaphore_mem>>) {add = true}
      %dma_start3A_2887 = arith.constant 0 : i32
      %dma_start3A_2888 = arith.constant 0 : i32
      %dma_start3A_2889 = arith.constant 0 : i32
      %dma_start3A_2890 = tpu.memref_slice %arg15[%dma_start3A_2887, %dma_start3A_2889] : memref<4x80xf32, #tpu.memory_space<vmem>> -> memref<1x80xf32, #tpu.memory_space<vmem>>
      %dma_start3A_2891 = tpu.memref_squeeze %dma_start3A_2890 : memref<1x80xf32, #tpu.memory_space<vmem>> -> memref<80xf32, #tpu.memory_space<vmem>>
      %dma_start3A_2892 = arith.constant 0 : i32
      %dma_start3A_2893 = tpu.memref_slice %arg12[%dma_start3A_2888, %dma_start3A_2892] : memref<4x80xi32, #tpu.memory_space<vmem>> -> memref<1x80xi32, #tpu.memory_space<vmem>>
      %dma_start3A_2894 = tpu.memref_squeeze %dma_start3A_2893 : memref<1x80xi32, #tpu.memory_space<vmem>> -> memref<80xi32, #tpu.memory_space<vmem>>
      %dma_start3A_2895 = arith.constant 0 : i32
      %dma_start3A_2896 = tpu.memref_slice %arg9[%dma_start3A_2895] : memref<10240xf32, #tpu.memory_space<vmem_shared>> -> memref<10240xf32, #tpu.memory_space<vmem_shared>>
      tpu.enqueue_indirect_dma source(%dma_start3A_2891 : memref<80xf32, #tpu.memory_space<vmem>>) target(%dma_start3A_2896 : memref<10240xf32, #tpu.memory_space<vmem_shared>>) offsets(%dma_start3A_2894 : memref<80xi32, #tpu.memory_space<vmem>>) semaphore(%arg33 : memref<!tpu.dma_semaphore, #tpu.memory_space<semaphore_mem>>) {add = true}
      %add3A_2897 = arith.constant 2 : i32
      %add3A_2898 = arith.addi %mul3A_2380, %add3A_2897 : i32
      %dma_wait3A_2899 = arith.constant 2 : i32
      %dma_wait3A_2900 = arith.constant 2 : i32
      %dma_wait3A_2901 = arith.constant 0 : i32
      %dma_wait3A_2902 = arith.constant 0 : i32
      %dma_wait3A_2903 = tpu.memref_slice %arg14[%dma_wait3A_2899, %dma_wait3A_2901, %dma_wait3A_2902] : memref<4x80x128xf32, #tpu.memory_space<vmem>> -> memref<1x80x128xf32, #tpu.memory_space<vmem>>
      %dma_wait3A_2904 = tpu.memref_squeeze %dma_wait3A_2903 : memref<1x80x128xf32, #tpu.memory_space<vmem>> -> memref<80x128xf32, #tpu.memory_space<vmem>>
      %dma_wait3A_2905 = arith.constant 0 : i32
      %dma_wait3A_2906 = tpu.memref_slice %arg13[%dma_wait3A_2900, %dma_wait3A_2905] : memref<4x80xi32, #tpu.memory_space<vmem>> -> memref<1x80xi32, #tpu.memory_space<vmem>>
      %dma_wait3A_2907 = tpu.memref_squeeze %dma_wait3A_2906 : memref<1x80xi32, #tpu.memory_space<vmem>> -> memref<80xi32, #tpu.memory_space<vmem>>
      %dma_wait3A_2908 = arith.constant 0 : i32
      %dma_wait3A_2909 = arith.constant 0 : i32
      %dma_wait3A_2910 = tpu.memref_slice %arg8[%dma_wait3A_2908, %dma_wait3A_2909] : memref<10000x128xf32, #tpu.memory_space<vmem_shared>> -> memref<10000x128xf32, #tpu.memory_space<vmem_shared>>
      tpu.wait_indirect_dma semaphore(%arg31 : memref<!tpu.dma_semaphore, #tpu.memory_space<semaphore_mem>>) src(%dma_wait3A_2904 : memref<80x128xf32, #tpu.memory_space<vmem>>) dst(%dma_wait3A_2910 : memref<10000x128xf32, #tpu.memory_space<vmem_shared>>)
      %dma_wait3A_2911 = arith.constant 2 : i32
      %dma_wait3A_2912 = arith.constant 2 : i32
      %dma_wait3A_2913 = arith.constant 0 : i32
      %dma_wait3A_2914 = tpu.memref_slice %arg15[%dma_wait3A_2911, %dma_wait3A_2913] : memref<4x80xf32, #tpu.memory_space<vmem>> -> memref<1x80xf32, #tpu.memory_space<vmem>>
      %dma_wait3A_2915 = tpu.memref_squeeze %dma_wait3A_2914 : memref<1x80xf32, #tpu.memory_space<vmem>> -> memref<80xf32, #tpu.memory_space<vmem>>
      %dma_wait3A_2916 = arith.constant 0 : i32
      %dma_wait3A_2917 = tpu.memref_slice %arg12[%dma_wait3A_2912, %dma_wait3A_2916] : memref<4x80xi32, #tpu.memory_space<vmem>> -> memref<1x80xi32, #tpu.memory_space<vmem>>
      %dma_wait3A_2918 = tpu.memref_squeeze %dma_wait3A_2917 : memref<1x80xi32, #tpu.memory_space<vmem>> -> memref<80xi32, #tpu.memory_space<vmem>>
      %dma_wait3A_2919 = arith.constant 0 : i32
      %dma_wait3A_2920 = tpu.memref_slice %arg9[%dma_wait3A_2919] : memref<10240xf32, #tpu.memory_space<vmem_shared>> -> memref<10240xf32, #tpu.memory_space<vmem_shared>>
      tpu.wait_indirect_dma semaphore(%arg35 : memref<!tpu.dma_semaphore, #tpu.memory_space<semaphore_mem>>) src(%dma_wait3A_2915 : memref<80xf32, #tpu.memory_space<vmem>>) dst(%dma_wait3A_2920 : memref<10240xf32, #tpu.memory_space<vmem_shared>>)
      %add3A_2921 = arith.constant 2 : i32
      %add3A_2922 = arith.addi %add3A_2898, %add3A_2921 : i32
      %add3A_2923 = arith.addi %mul3A_3, %add3A_2922 : i32
      %dma_start3A_2924 = arith.constant 0 : i32
      %dma_start3A_2925 = arith.constant 0 : i32
      %dma_start3A_2926 = tpu.memref_slice %arg10[%dma_start3A_2924, %dma_start3A_2925] : memref<4x80xi32, #tpu.memory_space<vmem>> -> memref<1x80xi32, #tpu.memory_space<vmem>>
      %dma_start3A_2927 = tpu.memref_squeeze %dma_start3A_2926 : memref<1x80xi32, #tpu.memory_space<vmem>> -> memref<80xi32, #tpu.memory_space<vmem>>
      %dma_start3A_2928 = arith.constant 0 : i32
      %dma_start3A_2929 = tpu.memref_slice %arg2[%add3A_2923, %dma_start3A_2928] : memref<4000x80xi32, #tpu.memory_space<hbm>> -> memref<1x80xi32, #tpu.memory_space<hbm>>
      %dma_start3A_2930 = tpu.memref_squeeze %dma_start3A_2929 : memref<1x80xi32, #tpu.memory_space<hbm>> -> memref<80xi32, #tpu.memory_space<hbm>>
      %dma_start3A_2931 = arith.constant 0 : i32
      %dma_start3A_2932 = tpu.memref_slice %arg10[%dma_start3A_2924, %dma_start3A_2931] : memref<4x80xi32, #tpu.memory_space<vmem>> -> memref<1x80xi32, #tpu.memory_space<vmem>>
      %dma_start3A_2933 = tpu.memref_squeeze %dma_start3A_2932 : memref<1x80xi32, #tpu.memory_space<vmem>> -> memref<80xi32, #tpu.memory_space<vmem>>
      %dma_start3A_2934 = arith.constant 0 : i32
      %dma_start3A_2935 = tpu.memref_slice %arg2[%add3A_2923, %dma_start3A_2934] : memref<4000x80xi32, #tpu.memory_space<hbm>> -> memref<1x80xi32, #tpu.memory_space<hbm>>
      %dma_start3A_2936 = tpu.memref_squeeze %dma_start3A_2935 : memref<1x80xi32, #tpu.memory_space<hbm>> -> memref<80xi32, #tpu.memory_space<hbm>>
      tpu.enqueue_dma source(%dma_start3A_2936 : memref<80xi32, #tpu.memory_space<hbm>>) target(%dma_start3A_2933 : memref<80xi32, #tpu.memory_space<vmem>>) target_semaphore(%arg17 : memref<!tpu.dma_semaphore, #tpu.memory_space<semaphore_mem>>)
      %add3A_2937 = arith.addi %mul3A_3, %add3A_2922 : i32
      %dma_start3A_2938 = arith.constant 0 : i32
      %dma_start3A_2939 = arith.constant 0 : i32
      %dma_start3A_2940 = tpu.memref_slice %arg11[%dma_start3A_2938, %dma_start3A_2939] : memref<4x80xi32, #tpu.memory_space<vmem>> -> memref<1x80xi32, #tpu.memory_space<vmem>>
      %dma_start3A_2941 = tpu.memref_squeeze %dma_start3A_2940 : memref<1x80xi32, #tpu.memory_space<vmem>> -> memref<80xi32, #tpu.memory_space<vmem>>
      %dma_start3A_2942 = arith.constant 0 : i32
      %dma_start3A_2943 = tpu.memref_slice %arg3[%add3A_2937, %dma_start3A_2942] : memref<4000x80xi32, #tpu.memory_space<hbm>> -> memref<1x80xi32, #tpu.memory_space<hbm>>
      %dma_start3A_2944 = tpu.memref_squeeze %dma_start3A_2943 : memref<1x80xi32, #tpu.memory_space<hbm>> -> memref<80xi32, #tpu.memory_space<hbm>>
      %dma_start3A_2945 = arith.constant 0 : i32
      %dma_start3A_2946 = tpu.memref_slice %arg11[%dma_start3A_2938, %dma_start3A_2945] : memref<4x80xi32, #tpu.memory_space<vmem>> -> memref<1x80xi32, #tpu.memory_space<vmem>>
      %dma_start3A_2947 = tpu.memref_squeeze %dma_start3A_2946 : memref<1x80xi32, #tpu.memory_space<vmem>> -> memref<80xi32, #tpu.memory_space<vmem>>
      %dma_start3A_2948 = arith.constant 0 : i32
      %dma_start3A_2949 = tpu.memref_slice %arg3[%add3A_2937, %dma_start3A_2948] : memref<4000x80xi32, #tpu.memory_space<hbm>> -> memref<1x80xi32, #tpu.memory_space<hbm>>
      %dma_start3A_2950 = tpu.memref_squeeze %dma_start3A_2949 : memref<1x80xi32, #tpu.memory_space<hbm>> -> memref<80xi32, #tpu.memory_space<hbm>>
      tpu.enqueue_dma source(%dma_start3A_2950 : memref<80xi32, #tpu.memory_space<hbm>>) target(%dma_start3A_2947 : memref<80xi32, #tpu.memory_space<vmem>>) target_semaphore(%arg17 : memref<!tpu.dma_semaphore, #tpu.memory_space<semaphore_mem>>)
      %add3A_2951 = arith.addi %mul3A_3, %add3A_2898 : i32
      %dma_wait3A_2952 = arith.constant 2 : i32
      %dma_wait3A_2953 = arith.constant 0 : i32
      %dma_wait3A_2954 = tpu.memref_slice %arg10[%dma_wait3A_2952, %dma_wait3A_2953] : memref<4x80xi32, #tpu.memory_space<vmem>> -> memref<1x80xi32, #tpu.memory_space<vmem>>
      %dma_wait3A_2955 = tpu.memref_squeeze %dma_wait3A_2954 : memref<1x80xi32, #tpu.memory_space<vmem>> -> memref<80xi32, #tpu.memory_space<vmem>>
      %dma_wait3A_2956 = arith.constant 0 : i32
      %dma_wait3A_2957 = tpu.memref_slice %arg2[%add3A_2951, %dma_wait3A_2956] : memref<4000x80xi32, #tpu.memory_space<hbm>> -> memref<1x80xi32, #tpu.memory_space<hbm>>
      %dma_wait3A_2958 = tpu.memref_squeeze %dma_wait3A_2957 : memref<1x80xi32, #tpu.memory_space<hbm>> -> memref<80xi32, #tpu.memory_space<hbm>>
      %dma_wait3A_2959 = arith.constant 0 : i32
      %dma_wait3A_2960 = tpu.memref_slice %arg10[%dma_wait3A_2952, %dma_wait3A_2959] : memref<4x80xi32, #tpu.memory_space<vmem>> -> memref<1x80xi32, #tpu.memory_space<vmem>>
      %dma_wait3A_2961 = tpu.memref_squeeze %dma_wait3A_2960 : memref<1x80xi32, #tpu.memory_space<vmem>> -> memref<80xi32, #tpu.memory_space<vmem>>
      %dma_wait3A_2962 = arith.constant 0 : i32
      %dma_wait3A_2963 = tpu.memref_slice %arg2[%add3A_2951, %dma_wait3A_2962] : memref<4000x80xi32, #tpu.memory_space<hbm>> -> memref<1x80xi32, #tpu.memory_space<hbm>>
      %dma_wait3A_2964 = tpu.memref_squeeze %dma_wait3A_2963 : memref<1x80xi32, #tpu.memory_space<hbm>> -> memref<80xi32, #tpu.memory_space<hbm>>
      tpu.wait_dma2 semaphore(%arg19 : memref<!tpu.dma_semaphore, #tpu.memory_space<semaphore_mem>>) src(%dma_wait3A_2964 : memref<80xi32, #tpu.memory_space<hbm>>) dst(%dma_wait3A_2961 : memref<80xi32, #tpu.memory_space<vmem>>)
      %add3A_2965 = arith.addi %mul3A_3, %add3A_2898 : i32
      %dma_wait3A_2966 = arith.constant 2 : i32
      %dma_wait3A_2967 = arith.constant 0 : i32
      %dma_wait3A_2968 = tpu.memref_slice %arg11[%dma_wait3A_2966, %dma_wait3A_2967] : memref<4x80xi32, #tpu.memory_space<vmem>> -> memref<1x80xi32, #tpu.memory_space<vmem>>
      %dma_wait3A_2969 = tpu.memref_squeeze %dma_wait3A_2968 : memref<1x80xi32, #tpu.memory_space<vmem>> -> memref<80xi32, #tpu.memory_space<vmem>>
      %dma_wait3A_2970 = arith.constant 0 : i32
      %dma_wait3A_2971 = tpu.memref_slice %arg3[%add3A_2965, %dma_wait3A_2970] : memref<4000x80xi32, #tpu.memory_space<hbm>> -> memref<1x80xi32, #tpu.memory_space<hbm>>
      %dma_wait3A_2972 = tpu.memref_squeeze %dma_wait3A_2971 : memref<1x80xi32, #tpu.memory_space<hbm>> -> memref<80xi32, #tpu.memory_space<hbm>>
      %dma_wait3A_2973 = arith.constant 0 : i32
      %dma_wait3A_2974 = tpu.memref_slice %arg11[%dma_wait3A_2966, %dma_wait3A_2973] : memref<4x80xi32, #tpu.memory_space<vmem>> -> memref<1x80xi32, #tpu.memory_space<vmem>>
      %dma_wait3A_2975 = tpu.memref_squeeze %dma_wait3A_2974 : memref<1x80xi32, #tpu.memory_space<vmem>> -> memref<80xi32, #tpu.memory_space<vmem>>
      %dma_wait3A_2976 = arith.constant 0 : i32
      %dma_wait3A_2977 = tpu.memref_slice %arg3[%add3A_2965, %dma_wait3A_2976] : memref<4000x80xi32, #tpu.memory_space<hbm>> -> memref<1x80xi32, #tpu.memory_space<hbm>>
      %dma_wait3A_2978 = tpu.memref_squeeze %dma_wait3A_2977 : memref<1x80xi32, #tpu.memory_space<hbm>> -> memref<80xi32, #tpu.memory_space<hbm>>
      tpu.wait_dma2 semaphore(%arg19 : memref<!tpu.dma_semaphore, #tpu.memory_space<semaphore_mem>>) src(%dma_wait3A_2978 : memref<80xi32, #tpu.memory_space<hbm>>) dst(%dma_wait3A_2975 : memref<80xi32, #tpu.memory_space<vmem>>)
      %dma_start3A_2979 = arith.constant 2 : i32
      %dma_start3A_2980 = arith.constant 2 : i32
      %dma_start3A_2981 = arith.constant 0 : i32
      %dma_start3A_2982 = arith.constant 0 : i32
      %dma_start3A_2983 = tpu.memref_slice %arg14[%dma_start3A_2980, %dma_start3A_2981, %dma_start3A_2982] : memref<4x80x128xf32, #tpu.memory_space<vmem>> -> memref<1x80x128xf32, #tpu.memory_space<vmem>>
      %dma_start3A_2984 = tpu.memref_squeeze %dma_start3A_2983 : memref<1x80x128xf32, #tpu.memory_space<vmem>> -> memref<80x128xf32, #tpu.memory_space<vmem>>
      %dma_start3A_2985 = arith.constant 0 : i32
      %dma_start3A_2986 = tpu.memref_slice %arg10[%dma_start3A_2979, %dma_start3A_2985] : memref<4x80xi32, #tpu.memory_space<vmem>> -> memref<1x80xi32, #tpu.memory_space<vmem>>
      %dma_start3A_2987 = tpu.memref_squeeze %dma_start3A_2986 : memref<1x80xi32, #tpu.memory_space<vmem>> -> memref<80xi32, #tpu.memory_space<vmem>>
      %dma_start3A_2988 = arith.constant 0 : i32
      %dma_start3A_2989 = arith.constant 0 : i32
      %dma_start3A_2990 = tpu.memref_slice %arg4[%dma_start3A_2988, %dma_start3A_2989] : memref<10000x128xf32, #tpu.memory_space<hbm>> -> memref<10000x128xf32, #tpu.memory_space<hbm>>
      tpu.enqueue_indirect_dma source(%dma_start3A_2990 : memref<10000x128xf32, #tpu.memory_space<hbm>>) target(%dma_start3A_2984 : memref<80x128xf32, #tpu.memory_space<vmem>>) offsets(%dma_start3A_2987 : memref<80xi32, #tpu.memory_space<vmem>>) semaphore(%arg23 : memref<!tpu.dma_semaphore, #tpu.memory_space<semaphore_mem>>)
      %dma_start3A_2991 = arith.constant 2 : i32
      %dma_start3A_2992 = arith.constant 2 : i32
      %dma_start3A_2993 = arith.constant 0 : i32
      %dma_start3A_2994 = tpu.memref_slice %arg15[%dma_start3A_2992, %dma_start3A_2993] : memref<4x80xf32, #tpu.memory_space<vmem>> -> memref<1x80xf32, #tpu.memory_space<vmem>>
      %dma_start3A_2995 = tpu.memref_squeeze %dma_start3A_2994 : memref<1x80xf32, #tpu.memory_space<vmem>> -> memref<80xf32, #tpu.memory_space<vmem>>
      %dma_start3A_2996 = arith.constant 0 : i32
      %dma_start3A_2997 = tpu.memref_slice %arg11[%dma_start3A_2991, %dma_start3A_2996] : memref<4x80xi32, #tpu.memory_space<vmem>> -> memref<1x80xi32, #tpu.memory_space<vmem>>
      %dma_start3A_2998 = tpu.memref_squeeze %dma_start3A_2997 : memref<1x80xi32, #tpu.memory_space<vmem>> -> memref<80xi32, #tpu.memory_space<vmem>>
      %dma_start3A_2999 = arith.constant 0 : i32
      %dma_start3A_3000 = tpu.memref_slice %arg5[%dma_start3A_2999] : memref<10000xf32, #tpu.memory_space<hbm>> -> memref<10000xf32, #tpu.memory_space<hbm>>
      tpu.enqueue_indirect_dma source(%dma_start3A_3000 : memref<10000xf32, #tpu.memory_space<hbm>>) target(%dma_start3A_2995 : memref<80xf32, #tpu.memory_space<vmem>>) offsets(%dma_start3A_2998 : memref<80xi32, #tpu.memory_space<vmem>>) semaphore(%arg27 : memref<!tpu.dma_semaphore, #tpu.memory_space<semaphore_mem>>)
      %dma_wait3A_3001 = arith.constant 1 : i32
      %dma_wait3A_3002 = arith.constant 1 : i32
      %dma_wait3A_3003 = arith.constant 0 : i32
      %dma_wait3A_3004 = arith.constant 0 : i32
      %dma_wait3A_3005 = tpu.memref_slice %arg14[%dma_wait3A_3002, %dma_wait3A_3003, %dma_wait3A_3004] : memref<4x80x128xf32, #tpu.memory_space<vmem>> -> memref<1x80x128xf32, #tpu.memory_space<vmem>>
      %dma_wait3A_3006 = tpu.memref_squeeze %dma_wait3A_3005 : memref<1x80x128xf32, #tpu.memory_space<vmem>> -> memref<80x128xf32, #tpu.memory_space<vmem>>
      %dma_wait3A_3007 = arith.constant 0 : i32
      %dma_wait3A_3008 = tpu.memref_slice %arg10[%dma_wait3A_3001, %dma_wait3A_3007] : memref<4x80xi32, #tpu.memory_space<vmem>> -> memref<1x80xi32, #tpu.memory_space<vmem>>
      %dma_wait3A_3009 = tpu.memref_squeeze %dma_wait3A_3008 : memref<1x80xi32, #tpu.memory_space<vmem>> -> memref<80xi32, #tpu.memory_space<vmem>>
      %dma_wait3A_3010 = arith.constant 0 : i32
      %dma_wait3A_3011 = arith.constant 0 : i32
      %dma_wait3A_3012 = tpu.memref_slice %arg4[%dma_wait3A_3010, %dma_wait3A_3011] : memref<10000x128xf32, #tpu.memory_space<hbm>> -> memref<10000x128xf32, #tpu.memory_space<hbm>>
      tpu.wait_indirect_dma semaphore(%arg22 : memref<!tpu.dma_semaphore, #tpu.memory_space<semaphore_mem>>) src(%dma_wait3A_3012 : memref<10000x128xf32, #tpu.memory_space<hbm>>) dst(%dma_wait3A_3006 : memref<80x128xf32, #tpu.memory_space<vmem>>)
      %dma_wait3A_3013 = arith.constant 1 : i32
      %dma_wait3A_3014 = arith.constant 1 : i32
      %dma_wait3A_3015 = arith.constant 0 : i32
      %dma_wait3A_3016 = tpu.memref_slice %arg15[%dma_wait3A_3014, %dma_wait3A_3015] : memref<4x80xf32, #tpu.memory_space<vmem>> -> memref<1x80xf32, #tpu.memory_space<vmem>>
      %dma_wait3A_3017 = tpu.memref_squeeze %dma_wait3A_3016 : memref<1x80xf32, #tpu.memory_space<vmem>> -> memref<80xf32, #tpu.memory_space<vmem>>
      %dma_wait3A_3018 = arith.constant 0 : i32
      %dma_wait3A_3019 = tpu.memref_slice %arg11[%dma_wait3A_3013, %dma_wait3A_3018] : memref<4x80xi32, #tpu.memory_space<vmem>> -> memref<1x80xi32, #tpu.memory_space<vmem>>
      %dma_wait3A_3020 = tpu.memref_squeeze %dma_wait3A_3019 : memref<1x80xi32, #tpu.memory_space<vmem>> -> memref<80xi32, #tpu.memory_space<vmem>>
      %dma_wait3A_3021 = arith.constant 0 : i32
      %dma_wait3A_3022 = tpu.memref_slice %arg5[%dma_wait3A_3021] : memref<10000xf32, #tpu.memory_space<hbm>> -> memref<10000xf32, #tpu.memory_space<hbm>>
      tpu.wait_indirect_dma semaphore(%arg26 : memref<!tpu.dma_semaphore, #tpu.memory_space<semaphore_mem>>) src(%dma_wait3A_3022 : memref<10000xf32, #tpu.memory_space<hbm>>) dst(%dma_wait3A_3017 : memref<80xf32, #tpu.memory_space<vmem>>)
      %get3A_3023 = arith.constant 1 : i32
      %get3A_3024 = arith.index_cast %get3A_3023 : i32 to index
      %get3A_3025 = arith.constant 0 : index
      %get3A_3026 = tpu.vector_load %arg10[%get3A_3024, %get3A_3025] {strides = array<i32>} : memref<4x80xi32, #tpu.memory_space<vmem>>, vector<1x16xi32>,
      %get3A_3027 = vector.shape_cast %get3A_3026 : vector<1x16xi32> to vector<16xi32>
      %swap3A_3028 = arith.constant 1 : i32
      %swap3A_3029 = arith.index_cast %swap3A_3028 : i32 to index
      %swap3A_3030 = arith.constant 0 : index
      %swap3A_3031 = tpu.vector_load %arg12[%swap3A_3029, %swap3A_3030] {strides = array<i32>} : memref<4x80xi32, #tpu.memory_space<vmem>>, vector<1x16xi32>,
      %swap3A_3032 = vector.shape_cast %swap3A_3031 : vector<1x16xi32> to vector<16xi32>
      %swap3A_3033 = vector.shape_cast %get3A_3027 : vector<16xi32> to vector<1x16xi32>
      tpu.vector_store %arg12[%swap3A_3029, %swap3A_3030], %swap3A_3033 {strides = array<i32>} : memref<4x80xi32, #tpu.memory_space<vmem>>, vector<1x16xi32>,
      %get3A_3034 = arith.constant 1 : i32
      %get3A_3035 = arith.index_cast %get3A_3034 : i32 to index
      %get3A_3036 = arith.constant 0 : index
      %get3A_3037 = tpu.vector_load %arg11[%get3A_3035, %get3A_3036] {strides = array<i32>} : memref<4x80xi32, #tpu.memory_space<vmem>>, vector<1x16xi32>,
      %get3A_3038 = vector.shape_cast %get3A_3037 : vector<1x16xi32> to vector<16xi32>
      %swap3A_3039 = arith.constant 1 : i32
      %swap3A_3040 = arith.index_cast %swap3A_3039 : i32 to index
      %swap3A_3041 = arith.constant 0 : index
      %swap3A_3042 = tpu.vector_load %arg13[%swap3A_3040, %swap3A_3041] {strides = array<i32>} : memref<4x80xi32, #tpu.memory_space<vmem>>, vector<1x16xi32>,
      %swap3A_3043 = vector.shape_cast %swap3A_3042 : vector<1x16xi32> to vector<16xi32>
      %swap3A_3044 = vector.shape_cast %get3A_3038 : vector<16xi32> to vector<1x16xi32>
      tpu.vector_store %arg13[%swap3A_3040, %swap3A_3041], %swap3A_3044 {strides = array<i32>} : memref<4x80xi32, #tpu.memory_space<vmem>>, vector<1x16xi32>,
      %get3A_3045 = arith.constant 1 : i32
      %get3A_3046 = arith.index_cast %get3A_3045 : i32 to index
      %get3A_3047 = arith.constant 16 : index
      %get3A_3048 = tpu.vector_load %arg10[%get3A_3046, %get3A_3047] {strides = array<i32>} : memref<4x80xi32, #tpu.memory_space<vmem>>, vector<1x16xi32>,
      %get3A_3049 = vector.shape_cast %get3A_3048 : vector<1x16xi32> to vector<16xi32>
      %swap3A_3050 = arith.constant 1 : i32
      %swap3A_3051 = arith.index_cast %swap3A_3050 : i32 to index
      %swap3A_3052 = arith.constant 16 : index
      %swap3A_3053 = tpu.vector_load %arg12[%swap3A_3051, %swap3A_3052] {strides = array<i32>} : memref<4x80xi32, #tpu.memory_space<vmem>>, vector<1x16xi32>,
      %swap3A_3054 = vector.shape_cast %swap3A_3053 : vector<1x16xi32> to vector<16xi32>
      %swap3A_3055 = vector.shape_cast %get3A_3049 : vector<16xi32> to vector<1x16xi32>
      tpu.vector_store %arg12[%swap3A_3051, %swap3A_3052], %swap3A_3055 {strides = array<i32>} : memref<4x80xi32, #tpu.memory_space<vmem>>, vector<1x16xi32>,
      %get3A_3056 = arith.constant 1 : i32
      %get3A_3057 = arith.index_cast %get3A_3056 : i32 to index
      %get3A_3058 = arith.constant 16 : index
      %get3A_3059 = tpu.vector_load %arg11[%get3A_3057, %get3A_3058] {strides = array<i32>} : memref<4x80xi32, #tpu.memory_space<vmem>>, vector<1x16xi32>,
      %get3A_3060 = vector.shape_cast %get3A_3059 : vector<1x16xi32> to vector<16xi32>
      %swap3A_3061 = arith.constant 1 : i32
      %swap3A_3062 = arith.index_cast %swap3A_3061 : i32 to index
      %swap3A_3063 = arith.constant 16 : index
      %swap3A_3064 = tpu.vector_load %arg13[%swap3A_3062, %swap3A_3063] {strides = array<i32>} : memref<4x80xi32, #tpu.memory_space<vmem>>, vector<1x16xi32>,
      %swap3A_3065 = vector.shape_cast %swap3A_3064 : vector<1x16xi32> to vector<16xi32>
      %swap3A_3066 = vector.shape_cast %get3A_3060 : vector<16xi32> to vector<1x16xi32>
      tpu.vector_store %arg13[%swap3A_3062, %swap3A_3063], %swap3A_3066 {strides = array<i32>} : memref<4x80xi32, #tpu.memory_space<vmem>>, vector<1x16xi32>,
      %get3A_3067 = arith.constant 1 : i32
      %get3A_3068 = arith.index_cast %get3A_3067 : i32 to index
      %get3A_3069 = arith.constant 32 : index
      %get3A_3070 = tpu.vector_load %arg10[%get3A_3068, %get3A_3069] {strides = array<i32>} : memref<4x80xi32, #tpu.memory_space<vmem>>, vector<1x16xi32>,
      %get3A_3071 = vector.shape_cast %get3A_3070 : vector<1x16xi32> to vector<16xi32>
      %swap3A_3072 = arith.constant 1 : i32
      %swap3A_3073 = arith.index_cast %swap3A_3072 : i32 to index
      %swap3A_3074 = arith.constant 32 : index
      %swap3A_3075 = tpu.vector_load %arg12[%swap3A_3073, %swap3A_3074] {strides = array<i32>} : memref<4x80xi32, #tpu.memory_space<vmem>>, vector<1x16xi32>,
      %swap3A_3076 = vector.shape_cast %swap3A_3075 : vector<1x16xi32> to vector<16xi32>
      %swap3A_3077 = vector.shape_cast %get3A_3071 : vector<16xi32> to vector<1x16xi32>
      tpu.vector_store %arg12[%swap3A_3073, %swap3A_3074], %swap3A_3077 {strides = array<i32>} : memref<4x80xi32, #tpu.memory_space<vmem>>, vector<1x16xi32>,
      %get3A_3078 = arith.constant 1 : i32
      %get3A_3079 = arith.index_cast %get3A_3078 : i32 to index
      %get3A_3080 = arith.constant 32 : index
      %get3A_3081 = tpu.vector_load %arg11[%get3A_3079, %get3A_3080] {strides = array<i32>} : memref<4x80xi32, #tpu.memory_space<vmem>>, vector<1x16xi32>,
      %get3A_3082 = vector.shape_cast %get3A_3081 : vector<1x16xi32> to vector<16xi32>
      %swap3A_3083 = arith.constant 1 : i32
      %swap3A_3084 = arith.index_cast %swap3A_3083 : i32 to index
      %swap3A_3085 = arith.constant 32 : index
      %swap3A_3086 = tpu.vector_load %arg13[%swap3A_3084, %swap3A_3085] {strides = array<i32>} : memref<4x80xi32, #tpu.memory_space<vmem>>, vector<1x16xi32>,
      %swap3A_3087 = vector.shape_cast %swap3A_3086 : vector<1x16xi32> to vector<16xi32>
      %swap3A_3088 = vector.shape_cast %get3A_3082 : vector<16xi32> to vector<1x16xi32>
      tpu.vector_store %arg13[%swap3A_3084, %swap3A_3085], %swap3A_3088 {strides = array<i32>} : memref<4x80xi32, #tpu.memory_space<vmem>>, vector<1x16xi32>,
      %get3A_3089 = arith.constant 1 : i32
      %get3A_3090 = arith.index_cast %get3A_3089 : i32 to index
      %get3A_3091 = arith.constant 48 : index
      %get3A_3092 = tpu.vector_load %arg10[%get3A_3090, %get3A_3091] {strides = array<i32>} : memref<4x80xi32, #tpu.memory_space<vmem>>, vector<1x16xi32>,
      %get3A_3093 = vector.shape_cast %get3A_3092 : vector<1x16xi32> to vector<16xi32>
      %swap3A_3094 = arith.constant 1 : i32
      %swap3A_3095 = arith.index_cast %swap3A_3094 : i32 to index
      %swap3A_3096 = arith.constant 48 : index
      %swap3A_3097 = tpu.vector_load %arg12[%swap3A_3095, %swap3A_3096] {strides = array<i32>} : memref<4x80xi32, #tpu.memory_space<vmem>>, vector<1x16xi32>,
      %swap3A_3098 = vector.shape_cast %swap3A_3097 : vector<1x16xi32> to vector<16xi32>
      %swap3A_3099 = vector.shape_cast %get3A_3093 : vector<16xi32> to vector<1x16xi32>
      tpu.vector_store %arg12[%swap3A_3095, %swap3A_3096], %swap3A_3099 {strides = array<i32>} : memref<4x80xi32, #tpu.memory_space<vmem>>, vector<1x16xi32>,
      %get3A_3100 = arith.constant 1 : i32
      %get3A_3101 = arith.index_cast %get3A_3100 : i32 to index
      %get3A_3102 = arith.constant 48 : index
      %get3A_3103 = tpu.vector_load %arg11[%get3A_3101, %get3A_3102] {strides = array<i32>} : memref<4x80xi32, #tpu.memory_space<vmem>>, vector<1x16xi32>,
      %get3A_3104 = vector.shape_cast %get3A_3103 : vector<1x16xi32> to vector<16xi32>
      %swap3A_3105 = arith.constant 1 : i32
      %swap3A_3106 = arith.index_cast %swap3A_3105 : i32 to index
      %swap3A_3107 = arith.constant 48 : index
      %swap3A_3108 = tpu.vector_load %arg13[%swap3A_3106, %swap3A_3107] {strides = array<i32>} : memref<4x80xi32, #tpu.memory_space<vmem>>, vector<1x16xi32>,
      %swap3A_3109 = vector.shape_cast %swap3A_3108 : vector<1x16xi32> to vector<16xi32>
      %swap3A_3110 = vector.shape_cast %get3A_3104 : vector<16xi32> to vector<1x16xi32>
      tpu.vector_store %arg13[%swap3A_3106, %swap3A_3107], %swap3A_3110 {strides = array<i32>} : memref<4x80xi32, #tpu.memory_space<vmem>>, vector<1x16xi32>,
      %get3A_3111 = arith.constant 1 : i32
      %get3A_3112 = arith.index_cast %get3A_3111 : i32 to index
      %get3A_3113 = arith.constant 64 : index
      %get3A_3114 = tpu.vector_load %arg10[%get3A_3112, %get3A_3113] {strides = array<i32>} : memref<4x80xi32, #tpu.memory_space<vmem>>, vector<1x16xi32>,
      %get3A_3115 = vector.shape_cast %get3A_3114 : vector<1x16xi32> to vector<16xi32>
      %swap3A_3116 = arith.constant 1 : i32
      %swap3A_3117 = arith.index_cast %swap3A_3116 : i32 to index
      %swap3A_3118 = arith.constant 64 : index
      %swap3A_3119 = tpu.vector_load %arg12[%swap3A_3117, %swap3A_3118] {strides = array<i32>} : memref<4x80xi32, #tpu.memory_space<vmem>>, vector<1x16xi32>,
      %swap3A_3120 = vector.shape_cast %swap3A_3119 : vector<1x16xi32> to vector<16xi32>
      %swap3A_3121 = vector.shape_cast %get3A_3115 : vector<16xi32> to vector<1x16xi32>
      tpu.vector_store %arg12[%swap3A_3117, %swap3A_3118], %swap3A_3121 {strides = array<i32>} : memref<4x80xi32, #tpu.memory_space<vmem>>, vector<1x16xi32>,
      %get3A_3122 = arith.constant 1 : i32
      %get3A_3123 = arith.index_cast %get3A_3122 : i32 to index
      %get3A_3124 = arith.constant 64 : index
      %get3A_3125 = tpu.vector_load %arg11[%get3A_3123, %get3A_3124] {strides = array<i32>} : memref<4x80xi32, #tpu.memory_space<vmem>>, vector<1x16xi32>,
      %get3A_3126 = vector.shape_cast %get3A_3125 : vector<1x16xi32> to vector<16xi32>
      %swap3A_3127 = arith.constant 1 : i32
      %swap3A_3128 = arith.index_cast %swap3A_3127 : i32 to index
      %swap3A_3129 = arith.constant 64 : index
      %swap3A_3130 = tpu.vector_load %arg13[%swap3A_3128, %swap3A_3129] {strides = array<i32>} : memref<4x80xi32, #tpu.memory_space<vmem>>, vector<1x16xi32>,
      %swap3A_3131 = vector.shape_cast %swap3A_3130 : vector<1x16xi32> to vector<16xi32>
      %swap3A_3132 = vector.shape_cast %get3A_3126 : vector<16xi32> to vector<1x16xi32>
      tpu.vector_store %arg13[%swap3A_3128, %swap3A_3129], %swap3A_3132 {strides = array<i32>} : memref<4x80xi32, #tpu.memory_space<vmem>>, vector<1x16xi32>,
      %dma_start3A_3133 = arith.constant 1 : i32
      %dma_start3A_3134 = arith.constant 1 : i32
      %dma_start3A_3135 = arith.constant 0 : i32
      %dma_start3A_3136 = arith.constant 0 : i32
      %dma_start3A_3137 = tpu.memref_slice %arg14[%dma_start3A_3133, %dma_start3A_3135, %dma_start3A_3136] : memref<4x80x128xf32, #tpu.memory_space<vmem>> -> memref<1x80x128xf32, #tpu.memory_space<vmem>>
      %dma_start3A_3138 = tpu.memref_squeeze %dma_start3A_3137 : memref<1x80x128xf32, #tpu.memory_space<vmem>> -> memref<80x128xf32, #tpu.memory_space<vmem>>
      %dma_start3A_3139 = arith.constant 0 : i32
      %dma_start3A_3140 = tpu.memref_slice %arg13[%dma_start3A_3134, %dma_start3A_3139] : memref<4x80xi32, #tpu.memory_space<vmem>> -> memref<1x80xi32, #tpu.memory_space<vmem>>
      %dma_start3A_3141 = tpu.memref_squeeze %dma_start3A_3140 : memref<1x80xi32, #tpu.memory_space<vmem>> -> memref<80xi32, #tpu.memory_space<vmem>>
      %dma_start3A_3142 = arith.constant 0 : i32
      %dma_start3A_3143 = arith.constant 0 : i32
      %dma_start3A_3144 = tpu.memref_slice %arg8[%dma_start3A_3142, %dma_start3A_3143] : memref<10000x128xf32, #tpu.memory_space<vmem_shared>> -> memref<10000x128xf32, #tpu.memory_space<vmem_shared>>
      tpu.enqueue_indirect_dma source(%dma_start3A_3138 : memref<80x128xf32, #tpu.memory_space<vmem>>) target(%dma_start3A_3144 : memref<10000x128xf32, #tpu.memory_space<vmem_shared>>) offsets(%dma_start3A_3141 : memref<80xi32, #tpu.memory_space<vmem>>) semaphore(%arg30 : memref<!tpu.dma_semaphore, #tpu.memory_space<semaphore_mem>>) {add = true}
      %dma_start3A_3145 = arith.constant 1 : i32
      %dma_start3A_3146 = arith.constant 1 : i32
      %dma_start3A_3147 = arith.constant 0 : i32
      %dma_start3A_3148 = tpu.memref_slice %arg15[%dma_start3A_3145, %dma_start3A_3147] : memref<4x80xf32, #tpu.memory_space<vmem>> -> memref<1x80xf32, #tpu.memory_space<vmem>>
      %dma_start3A_3149 = tpu.memref_squeeze %dma_start3A_3148 : memref<1x80xf32, #tpu.memory_space<vmem>> -> memref<80xf32, #tpu.memory_space<vmem>>
      %dma_start3A_3150 = arith.constant 0 : i32
      %dma_start3A_3151 = tpu.memref_slice %arg12[%dma_start3A_3146, %dma_start3A_3150] : memref<4x80xi32, #tpu.memory_space<vmem>> -> memref<1x80xi32, #tpu.memory_space<vmem>>
      %dma_start3A_3152 = tpu.memref_squeeze %dma_start3A_3151 : memref<1x80xi32, #tpu.memory_space<vmem>> -> memref<80xi32, #tpu.memory_space<vmem>>
      %dma_start3A_3153 = arith.constant 0 : i32
      %dma_start3A_3154 = tpu.memref_slice %arg9[%dma_start3A_3153] : memref<10240xf32, #tpu.memory_space<vmem_shared>> -> memref<10240xf32, #tpu.memory_space<vmem_shared>>
      tpu.enqueue_indirect_dma source(%dma_start3A_3149 : memref<80xf32, #tpu.memory_space<vmem>>) target(%dma_start3A_3154 : memref<10240xf32, #tpu.memory_space<vmem_shared>>) offsets(%dma_start3A_3152 : memref<80xi32, #tpu.memory_space<vmem>>) semaphore(%arg34 : memref<!tpu.dma_semaphore, #tpu.memory_space<semaphore_mem>>) {add = true}
      %add3A_3155 = arith.constant 3 : i32
      %add3A_3156 = arith.addi %mul3A_2380, %add3A_3155 : i32
      %dma_wait3A_3157 = arith.constant 3 : i32
      %dma_wait3A_3158 = arith.constant 3 : i32
      %dma_wait3A_3159 = arith.constant 0 : i32
      %dma_wait3A_3160 = arith.constant 0 : i32
      %dma_wait3A_3161 = tpu.memref_slice %arg14[%dma_wait3A_3157, %dma_wait3A_3159, %dma_wait3A_3160] : memref<4x80x128xf32, #tpu.memory_space<vmem>> -> memref<1x80x128xf32, #tpu.memory_space<vmem>>
      %dma_wait3A_3162 = tpu.memref_squeeze %dma_wait3A_3161 : memref<1x80x128xf32, #tpu.memory_space<vmem>> -> memref<80x128xf32, #tpu.memory_space<vmem>>
      %dma_wait3A_3163 = arith.constant 0 : i32
      %dma_wait3A_3164 = tpu.memref_slice %arg13[%dma_wait3A_3158, %dma_wait3A_3163] : memref<4x80xi32, #tpu.memory_space<vmem>> -> memref<1x80xi32, #tpu.memory_space<vmem>>
      %dma_wait3A_3165 = tpu.memref_squeeze %dma_wait3A_3164 : memref<1x80xi32, #tpu.memory_space<vmem>> -> memref<80xi32, #tpu.memory_space<vmem>>
      %dma_wait3A_3166 = arith.constant 0 : i32
      %dma_wait3A_3167 = arith.constant 0 : i32
      %dma_wait3A_3168 = tpu.memref_slice %arg8[%dma_wait3A_3166, %dma_wait3A_3167] : memref<10000x128xf32, #tpu.memory_space<vmem_shared>> -> memref<10000x128xf32, #tpu.memory_space<vmem_shared>>
      tpu.wait_indirect_dma semaphore(%arg32 : memref<!tpu.dma_semaphore, #tpu.memory_space<semaphore_mem>>) src(%dma_wait3A_3162 : memref<80x128xf32, #tpu.memory_space<vmem>>) dst(%dma_wait3A_3168 : memref<10000x128xf32, #tpu.memory_space<vmem_shared>>)
      %dma_wait3A_3169 = arith.constant 3 : i32
      %dma_wait3A_3170 = arith.constant 3 : i32
      %dma_wait3A_3171 = arith.constant 0 : i32
      %dma_wait3A_3172 = tpu.memref_slice %arg15[%dma_wait3A_3169, %dma_wait3A_3171] : memref<4x80xf32, #tpu.memory_space<vmem>> -> memref<1x80xf32, #tpu.memory_space<vmem>>
      %dma_wait3A_3173 = tpu.memref_squeeze %dma_wait3A_3172 : memref<1x80xf32, #tpu.memory_space<vmem>> -> memref<80xf32, #tpu.memory_space<vmem>>
      %dma_wait3A_3174 = arith.constant 0 : i32
      %dma_wait3A_3175 = tpu.memref_slice %arg12[%dma_wait3A_3170, %dma_wait3A_3174] : memref<4x80xi32, #tpu.memory_space<vmem>> -> memref<1x80xi32, #tpu.memory_space<vmem>>
      %dma_wait3A_3176 = tpu.memref_squeeze %dma_wait3A_3175 : memref<1x80xi32, #tpu.memory_space<vmem>> -> memref<80xi32, #tpu.memory_space<vmem>>
      %dma_wait3A_3177 = arith.constant 0 : i32
      %dma_wait3A_3178 = tpu.memref_slice %arg9[%dma_wait3A_3177] : memref<10240xf32, #tpu.memory_space<vmem_shared>> -> memref<10240xf32, #tpu.memory_space<vmem_shared>>
      tpu.wait_indirect_dma semaphore(%arg36 : memref<!tpu.dma_semaphore, #tpu.memory_space<semaphore_mem>>) src(%dma_wait3A_3173 : memref<80xf32, #tpu.memory_space<vmem>>) dst(%dma_wait3A_3178 : memref<10240xf32, #tpu.memory_space<vmem_shared>>)
      %add3A_3179 = arith.constant 2 : i32
      %add3A_3180 = arith.addi %add3A_3156, %add3A_3179 : i32
      %add3A_3181 = arith.addi %mul3A_3, %add3A_3180 : i32
      %dma_start3A_3182 = arith.constant 1 : i32
      %dma_start3A_3183 = arith.constant 0 : i32
      %dma_start3A_3184 = tpu.memref_slice %arg10[%dma_start3A_3182, %dma_start3A_3183] : memref<4x80xi32, #tpu.memory_space<vmem>> -> memref<1x80xi32, #tpu.memory_space<vmem>>
      %dma_start3A_3185 = tpu.memref_squeeze %dma_start3A_3184 : memref<1x80xi32, #tpu.memory_space<vmem>> -> memref<80xi32, #tpu.memory_space<vmem>>
      %dma_start3A_3186 = arith.constant 0 : i32
      %dma_start3A_3187 = tpu.memref_slice %arg2[%add3A_3181, %dma_start3A_3186] : memref<4000x80xi32, #tpu.memory_space<hbm>> -> memref<1x80xi32, #tpu.memory_space<hbm>>
      %dma_start3A_3188 = tpu.memref_squeeze %dma_start3A_3187 : memref<1x80xi32, #tpu.memory_space<hbm>> -> memref<80xi32, #tpu.memory_space<hbm>>
      %dma_start3A_3189 = arith.constant 0 : i32
      %dma_start3A_3190 = tpu.memref_slice %arg10[%dma_start3A_3182, %dma_start3A_3189] : memref<4x80xi32, #tpu.memory_space<vmem>> -> memref<1x80xi32, #tpu.memory_space<vmem>>
      %dma_start3A_3191 = tpu.memref_squeeze %dma_start3A_3190 : memref<1x80xi32, #tpu.memory_space<vmem>> -> memref<80xi32, #tpu.memory_space<vmem>>
      %dma_start3A_3192 = arith.constant 0 : i32
      %dma_start3A_3193 = tpu.memref_slice %arg2[%add3A_3181, %dma_start3A_3192] : memref<4000x80xi32, #tpu.memory_space<hbm>> -> memref<1x80xi32, #tpu.memory_space<hbm>>
      %dma_start3A_3194 = tpu.memref_squeeze %dma_start3A_3193 : memref<1x80xi32, #tpu.memory_space<hbm>> -> memref<80xi32, #tpu.memory_space<hbm>>
      tpu.enqueue_dma source(%dma_start3A_3194 : memref<80xi32, #tpu.memory_space<hbm>>) target(%dma_start3A_3191 : memref<80xi32, #tpu.memory_space<vmem>>) target_semaphore(%arg18 : memref<!tpu.dma_semaphore, #tpu.memory_space<semaphore_mem>>)
      %add3A_3195 = arith.addi %mul3A_3, %add3A_3180 : i32
      %dma_start3A_3196 = arith.constant 1 : i32
      %dma_start3A_3197 = arith.constant 0 : i32
      %dma_start3A_3198 = tpu.memref_slice %arg11[%dma_start3A_3196, %dma_start3A_3197] : memref<4x80xi32, #tpu.memory_space<vmem>> -> memref<1x80xi32, #tpu.memory_space<vmem>>
      %dma_start3A_3199 = tpu.memref_squeeze %dma_start3A_3198 : memref<1x80xi32, #tpu.memory_space<vmem>> -> memref<80xi32, #tpu.memory_space<vmem>>
      %dma_start3A_3200 = arith.constant 0 : i32
      %dma_start3A_3201 = tpu.memref_slice %arg3[%add3A_3195, %dma_start3A_3200] : memref<4000x80xi32, #tpu.memory_space<hbm>> -> memref<1x80xi32, #tpu.memory_space<hbm>>
      %dma_start3A_3202 = tpu.memref_squeeze %dma_start3A_3201 : memref<1x80xi32, #tpu.memory_space<hbm>> -> memref<80xi32, #tpu.memory_space<hbm>>
      %dma_start3A_3203 = arith.constant 0 : i32
      %dma_start3A_3204 = tpu.memref_slice %arg11[%dma_start3A_3196, %dma_start3A_3203] : memref<4x80xi32, #tpu.memory_space<vmem>> -> memref<1x80xi32, #tpu.memory_space<vmem>>
      %dma_start3A_3205 = tpu.memref_squeeze %dma_start3A_3204 : memref<1x80xi32, #tpu.memory_space<vmem>> -> memref<80xi32, #tpu.memory_space<vmem>>
      %dma_start3A_3206 = arith.constant 0 : i32
      %dma_start3A_3207 = tpu.memref_slice %arg3[%add3A_3195, %dma_start3A_3206] : memref<4000x80xi32, #tpu.memory_space<hbm>> -> memref<1x80xi32, #tpu.memory_space<hbm>>
      %dma_start3A_3208 = tpu.memref_squeeze %dma_start3A_3207 : memref<1x80xi32, #tpu.memory_space<hbm>> -> memref<80xi32, #tpu.memory_space<hbm>>
      tpu.enqueue_dma source(%dma_start3A_3208 : memref<80xi32, #tpu.memory_space<hbm>>) target(%dma_start3A_3205 : memref<80xi32, #tpu.memory_space<vmem>>) target_semaphore(%arg18 : memref<!tpu.dma_semaphore, #tpu.memory_space<semaphore_mem>>)
      %add3A_3209 = arith.addi %mul3A_3, %add3A_3156 : i32
      %dma_wait3A_3210 = arith.constant 3 : i32
      %dma_wait3A_3211 = arith.constant 0 : i32
      %dma_wait3A_3212 = tpu.memref_slice %arg10[%dma_wait3A_3210, %dma_wait3A_3211] : memref<4x80xi32, #tpu.memory_space<vmem>> -> memref<1x80xi32, #tpu.memory_space<vmem>>
      %dma_wait3A_3213 = tpu.memref_squeeze %dma_wait3A_3212 : memref<1x80xi32, #tpu.memory_space<vmem>> -> memref<80xi32, #tpu.memory_space<vmem>>
      %dma_wait3A_3214 = arith.constant 0 : i32
      %dma_wait3A_3215 = tpu.memref_slice %arg2[%add3A_3209, %dma_wait3A_3214] : memref<4000x80xi32, #tpu.memory_space<hbm>> -> memref<1x80xi32, #tpu.memory_space<hbm>>
      %dma_wait3A_3216 = tpu.memref_squeeze %dma_wait3A_3215 : memref<1x80xi32, #tpu.memory_space<hbm>> -> memref<80xi32, #tpu.memory_space<hbm>>
      %dma_wait3A_3217 = arith.constant 0 : i32
      %dma_wait3A_3218 = tpu.memref_slice %arg10[%dma_wait3A_3210, %dma_wait3A_3217] : memref<4x80xi32, #tpu.memory_space<vmem>> -> memref<1x80xi32, #tpu.memory_space<vmem>>
      %dma_wait3A_3219 = tpu.memref_squeeze %dma_wait3A_3218 : memref<1x80xi32, #tpu.memory_space<vmem>> -> memref<80xi32, #tpu.memory_space<vmem>>
      %dma_wait3A_3220 = arith.constant 0 : i32
      %dma_wait3A_3221 = tpu.memref_slice %arg2[%add3A_3209, %dma_wait3A_3220] : memref<4000x80xi32, #tpu.memory_space<hbm>> -> memref<1x80xi32, #tpu.memory_space<hbm>>
      %dma_wait3A_3222 = tpu.memref_squeeze %dma_wait3A_3221 : memref<1x80xi32, #tpu.memory_space<hbm>> -> memref<80xi32, #tpu.memory_space<hbm>>
      tpu.wait_dma2 semaphore(%arg20 : memref<!tpu.dma_semaphore, #tpu.memory_space<semaphore_mem>>) src(%dma_wait3A_3222 : memref<80xi32, #tpu.memory_space<hbm>>) dst(%dma_wait3A_3219 : memref<80xi32, #tpu.memory_space<vmem>>)
      %add3A_3223 = arith.addi %mul3A_3, %add3A_3156 : i32
      %dma_wait3A_3224 = arith.constant 3 : i32
      %dma_wait3A_3225 = arith.constant 0 : i32
      %dma_wait3A_3226 = tpu.memref_slice %arg11[%dma_wait3A_3224, %dma_wait3A_3225] : memref<4x80xi32, #tpu.memory_space<vmem>> -> memref<1x80xi32, #tpu.memory_space<vmem>>
      %dma_wait3A_3227 = tpu.memref_squeeze %dma_wait3A_3226 : memref<1x80xi32, #tpu.memory_space<vmem>> -> memref<80xi32, #tpu.memory_space<vmem>>
      %dma_wait3A_3228 = arith.constant 0 : i32
      %dma_wait3A_3229 = tpu.memref_slice %arg3[%add3A_3223, %dma_wait3A_3228] : memref<4000x80xi32, #tpu.memory_space<hbm>> -> memref<1x80xi32, #tpu.memory_space<hbm>>
      %dma_wait3A_3230 = tpu.memref_squeeze %dma_wait3A_3229 : memref<1x80xi32, #tpu.memory_space<hbm>> -> memref<80xi32, #tpu.memory_space<hbm>>
      %dma_wait3A_3231 = arith.constant 0 : i32
      %dma_wait3A_3232 = tpu.memref_slice %arg11[%dma_wait3A_3224, %dma_wait3A_3231] : memref<4x80xi32, #tpu.memory_space<vmem>> -> memref<1x80xi32, #tpu.memory_space<vmem>>
      %dma_wait3A_3233 = tpu.memref_squeeze %dma_wait3A_3232 : memref<1x80xi32, #tpu.memory_space<vmem>> -> memref<80xi32, #tpu.memory_space<vmem>>
      %dma_wait3A_3234 = arith.constant 0 : i32
      %dma_wait3A_3235 = tpu.memref_slice %arg3[%add3A_3223, %dma_wait3A_3234] : memref<4000x80xi32, #tpu.memory_space<hbm>> -> memref<1x80xi32, #tpu.memory_space<hbm>>
      %dma_wait3A_3236 = tpu.memref_squeeze %dma_wait3A_3235 : memref<1x80xi32, #tpu.memory_space<hbm>> -> memref<80xi32, #tpu.memory_space<hbm>>
      tpu.wait_dma2 semaphore(%arg20 : memref<!tpu.dma_semaphore, #tpu.memory_space<semaphore_mem>>) src(%dma_wait3A_3236 : memref<80xi32, #tpu.memory_space<hbm>>) dst(%dma_wait3A_3233 : memref<80xi32, #tpu.memory_space<vmem>>)
      %dma_start3A_3237 = arith.constant 3 : i32
      %dma_start3A_3238 = arith.constant 3 : i32
      %dma_start3A_3239 = arith.constant 0 : i32
      %dma_start3A_3240 = arith.constant 0 : i32
      %dma_start3A_3241 = tpu.memref_slice %arg14[%dma_start3A_3238, %dma_start3A_3239, %dma_start3A_3240] : memref<4x80x128xf32, #tpu.memory_space<vmem>> -> memref<1x80x128xf32, #tpu.memory_space<vmem>>
      %dma_start3A_3242 = tpu.memref_squeeze %dma_start3A_3241 : memref<1x80x128xf32, #tpu.memory_space<vmem>> -> memref<80x128xf32, #tpu.memory_space<vmem>>
      %dma_start3A_3243 = arith.constant 0 : i32
      %dma_start3A_3244 = tpu.memref_slice %arg10[%dma_start3A_3237, %dma_start3A_3243] : memref<4x80xi32, #tpu.memory_space<vmem>> -> memref<1x80xi32, #tpu.memory_space<vmem>>
      %dma_start3A_3245 = tpu.memref_squeeze %dma_start3A_3244 : memref<1x80xi32, #tpu.memory_space<vmem>> -> memref<80xi32, #tpu.memory_space<vmem>>
      %dma_start3A_3246 = arith.constant 0 : i32
      %dma_start3A_3247 = arith.constant 0 : i32
      %dma_start3A_3248 = tpu.memref_slice %arg4[%dma_start3A_3246, %dma_start3A_3247] : memref<10000x128xf32, #tpu.memory_space<hbm>> -> memref<10000x128xf32, #tpu.memory_space<hbm>>
      tpu.enqueue_indirect_dma source(%dma_start3A_3248 : memref<10000x128xf32, #tpu.memory_space<hbm>>) target(%dma_start3A_3242 : memref<80x128xf32, #tpu.memory_space<vmem>>) offsets(%dma_start3A_3245 : memref<80xi32, #tpu.memory_space<vmem>>) semaphore(%arg24 : memref<!tpu.dma_semaphore, #tpu.memory_space<semaphore_mem>>)
      %dma_start3A_3249 = arith.constant 3 : i32
      %dma_start3A_3250 = arith.constant 3 : i32
      %dma_start3A_3251 = arith.constant 0 : i32
      %dma_start3A_3252 = tpu.memref_slice %arg15[%dma_start3A_3250, %dma_start3A_3251] : memref<4x80xf32, #tpu.memory_space<vmem>> -> memref<1x80xf32, #tpu.memory_space<vmem>>
      %dma_start3A_3253 = tpu.memref_squeeze %dma_start3A_3252 : memref<1x80xf32, #tpu.memory_space<vmem>> -> memref<80xf32, #tpu.memory_space<vmem>>
      %dma_start3A_3254 = arith.constant 0 : i32
      %dma_start3A_3255 = tpu.memref_slice %arg11[%dma_start3A_3249, %dma_start3A_3254] : memref<4x80xi32, #tpu.memory_space<vmem>> -> memref<1x80xi32, #tpu.memory_space<vmem>>
      %dma_start3A_3256 = tpu.memref_squeeze %dma_start3A_3255 : memref<1x80xi32, #tpu.memory_space<vmem>> -> memref<80xi32, #tpu.memory_space<vmem>>
      %dma_start3A_3257 = arith.constant 0 : i32
      %dma_start3A_3258 = tpu.memref_slice %arg5[%dma_start3A_3257] : memref<10000xf32, #tpu.memory_space<hbm>> -> memref<10000xf32, #tpu.memory_space<hbm>>
      tpu.enqueue_indirect_dma source(%dma_start3A_3258 : memref<10000xf32, #tpu.memory_space<hbm>>) target(%dma_start3A_3253 : memref<80xf32, #tpu.memory_space<vmem>>) offsets(%dma_start3A_3256 : memref<80xi32, #tpu.memory_space<vmem>>) semaphore(%arg28 : memref<!tpu.dma_semaphore, #tpu.memory_space<semaphore_mem>>)
      %dma_wait3A_3259 = arith.constant 2 : i32
      %dma_wait3A_3260 = arith.constant 2 : i32
      %dma_wait3A_3261 = arith.constant 0 : i32
      %dma_wait3A_3262 = arith.constant 0 : i32
      %dma_wait3A_3263 = tpu.memref_slice %arg14[%dma_wait3A_3260, %dma_wait3A_3261, %dma_wait3A_3262] : memref<4x80x128xf32, #tpu.memory_space<vmem>> -> memref<1x80x128xf32, #tpu.memory_space<vmem>>
      %dma_wait3A_3264 = tpu.memref_squeeze %dma_wait3A_3263 : memref<1x80x128xf32, #tpu.memory_space<vmem>> -> memref<80x128xf32, #tpu.memory_space<vmem>>
      %dma_wait3A_3265 = arith.constant 0 : i32
      %dma_wait3A_3266 = tpu.memref_slice %arg10[%dma_wait3A_3259, %dma_wait3A_3265] : memref<4x80xi32, #tpu.memory_space<vmem>> -> memref<1x80xi32, #tpu.memory_space<vmem>>
      %dma_wait3A_3267 = tpu.memref_squeeze %dma_wait3A_3266 : memref<1x80xi32, #tpu.memory_space<vmem>> -> memref<80xi32, #tpu.memory_space<vmem>>
      %dma_wait3A_3268 = arith.constant 0 : i32
      %dma_wait3A_3269 = arith.constant 0 : i32
      %dma_wait3A_3270 = tpu.memref_slice %arg4[%dma_wait3A_3268, %dma_wait3A_3269] : memref<10000x128xf32, #tpu.memory_space<hbm>> -> memref<10000x128xf32, #tpu.memory_space<hbm>>
      tpu.wait_indirect_dma semaphore(%arg23 : memref<!tpu.dma_semaphore, #tpu.memory_space<semaphore_mem>>) src(%dma_wait3A_3270 : memref<10000x128xf32, #tpu.memory_space<hbm>>) dst(%dma_wait3A_3264 : memref<80x128xf32, #tpu.memory_space<vmem>>)
      %dma_wait3A_3271 = arith.constant 2 : i32
      %dma_wait3A_3272 = arith.constant 2 : i32
      %dma_wait3A_3273 = arith.constant 0 : i32
      %dma_wait3A_3274 = tpu.memref_slice %arg15[%dma_wait3A_3272, %dma_wait3A_3273] : memref<4x80xf32, #tpu.memory_space<vmem>> -> memref<1x80xf32, #tpu.memory_space<vmem>>
      %dma_wait3A_3275 = tpu.memref_squeeze %dma_wait3A_3274 : memref<1x80xf32, #tpu.memory_space<vmem>> -> memref<80xf32, #tpu.memory_space<vmem>>
      %dma_wait3A_3276 = arith.constant 0 : i32
      %dma_wait3A_3277 = tpu.memref_slice %arg11[%dma_wait3A_3271, %dma_wait3A_3276] : memref<4x80xi32, #tpu.memory_space<vmem>> -> memref<1x80xi32, #tpu.memory_space<vmem>>
      %dma_wait3A_3278 = tpu.memref_squeeze %dma_wait3A_3277 : memref<1x80xi32, #tpu.memory_space<vmem>> -> memref<80xi32, #tpu.memory_space<vmem>>
      %dma_wait3A_3279 = arith.constant 0 : i32
      %dma_wait3A_3280 = tpu.memref_slice %arg5[%dma_wait3A_3279] : memref<10000xf32, #tpu.memory_space<hbm>> -> memref<10000xf32, #tpu.memory_space<hbm>>
      tpu.wait_indirect_dma semaphore(%arg27 : memref<!tpu.dma_semaphore, #tpu.memory_space<semaphore_mem>>) src(%dma_wait3A_3280 : memref<10000xf32, #tpu.memory_space<hbm>>) dst(%dma_wait3A_3275 : memref<80xf32, #tpu.memory_space<vmem>>)
      %get3A_3281 = arith.constant 2 : i32
      %get3A_3282 = arith.index_cast %get3A_3281 : i32 to index
      %get3A_3283 = arith.constant 0 : index
      %get3A_3284 = tpu.vector_load %arg10[%get3A_3282, %get3A_3283] {strides = array<i32>} : memref<4x80xi32, #tpu.memory_space<vmem>>, vector<1x16xi32>,
      %get3A_3285 = vector.shape_cast %get3A_3284 : vector<1x16xi32> to vector<16xi32>
      %swap3A_3286 = arith.constant 2 : i32
      %swap3A_3287 = arith.index_cast %swap3A_3286 : i32 to index
      %swap3A_3288 = arith.constant 0 : index
      %swap3A_3289 = tpu.vector_load %arg12[%swap3A_3287, %swap3A_3288] {strides = array<i32>} : memref<4x80xi32, #tpu.memory_space<vmem>>, vector<1x16xi32>,
      %swap3A_3290 = vector.shape_cast %swap3A_3289 : vector<1x16xi32> to vector<16xi32>
      %swap3A_3291 = vector.shape_cast %get3A_3285 : vector<16xi32> to vector<1x16xi32>
      tpu.vector_store %arg12[%swap3A_3287, %swap3A_3288], %swap3A_3291 {strides = array<i32>} : memref<4x80xi32, #tpu.memory_space<vmem>>, vector<1x16xi32>,
      %get3A_3292 = arith.constant 2 : i32
      %get3A_3293 = arith.index_cast %get3A_3292 : i32 to index
      %get3A_3294 = arith.constant 0 : index
      %get3A_3295 = tpu.vector_load %arg11[%get3A_3293, %get3A_3294] {strides = array<i32>} : memref<4x80xi32, #tpu.memory_space<vmem>>, vector<1x16xi32>,
      %get3A_3296 = vector.shape_cast %get3A_3295 : vector<1x16xi32> to vector<16xi32>
      %swap3A_3297 = arith.constant 2 : i32
      %swap3A_3298 = arith.index_cast %swap3A_3297 : i32 to index
      %swap3A_3299 = arith.constant 0 : index
      %swap3A_3300 = tpu.vector_load %arg13[%swap3A_3298, %swap3A_3299] {strides = array<i32>} : memref<4x80xi32, #tpu.memory_space<vmem>>, vector<1x16xi32>,
      %swap3A_3301 = vector.shape_cast %swap3A_3300 : vector<1x16xi32> to vector<16xi32>
      %swap3A_3302 = vector.shape_cast %get3A_3296 : vector<16xi32> to vector<1x16xi32>
      tpu.vector_store %arg13[%swap3A_3298, %swap3A_3299], %swap3A_3302 {strides = array<i32>} : memref<4x80xi32, #tpu.memory_space<vmem>>, vector<1x16xi32>,
      %get3A_3303 = arith.constant 2 : i32
      %get3A_3304 = arith.index_cast %get3A_3303 : i32 to index
      %get3A_3305 = arith.constant 16 : index
      %get3A_3306 = tpu.vector_load %arg10[%get3A_3304, %get3A_3305] {strides = array<i32>} : memref<4x80xi32, #tpu.memory_space<vmem>>, vector<1x16xi32>,
      %get3A_3307 = vector.shape_cast %get3A_3306 : vector<1x16xi32> to vector<16xi32>
      %swap3A_3308 = arith.constant 2 : i32
      %swap3A_3309 = arith.index_cast %swap3A_3308 : i32 to index
      %swap3A_3310 = arith.constant 16 : index
      %swap3A_3311 = tpu.vector_load %arg12[%swap3A_3309, %swap3A_3310] {strides = array<i32>} : memref<4x80xi32, #tpu.memory_space<vmem>>, vector<1x16xi32>,
      %swap3A_3312 = vector.shape_cast %swap3A_3311 : vector<1x16xi32> to vector<16xi32>
      %swap3A_3313 = vector.shape_cast %get3A_3307 : vector<16xi32> to vector<1x16xi32>
      tpu.vector_store %arg12[%swap3A_3309, %swap3A_3310], %swap3A_3313 {strides = array<i32>} : memref<4x80xi32, #tpu.memory_space<vmem>>, vector<1x16xi32>,
      %get3A_3314 = arith.constant 2 : i32
      %get3A_3315 = arith.index_cast %get3A_3314 : i32 to index
      %get3A_3316 = arith.constant 16 : index
      %get3A_3317 = tpu.vector_load %arg11[%get3A_3315, %get3A_3316] {strides = array<i32>} : memref<4x80xi32, #tpu.memory_space<vmem>>, vector<1x16xi32>,
      %get3A_3318 = vector.shape_cast %get3A_3317 : vector<1x16xi32> to vector<16xi32>
      %swap3A_3319 = arith.constant 2 : i32
      %swap3A_3320 = arith.index_cast %swap3A_3319 : i32 to index
      %swap3A_3321 = arith.constant 16 : index
      %swap3A_3322 = tpu.vector_load %arg13[%swap3A_3320, %swap3A_3321] {strides = array<i32>} : memref<4x80xi32, #tpu.memory_space<vmem>>, vector<1x16xi32>,
      %swap3A_3323 = vector.shape_cast %swap3A_3322 : vector<1x16xi32> to vector<16xi32>
      %swap3A_3324 = vector.shape_cast %get3A_3318 : vector<16xi32> to vector<1x16xi32>
      tpu.vector_store %arg13[%swap3A_3320, %swap3A_3321], %swap3A_3324 {strides = array<i32>} : memref<4x80xi32, #tpu.memory_space<vmem>>, vector<1x16xi32>,
      %get3A_3325 = arith.constant 2 : i32
      %get3A_3326 = arith.index_cast %get3A_3325 : i32 to index
      %get3A_3327 = arith.constant 32 : index
      %get3A_3328 = tpu.vector_load %arg10[%get3A_3326, %get3A_3327] {strides = array<i32>} : memref<4x80xi32, #tpu.memory_space<vmem>>, vector<1x16xi32>,
      %get3A_3329 = vector.shape_cast %get3A_3328 : vector<1x16xi32> to vector<16xi32>
      %swap3A_3330 = arith.constant 2 : i32
      %swap3A_3331 = arith.index_cast %swap3A_3330 : i32 to index
      %swap3A_3332 = arith.constant 32 : index
      %swap3A_3333 = tpu.vector_load %arg12[%swap3A_3331, %swap3A_3332] {strides = array<i32>} : memref<4x80xi32, #tpu.memory_space<vmem>>, vector<1x16xi32>,
      %swap3A_3334 = vector.shape_cast %swap3A_3333 : vector<1x16xi32> to vector<16xi32>
      %swap3A_3335 = vector.shape_cast %get3A_3329 : vector<16xi32> to vector<1x16xi32>
      tpu.vector_store %arg12[%swap3A_3331, %swap3A_3332], %swap3A_3335 {strides = array<i32>} : memref<4x80xi32, #tpu.memory_space<vmem>>, vector<1x16xi32>,
      %get3A_3336 = arith.constant 2 : i32
      %get3A_3337 = arith.index_cast %get3A_3336 : i32 to index
      %get3A_3338 = arith.constant 32 : index
      %get3A_3339 = tpu.vector_load %arg11[%get3A_3337, %get3A_3338] {strides = array<i32>} : memref<4x80xi32, #tpu.memory_space<vmem>>, vector<1x16xi32>,
      %get3A_3340 = vector.shape_cast %get3A_3339 : vector<1x16xi32> to vector<16xi32>
      %swap3A_3341 = arith.constant 2 : i32
      %swap3A_3342 = arith.index_cast %swap3A_3341 : i32 to index
      %swap3A_3343 = arith.constant 32 : index
      %swap3A_3344 = tpu.vector_load %arg13[%swap3A_3342, %swap3A_3343] {strides = array<i32>} : memref<4x80xi32, #tpu.memory_space<vmem>>, vector<1x16xi32>,
      %swap3A_3345 = vector.shape_cast %swap3A_3344 : vector<1x16xi32> to vector<16xi32>
      %swap3A_3346 = vector.shape_cast %get3A_3340 : vector<16xi32> to vector<1x16xi32>
      tpu.vector_store %arg13[%swap3A_3342, %swap3A_3343], %swap3A_3346 {strides = array<i32>} : memref<4x80xi32, #tpu.memory_space<vmem>>, vector<1x16xi32>,
      %get3A_3347 = arith.constant 2 : i32
      %get3A_3348 = arith.index_cast %get3A_3347 : i32 to index
      %get3A_3349 = arith.constant 48 : index
      %get3A_3350 = tpu.vector_load %arg10[%get3A_3348, %get3A_3349] {strides = array<i32>} : memref<4x80xi32, #tpu.memory_space<vmem>>, vector<1x16xi32>,
      %get3A_3351 = vector.shape_cast %get3A_3350 : vector<1x16xi32> to vector<16xi32>
      %swap3A_3352 = arith.constant 2 : i32
      %swap3A_3353 = arith.index_cast %swap3A_3352 : i32 to index
      %swap3A_3354 = arith.constant 48 : index
      %swap3A_3355 = tpu.vector_load %arg12[%swap3A_3353, %swap3A_3354] {strides = array<i32>} : memref<4x80xi32, #tpu.memory_space<vmem>>, vector<1x16xi32>,
      %swap3A_3356 = vector.shape_cast %swap3A_3355 : vector<1x16xi32> to vector<16xi32>
      %swap3A_3357 = vector.shape_cast %get3A_3351 : vector<16xi32> to vector<1x16xi32>
      tpu.vector_store %arg12[%swap3A_3353, %swap3A_3354], %swap3A_3357 {strides = array<i32>} : memref<4x80xi32, #tpu.memory_space<vmem>>, vector<1x16xi32>,
      %get3A_3358 = arith.constant 2 : i32
      %get3A_3359 = arith.index_cast %get3A_3358 : i32 to index
      %get3A_3360 = arith.constant 48 : index
      %get3A_3361 = tpu.vector_load %arg11[%get3A_3359, %get3A_3360] {strides = array<i32>} : memref<4x80xi32, #tpu.memory_space<vmem>>, vector<1x16xi32>,
      %get3A_3362 = vector.shape_cast %get3A_3361 : vector<1x16xi32> to vector<16xi32>
      %swap3A_3363 = arith.constant 2 : i32
      %swap3A_3364 = arith.index_cast %swap3A_3363 : i32 to index
      %swap3A_3365 = arith.constant 48 : index
      %swap3A_3366 = tpu.vector_load %arg13[%swap3A_3364, %swap3A_3365] {strides = array<i32>} : memref<4x80xi32, #tpu.memory_space<vmem>>, vector<1x16xi32>,
      %swap3A_3367 = vector.shape_cast %swap3A_3366 : vector<1x16xi32> to vector<16xi32>
      %swap3A_3368 = vector.shape_cast %get3A_3362 : vector<16xi32> to vector<1x16xi32>
      tpu.vector_store %arg13[%swap3A_3364, %swap3A_3365], %swap3A_3368 {strides = array<i32>} : memref<4x80xi32, #tpu.memory_space<vmem>>, vector<1x16xi32>,
      %get3A_3369 = arith.constant 2 : i32
      %get3A_3370 = arith.index_cast %get3A_3369 : i32 to index
      %get3A_3371 = arith.constant 64 : index
      %get3A_3372 = tpu.vector_load %arg10[%get3A_3370, %get3A_3371] {strides = array<i32>} : memref<4x80xi32, #tpu.memory_space<vmem>>, vector<1x16xi32>,
      %get3A_3373 = vector.shape_cast %get3A_3372 : vector<1x16xi32> to vector<16xi32>
      %swap3A_3374 = arith.constant 2 : i32
      %swap3A_3375 = arith.index_cast %swap3A_3374 : i32 to index
      %swap3A_3376 = arith.constant 64 : index
      %swap3A_3377 = tpu.vector_load %arg12[%swap3A_3375, %swap3A_3376] {strides = array<i32>} : memref<4x80xi32, #tpu.memory_space<vmem>>, vector<1x16xi32>,
      %swap3A_3378 = vector.shape_cast %swap3A_3377 : vector<1x16xi32> to vector<16xi32>
      %swap3A_3379 = vector.shape_cast %get3A_3373 : vector<16xi32> to vector<1x16xi32>
      tpu.vector_store %arg12[%swap3A_3375, %swap3A_3376], %swap3A_3379 {strides = array<i32>} : memref<4x80xi32, #tpu.memory_space<vmem>>, vector<1x16xi32>,
      %get3A_3380 = arith.constant 2 : i32
      %get3A_3381 = arith.index_cast %get3A_3380 : i32 to index
      %get3A_3382 = arith.constant 64 : index
      %get3A_3383 = tpu.vector_load %arg11[%get3A_3381, %get3A_3382] {strides = array<i32>} : memref<4x80xi32, #tpu.memory_space<vmem>>, vector<1x16xi32>,
      %get3A_3384 = vector.shape_cast %get3A_3383 : vector<1x16xi32> to vector<16xi32>
      %swap3A_3385 = arith.constant 2 : i32
      %swap3A_3386 = arith.index_cast %swap3A_3385 : i32 to index
      %swap3A_3387 = arith.constant 64 : index
      %swap3A_3388 = tpu.vector_load %arg13[%swap3A_3386, %swap3A_3387] {strides = array<i32>} : memref<4x80xi32, #tpu.memory_space<vmem>>, vector<1x16xi32>,
      %swap3A_3389 = vector.shape_cast %swap3A_3388 : vector<1x16xi32> to vector<16xi32>
      %swap3A_3390 = vector.shape_cast %get3A_3384 : vector<16xi32> to vector<1x16xi32>
      tpu.vector_store %arg13[%swap3A_3386, %swap3A_3387], %swap3A_3390 {strides = array<i32>} : memref<4x80xi32, #tpu.memory_space<vmem>>, vector<1x16xi32>,
      %dma_start3A_3391 = arith.constant 2 : i32
      %dma_start3A_3392 = arith.constant 2 : i32
      %dma_start3A_3393 = arith.constant 0 : i32
      %dma_start3A_3394 = arith.constant 0 : i32
      %dma_start3A_3395 = tpu.memref_slice %arg14[%dma_start3A_3391, %dma_start3A_3393, %dma_start3A_3394] : memref<4x80x128xf32, #tpu.memory_space<vmem>> -> memref<1x80x128xf32, #tpu.memory_space<vmem>>
      %dma_start3A_3396 = tpu.memref_squeeze %dma_start3A_3395 : memref<1x80x128xf32, #tpu.memory_space<vmem>> -> memref<80x128xf32, #tpu.memory_space<vmem>>
      %dma_start3A_3397 = arith.constant 0 : i32
      %dma_start3A_3398 = tpu.memref_slice %arg13[%dma_start3A_3392, %dma_start3A_3397] : memref<4x80xi32, #tpu.memory_space<vmem>> -> memref<1x80xi32, #tpu.memory_space<vmem>>
      %dma_start3A_3399 = tpu.memref_squeeze %dma_start3A_3398 : memref<1x80xi32, #tpu.memory_space<vmem>> -> memref<80xi32, #tpu.memory_space<vmem>>
      %dma_start3A_3400 = arith.constant 0 : i32
      %dma_start3A_3401 = arith.constant 0 : i32
      %dma_start3A_3402 = tpu.memref_slice %arg8[%dma_start3A_3400, %dma_start3A_3401] : memref<10000x128xf32, #tpu.memory_space<vmem_shared>> -> memref<10000x128xf32, #tpu.memory_space<vmem_shared>>
      tpu.enqueue_indirect_dma source(%dma_start3A_3396 : memref<80x128xf32, #tpu.memory_space<vmem>>) target(%dma_start3A_3402 : memref<10000x128xf32, #tpu.memory_space<vmem_shared>>) offsets(%dma_start3A_3399 : memref<80xi32, #tpu.memory_space<vmem>>) semaphore(%arg31 : memref<!tpu.dma_semaphore, #tpu.memory_space<semaphore_mem>>) {add = true}
      %dma_start3A_3403 = arith.constant 2 : i32
      %dma_start3A_3404 = arith.constant 2 : i32
      %dma_start3A_3405 = arith.constant 0 : i32
      %dma_start3A_3406 = tpu.memref_slice %arg15[%dma_start3A_3403, %dma_start3A_3405] : memref<4x80xf32, #tpu.memory_space<vmem>> -> memref<1x80xf32, #tpu.memory_space<vmem>>
      %dma_start3A_3407 = tpu.memref_squeeze %dma_start3A_3406 : memref<1x80xf32, #tpu.memory_space<vmem>> -> memref<80xf32, #tpu.memory_space<vmem>>
      %dma_start3A_3408 = arith.constant 0 : i32
      %dma_start3A_3409 = tpu.memref_slice %arg12[%dma_start3A_3404, %dma_start3A_3408] : memref<4x80xi32, #tpu.memory_space<vmem>> -> memref<1x80xi32, #tpu.memory_space<vmem>>
      %dma_start3A_3410 = tpu.memref_squeeze %dma_start3A_3409 : memref<1x80xi32, #tpu.memory_space<vmem>> -> memref<80xi32, #tpu.memory_space<vmem>>
      %dma_start3A_3411 = arith.constant 0 : i32
      %dma_start3A_3412 = tpu.memref_slice %arg9[%dma_start3A_3411] : memref<10240xf32, #tpu.memory_space<vmem_shared>> -> memref<10240xf32, #tpu.memory_space<vmem_shared>>
      tpu.enqueue_indirect_dma source(%dma_start3A_3407 : memref<80xf32, #tpu.memory_space<vmem>>) target(%dma_start3A_3412 : memref<10240xf32, #tpu.memory_space<vmem_shared>>) offsets(%dma_start3A_3410 : memref<80xi32, #tpu.memory_space<vmem>>) semaphore(%arg35 : memref<!tpu.dma_semaphore, #tpu.memory_space<semaphore_mem>>) {add = true}
    }
    %scan3A_890 = arith.constant 29 : i32
    %dma_wait3A_891 = arith.constant 0 : i32
    %dma_wait3A_892 = arith.constant 0 : i32
    %dma_wait3A_893 = arith.constant 0 : i32
    %dma_wait3A_894 = arith.constant 0 : i32
    %dma_wait3A_895 = tpu.memref_slice %arg14[%dma_wait3A_891, %dma_wait3A_893, %dma_wait3A_894] : memref<4x80x128xf32, #tpu.memory_space<vmem>> -> memref<1x80x128xf32, #tpu.memory_space<vmem>>
    %dma_wait3A_896 = tpu.memref_squeeze %dma_wait3A_895 : memref<1x80x128xf32, #tpu.memory_space<vmem>> -> memref<80x128xf32, #tpu.memory_space<vmem>>
    %dma_wait3A_897 = arith.constant 0 : i32
    %dma_wait3A_898 = tpu.memref_slice %arg13[%dma_wait3A_892, %dma_wait3A_897] : memref<4x80xi32, #tpu.memory_space<vmem>> -> memref<1x80xi32, #tpu.memory_space<vmem>>
    %dma_wait3A_899 = tpu.memref_squeeze %dma_wait3A_898 : memref<1x80xi32, #tpu.memory_space<vmem>> -> memref<80xi32, #tpu.memory_space<vmem>>
    %dma_wait3A_900 = arith.constant 0 : i32
    %dma_wait3A_901 = arith.constant 0 : i32
    %dma_wait3A_902 = tpu.memref_slice %arg8[%dma_wait3A_900, %dma_wait3A_901] : memref<10000x128xf32, #tpu.memory_space<vmem_shared>> -> memref<10000x128xf32, #tpu.memory_space<vmem_shared>>
    tpu.wait_indirect_dma semaphore(%arg29 : memref<!tpu.dma_semaphore, #tpu.memory_space<semaphore_mem>>) src(%dma_wait3A_896 : memref<80x128xf32, #tpu.memory_space<vmem>>) dst(%dma_wait3A_902 : memref<10000x128xf32, #tpu.memory_space<vmem_shared>>)
    %dma_wait3A_903 = arith.constant 0 : i32
    %dma_wait3A_904 = arith.constant 0 : i32
    %dma_wait3A_905 = arith.constant 0 : i32
    %dma_wait3A_906 = tpu.memref_slice %arg15[%dma_wait3A_903, %dma_wait3A_905] : memref<4x80xf32, #tpu.memory_space<vmem>> -> memref<1x80xf32, #tpu.memory_space<vmem>>
    %dma_wait3A_907 = tpu.memref_squeeze %dma_wait3A_906 : memref<1x80xf32, #tpu.memory_space<vmem>> -> memref<80xf32, #tpu.memory_space<vmem>>
    %dma_wait3A_908 = arith.constant 0 : i32
    %dma_wait3A_909 = tpu.memref_slice %arg12[%dma_wait3A_904, %dma_wait3A_908] : memref<4x80xi32, #tpu.memory_space<vmem>> -> memref<1x80xi32, #tpu.memory_space<vmem>>
    %dma_wait3A_910 = tpu.memref_squeeze %dma_wait3A_909 : memref<1x80xi32, #tpu.memory_space<vmem>> -> memref<80xi32, #tpu.memory_space<vmem>>
    %dma_wait3A_911 = arith.constant 0 : i32
    %dma_wait3A_912 = tpu.memref_slice %arg9[%dma_wait3A_911] : memref<10240xf32, #tpu.memory_space<vmem_shared>> -> memref<10240xf32, #tpu.memory_space<vmem_shared>>
    tpu.wait_indirect_dma semaphore(%arg33 : memref<!tpu.dma_semaphore, #tpu.memory_space<semaphore_mem>>) src(%dma_wait3A_907 : memref<80xf32, #tpu.memory_space<vmem>>) dst(%dma_wait3A_912 : memref<10240xf32, #tpu.memory_space<vmem_shared>>)
    %add3A_913 = arith.constant 122 : i32
    %add3A_914 = arith.addi %mul3A_3, %add3A_913 : i32
    %dma_start3A_915 = arith.constant 2 : i32
    %dma_start3A_916 = arith.constant 0 : i32
    %dma_start3A_917 = tpu.memref_slice %arg10[%dma_start3A_915, %dma_start3A_916] : memref<4x80xi32, #tpu.memory_space<vmem>> -> memref<1x80xi32, #tpu.memory_space<vmem>>
    %dma_start3A_918 = tpu.memref_squeeze %dma_start3A_917 : memref<1x80xi32, #tpu.memory_space<vmem>> -> memref<80xi32, #tpu.memory_space<vmem>>
    %dma_start3A_919 = arith.constant 0 : i32
    %dma_start3A_920 = tpu.memref_slice %arg2[%add3A_914, %dma_start3A_919] : memref<4000x80xi32, #tpu.memory_space<hbm>> -> memref<1x80xi32, #tpu.memory_space<hbm>>
    %dma_start3A_921 = tpu.memref_squeeze %dma_start3A_920 : memref<1x80xi32, #tpu.memory_space<hbm>> -> memref<80xi32, #tpu.memory_space<hbm>>
    %dma_start3A_922 = arith.constant 0 : i32
    %dma_start3A_923 = tpu.memref_slice %arg10[%dma_start3A_915, %dma_start3A_922] : memref<4x80xi32, #tpu.memory_space<vmem>> -> memref<1x80xi32, #tpu.memory_space<vmem>>
    %dma_start3A_924 = tpu.memref_squeeze %dma_start3A_923 : memref<1x80xi32, #tpu.memory_space<vmem>> -> memref<80xi32, #tpu.memory_space<vmem>>
    %dma_start3A_925 = arith.constant 0 : i32
    %dma_start3A_926 = tpu.memref_slice %arg2[%add3A_914, %dma_start3A_925] : memref<4000x80xi32, #tpu.memory_space<hbm>> -> memref<1x80xi32, #tpu.memory_space<hbm>>
    %dma_start3A_927 = tpu.memref_squeeze %dma_start3A_926 : memref<1x80xi32, #tpu.memory_space<hbm>> -> memref<80xi32, #tpu.memory_space<hbm>>
    tpu.enqueue_dma source(%dma_start3A_927 : memref<80xi32, #tpu.memory_space<hbm>>) target(%dma_start3A_924 : memref<80xi32, #tpu.memory_space<vmem>>) target_semaphore(%arg19 : memref<!tpu.dma_semaphore, #tpu.memory_space<semaphore_mem>>)
    %add3A_928 = arith.constant 122 : i32
    %add3A_929 = arith.addi %mul3A_3, %add3A_928 : i32
    %dma_start3A_930 = arith.constant 2 : i32
    %dma_start3A_931 = arith.constant 0 : i32
    %dma_start3A_932 = tpu.memref_slice %arg11[%dma_start3A_930, %dma_start3A_931] : memref<4x80xi32, #tpu.memory_space<vmem>> -> memref<1x80xi32, #tpu.memory_space<vmem>>
    %dma_start3A_933 = tpu.memref_squeeze %dma_start3A_932 : memref<1x80xi32, #tpu.memory_space<vmem>> -> memref<80xi32, #tpu.memory_space<vmem>>
    %dma_start3A_934 = arith.constant 0 : i32
    %dma_start3A_935 = tpu.memref_slice %arg3[%add3A_929, %dma_start3A_934] : memref<4000x80xi32, #tpu.memory_space<hbm>> -> memref<1x80xi32, #tpu.memory_space<hbm>>
    %dma_start3A_936 = tpu.memref_squeeze %dma_start3A_935 : memref<1x80xi32, #tpu.memory_space<hbm>> -> memref<80xi32, #tpu.memory_space<hbm>>
    %dma_start3A_937 = arith.constant 0 : i32
    %dma_start3A_938 = tpu.memref_slice %arg11[%dma_start3A_930, %dma_start3A_937] : memref<4x80xi32, #tpu.memory_space<vmem>> -> memref<1x80xi32, #tpu.memory_space<vmem>>
    %dma_start3A_939 = tpu.memref_squeeze %dma_start3A_938 : memref<1x80xi32, #tpu.memory_space<vmem>> -> memref<80xi32, #tpu.memory_space<vmem>>
    %dma_start3A_940 = arith.constant 0 : i32
    %dma_start3A_941 = tpu.memref_slice %arg3[%add3A_929, %dma_start3A_940] : memref<4000x80xi32, #tpu.memory_space<hbm>> -> memref<1x80xi32, #tpu.memory_space<hbm>>
    %dma_start3A_942 = tpu.memref_squeeze %dma_start3A_941 : memref<1x80xi32, #tpu.memory_space<hbm>> -> memref<80xi32, #tpu.memory_space<hbm>>
    tpu.enqueue_dma source(%dma_start3A_942 : memref<80xi32, #tpu.memory_space<hbm>>) target(%dma_start3A_939 : memref<80xi32, #tpu.memory_space<vmem>>) target_semaphore(%arg19 : memref<!tpu.dma_semaphore, #tpu.memory_space<semaphore_mem>>)
    %add3A_943 = arith.constant 120 : i32
    %add3A_944 = arith.addi %mul3A_3, %add3A_943 : i32
    %dma_wait3A_945 = arith.constant 0 : i32
    %dma_wait3A_946 = arith.constant 0 : i32
    %dma_wait3A_947 = tpu.memref_slice %arg10[%dma_wait3A_945, %dma_wait3A_946] : memref<4x80xi32, #tpu.memory_space<vmem>> -> memref<1x80xi32, #tpu.memory_space<vmem>>
    %dma_wait3A_948 = tpu.memref_squeeze %dma_wait3A_947 : memref<1x80xi32, #tpu.memory_space<vmem>> -> memref<80xi32, #tpu.memory_space<vmem>>
    %dma_wait3A_949 = arith.constant 0 : i32
    %dma_wait3A_950 = tpu.memref_slice %arg2[%add3A_944, %dma_wait3A_949] : memref<4000x80xi32, #tpu.memory_space<hbm>> -> memref<1x80xi32, #tpu.memory_space<hbm>>
    %dma_wait3A_951 = tpu.memref_squeeze %dma_wait3A_950 : memref<1x80xi32, #tpu.memory_space<hbm>> -> memref<80xi32, #tpu.memory_space<hbm>>
    %dma_wait3A_952 = arith.constant 0 : i32
    %dma_wait3A_953 = tpu.memref_slice %arg10[%dma_wait3A_945, %dma_wait3A_952] : memref<4x80xi32, #tpu.memory_space<vmem>> -> memref<1x80xi32, #tpu.memory_space<vmem>>
    %dma_wait3A_954 = tpu.memref_squeeze %dma_wait3A_953 : memref<1x80xi32, #tpu.memory_space<vmem>> -> memref<80xi32, #tpu.memory_space<vmem>>
    %dma_wait3A_955 = arith.constant 0 : i32
    %dma_wait3A_956 = tpu.memref_slice %arg2[%add3A_944, %dma_wait3A_955] : memref<4000x80xi32, #tpu.memory_space<hbm>> -> memref<1x80xi32, #tpu.memory_space<hbm>>
    %dma_wait3A_957 = tpu.memref_squeeze %dma_wait3A_956 : memref<1x80xi32, #tpu.memory_space<hbm>> -> memref<80xi32, #tpu.memory_space<hbm>>
    tpu.wait_dma2 semaphore(%arg17 : memref<!tpu.dma_semaphore, #tpu.memory_space<semaphore_mem>>) src(%dma_wait3A_957 : memref<80xi32, #tpu.memory_space<hbm>>) dst(%dma_wait3A_954 : memref<80xi32, #tpu.memory_space<vmem>>)
    %add3A_958 = arith.constant 120 : i32
    %add3A_959 = arith.addi %mul3A_3, %add3A_958 : i32
    %dma_wait3A_960 = arith.constant 0 : i32
    %dma_wait3A_961 = arith.constant 0 : i32
    %dma_wait3A_962 = tpu.memref_slice %arg11[%dma_wait3A_960, %dma_wait3A_961] : memref<4x80xi32, #tpu.memory_space<vmem>> -> memref<1x80xi32, #tpu.memory_space<vmem>>
    %dma_wait3A_963 = tpu.memref_squeeze %dma_wait3A_962 : memref<1x80xi32, #tpu.memory_space<vmem>> -> memref<80xi32, #tpu.memory_space<vmem>>
    %dma_wait3A_964 = arith.constant 0 : i32
    %dma_wait3A_965 = tpu.memref_slice %arg3[%add3A_959, %dma_wait3A_964] : memref<4000x80xi32, #tpu.memory_space<hbm>> -> memref<1x80xi32, #tpu.memory_space<hbm>>
    %dma_wait3A_966 = tpu.memref_squeeze %dma_wait3A_965 : memref<1x80xi32, #tpu.memory_space<hbm>> -> memref<80xi32, #tpu.memory_space<hbm>>
    %dma_wait3A_967 = arith.constant 0 : i32
    %dma_wait3A_968 = tpu.memref_slice %arg11[%dma_wait3A_960, %dma_wait3A_967] : memref<4x80xi32, #tpu.memory_space<vmem>> -> memref<1x80xi32, #tpu.memory_space<vmem>>
    %dma_wait3A_969 = tpu.memref_squeeze %dma_wait3A_968 : memref<1x80xi32, #tpu.memory_space<vmem>> -> memref<80xi32, #tpu.memory_space<vmem>>
    %dma_wait3A_970 = arith.constant 0 : i32
    %dma_wait3A_971 = tpu.memref_slice %arg3[%add3A_959, %dma_wait3A_970] : memref<4000x80xi32, #tpu.memory_space<hbm>> -> memref<1x80xi32, #tpu.memory_space<hbm>>
    %dma_wait3A_972 = tpu.memref_squeeze %dma_wait3A_971 : memref<1x80xi32, #tpu.memory_space<hbm>> -> memref<80xi32, #tpu.memory_space<hbm>>
    tpu.wait_dma2 semaphore(%arg17 : memref<!tpu.dma_semaphore, #tpu.memory_space<semaphore_mem>>) src(%dma_wait3A_972 : memref<80xi32, #tpu.memory_space<hbm>>) dst(%dma_wait3A_969 : memref<80xi32, #tpu.memory_space<vmem>>)
    %dma_start3A_973 = arith.constant 0 : i32
    %dma_start3A_974 = arith.constant 0 : i32
    %dma_start3A_975 = arith.constant 0 : i32
    %dma_start3A_976 = arith.constant 0 : i32
    %dma_start3A_977 = tpu.memref_slice %arg14[%dma_start3A_974, %dma_start3A_975, %dma_start3A_976] : memref<4x80x128xf32, #tpu.memory_space<vmem>> -> memref<1x80x128xf32, #tpu.memory_space<vmem>>
    %dma_start3A_978 = tpu.memref_squeeze %dma_start3A_977 : memref<1x80x128xf32, #tpu.memory_space<vmem>> -> memref<80x128xf32, #tpu.memory_space<vmem>>
    %dma_start3A_979 = arith.constant 0 : i32
    %dma_start3A_980 = tpu.memref_slice %arg10[%dma_start3A_973, %dma_start3A_979] : memref<4x80xi32, #tpu.memory_space<vmem>> -> memref<1x80xi32, #tpu.memory_space<vmem>>
    %dma_start3A_981 = tpu.memref_squeeze %dma_start3A_980 : memref<1x80xi32, #tpu.memory_space<vmem>> -> memref<80xi32, #tpu.memory_space<vmem>>
    %dma_start3A_982 = arith.constant 0 : i32
    %dma_start3A_983 = arith.constant 0 : i32
    %dma_start3A_984 = tpu.memref_slice %arg4[%dma_start3A_982, %dma_start3A_983] : memref<10000x128xf32, #tpu.memory_space<hbm>> -> memref<10000x128xf32, #tpu.memory_space<hbm>>
    tpu.enqueue_indirect_dma source(%dma_start3A_984 : memref<10000x128xf32, #tpu.memory_space<hbm>>) target(%dma_start3A_978 : memref<80x128xf32, #tpu.memory_space<vmem>>) offsets(%dma_start3A_981 : memref<80xi32, #tpu.memory_space<vmem>>) semaphore(%arg21 : memref<!tpu.dma_semaphore, #tpu.memory_space<semaphore_mem>>)
    %dma_start3A_985 = arith.constant 0 : i32
    %dma_start3A_986 = arith.constant 0 : i32
    %dma_start3A_987 = arith.constant 0 : i32
    %dma_start3A_988 = tpu.memref_slice %arg15[%dma_start3A_986, %dma_start3A_987] : memref<4x80xf32, #tpu.memory_space<vmem>> -> memref<1x80xf32, #tpu.memory_space<vmem>>
    %dma_start3A_989 = tpu.memref_squeeze %dma_start3A_988 : memref<1x80xf32, #tpu.memory_space<vmem>> -> memref<80xf32, #tpu.memory_space<vmem>>
    %dma_start3A_990 = arith.constant 0 : i32
    %dma_start3A_991 = tpu.memref_slice %arg11[%dma_start3A_985, %dma_start3A_990] : memref<4x80xi32, #tpu.memory_space<vmem>> -> memref<1x80xi32, #tpu.memory_space<vmem>>
    %dma_start3A_992 = tpu.memref_squeeze %dma_start3A_991 : memref<1x80xi32, #tpu.memory_space<vmem>> -> memref<80xi32, #tpu.memory_space<vmem>>
    %dma_start3A_993 = arith.constant 0 : i32
    %dma_start3A_994 = tpu.memref_slice %arg5[%dma_start3A_993] : memref<10000xf32, #tpu.memory_space<hbm>> -> memref<10000xf32, #tpu.memory_space<hbm>>
    tpu.enqueue_indirect_dma source(%dma_start3A_994 : memref<10000xf32, #tpu.memory_space<hbm>>) target(%dma_start3A_989 : memref<80xf32, #tpu.memory_space<vmem>>) offsets(%dma_start3A_992 : memref<80xi32, #tpu.memory_space<vmem>>) semaphore(%arg25 : memref<!tpu.dma_semaphore, #tpu.memory_space<semaphore_mem>>)
    %dma_wait3A_995 = arith.constant 3 : i32
    %dma_wait3A_996 = arith.constant 3 : i32
    %dma_wait3A_997 = arith.constant 0 : i32
    %dma_wait3A_998 = arith.constant 0 : i32
    %dma_wait3A_999 = tpu.memref_slice %arg14[%dma_wait3A_996, %dma_wait3A_997, %dma_wait3A_998] : memref<4x80x128xf32, #tpu.memory_space<vmem>> -> memref<1x80x128xf32, #tpu.memory_space<vmem>>
    %dma_wait3A_1000 = tpu.memref_squeeze %dma_wait3A_999 : memref<1x80x128xf32, #tpu.memory_space<vmem>> -> memref<80x128xf32, #tpu.memory_space<vmem>>
    %dma_wait3A_1001 = arith.constant 0 : i32
    %dma_wait3A_1002 = tpu.memref_slice %arg10[%dma_wait3A_995, %dma_wait3A_1001] : memref<4x80xi32, #tpu.memory_space<vmem>> -> memref<1x80xi32, #tpu.memory_space<vmem>>
    %dma_wait3A_1003 = tpu.memref_squeeze %dma_wait3A_1002 : memref<1x80xi32, #tpu.memory_space<vmem>> -> memref<80xi32, #tpu.memory_space<vmem>>
    %dma_wait3A_1004 = arith.constant 0 : i32
    %dma_wait3A_1005 = arith.constant 0 : i32
    %dma_wait3A_1006 = tpu.memref_slice %arg4[%dma_wait3A_1004, %dma_wait3A_1005] : memref<10000x128xf32, #tpu.memory_space<hbm>> -> memref<10000x128xf32, #tpu.memory_space<hbm>>
    tpu.wait_indirect_dma semaphore(%arg24 : memref<!tpu.dma_semaphore, #tpu.memory_space<semaphore_mem>>) src(%dma_wait3A_1006 : memref<10000x128xf32, #tpu.memory_space<hbm>>) dst(%dma_wait3A_1000 : memref<80x128xf32, #tpu.memory_space<vmem>>)
    %dma_wait3A_1007 = arith.constant 3 : i32
    %dma_wait3A_1008 = arith.constant 3 : i32
    %dma_wait3A_1009 = arith.constant 0 : i32
    %dma_wait3A_1010 = tpu.memref_slice %arg15[%dma_wait3A_1008, %dma_wait3A_1009] : memref<4x80xf32, #tpu.memory_space<vmem>> -> memref<1x80xf32, #tpu.memory_space<vmem>>
    %dma_wait3A_1011 = tpu.memref_squeeze %dma_wait3A_1010 : memref<1x80xf32, #tpu.memory_space<vmem>> -> memref<80xf32, #tpu.memory_space<vmem>>
    %dma_wait3A_1012 = arith.constant 0 : i32
    %dma_wait3A_1013 = tpu.memref_slice %arg11[%dma_wait3A_1007, %dma_wait3A_1012] : memref<4x80xi32, #tpu.memory_space<vmem>> -> memref<1x80xi32, #tpu.memory_space<vmem>>
    %dma_wait3A_1014 = tpu.memref_squeeze %dma_wait3A_1013 : memref<1x80xi32, #tpu.memory_space<vmem>> -> memref<80xi32, #tpu.memory_space<vmem>>
    %dma_wait3A_1015 = arith.constant 0 : i32
    %dma_wait3A_1016 = tpu.memref_slice %arg5[%dma_wait3A_1015] : memref<10000xf32, #tpu.memory_space<hbm>> -> memref<10000xf32, #tpu.memory_space<hbm>>
    tpu.wait_indirect_dma semaphore(%arg28 : memref<!tpu.dma_semaphore, #tpu.memory_space<semaphore_mem>>) src(%dma_wait3A_1016 : memref<10000xf32, #tpu.memory_space<hbm>>) dst(%dma_wait3A_1011 : memref<80xf32, #tpu.memory_space<vmem>>)
    %get3A_1017 = arith.constant 3 : i32
    %get3A_1018 = arith.index_cast %get3A_1017 : i32 to index
    %get3A_1019 = arith.constant 0 : index
    %get3A_1020 = tpu.vector_load %arg10[%get3A_1018, %get3A_1019] {strides = array<i32>} : memref<4x80xi32, #tpu.memory_space<vmem>>, vector<1x16xi32>,
    %get3A_1021 = vector.shape_cast %get3A_1020 : vector<1x16xi32> to vector<16xi32>
    %swap3A_1022 = arith.constant 3 : i32
    %swap3A_1023 = arith.index_cast %swap3A_1022 : i32 to index
    %swap3A_1024 = arith.constant 0 : index
    %swap3A_1025 = tpu.vector_load %arg12[%swap3A_1023, %swap3A_1024] {strides = array<i32>} : memref<4x80xi32, #tpu.memory_space<vmem>>, vector<1x16xi32>,
    %swap3A_1026 = vector.shape_cast %swap3A_1025 : vector<1x16xi32> to vector<16xi32>
    %swap3A_1027 = vector.shape_cast %get3A_1021 : vector<16xi32> to vector<1x16xi32>
    tpu.vector_store %arg12[%swap3A_1023, %swap3A_1024], %swap3A_1027 {strides = array<i32>} : memref<4x80xi32, #tpu.memory_space<vmem>>, vector<1x16xi32>,
    %get3A_1028 = arith.constant 3 : i32
    %get3A_1029 = arith.index_cast %get3A_1028 : i32 to index
    %get3A_1030 = arith.constant 0 : index
    %get3A_1031 = tpu.vector_load %arg11[%get3A_1029, %get3A_1030] {strides = array<i32>} : memref<4x80xi32, #tpu.memory_space<vmem>>, vector<1x16xi32>,
    %get3A_1032 = vector.shape_cast %get3A_1031 : vector<1x16xi32> to vector<16xi32>
    %swap3A_1033 = arith.constant 3 : i32
    %swap3A_1034 = arith.index_cast %swap3A_1033 : i32 to index
    %swap3A_1035 = arith.constant 0 : index
    %swap3A_1036 = tpu.vector_load %arg13[%swap3A_1034, %swap3A_1035] {strides = array<i32>} : memref<4x80xi32, #tpu.memory_space<vmem>>, vector<1x16xi32>,
    %swap3A_1037 = vector.shape_cast %swap3A_1036 : vector<1x16xi32> to vector<16xi32>
    %swap3A_1038 = vector.shape_cast %get3A_1032 : vector<16xi32> to vector<1x16xi32>
    tpu.vector_store %arg13[%swap3A_1034, %swap3A_1035], %swap3A_1038 {strides = array<i32>} : memref<4x80xi32, #tpu.memory_space<vmem>>, vector<1x16xi32>,
    %get3A_1039 = arith.constant 3 : i32
    %get3A_1040 = arith.index_cast %get3A_1039 : i32 to index
    %get3A_1041 = arith.constant 16 : index
    %get3A_1042 = tpu.vector_load %arg10[%get3A_1040, %get3A_1041] {strides = array<i32>} : memref<4x80xi32, #tpu.memory_space<vmem>>, vector<1x16xi32>,
    %get3A_1043 = vector.shape_cast %get3A_1042 : vector<1x16xi32> to vector<16xi32>
    %swap3A_1044 = arith.constant 3 : i32
    %swap3A_1045 = arith.index_cast %swap3A_1044 : i32 to index
    %swap3A_1046 = arith.constant 16 : index
    %swap3A_1047 = tpu.vector_load %arg12[%swap3A_1045, %swap3A_1046] {strides = array<i32>} : memref<4x80xi32, #tpu.memory_space<vmem>>, vector<1x16xi32>,
    %swap3A_1048 = vector.shape_cast %swap3A_1047 : vector<1x16xi32> to vector<16xi32>
    %swap3A_1049 = vector.shape_cast %get3A_1043 : vector<16xi32> to vector<1x16xi32>
    tpu.vector_store %arg12[%swap3A_1045, %swap3A_1046], %swap3A_1049 {strides = array<i32>} : memref<4x80xi32, #tpu.memory_space<vmem>>, vector<1x16xi32>,
    %get3A_1050 = arith.constant 3 : i32
    %get3A_1051 = arith.index_cast %get3A_1050 : i32 to index
    %get3A_1052 = arith.constant 16 : index
    %get3A_1053 = tpu.vector_load %arg11[%get3A_1051, %get3A_1052] {strides = array<i32>} : memref<4x80xi32, #tpu.memory_space<vmem>>, vector<1x16xi32>,
    %get3A_1054 = vector.shape_cast %get3A_1053 : vector<1x16xi32> to vector<16xi32>
    %swap3A_1055 = arith.constant 3 : i32
    %swap3A_1056 = arith.index_cast %swap3A_1055 : i32 to index
    %swap3A_1057 = arith.constant 16 : index
    %swap3A_1058 = tpu.vector_load %arg13[%swap3A_1056, %swap3A_1057] {strides = array<i32>} : memref<4x80xi32, #tpu.memory_space<vmem>>, vector<1x16xi32>,
    %swap3A_1059 = vector.shape_cast %swap3A_1058 : vector<1x16xi32> to vector<16xi32>
    %swap3A_1060 = vector.shape_cast %get3A_1054 : vector<16xi32> to vector<1x16xi32>
    tpu.vector_store %arg13[%swap3A_1056, %swap3A_1057], %swap3A_1060 {strides = array<i32>} : memref<4x80xi32, #tpu.memory_space<vmem>>, vector<1x16xi32>,
    %get3A_1061 = arith.constant 3 : i32
    %get3A_1062 = arith.index_cast %get3A_1061 : i32 to index
    %get3A_1063 = arith.constant 32 : index
    %get3A_1064 = tpu.vector_load %arg10[%get3A_1062, %get3A_1063] {strides = array<i32>} : memref<4x80xi32, #tpu.memory_space<vmem>>, vector<1x16xi32>,
    %get3A_1065 = vector.shape_cast %get3A_1064 : vector<1x16xi32> to vector<16xi32>
    %swap3A_1066 = arith.constant 3 : i32
    %swap3A_1067 = arith.index_cast %swap3A_1066 : i32 to index
    %swap3A_1068 = arith.constant 32 : index
    %swap3A_1069 = tpu.vector_load %arg12[%swap3A_1067, %swap3A_1068] {strides = array<i32>} : memref<4x80xi32, #tpu.memory_space<vmem>>, vector<1x16xi32>,
    %swap3A_1070 = vector.shape_cast %swap3A_1069 : vector<1x16xi32> to vector<16xi32>
    %swap3A_1071 = vector.shape_cast %get3A_1065 : vector<16xi32> to vector<1x16xi32>
    tpu.vector_store %arg12[%swap3A_1067, %swap3A_1068], %swap3A_1071 {strides = array<i32>} : memref<4x80xi32, #tpu.memory_space<vmem>>, vector<1x16xi32>,
    %get3A_1072 = arith.constant 3 : i32
    %get3A_1073 = arith.index_cast %get3A_1072 : i32 to index
    %get3A_1074 = arith.constant 32 : index
    %get3A_1075 = tpu.vector_load %arg11[%get3A_1073, %get3A_1074] {strides = array<i32>} : memref<4x80xi32, #tpu.memory_space<vmem>>, vector<1x16xi32>,
    %get3A_1076 = vector.shape_cast %get3A_1075 : vector<1x16xi32> to vector<16xi32>
    %swap3A_1077 = arith.constant 3 : i32
    %swap3A_1078 = arith.index_cast %swap3A_1077 : i32 to index
    %swap3A_1079 = arith.constant 32 : index
    %swap3A_1080 = tpu.vector_load %arg13[%swap3A_1078, %swap3A_1079] {strides = array<i32>} : memref<4x80xi32, #tpu.memory_space<vmem>>, vector<1x16xi32>,
    %swap3A_1081 = vector.shape_cast %swap3A_1080 : vector<1x16xi32> to vector<16xi32>
    %swap3A_1082 = vector.shape_cast %get3A_1076 : vector<16xi32> to vector<1x16xi32>
    tpu.vector_store %arg13[%swap3A_1078, %swap3A_1079], %swap3A_1082 {strides = array<i32>} : memref<4x80xi32, #tpu.memory_space<vmem>>, vector<1x16xi32>,
    %get3A_1083 = arith.constant 3 : i32
    %get3A_1084 = arith.index_cast %get3A_1083 : i32 to index
    %get3A_1085 = arith.constant 48 : index
    %get3A_1086 = tpu.vector_load %arg10[%get3A_1084, %get3A_1085] {strides = array<i32>} : memref<4x80xi32, #tpu.memory_space<vmem>>, vector<1x16xi32>,
    %get3A_1087 = vector.shape_cast %get3A_1086 : vector<1x16xi32> to vector<16xi32>
    %swap3A_1088 = arith.constant 3 : i32
    %swap3A_1089 = arith.index_cast %swap3A_1088 : i32 to index
    %swap3A_1090 = arith.constant 48 : index
    %swap3A_1091 = tpu.vector_load %arg12[%swap3A_1089, %swap3A_1090] {strides = array<i32>} : memref<4x80xi32, #tpu.memory_space<vmem>>, vector<1x16xi32>,
    %swap3A_1092 = vector.shape_cast %swap3A_1091 : vector<1x16xi32> to vector<16xi32>
    %swap3A_1093 = vector.shape_cast %get3A_1087 : vector<16xi32> to vector<1x16xi32>
    tpu.vector_store %arg12[%swap3A_1089, %swap3A_1090], %swap3A_1093 {strides = array<i32>} : memref<4x80xi32, #tpu.memory_space<vmem>>, vector<1x16xi32>,
    %get3A_1094 = arith.constant 3 : i32
    %get3A_1095 = arith.index_cast %get3A_1094 : i32 to index
    %get3A_1096 = arith.constant 48 : index
    %get3A_1097 = tpu.vector_load %arg11[%get3A_1095, %get3A_1096] {strides = array<i32>} : memref<4x80xi32, #tpu.memory_space<vmem>>, vector<1x16xi32>,
    %get3A_1098 = vector.shape_cast %get3A_1097 : vector<1x16xi32> to vector<16xi32>
    %swap3A_1099 = arith.constant 3 : i32
    %swap3A_1100 = arith.index_cast %swap3A_1099 : i32 to index
    %swap3A_1101 = arith.constant 48 : index
    %swap3A_1102 = tpu.vector_load %arg13[%swap3A_1100, %swap3A_1101] {strides = array<i32>} : memref<4x80xi32, #tpu.memory_space<vmem>>, vector<1x16xi32>,
    %swap3A_1103 = vector.shape_cast %swap3A_1102 : vector<1x16xi32> to vector<16xi32>
    %swap3A_1104 = vector.shape_cast %get3A_1098 : vector<16xi32> to vector<1x16xi32>
    tpu.vector_store %arg13[%swap3A_1100, %swap3A_1101], %swap3A_1104 {strides = array<i32>} : memref<4x80xi32, #tpu.memory_space<vmem>>, vector<1x16xi32>,
    %get3A_1105 = arith.constant 3 : i32
    %get3A_1106 = arith.index_cast %get3A_1105 : i32 to index
    %get3A_1107 = arith.constant 64 : index
    %get3A_1108 = tpu.vector_load %arg10[%get3A_1106, %get3A_1107] {strides = array<i32>} : memref<4x80xi32, #tpu.memory_space<vmem>>, vector<1x16xi32>,
    %get3A_1109 = vector.shape_cast %get3A_1108 : vector<1x16xi32> to vector<16xi32>
    %swap3A_1110 = arith.constant 3 : i32
    %swap3A_1111 = arith.index_cast %swap3A_1110 : i32 to index
    %swap3A_1112 = arith.constant 64 : index
    %swap3A_1113 = tpu.vector_load %arg12[%swap3A_1111, %swap3A_1112] {strides = array<i32>} : memref<4x80xi32, #tpu.memory_space<vmem>>, vector<1x16xi32>,
    %swap3A_1114 = vector.shape_cast %swap3A_1113 : vector<1x16xi32> to vector<16xi32>
    %swap3A_1115 = vector.shape_cast %get3A_1109 : vector<16xi32> to vector<1x16xi32>
    tpu.vector_store %arg12[%swap3A_1111, %swap3A_1112], %swap3A_1115 {strides = array<i32>} : memref<4x80xi32, #tpu.memory_space<vmem>>, vector<1x16xi32>,
    %get3A_1116 = arith.constant 3 : i32
    %get3A_1117 = arith.index_cast %get3A_1116 : i32 to index
    %get3A_1118 = arith.constant 64 : index
    %get3A_1119 = tpu.vector_load %arg11[%get3A_1117, %get3A_1118] {strides = array<i32>} : memref<4x80xi32, #tpu.memory_space<vmem>>, vector<1x16xi32>,
    %get3A_1120 = vector.shape_cast %get3A_1119 : vector<1x16xi32> to vector<16xi32>
    %swap3A_1121 = arith.constant 3 : i32
    %swap3A_1122 = arith.index_cast %swap3A_1121 : i32 to index
    %swap3A_1123 = arith.constant 64 : index
    %swap3A_1124 = tpu.vector_load %arg13[%swap3A_1122, %swap3A_1123] {strides = array<i32>} : memref<4x80xi32, #tpu.memory_space<vmem>>, vector<1x16xi32>,
    %swap3A_1125 = vector.shape_cast %swap3A_1124 : vector<1x16xi32> to vector<16xi32>
    %swap3A_1126 = vector.shape_cast %get3A_1120 : vector<16xi32> to vector<1x16xi32>
    tpu.vector_store %arg13[%swap3A_1122, %swap3A_1123], %swap3A_1126 {strides = array<i32>} : memref<4x80xi32, #tpu.memory_space<vmem>>, vector<1x16xi32>,
    %dma_start3A_1127 = arith.constant 3 : i32
    %dma_start3A_1128 = arith.constant 3 : i32
    %dma_start3A_1129 = arith.constant 0 : i32
    %dma_start3A_1130 = arith.constant 0 : i32
    %dma_start3A_1131 = tpu.memref_slice %arg14[%dma_start3A_1127, %dma_start3A_1129, %dma_start3A_1130] : memref<4x80x128xf32, #tpu.memory_space<vmem>> -> memref<1x80x128xf32, #tpu.memory_space<vmem>>
    %dma_start3A_1132 = tpu.memref_squeeze %dma_start3A_1131 : memref<1x80x128xf32, #tpu.memory_space<vmem>> -> memref<80x128xf32, #tpu.memory_space<vmem>>
    %dma_start3A_1133 = arith.constant 0 : i32
    %dma_start3A_1134 = tpu.memref_slice %arg13[%dma_start3A_1128, %dma_start3A_1133] : memref<4x80xi32, #tpu.memory_space<vmem>> -> memref<1x80xi32, #tpu.memory_space<vmem>>
    %dma_start3A_1135 = tpu.memref_squeeze %dma_start3A_1134 : memref<1x80xi32, #tpu.memory_space<vmem>> -> memref<80xi32, #tpu.memory_space<vmem>>
    %dma_start3A_1136 = arith.constant 0 : i32
    %dma_start3A_1137 = arith.constant 0 : i32
    %dma_start3A_1138 = tpu.memref_slice %arg8[%dma_start3A_1136, %dma_start3A_1137] : memref<10000x128xf32, #tpu.memory_space<vmem_shared>> -> memref<10000x128xf32, #tpu.memory_space<vmem_shared>>
    tpu.enqueue_indirect_dma source(%dma_start3A_1132 : memref<80x128xf32, #tpu.memory_space<vmem>>) target(%dma_start3A_1138 : memref<10000x128xf32, #tpu.memory_space<vmem_shared>>) offsets(%dma_start3A_1135 : memref<80xi32, #tpu.memory_space<vmem>>) semaphore(%arg32 : memref<!tpu.dma_semaphore, #tpu.memory_space<semaphore_mem>>) {add = true}
    %dma_start3A_1139 = arith.constant 3 : i32
    %dma_start3A_1140 = arith.constant 3 : i32
    %dma_start3A_1141 = arith.constant 0 : i32
    %dma_start3A_1142 = tpu.memref_slice %arg15[%dma_start3A_1139, %dma_start3A_1141] : memref<4x80xf32, #tpu.memory_space<vmem>> -> memref<1x80xf32, #tpu.memory_space<vmem>>
    %dma_start3A_1143 = tpu.memref_squeeze %dma_start3A_1142 : memref<1x80xf32, #tpu.memory_space<vmem>> -> memref<80xf32, #tpu.memory_space<vmem>>
    %dma_start3A_1144 = arith.constant 0 : i32
    %dma_start3A_1145 = tpu.memref_slice %arg12[%dma_start3A_1140, %dma_start3A_1144] : memref<4x80xi32, #tpu.memory_space<vmem>> -> memref<1x80xi32, #tpu.memory_space<vmem>>
    %dma_start3A_1146 = tpu.memref_squeeze %dma_start3A_1145 : memref<1x80xi32, #tpu.memory_space<vmem>> -> memref<80xi32, #tpu.memory_space<vmem>>
    %dma_start3A_1147 = arith.constant 0 : i32
    %dma_start3A_1148 = tpu.memref_slice %arg9[%dma_start3A_1147] : memref<10240xf32, #tpu.memory_space<vmem_shared>> -> memref<10240xf32, #tpu.memory_space<vmem_shared>>
    tpu.enqueue_indirect_dma source(%dma_start3A_1143 : memref<80xf32, #tpu.memory_space<vmem>>) target(%dma_start3A_1148 : memref<10240xf32, #tpu.memory_space<vmem_shared>>) offsets(%dma_start3A_1146 : memref<80xi32, #tpu.memory_space<vmem>>) semaphore(%arg36 : memref<!tpu.dma_semaphore, #tpu.memory_space<semaphore_mem>>) {add = true}
    %dma_wait3A_1149 = arith.constant 1 : i32
    %dma_wait3A_1150 = arith.constant 1 : i32
    %dma_wait3A_1151 = arith.constant 0 : i32
    %dma_wait3A_1152 = arith.constant 0 : i32
    %dma_wait3A_1153 = tpu.memref_slice %arg14[%dma_wait3A_1149, %dma_wait3A_1151, %dma_wait3A_1152] : memref<4x80x128xf32, #tpu.memory_space<vmem>> -> memref<1x80x128xf32, #tpu.memory_space<vmem>>
    %dma_wait3A_1154 = tpu.memref_squeeze %dma_wait3A_1153 : memref<1x80x128xf32, #tpu.memory_space<vmem>> -> memref<80x128xf32, #tpu.memory_space<vmem>>
    %dma_wait3A_1155 = arith.constant 0 : i32
    %dma_wait3A_1156 = tpu.memref_slice %arg13[%dma_wait3A_1150, %dma_wait3A_1155] : memref<4x80xi32, #tpu.memory_space<vmem>> -> memref<1x80xi32, #tpu.memory_space<vmem>>
    %dma_wait3A_1157 = tpu.memref_squeeze %dma_wait3A_1156 : memref<1x80xi32, #tpu.memory_space<vmem>> -> memref<80xi32, #tpu.memory_space<vmem>>
    %dma_wait3A_1158 = arith.constant 0 : i32
    %dma_wait3A_1159 = arith.constant 0 : i32
    %dma_wait3A_1160 = tpu.memref_slice %arg8[%dma_wait3A_1158, %dma_wait3A_1159] : memref<10000x128xf32, #tpu.memory_space<vmem_shared>> -> memref<10000x128xf32, #tpu.memory_space<vmem_shared>>
    tpu.wait_indirect_dma semaphore(%arg30 : memref<!tpu.dma_semaphore, #tpu.memory_space<semaphore_mem>>) src(%dma_wait3A_1154 : memref<80x128xf32, #tpu.memory_space<vmem>>) dst(%dma_wait3A_1160 : memref<10000x128xf32, #tpu.memory_space<vmem_shared>>)
    %dma_wait3A_1161 = arith.constant 1 : i32
    %dma_wait3A_1162 = arith.constant 1 : i32
    %dma_wait3A_1163 = arith.constant 0 : i32
    %dma_wait3A_1164 = tpu.memref_slice %arg15[%dma_wait3A_1161, %dma_wait3A_1163] : memref<4x80xf32, #tpu.memory_space<vmem>> -> memref<1x80xf32, #tpu.memory_space<vmem>>
    %dma_wait3A_1165 = tpu.memref_squeeze %dma_wait3A_1164 : memref<1x80xf32, #tpu.memory_space<vmem>> -> memref<80xf32, #tpu.memory_space<vmem>>
    %dma_wait3A_1166 = arith.constant 0 : i32
    %dma_wait3A_1167 = tpu.memref_slice %arg12[%dma_wait3A_1162, %dma_wait3A_1166] : memref<4x80xi32, #tpu.memory_space<vmem>> -> memref<1x80xi32, #tpu.memory_space<vmem>>
    %dma_wait3A_1168 = tpu.memref_squeeze %dma_wait3A_1167 : memref<1x80xi32, #tpu.memory_space<vmem>> -> memref<80xi32, #tpu.memory_space<vmem>>
    %dma_wait3A_1169 = arith.constant 0 : i32
    %dma_wait3A_1170 = tpu.memref_slice %arg9[%dma_wait3A_1169] : memref<10240xf32, #tpu.memory_space<vmem_shared>> -> memref<10240xf32, #tpu.memory_space<vmem_shared>>
    tpu.wait_indirect_dma semaphore(%arg34 : memref<!tpu.dma_semaphore, #tpu.memory_space<semaphore_mem>>) src(%dma_wait3A_1165 : memref<80xf32, #tpu.memory_space<vmem>>) dst(%dma_wait3A_1170 : memref<10240xf32, #tpu.memory_space<vmem_shared>>)
    %add3A_1171 = arith.constant 123 : i32
    %add3A_1172 = arith.addi %mul3A_3, %add3A_1171 : i32
    %dma_start3A_1173 = arith.constant 3 : i32
    %dma_start3A_1174 = arith.constant 0 : i32
    %dma_start3A_1175 = tpu.memref_slice %arg10[%dma_start3A_1173, %dma_start3A_1174] : memref<4x80xi32, #tpu.memory_space<vmem>> -> memref<1x80xi32, #tpu.memory_space<vmem>>
    %dma_start3A_1176 = tpu.memref_squeeze %dma_start3A_1175 : memref<1x80xi32, #tpu.memory_space<vmem>> -> memref<80xi32, #tpu.memory_space<vmem>>
    %dma_start3A_1177 = arith.constant 0 : i32
    %dma_start3A_1178 = tpu.memref_slice %arg2[%add3A_1172, %dma_start3A_1177] : memref<4000x80xi32, #tpu.memory_space<hbm>> -> memref<1x80xi32, #tpu.memory_space<hbm>>
    %dma_start3A_1179 = tpu.memref_squeeze %dma_start3A_1178 : memref<1x80xi32, #tpu.memory_space<hbm>> -> memref<80xi32, #tpu.memory_space<hbm>>
    %dma_start3A_1180 = arith.constant 0 : i32
    %dma_start3A_1181 = tpu.memref_slice %arg10[%dma_start3A_1173, %dma_start3A_1180] : memref<4x80xi32, #tpu.memory_space<vmem>> -> memref<1x80xi32, #tpu.memory_space<vmem>>
    %dma_start3A_1182 = tpu.memref_squeeze %dma_start3A_1181 : memref<1x80xi32, #tpu.memory_space<vmem>> -> memref<80xi32, #tpu.memory_space<vmem>>
    %dma_start3A_1183 = arith.constant 0 : i32
    %dma_start3A_1184 = tpu.memref_slice %arg2[%add3A_1172, %dma_start3A_1183] : memref<4000x80xi32, #tpu.memory_space<hbm>> -> memref<1x80xi32, #tpu.memory_space<hbm>>
    %dma_start3A_1185 = tpu.memref_squeeze %dma_start3A_1184 : memref<1x80xi32, #tpu.memory_space<hbm>> -> memref<80xi32, #tpu.memory_space<hbm>>
    tpu.enqueue_dma source(%dma_start3A_1185 : memref<80xi32, #tpu.memory_space<hbm>>) target(%dma_start3A_1182 : memref<80xi32, #tpu.memory_space<vmem>>) target_semaphore(%arg20 : memref<!tpu.dma_semaphore, #tpu.memory_space<semaphore_mem>>)
    %add3A_1186 = arith.constant 123 : i32
    %add3A_1187 = arith.addi %mul3A_3, %add3A_1186 : i32
    %dma_start3A_1188 = arith.constant 3 : i32
    %dma_start3A_1189 = arith.constant 0 : i32
    %dma_start3A_1190 = tpu.memref_slice %arg11[%dma_start3A_1188, %dma_start3A_1189] : memref<4x80xi32, #tpu.memory_space<vmem>> -> memref<1x80xi32, #tpu.memory_space<vmem>>
    %dma_start3A_1191 = tpu.memref_squeeze %dma_start3A_1190 : memref<1x80xi32, #tpu.memory_space<vmem>> -> memref<80xi32, #tpu.memory_space<vmem>>
    %dma_start3A_1192 = arith.constant 0 : i32
    %dma_start3A_1193 = tpu.memref_slice %arg3[%add3A_1187, %dma_start3A_1192] : memref<4000x80xi32, #tpu.memory_space<hbm>> -> memref<1x80xi32, #tpu.memory_space<hbm>>
    %dma_start3A_1194 = tpu.memref_squeeze %dma_start3A_1193 : memref<1x80xi32, #tpu.memory_space<hbm>> -> memref<80xi32, #tpu.memory_space<hbm>>
    %dma_start3A_1195 = arith.constant 0 : i32
    %dma_start3A_1196 = tpu.memref_slice %arg11[%dma_start3A_1188, %dma_start3A_1195] : memref<4x80xi32, #tpu.memory_space<vmem>> -> memref<1x80xi32, #tpu.memory_space<vmem>>
    %dma_start3A_1197 = tpu.memref_squeeze %dma_start3A_1196 : memref<1x80xi32, #tpu.memory_space<vmem>> -> memref<80xi32, #tpu.memory_space<vmem>>
    %dma_start3A_1198 = arith.constant 0 : i32
    %dma_start3A_1199 = tpu.memref_slice %arg3[%add3A_1187, %dma_start3A_1198] : memref<4000x80xi32, #tpu.memory_space<hbm>> -> memref<1x80xi32, #tpu.memory_space<hbm>>
    %dma_start3A_1200 = tpu.memref_squeeze %dma_start3A_1199 : memref<1x80xi32, #tpu.memory_space<hbm>> -> memref<80xi32, #tpu.memory_space<hbm>>
    tpu.enqueue_dma source(%dma_start3A_1200 : memref<80xi32, #tpu.memory_space<hbm>>) target(%dma_start3A_1197 : memref<80xi32, #tpu.memory_space<vmem>>) target_semaphore(%arg20 : memref<!tpu.dma_semaphore, #tpu.memory_space<semaphore_mem>>)
    %add3A_1201 = arith.constant 121 : i32
    %add3A_1202 = arith.addi %mul3A_3, %add3A_1201 : i32
    %dma_wait3A_1203 = arith.constant 1 : i32
    %dma_wait3A_1204 = arith.constant 0 : i32
    %dma_wait3A_1205 = tpu.memref_slice %arg10[%dma_wait3A_1203, %dma_wait3A_1204] : memref<4x80xi32, #tpu.memory_space<vmem>> -> memref<1x80xi32, #tpu.memory_space<vmem>>
    %dma_wait3A_1206 = tpu.memref_squeeze %dma_wait3A_1205 : memref<1x80xi32, #tpu.memory_space<vmem>> -> memref<80xi32, #tpu.memory_space<vmem>>
    %dma_wait3A_1207 = arith.constant 0 : i32
    %dma_wait3A_1208 = tpu.memref_slice %arg2[%add3A_1202, %dma_wait3A_1207] : memref<4000x80xi32, #tpu.memory_space<hbm>> -> memref<1x80xi32, #tpu.memory_space<hbm>>
    %dma_wait3A_1209 = tpu.memref_squeeze %dma_wait3A_1208 : memref<1x80xi32, #tpu.memory_space<hbm>> -> memref<80xi32, #tpu.memory_space<hbm>>
    %dma_wait3A_1210 = arith.constant 0 : i32
    %dma_wait3A_1211 = tpu.memref_slice %arg10[%dma_wait3A_1203, %dma_wait3A_1210] : memref<4x80xi32, #tpu.memory_space<vmem>> -> memref<1x80xi32, #tpu.memory_space<vmem>>
    %dma_wait3A_1212 = tpu.memref_squeeze %dma_wait3A_1211 : memref<1x80xi32, #tpu.memory_space<vmem>> -> memref<80xi32, #tpu.memory_space<vmem>>
    %dma_wait3A_1213 = arith.constant 0 : i32
    %dma_wait3A_1214 = tpu.memref_slice %arg2[%add3A_1202, %dma_wait3A_1213] : memref<4000x80xi32, #tpu.memory_space<hbm>> -> memref<1x80xi32, #tpu.memory_space<hbm>>
    %dma_wait3A_1215 = tpu.memref_squeeze %dma_wait3A_1214 : memref<1x80xi32, #tpu.memory_space<hbm>> -> memref<80xi32, #tpu.memory_space<hbm>>
    tpu.wait_dma2 semaphore(%arg18 : memref<!tpu.dma_semaphore, #tpu.memory_space<semaphore_mem>>) src(%dma_wait3A_1215 : memref<80xi32, #tpu.memory_space<hbm>>) dst(%dma_wait3A_1212 : memref<80xi32, #tpu.memory_space<vmem>>)
    %add3A_1216 = arith.constant 121 : i32
    %add3A_1217 = arith.addi %mul3A_3, %add3A_1216 : i32
    %dma_wait3A_1218 = arith.constant 1 : i32
    %dma_wait3A_1219 = arith.constant 0 : i32
    %dma_wait3A_1220 = tpu.memref_slice %arg11[%dma_wait3A_1218, %dma_wait3A_1219] : memref<4x80xi32, #tpu.memory_space<vmem>> -> memref<1x80xi32, #tpu.memory_space<vmem>>
    %dma_wait3A_1221 = tpu.memref_squeeze %dma_wait3A_1220 : memref<1x80xi32, #tpu.memory_space<vmem>> -> memref<80xi32, #tpu.memory_space<vmem>>
    %dma_wait3A_1222 = arith.constant 0 : i32
    %dma_wait3A_1223 = tpu.memref_slice %arg3[%add3A_1217, %dma_wait3A_1222] : memref<4000x80xi32, #tpu.memory_space<hbm>> -> memref<1x80xi32, #tpu.memory_space<hbm>>
    %dma_wait3A_1224 = tpu.memref_squeeze %dma_wait3A_1223 : memref<1x80xi32, #tpu.memory_space<hbm>> -> memref<80xi32, #tpu.memory_space<hbm>>
    %dma_wait3A_1225 = arith.constant 0 : i32
    %dma_wait3A_1226 = tpu.memref_slice %arg11[%dma_wait3A_1218, %dma_wait3A_1225] : memref<4x80xi32, #tpu.memory_space<vmem>> -> memref<1x80xi32, #tpu.memory_space<vmem>>
    %dma_wait3A_1227 = tpu.memref_squeeze %dma_wait3A_1226 : memref<1x80xi32, #tpu.memory_space<vmem>> -> memref<80xi32, #tpu.memory_space<vmem>>
    %dma_wait3A_1228 = arith.constant 0 : i32
    %dma_wait3A_1229 = tpu.memref_slice %arg3[%add3A_1217, %dma_wait3A_1228] : memref<4000x80xi32, #tpu.memory_space<hbm>> -> memref<1x80xi32, #tpu.memory_space<hbm>>
    %dma_wait3A_1230 = tpu.memref_squeeze %dma_wait3A_1229 : memref<1x80xi32, #tpu.memory_space<hbm>> -> memref<80xi32, #tpu.memory_space<hbm>>
    tpu.wait_dma2 semaphore(%arg18 : memref<!tpu.dma_semaphore, #tpu.memory_space<semaphore_mem>>) src(%dma_wait3A_1230 : memref<80xi32, #tpu.memory_space<hbm>>) dst(%dma_wait3A_1227 : memref<80xi32, #tpu.memory_space<vmem>>)
    %dma_start3A_1231 = arith.constant 1 : i32
    %dma_start3A_1232 = arith.constant 1 : i32
    %dma_start3A_1233 = arith.constant 0 : i32
    %dma_start3A_1234 = arith.constant 0 : i32
    %dma_start3A_1235 = tpu.memref_slice %arg14[%dma_start3A_1232, %dma_start3A_1233, %dma_start3A_1234] : memref<4x80x128xf32, #tpu.memory_space<vmem>> -> memref<1x80x128xf32, #tpu.memory_space<vmem>>
    %dma_start3A_1236 = tpu.memref_squeeze %dma_start3A_1235 : memref<1x80x128xf32, #tpu.memory_space<vmem>> -> memref<80x128xf32, #tpu.memory_space<vmem>>
    %dma_start3A_1237 = arith.constant 0 : i32
    %dma_start3A_1238 = tpu.memref_slice %arg10[%dma_start3A_1231, %dma_start3A_1237] : memref<4x80xi32, #tpu.memory_space<vmem>> -> memref<1x80xi32, #tpu.memory_space<vmem>>
    %dma_start3A_1239 = tpu.memref_squeeze %dma_start3A_1238 : memref<1x80xi32, #tpu.memory_space<vmem>> -> memref<80xi32, #tpu.memory_space<vmem>>
    %dma_start3A_1240 = arith.constant 0 : i32
    %dma_start3A_1241 = arith.constant 0 : i32
    %dma_start3A_1242 = tpu.memref_slice %arg4[%dma_start3A_1240, %dma_start3A_1241] : memref<10000x128xf32, #tpu.memory_space<hbm>> -> memref<10000x128xf32, #tpu.memory_space<hbm>>
    tpu.enqueue_indirect_dma source(%dma_start3A_1242 : memref<10000x128xf32, #tpu.memory_space<hbm>>) target(%dma_start3A_1236 : memref<80x128xf32, #tpu.memory_space<vmem>>) offsets(%dma_start3A_1239 : memref<80xi32, #tpu.memory_space<vmem>>) semaphore(%arg22 : memref<!tpu.dma_semaphore, #tpu.memory_space<semaphore_mem>>)
    %dma_start3A_1243 = arith.constant 1 : i32
    %dma_start3A_1244 = arith.constant 1 : i32
    %dma_start3A_1245 = arith.constant 0 : i32
    %dma_start3A_1246 = tpu.memref_slice %arg15[%dma_start3A_1244, %dma_start3A_1245] : memref<4x80xf32, #tpu.memory_space<vmem>> -> memref<1x80xf32, #tpu.memory_space<vmem>>
    %dma_start3A_1247 = tpu.memref_squeeze %dma_start3A_1246 : memref<1x80xf32, #tpu.memory_space<vmem>> -> memref<80xf32, #tpu.memory_space<vmem>>
    %dma_start3A_1248 = arith.constant 0 : i32
    %dma_start3A_1249 = tpu.memref_slice %arg11[%dma_start3A_1243, %dma_start3A_1248] : memref<4x80xi32, #tpu.memory_space<vmem>> -> memref<1x80xi32, #tpu.memory_space<vmem>>
    %dma_start3A_1250 = tpu.memref_squeeze %dma_start3A_1249 : memref<1x80xi32, #tpu.memory_space<vmem>> -> memref<80xi32, #tpu.memory_space<vmem>>
    %dma_start3A_1251 = arith.constant 0 : i32
    %dma_start3A_1252 = tpu.memref_slice %arg5[%dma_start3A_1251] : memref<10000xf32, #tpu.memory_space<hbm>> -> memref<10000xf32, #tpu.memory_space<hbm>>
    tpu.enqueue_indirect_dma source(%dma_start3A_1252 : memref<10000xf32, #tpu.memory_space<hbm>>) target(%dma_start3A_1247 : memref<80xf32, #tpu.memory_space<vmem>>) offsets(%dma_start3A_1250 : memref<80xi32, #tpu.memory_space<vmem>>) semaphore(%arg26 : memref<!tpu.dma_semaphore, #tpu.memory_space<semaphore_mem>>)
    %dma_wait3A_1253 = arith.constant 0 : i32
    %dma_wait3A_1254 = arith.constant 0 : i32
    %dma_wait3A_1255 = arith.constant 0 : i32
    %dma_wait3A_1256 = arith.constant 0 : i32
    %dma_wait3A_1257 = tpu.memref_slice %arg14[%dma_wait3A_1254, %dma_wait3A_1255, %dma_wait3A_1256] : memref<4x80x128xf32, #tpu.memory_space<vmem>> -> memref<1x80x128xf32, #tpu.memory_space<vmem>>
    %dma_wait3A_1258 = tpu.memref_squeeze %dma_wait3A_1257 : memref<1x80x128xf32, #tpu.memory_space<vmem>> -> memref<80x128xf32, #tpu.memory_space<vmem>>
    %dma_wait3A_1259 = arith.constant 0 : i32
    %dma_wait3A_1260 = tpu.memref_slice %arg10[%dma_wait3A_1253, %dma_wait3A_1259] : memref<4x80xi32, #tpu.memory_space<vmem>> -> memref<1x80xi32, #tpu.memory_space<vmem>>
    %dma_wait3A_1261 = tpu.memref_squeeze %dma_wait3A_1260 : memref<1x80xi32, #tpu.memory_space<vmem>> -> memref<80xi32, #tpu.memory_space<vmem>>
    %dma_wait3A_1262 = arith.constant 0 : i32
    %dma_wait3A_1263 = arith.constant 0 : i32
    %dma_wait3A_1264 = tpu.memref_slice %arg4[%dma_wait3A_1262, %dma_wait3A_1263] : memref<10000x128xf32, #tpu.memory_space<hbm>> -> memref<10000x128xf32, #tpu.memory_space<hbm>>
    tpu.wait_indirect_dma semaphore(%arg21 : memref<!tpu.dma_semaphore, #tpu.memory_space<semaphore_mem>>) src(%dma_wait3A_1264 : memref<10000x128xf32, #tpu.memory_space<hbm>>) dst(%dma_wait3A_1258 : memref<80x128xf32, #tpu.memory_space<vmem>>)
    %dma_wait3A_1265 = arith.constant 0 : i32
    %dma_wait3A_1266 = arith.constant 0 : i32
    %dma_wait3A_1267 = arith.constant 0 : i32
    %dma_wait3A_1268 = tpu.memref_slice %arg15[%dma_wait3A_1266, %dma_wait3A_1267] : memref<4x80xf32, #tpu.memory_space<vmem>> -> memref<1x80xf32, #tpu.memory_space<vmem>>
    %dma_wait3A_1269 = tpu.memref_squeeze %dma_wait3A_1268 : memref<1x80xf32, #tpu.memory_space<vmem>> -> memref<80xf32, #tpu.memory_space<vmem>>
    %dma_wait3A_1270 = arith.constant 0 : i32
    %dma_wait3A_1271 = tpu.memref_slice %arg11[%dma_wait3A_1265, %dma_wait3A_1270] : memref<4x80xi32, #tpu.memory_space<vmem>> -> memref<1x80xi32, #tpu.memory_space<vmem>>
    %dma_wait3A_1272 = tpu.memref_squeeze %dma_wait3A_1271 : memref<1x80xi32, #tpu.memory_space<vmem>> -> memref<80xi32, #tpu.memory_space<vmem>>
    %dma_wait3A_1273 = arith.constant 0 : i32
    %dma_wait3A_1274 = tpu.memref_slice %arg5[%dma_wait3A_1273] : memref<10000xf32, #tpu.memory_space<hbm>> -> memref<10000xf32, #tpu.memory_space<hbm>>
    tpu.wait_indirect_dma semaphore(%arg25 : memref<!tpu.dma_semaphore, #tpu.memory_space<semaphore_mem>>) src(%dma_wait3A_1274 : memref<10000xf32, #tpu.memory_space<hbm>>) dst(%dma_wait3A_1269 : memref<80xf32, #tpu.memory_space<vmem>>)
    %get3A_1275 = arith.constant 0 : i32
    %get3A_1276 = arith.index_cast %get3A_1275 : i32 to index
    %get3A_1277 = arith.constant 0 : index
    %get3A_1278 = tpu.vector_load %arg10[%get3A_1276, %get3A_1277] {strides = array<i32>} : memref<4x80xi32, #tpu.memory_space<vmem>>, vector<1x16xi32>,
    %get3A_1279 = vector.shape_cast %get3A_1278 : vector<1x16xi32> to vector<16xi32>
    %swap3A_1280 = arith.constant 0 : i32
    %swap3A_1281 = arith.index_cast %swap3A_1280 : i32 to index
    %swap3A_1282 = arith.constant 0 : index
    %swap3A_1283 = tpu.vector_load %arg12[%swap3A_1281, %swap3A_1282] {strides = array<i32>} : memref<4x80xi32, #tpu.memory_space<vmem>>, vector<1x16xi32>,
    %swap3A_1284 = vector.shape_cast %swap3A_1283 : vector<1x16xi32> to vector<16xi32>
    %swap3A_1285 = vector.shape_cast %get3A_1279 : vector<16xi32> to vector<1x16xi32>
    tpu.vector_store %arg12[%swap3A_1281, %swap3A_1282], %swap3A_1285 {strides = array<i32>} : memref<4x80xi32, #tpu.memory_space<vmem>>, vector<1x16xi32>,
    %get3A_1286 = arith.constant 0 : i32
    %get3A_1287 = arith.index_cast %get3A_1286 : i32 to index
    %get3A_1288 = arith.constant 0 : index
    %get3A_1289 = tpu.vector_load %arg11[%get3A_1287, %get3A_1288] {strides = array<i32>} : memref<4x80xi32, #tpu.memory_space<vmem>>, vector<1x16xi32>,
    %get3A_1290 = vector.shape_cast %get3A_1289 : vector<1x16xi32> to vector<16xi32>
    %swap3A_1291 = arith.constant 0 : i32
    %swap3A_1292 = arith.index_cast %swap3A_1291 : i32 to index
    %swap3A_1293 = arith.constant 0 : index
    %swap3A_1294 = tpu.vector_load %arg13[%swap3A_1292, %swap3A_1293] {strides = array<i32>} : memref<4x80xi32, #tpu.memory_space<vmem>>, vector<1x16xi32>,
    %swap3A_1295 = vector.shape_cast %swap3A_1294 : vector<1x16xi32> to vector<16xi32>
    %swap3A_1296 = vector.shape_cast %get3A_1290 : vector<16xi32> to vector<1x16xi32>
    tpu.vector_store %arg13[%swap3A_1292, %swap3A_1293], %swap3A_1296 {strides = array<i32>} : memref<4x80xi32, #tpu.memory_space<vmem>>, vector<1x16xi32>,
    %get3A_1297 = arith.constant 0 : i32
    %get3A_1298 = arith.index_cast %get3A_1297 : i32 to index
    %get3A_1299 = arith.constant 16 : index
    %get3A_1300 = tpu.vector_load %arg10[%get3A_1298, %get3A_1299] {strides = array<i32>} : memref<4x80xi32, #tpu.memory_space<vmem>>, vector<1x16xi32>,
    %get3A_1301 = vector.shape_cast %get3A_1300 : vector<1x16xi32> to vector<16xi32>
    %swap3A_1302 = arith.constant 0 : i32
    %swap3A_1303 = arith.index_cast %swap3A_1302 : i32 to index
    %swap3A_1304 = arith.constant 16 : index
    %swap3A_1305 = tpu.vector_load %arg12[%swap3A_1303, %swap3A_1304] {strides = array<i32>} : memref<4x80xi32, #tpu.memory_space<vmem>>, vector<1x16xi32>,
    %swap3A_1306 = vector.shape_cast %swap3A_1305 : vector<1x16xi32> to vector<16xi32>
    %swap3A_1307 = vector.shape_cast %get3A_1301 : vector<16xi32> to vector<1x16xi32>
    tpu.vector_store %arg12[%swap3A_1303, %swap3A_1304], %swap3A_1307 {strides = array<i32>} : memref<4x80xi32, #tpu.memory_space<vmem>>, vector<1x16xi32>,
    %get3A_1308 = arith.constant 0 : i32
    %get3A_1309 = arith.index_cast %get3A_1308 : i32 to index
    %get3A_1310 = arith.constant 16 : index
    %get3A_1311 = tpu.vector_load %arg11[%get3A_1309, %get3A_1310] {strides = array<i32>} : memref<4x80xi32, #tpu.memory_space<vmem>>, vector<1x16xi32>,
    %get3A_1312 = vector.shape_cast %get3A_1311 : vector<1x16xi32> to vector<16xi32>
    %swap3A_1313 = arith.constant 0 : i32
    %swap3A_1314 = arith.index_cast %swap3A_1313 : i32 to index
    %swap3A_1315 = arith.constant 16 : index
    %swap3A_1316 = tpu.vector_load %arg13[%swap3A_1314, %swap3A_1315] {strides = array<i32>} : memref<4x80xi32, #tpu.memory_space<vmem>>, vector<1x16xi32>,
    %swap3A_1317 = vector.shape_cast %swap3A_1316 : vector<1x16xi32> to vector<16xi32>
    %swap3A_1318 = vector.shape_cast %get3A_1312 : vector<16xi32> to vector<1x16xi32>
    tpu.vector_store %arg13[%swap3A_1314, %swap3A_1315], %swap3A_1318 {strides = array<i32>} : memref<4x80xi32, #tpu.memory_space<vmem>>, vector<1x16xi32>,
    %get3A_1319 = arith.constant 0 : i32
    %get3A_1320 = arith.index_cast %get3A_1319 : i32 to index
    %get3A_1321 = arith.constant 32 : index
    %get3A_1322 = tpu.vector_load %arg10[%get3A_1320, %get3A_1321] {strides = array<i32>} : memref<4x80xi32, #tpu.memory_space<vmem>>, vector<1x16xi32>,
    %get3A_1323 = vector.shape_cast %get3A_1322 : vector<1x16xi32> to vector<16xi32>
    %swap3A_1324 = arith.constant 0 : i32
    %swap3A_1325 = arith.index_cast %swap3A_1324 : i32 to index
    %swap3A_1326 = arith.constant 32 : index
    %swap3A_1327 = tpu.vector_load %arg12[%swap3A_1325, %swap3A_1326] {strides = array<i32>} : memref<4x80xi32, #tpu.memory_space<vmem>>, vector<1x16xi32>,
    %swap3A_1328 = vector.shape_cast %swap3A_1327 : vector<1x16xi32> to vector<16xi32>
    %swap3A_1329 = vector.shape_cast %get3A_1323 : vector<16xi32> to vector<1x16xi32>
    tpu.vector_store %arg12[%swap3A_1325, %swap3A_1326], %swap3A_1329 {strides = array<i32>} : memref<4x80xi32, #tpu.memory_space<vmem>>, vector<1x16xi32>,
    %get3A_1330 = arith.constant 0 : i32
    %get3A_1331 = arith.index_cast %get3A_1330 : i32 to index
    %get3A_1332 = arith.constant 32 : index
    %get3A_1333 = tpu.vector_load %arg11[%get3A_1331, %get3A_1332] {strides = array<i32>} : memref<4x80xi32, #tpu.memory_space<vmem>>, vector<1x16xi32>,
    %get3A_1334 = vector.shape_cast %get3A_1333 : vector<1x16xi32> to vector<16xi32>
    %swap3A_1335 = arith.constant 0 : i32
    %swap3A_1336 = arith.index_cast %swap3A_1335 : i32 to index
    %swap3A_1337 = arith.constant 32 : index
    %swap3A_1338 = tpu.vector_load %arg13[%swap3A_1336, %swap3A_1337] {strides = array<i32>} : memref<4x80xi32, #tpu.memory_space<vmem>>, vector<1x16xi32>,
    %swap3A_1339 = vector.shape_cast %swap3A_1338 : vector<1x16xi32> to vector<16xi32>
    %swap3A_1340 = vector.shape_cast %get3A_1334 : vector<16xi32> to vector<1x16xi32>
    tpu.vector_store %arg13[%swap3A_1336, %swap3A_1337], %swap3A_1340 {strides = array<i32>} : memref<4x80xi32, #tpu.memory_space<vmem>>, vector<1x16xi32>,
    %get3A_1341 = arith.constant 0 : i32
    %get3A_1342 = arith.index_cast %get3A_1341 : i32 to index
    %get3A_1343 = arith.constant 48 : index
    %get3A_1344 = tpu.vector_load %arg10[%get3A_1342, %get3A_1343] {strides = array<i32>} : memref<4x80xi32, #tpu.memory_space<vmem>>, vector<1x16xi32>,
    %get3A_1345 = vector.shape_cast %get3A_1344 : vector<1x16xi32> to vector<16xi32>
    %swap3A_1346 = arith.constant 0 : i32
    %swap3A_1347 = arith.index_cast %swap3A_1346 : i32 to index
    %swap3A_1348 = arith.constant 48 : index
    %swap3A_1349 = tpu.vector_load %arg12[%swap3A_1347, %swap3A_1348] {strides = array<i32>} : memref<4x80xi32, #tpu.memory_space<vmem>>, vector<1x16xi32>,
    %swap3A_1350 = vector.shape_cast %swap3A_1349 : vector<1x16xi32> to vector<16xi32>
    %swap3A_1351 = vector.shape_cast %get3A_1345 : vector<16xi32> to vector<1x16xi32>
    tpu.vector_store %arg12[%swap3A_1347, %swap3A_1348], %swap3A_1351 {strides = array<i32>} : memref<4x80xi32, #tpu.memory_space<vmem>>, vector<1x16xi32>,
    %get3A_1352 = arith.constant 0 : i32
    %get3A_1353 = arith.index_cast %get3A_1352 : i32 to index
    %get3A_1354 = arith.constant 48 : index
    %get3A_1355 = tpu.vector_load %arg11[%get3A_1353, %get3A_1354] {strides = array<i32>} : memref<4x80xi32, #tpu.memory_space<vmem>>, vector<1x16xi32>,
    %get3A_1356 = vector.shape_cast %get3A_1355 : vector<1x16xi32> to vector<16xi32>
    %swap3A_1357 = arith.constant 0 : i32
    %swap3A_1358 = arith.index_cast %swap3A_1357 : i32 to index
    %swap3A_1359 = arith.constant 48 : index
    %swap3A_1360 = tpu.vector_load %arg13[%swap3A_1358, %swap3A_1359] {strides = array<i32>} : memref<4x80xi32, #tpu.memory_space<vmem>>, vector<1x16xi32>,
    %swap3A_1361 = vector.shape_cast %swap3A_1360 : vector<1x16xi32> to vector<16xi32>
    %swap3A_1362 = vector.shape_cast %get3A_1356 : vector<16xi32> to vector<1x16xi32>
    tpu.vector_store %arg13[%swap3A_1358, %swap3A_1359], %swap3A_1362 {strides = array<i32>} : memref<4x80xi32, #tpu.memory_space<vmem>>, vector<1x16xi32>,
    %get3A_1363 = arith.constant 0 : i32
    %get3A_1364 = arith.index_cast %get3A_1363 : i32 to index
    %get3A_1365 = arith.constant 64 : index
    %get3A_1366 = tpu.vector_load %arg10[%get3A_1364, %get3A_1365] {strides = array<i32>} : memref<4x80xi32, #tpu.memory_space<vmem>>, vector<1x16xi32>,
    %get3A_1367 = vector.shape_cast %get3A_1366 : vector<1x16xi32> to vector<16xi32>
    %swap3A_1368 = arith.constant 0 : i32
    %swap3A_1369 = arith.index_cast %swap3A_1368 : i32 to index
    %swap3A_1370 = arith.constant 64 : index
    %swap3A_1371 = tpu.vector_load %arg12[%swap3A_1369, %swap3A_1370] {strides = array<i32>} : memref<4x80xi32, #tpu.memory_space<vmem>>, vector<1x16xi32>,
    %swap3A_1372 = vector.shape_cast %swap3A_1371 : vector<1x16xi32> to vector<16xi32>
    %swap3A_1373 = vector.shape_cast %get3A_1367 : vector<16xi32> to vector<1x16xi32>
    tpu.vector_store %arg12[%swap3A_1369, %swap3A_1370], %swap3A_1373 {strides = array<i32>} : memref<4x80xi32, #tpu.memory_space<vmem>>, vector<1x16xi32>,
    %get3A_1374 = arith.constant 0 : i32
    %get3A_1375 = arith.index_cast %get3A_1374 : i32 to index
    %get3A_1376 = arith.constant 64 : index
    %get3A_1377 = tpu.vector_load %arg11[%get3A_1375, %get3A_1376] {strides = array<i32>} : memref<4x80xi32, #tpu.memory_space<vmem>>, vector<1x16xi32>,
    %get3A_1378 = vector.shape_cast %get3A_1377 : vector<1x16xi32> to vector<16xi32>
    %swap3A_1379 = arith.constant 0 : i32
    %swap3A_1380 = arith.index_cast %swap3A_1379 : i32 to index
    %swap3A_1381 = arith.constant 64 : index
    %swap3A_1382 = tpu.vector_load %arg13[%swap3A_1380, %swap3A_1381] {strides = array<i32>} : memref<4x80xi32, #tpu.memory_space<vmem>>, vector<1x16xi32>,
    %swap3A_1383 = vector.shape_cast %swap3A_1382 : vector<1x16xi32> to vector<16xi32>
    %swap3A_1384 = vector.shape_cast %get3A_1378 : vector<16xi32> to vector<1x16xi32>
    tpu.vector_store %arg13[%swap3A_1380, %swap3A_1381], %swap3A_1384 {strides = array<i32>} : memref<4x80xi32, #tpu.memory_space<vmem>>, vector<1x16xi32>,
    %dma_start3A_1385 = arith.constant 0 : i32
    %dma_start3A_1386 = arith.constant 0 : i32
    %dma_start3A_1387 = arith.constant 0 : i32
    %dma_start3A_1388 = arith.constant 0 : i32
    %dma_start3A_1389 = tpu.memref_slice %arg14[%dma_start3A_1385, %dma_start3A_1387, %dma_start3A_1388] : memref<4x80x128xf32, #tpu.memory_space<vmem>> -> memref<1x80x128xf32, #tpu.memory_space<vmem>>
    %dma_start3A_1390 = tpu.memref_squeeze %dma_start3A_1389 : memref<1x80x128xf32, #tpu.memory_space<vmem>> -> memref<80x128xf32, #tpu.memory_space<vmem>>
    %dma_start3A_1391 = arith.constant 0 : i32
    %dma_start3A_1392 = tpu.memref_slice %arg13[%dma_start3A_1386, %dma_start3A_1391] : memref<4x80xi32, #tpu.memory_space<vmem>> -> memref<1x80xi32, #tpu.memory_space<vmem>>
    %dma_start3A_1393 = tpu.memref_squeeze %dma_start3A_1392 : memref<1x80xi32, #tpu.memory_space<vmem>> -> memref<80xi32, #tpu.memory_space<vmem>>
    %dma_start3A_1394 = arith.constant 0 : i32
    %dma_start3A_1395 = arith.constant 0 : i32
    %dma_start3A_1396 = tpu.memref_slice %arg8[%dma_start3A_1394, %dma_start3A_1395] : memref<10000x128xf32, #tpu.memory_space<vmem_shared>> -> memref<10000x128xf32, #tpu.memory_space<vmem_shared>>
    tpu.enqueue_indirect_dma source(%dma_start3A_1390 : memref<80x128xf32, #tpu.memory_space<vmem>>) target(%dma_start3A_1396 : memref<10000x128xf32, #tpu.memory_space<vmem_shared>>) offsets(%dma_start3A_1393 : memref<80xi32, #tpu.memory_space<vmem>>) semaphore(%arg29 : memref<!tpu.dma_semaphore, #tpu.memory_space<semaphore_mem>>) {add = true}
    %dma_start3A_1397 = arith.constant 0 : i32
    %dma_start3A_1398 = arith.constant 0 : i32
    %dma_start3A_1399 = arith.constant 0 : i32
    %dma_start3A_1400 = tpu.memref_slice %arg15[%dma_start3A_1397, %dma_start3A_1399] : memref<4x80xf32, #tpu.memory_space<vmem>> -> memref<1x80xf32, #tpu.memory_space<vmem>>
    %dma_start3A_1401 = tpu.memref_squeeze %dma_start3A_1400 : memref<1x80xf32, #tpu.memory_space<vmem>> -> memref<80xf32, #tpu.memory_space<vmem>>
    %dma_start3A_1402 = arith.constant 0 : i32
    %dma_start3A_1403 = tpu.memref_slice %arg12[%dma_start3A_1398, %dma_start3A_1402] : memref<4x80xi32, #tpu.memory_space<vmem>> -> memref<1x80xi32, #tpu.memory_space<vmem>>
    %dma_start3A_1404 = tpu.memref_squeeze %dma_start3A_1403 : memref<1x80xi32, #tpu.memory_space<vmem>> -> memref<80xi32, #tpu.memory_space<vmem>>
    %dma_start3A_1405 = arith.constant 0 : i32
    %dma_start3A_1406 = tpu.memref_slice %arg9[%dma_start3A_1405] : memref<10240xf32, #tpu.memory_space<vmem_shared>> -> memref<10240xf32, #tpu.memory_space<vmem_shared>>
    tpu.enqueue_indirect_dma source(%dma_start3A_1401 : memref<80xf32, #tpu.memory_space<vmem>>) target(%dma_start3A_1406 : memref<10240xf32, #tpu.memory_space<vmem_shared>>) offsets(%dma_start3A_1404 : memref<80xi32, #tpu.memory_space<vmem>>) semaphore(%arg33 : memref<!tpu.dma_semaphore, #tpu.memory_space<semaphore_mem>>) {add = true}
    %dma_wait3A_1407 = arith.constant 2 : i32
    %dma_wait3A_1408 = arith.constant 2 : i32
    %dma_wait3A_1409 = arith.constant 0 : i32
    %dma_wait3A_1410 = arith.constant 0 : i32
    %dma_wait3A_1411 = tpu.memref_slice %arg14[%dma_wait3A_1407, %dma_wait3A_1409, %dma_wait3A_1410] : memref<4x80x128xf32, #tpu.memory_space<vmem>> -> memref<1x80x128xf32, #tpu.memory_space<vmem>>
    %dma_wait3A_1412 = tpu.memref_squeeze %dma_wait3A_1411 : memref<1x80x128xf32, #tpu.memory_space<vmem>> -> memref<80x128xf32, #tpu.memory_space<vmem>>
    %dma_wait3A_1413 = arith.constant 0 : i32
    %dma_wait3A_1414 = tpu.memref_slice %arg13[%dma_wait3A_1408, %dma_wait3A_1413] : memref<4x80xi32, #tpu.memory_space<vmem>> -> memref<1x80xi32, #tpu.memory_space<vmem>>
    %dma_wait3A_1415 = tpu.memref_squeeze %dma_wait3A_1414 : memref<1x80xi32, #tpu.memory_space<vmem>> -> memref<80xi32, #tpu.memory_space<vmem>>
    %dma_wait3A_1416 = arith.constant 0 : i32
    %dma_wait3A_1417 = arith.constant 0 : i32
    %dma_wait3A_1418 = tpu.memref_slice %arg8[%dma_wait3A_1416, %dma_wait3A_1417] : memref<10000x128xf32, #tpu.memory_space<vmem_shared>> -> memref<10000x128xf32, #tpu.memory_space<vmem_shared>>
    tpu.wait_indirect_dma semaphore(%arg31 : memref<!tpu.dma_semaphore, #tpu.memory_space<semaphore_mem>>) src(%dma_wait3A_1412 : memref<80x128xf32, #tpu.memory_space<vmem>>) dst(%dma_wait3A_1418 : memref<10000x128xf32, #tpu.memory_space<vmem_shared>>)
    %dma_wait3A_1419 = arith.constant 2 : i32
    %dma_wait3A_1420 = arith.constant 2 : i32
    %dma_wait3A_1421 = arith.constant 0 : i32
    %dma_wait3A_1422 = tpu.memref_slice %arg15[%dma_wait3A_1419, %dma_wait3A_1421] : memref<4x80xf32, #tpu.memory_space<vmem>> -> memref<1x80xf32, #tpu.memory_space<vmem>>
    %dma_wait3A_1423 = tpu.memref_squeeze %dma_wait3A_1422 : memref<1x80xf32, #tpu.memory_space<vmem>> -> memref<80xf32, #tpu.memory_space<vmem>>
    %dma_wait3A_1424 = arith.constant 0 : i32
    %dma_wait3A_1425 = tpu.memref_slice %arg12[%dma_wait3A_1420, %dma_wait3A_1424] : memref<4x80xi32, #tpu.memory_space<vmem>> -> memref<1x80xi32, #tpu.memory_space<vmem>>
    %dma_wait3A_1426 = tpu.memref_squeeze %dma_wait3A_1425 : memref<1x80xi32, #tpu.memory_space<vmem>> -> memref<80xi32, #tpu.memory_space<vmem>>
    %dma_wait3A_1427 = arith.constant 0 : i32
    %dma_wait3A_1428 = tpu.memref_slice %arg9[%dma_wait3A_1427] : memref<10240xf32, #tpu.memory_space<vmem_shared>> -> memref<10240xf32, #tpu.memory_space<vmem_shared>>
    tpu.wait_indirect_dma semaphore(%arg35 : memref<!tpu.dma_semaphore, #tpu.memory_space<semaphore_mem>>) src(%dma_wait3A_1423 : memref<80xf32, #tpu.memory_space<vmem>>) dst(%dma_wait3A_1428 : memref<10240xf32, #tpu.memory_space<vmem_shared>>)
    %add3A_1429 = arith.constant 124 : i32
    %add3A_1430 = arith.addi %mul3A_3, %add3A_1429 : i32
    %dma_start3A_1431 = arith.constant 0 : i32
    %dma_start3A_1432 = arith.constant 0 : i32
    %dma_start3A_1433 = tpu.memref_slice %arg10[%dma_start3A_1431, %dma_start3A_1432] : memref<4x80xi32, #tpu.memory_space<vmem>> -> memref<1x80xi32, #tpu.memory_space<vmem>>
    %dma_start3A_1434 = tpu.memref_squeeze %dma_start3A_1433 : memref<1x80xi32, #tpu.memory_space<vmem>> -> memref<80xi32, #tpu.memory_space<vmem>>
    %dma_start3A_1435 = arith.constant 0 : i32
    %dma_start3A_1436 = tpu.memref_slice %arg2[%add3A_1430, %dma_start3A_1435] : memref<4000x80xi32, #tpu.memory_space<hbm>> -> memref<1x80xi32, #tpu.memory_space<hbm>>
    %dma_start3A_1437 = tpu.memref_squeeze %dma_start3A_1436 : memref<1x80xi32, #tpu.memory_space<hbm>> -> memref<80xi32, #tpu.memory_space<hbm>>
    %dma_start3A_1438 = arith.constant 0 : i32
    %dma_start3A_1439 = tpu.memref_slice %arg10[%dma_start3A_1431, %dma_start3A_1438] : memref<4x80xi32, #tpu.memory_space<vmem>> -> memref<1x80xi32, #tpu.memory_space<vmem>>
    %dma_start3A_1440 = tpu.memref_squeeze %dma_start3A_1439 : memref<1x80xi32, #tpu.memory_space<vmem>> -> memref<80xi32, #tpu.memory_space<vmem>>
    %dma_start3A_1441 = arith.constant 0 : i32
    %dma_start3A_1442 = tpu.memref_slice %arg2[%add3A_1430, %dma_start3A_1441] : memref<4000x80xi32, #tpu.memory_space<hbm>> -> memref<1x80xi32, #tpu.memory_space<hbm>>
    %dma_start3A_1443 = tpu.memref_squeeze %dma_start3A_1442 : memref<1x80xi32, #tpu.memory_space<hbm>> -> memref<80xi32, #tpu.memory_space<hbm>>
    tpu.enqueue_dma source(%dma_start3A_1443 : memref<80xi32, #tpu.memory_space<hbm>>) target(%dma_start3A_1440 : memref<80xi32, #tpu.memory_space<vmem>>) target_semaphore(%arg17 : memref<!tpu.dma_semaphore, #tpu.memory_space<semaphore_mem>>)
    %add3A_1444 = arith.constant 124 : i32
    %add3A_1445 = arith.addi %mul3A_3, %add3A_1444 : i32
    %dma_start3A_1446 = arith.constant 0 : i32
    %dma_start3A_1447 = arith.constant 0 : i32
    %dma_start3A_1448 = tpu.memref_slice %arg11[%dma_start3A_1446, %dma_start3A_1447] : memref<4x80xi32, #tpu.memory_space<vmem>> -> memref<1x80xi32, #tpu.memory_space<vmem>>
    %dma_start3A_1449 = tpu.memref_squeeze %dma_start3A_1448 : memref<1x80xi32, #tpu.memory_space<vmem>> -> memref<80xi32, #tpu.memory_space<vmem>>
    %dma_start3A_1450 = arith.constant 0 : i32
    %dma_start3A_1451 = tpu.memref_slice %arg3[%add3A_1445, %dma_start3A_1450] : memref<4000x80xi32, #tpu.memory_space<hbm>> -> memref<1x80xi32, #tpu.memory_space<hbm>>
    %dma_start3A_1452 = tpu.memref_squeeze %dma_start3A_1451 : memref<1x80xi32, #tpu.memory_space<hbm>> -> memref<80xi32, #tpu.memory_space<hbm>>
    %dma_start3A_1453 = arith.constant 0 : i32
    %dma_start3A_1454 = tpu.memref_slice %arg11[%dma_start3A_1446, %dma_start3A_1453] : memref<4x80xi32, #tpu.memory_space<vmem>> -> memref<1x80xi32, #tpu.memory_space<vmem>>
    %dma_start3A_1455 = tpu.memref_squeeze %dma_start3A_1454 : memref<1x80xi32, #tpu.memory_space<vmem>> -> memref<80xi32, #tpu.memory_space<vmem>>
    %dma_start3A_1456 = arith.constant 0 : i32
    %dma_start3A_1457 = tpu.memref_slice %arg3[%add3A_1445, %dma_start3A_1456] : memref<4000x80xi32, #tpu.memory_space<hbm>> -> memref<1x80xi32, #tpu.memory_space<hbm>>
    %dma_start3A_1458 = tpu.memref_squeeze %dma_start3A_1457 : memref<1x80xi32, #tpu.memory_space<hbm>> -> memref<80xi32, #tpu.memory_space<hbm>>
    tpu.enqueue_dma source(%dma_start3A_1458 : memref<80xi32, #tpu.memory_space<hbm>>) target(%dma_start3A_1455 : memref<80xi32, #tpu.memory_space<vmem>>) target_semaphore(%arg17 : memref<!tpu.dma_semaphore, #tpu.memory_space<semaphore_mem>>)
    %add3A_1459 = arith.constant 122 : i32
    %add3A_1460 = arith.addi %mul3A_3, %add3A_1459 : i32
    %dma_wait3A_1461 = arith.constant 2 : i32
    %dma_wait3A_1462 = arith.constant 0 : i32
    %dma_wait3A_1463 = tpu.memref_slice %arg10[%dma_wait3A_1461, %dma_wait3A_1462] : memref<4x80xi32, #tpu.memory_space<vmem>> -> memref<1x80xi32, #tpu.memory_space<vmem>>
    %dma_wait3A_1464 = tpu.memref_squeeze %dma_wait3A_1463 : memref<1x80xi32, #tpu.memory_space<vmem>> -> memref<80xi32, #tpu.memory_space<vmem>>
    %dma_wait3A_1465 = arith.constant 0 : i32
    %dma_wait3A_1466 = tpu.memref_slice %arg2[%add3A_1460, %dma_wait3A_1465] : memref<4000x80xi32, #tpu.memory_space<hbm>> -> memref<1x80xi32, #tpu.memory_space<hbm>>
    %dma_wait3A_1467 = tpu.memref_squeeze %dma_wait3A_1466 : memref<1x80xi32, #tpu.memory_space<hbm>> -> memref<80xi32, #tpu.memory_space<hbm>>
    %dma_wait3A_1468 = arith.constant 0 : i32
    %dma_wait3A_1469 = tpu.memref_slice %arg10[%dma_wait3A_1461, %dma_wait3A_1468] : memref<4x80xi32, #tpu.memory_space<vmem>> -> memref<1x80xi32, #tpu.memory_space<vmem>>
    %dma_wait3A_1470 = tpu.memref_squeeze %dma_wait3A_1469 : memref<1x80xi32, #tpu.memory_space<vmem>> -> memref<80xi32, #tpu.memory_space<vmem>>
    %dma_wait3A_1471 = arith.constant 0 : i32
    %dma_wait3A_1472 = tpu.memref_slice %arg2[%add3A_1460, %dma_wait3A_1471] : memref<4000x80xi32, #tpu.memory_space<hbm>> -> memref<1x80xi32, #tpu.memory_space<hbm>>
    %dma_wait3A_1473 = tpu.memref_squeeze %dma_wait3A_1472 : memref<1x80xi32, #tpu.memory_space<hbm>> -> memref<80xi32, #tpu.memory_space<hbm>>
    tpu.wait_dma2 semaphore(%arg19 : memref<!tpu.dma_semaphore, #tpu.memory_space<semaphore_mem>>) src(%dma_wait3A_1473 : memref<80xi32, #tpu.memory_space<hbm>>) dst(%dma_wait3A_1470 : memref<80xi32, #tpu.memory_space<vmem>>)
    %add3A_1474 = arith.constant 122 : i32
    %add3A_1475 = arith.addi %mul3A_3, %add3A_1474 : i32
    %dma_wait3A_1476 = arith.constant 2 : i32
    %dma_wait3A_1477 = arith.constant 0 : i32
    %dma_wait3A_1478 = tpu.memref_slice %arg11[%dma_wait3A_1476, %dma_wait3A_1477] : memref<4x80xi32, #tpu.memory_space<vmem>> -> memref<1x80xi32, #tpu.memory_space<vmem>>
    %dma_wait3A_1479 = tpu.memref_squeeze %dma_wait3A_1478 : memref<1x80xi32, #tpu.memory_space<vmem>> -> memref<80xi32, #tpu.memory_space<vmem>>
    %dma_wait3A_1480 = arith.constant 0 : i32
    %dma_wait3A_1481 = tpu.memref_slice %arg3[%add3A_1475, %dma_wait3A_1480] : memref<4000x80xi32, #tpu.memory_space<hbm>> -> memref<1x80xi32, #tpu.memory_space<hbm>>
    %dma_wait3A_1482 = tpu.memref_squeeze %dma_wait3A_1481 : memref<1x80xi32, #tpu.memory_space<hbm>> -> memref<80xi32, #tpu.memory_space<hbm>>
    %dma_wait3A_1483 = arith.constant 0 : i32
    %dma_wait3A_1484 = tpu.memref_slice %arg11[%dma_wait3A_1476, %dma_wait3A_1483] : memref<4x80xi32, #tpu.memory_space<vmem>> -> memref<1x80xi32, #tpu.memory_space<vmem>>
    %dma_wait3A_1485 = tpu.memref_squeeze %dma_wait3A_1484 : memref<1x80xi32, #tpu.memory_space<vmem>> -> memref<80xi32, #tpu.memory_space<vmem>>
    %dma_wait3A_1486 = arith.constant 0 : i32
    %dma_wait3A_1487 = tpu.memref_slice %arg3[%add3A_1475, %dma_wait3A_1486] : memref<4000x80xi32, #tpu.memory_space<hbm>> -> memref<1x80xi32, #tpu.memory_space<hbm>>
    %dma_wait3A_1488 = tpu.memref_squeeze %dma_wait3A_1487 : memref<1x80xi32, #tpu.memory_space<hbm>> -> memref<80xi32, #tpu.memory_space<hbm>>
    tpu.wait_dma2 semaphore(%arg19 : memref<!tpu.dma_semaphore, #tpu.memory_space<semaphore_mem>>) src(%dma_wait3A_1488 : memref<80xi32, #tpu.memory_space<hbm>>) dst(%dma_wait3A_1485 : memref<80xi32, #tpu.memory_space<vmem>>)
    %dma_start3A_1489 = arith.constant 2 : i32
    %dma_start3A_1490 = arith.constant 2 : i32
    %dma_start3A_1491 = arith.constant 0 : i32
    %dma_start3A_1492 = arith.constant 0 : i32
    %dma_start3A_1493 = tpu.memref_slice %arg14[%dma_start3A_1490, %dma_start3A_1491, %dma_start3A_1492] : memref<4x80x128xf32, #tpu.memory_space<vmem>> -> memref<1x80x128xf32, #tpu.memory_space<vmem>>
    %dma_start3A_1494 = tpu.memref_squeeze %dma_start3A_1493 : memref<1x80x128xf32, #tpu.memory_space<vmem>> -> memref<80x128xf32, #tpu.memory_space<vmem>>
    %dma_start3A_1495 = arith.constant 0 : i32
    %dma_start3A_1496 = tpu.memref_slice %arg10[%dma_start3A_1489, %dma_start3A_1495] : memref<4x80xi32, #tpu.memory_space<vmem>> -> memref<1x80xi32, #tpu.memory_space<vmem>>
    %dma_start3A_1497 = tpu.memref_squeeze %dma_start3A_1496 : memref<1x80xi32, #tpu.memory_space<vmem>> -> memref<80xi32, #tpu.memory_space<vmem>>
    %dma_start3A_1498 = arith.constant 0 : i32
    %dma_start3A_1499 = arith.constant 0 : i32
    %dma_start3A_1500 = tpu.memref_slice %arg4[%dma_start3A_1498, %dma_start3A_1499] : memref<10000x128xf32, #tpu.memory_space<hbm>> -> memref<10000x128xf32, #tpu.memory_space<hbm>>
    tpu.enqueue_indirect_dma source(%dma_start3A_1500 : memref<10000x128xf32, #tpu.memory_space<hbm>>) target(%dma_start3A_1494 : memref<80x128xf32, #tpu.memory_space<vmem>>) offsets(%dma_start3A_1497 : memref<80xi32, #tpu.memory_space<vmem>>) semaphore(%arg23 : memref<!tpu.dma_semaphore, #tpu.memory_space<semaphore_mem>>)
    %dma_start3A_1501 = arith.constant 2 : i32
    %dma_start3A_1502 = arith.constant 2 : i32
    %dma_start3A_1503 = arith.constant 0 : i32
    %dma_start3A_1504 = tpu.memref_slice %arg15[%dma_start3A_1502, %dma_start3A_1503] : memref<4x80xf32, #tpu.memory_space<vmem>> -> memref<1x80xf32, #tpu.memory_space<vmem>>
    %dma_start3A_1505 = tpu.memref_squeeze %dma_start3A_1504 : memref<1x80xf32, #tpu.memory_space<vmem>> -> memref<80xf32, #tpu.memory_space<vmem>>
    %dma_start3A_1506 = arith.constant 0 : i32
    %dma_start3A_1507 = tpu.memref_slice %arg11[%dma_start3A_1501, %dma_start3A_1506] : memref<4x80xi32, #tpu.memory_space<vmem>> -> memref<1x80xi32, #tpu.memory_space<vmem>>
    %dma_start3A_1508 = tpu.memref_squeeze %dma_start3A_1507 : memref<1x80xi32, #tpu.memory_space<vmem>> -> memref<80xi32, #tpu.memory_space<vmem>>
    %dma_start3A_1509 = arith.constant 0 : i32
    %dma_start3A_1510 = tpu.memref_slice %arg5[%dma_start3A_1509] : memref<10000xf32, #tpu.memory_space<hbm>> -> memref<10000xf32, #tpu.memory_space<hbm>>
    tpu.enqueue_indirect_dma source(%dma_start3A_1510 : memref<10000xf32, #tpu.memory_space<hbm>>) target(%dma_start3A_1505 : memref<80xf32, #tpu.memory_space<vmem>>) offsets(%dma_start3A_1508 : memref<80xi32, #tpu.memory_space<vmem>>) semaphore(%arg27 : memref<!tpu.dma_semaphore, #tpu.memory_space<semaphore_mem>>)
    %dma_wait3A_1511 = arith.constant 1 : i32
    %dma_wait3A_1512 = arith.constant 1 : i32
    %dma_wait3A_1513 = arith.constant 0 : i32
    %dma_wait3A_1514 = arith.constant 0 : i32
    %dma_wait3A_1515 = tpu.memref_slice %arg14[%dma_wait3A_1512, %dma_wait3A_1513, %dma_wait3A_1514] : memref<4x80x128xf32, #tpu.memory_space<vmem>> -> memref<1x80x128xf32, #tpu.memory_space<vmem>>
    %dma_wait3A_1516 = tpu.memref_squeeze %dma_wait3A_1515 : memref<1x80x128xf32, #tpu.memory_space<vmem>> -> memref<80x128xf32, #tpu.memory_space<vmem>>
    %dma_wait3A_1517 = arith.constant 0 : i32
    %dma_wait3A_1518 = tpu.memref_slice %arg10[%dma_wait3A_1511, %dma_wait3A_1517] : memref<4x80xi32, #tpu.memory_space<vmem>> -> memref<1x80xi32, #tpu.memory_space<vmem>>
    %dma_wait3A_1519 = tpu.memref_squeeze %dma_wait3A_1518 : memref<1x80xi32, #tpu.memory_space<vmem>> -> memref<80xi32, #tpu.memory_space<vmem>>
    %dma_wait3A_1520 = arith.constant 0 : i32
    %dma_wait3A_1521 = arith.constant 0 : i32
    %dma_wait3A_1522 = tpu.memref_slice %arg4[%dma_wait3A_1520, %dma_wait3A_1521] : memref<10000x128xf32, #tpu.memory_space<hbm>> -> memref<10000x128xf32, #tpu.memory_space<hbm>>
    tpu.wait_indirect_dma semaphore(%arg22 : memref<!tpu.dma_semaphore, #tpu.memory_space<semaphore_mem>>) src(%dma_wait3A_1522 : memref<10000x128xf32, #tpu.memory_space<hbm>>) dst(%dma_wait3A_1516 : memref<80x128xf32, #tpu.memory_space<vmem>>)
    %dma_wait3A_1523 = arith.constant 1 : i32
    %dma_wait3A_1524 = arith.constant 1 : i32
    %dma_wait3A_1525 = arith.constant 0 : i32
    %dma_wait3A_1526 = tpu.memref_slice %arg15[%dma_wait3A_1524, %dma_wait3A_1525] : memref<4x80xf32, #tpu.memory_space<vmem>> -> memref<1x80xf32, #tpu.memory_space<vmem>>
    %dma_wait3A_1527 = tpu.memref_squeeze %dma_wait3A_1526 : memref<1x80xf32, #tpu.memory_space<vmem>> -> memref<80xf32, #tpu.memory_space<vmem>>
    %dma_wait3A_1528 = arith.constant 0 : i32
    %dma_wait3A_1529 = tpu.memref_slice %arg11[%dma_wait3A_1523, %dma_wait3A_1528] : memref<4x80xi32, #tpu.memory_space<vmem>> -> memref<1x80xi32, #tpu.memory_space<vmem>>
    %dma_wait3A_1530 = tpu.memref_squeeze %dma_wait3A_1529 : memref<1x80xi32, #tpu.memory_space<vmem>> -> memref<80xi32, #tpu.memory_space<vmem>>
    %dma_wait3A_1531 = arith.constant 0 : i32
    %dma_wait3A_1532 = tpu.memref_slice %arg5[%dma_wait3A_1531] : memref<10000xf32, #tpu.memory_space<hbm>> -> memref<10000xf32, #tpu.memory_space<hbm>>
    tpu.wait_indirect_dma semaphore(%arg26 : memref<!tpu.dma_semaphore, #tpu.memory_space<semaphore_mem>>) src(%dma_wait3A_1532 : memref<10000xf32, #tpu.memory_space<hbm>>) dst(%dma_wait3A_1527 : memref<80xf32, #tpu.memory_space<vmem>>)
    %get3A_1533 = arith.constant 1 : i32
    %get3A_1534 = arith.index_cast %get3A_1533 : i32 to index
    %get3A_1535 = arith.constant 0 : index
    %get3A_1536 = tpu.vector_load %arg10[%get3A_1534, %get3A_1535] {strides = array<i32>} : memref<4x80xi32, #tpu.memory_space<vmem>>, vector<1x16xi32>,
    %get3A_1537 = vector.shape_cast %get3A_1536 : vector<1x16xi32> to vector<16xi32>
    %swap3A_1538 = arith.constant 1 : i32
    %swap3A_1539 = arith.index_cast %swap3A_1538 : i32 to index
    %swap3A_1540 = arith.constant 0 : index
    %swap3A_1541 = tpu.vector_load %arg12[%swap3A_1539, %swap3A_1540] {strides = array<i32>} : memref<4x80xi32, #tpu.memory_space<vmem>>, vector<1x16xi32>,
    %swap3A_1542 = vector.shape_cast %swap3A_1541 : vector<1x16xi32> to vector<16xi32>
    %swap3A_1543 = vector.shape_cast %get3A_1537 : vector<16xi32> to vector<1x16xi32>
    tpu.vector_store %arg12[%swap3A_1539, %swap3A_1540], %swap3A_1543 {strides = array<i32>} : memref<4x80xi32, #tpu.memory_space<vmem>>, vector<1x16xi32>,
    %get3A_1544 = arith.constant 1 : i32
    %get3A_1545 = arith.index_cast %get3A_1544 : i32 to index
    %get3A_1546 = arith.constant 0 : index
    %get3A_1547 = tpu.vector_load %arg11[%get3A_1545, %get3A_1546] {strides = array<i32>} : memref<4x80xi32, #tpu.memory_space<vmem>>, vector<1x16xi32>,
    %get3A_1548 = vector.shape_cast %get3A_1547 : vector<1x16xi32> to vector<16xi32>
    %swap3A_1549 = arith.constant 1 : i32
    %swap3A_1550 = arith.index_cast %swap3A_1549 : i32 to index
    %swap3A_1551 = arith.constant 0 : index
    %swap3A_1552 = tpu.vector_load %arg13[%swap3A_1550, %swap3A_1551] {strides = array<i32>} : memref<4x80xi32, #tpu.memory_space<vmem>>, vector<1x16xi32>,
    %swap3A_1553 = vector.shape_cast %swap3A_1552 : vector<1x16xi32> to vector<16xi32>
    %swap3A_1554 = vector.shape_cast %get3A_1548 : vector<16xi32> to vector<1x16xi32>
    tpu.vector_store %arg13[%swap3A_1550, %swap3A_1551], %swap3A_1554 {strides = array<i32>} : memref<4x80xi32, #tpu.memory_space<vmem>>, vector<1x16xi32>,
    %get3A_1555 = arith.constant 1 : i32
    %get3A_1556 = arith.index_cast %get3A_1555 : i32 to index
    %get3A_1557 = arith.constant 16 : index
    %get3A_1558 = tpu.vector_load %arg10[%get3A_1556, %get3A_1557] {strides = array<i32>} : memref<4x80xi32, #tpu.memory_space<vmem>>, vector<1x16xi32>,
    %get3A_1559 = vector.shape_cast %get3A_1558 : vector<1x16xi32> to vector<16xi32>
    %swap3A_1560 = arith.constant 1 : i32
    %swap3A_1561 = arith.index_cast %swap3A_1560 : i32 to index
    %swap3A_1562 = arith.constant 16 : index
    %swap3A_1563 = tpu.vector_load %arg12[%swap3A_1561, %swap3A_1562] {strides = array<i32>} : memref<4x80xi32, #tpu.memory_space<vmem>>, vector<1x16xi32>,
    %swap3A_1564 = vector.shape_cast %swap3A_1563 : vector<1x16xi32> to vector<16xi32>
    %swap3A_1565 = vector.shape_cast %get3A_1559 : vector<16xi32> to vector<1x16xi32>
    tpu.vector_store %arg12[%swap3A_1561, %swap3A_1562], %swap3A_1565 {strides = array<i32>} : memref<4x80xi32, #tpu.memory_space<vmem>>, vector<1x16xi32>,
    %get3A_1566 = arith.constant 1 : i32
    %get3A_1567 = arith.index_cast %get3A_1566 : i32 to index
    %get3A_1568 = arith.constant 16 : index
    %get3A_1569 = tpu.vector_load %arg11[%get3A_1567, %get3A_1568] {strides = array<i32>} : memref<4x80xi32, #tpu.memory_space<vmem>>, vector<1x16xi32>,
    %get3A_1570 = vector.shape_cast %get3A_1569 : vector<1x16xi32> to vector<16xi32>
    %swap3A_1571 = arith.constant 1 : i32
    %swap3A_1572 = arith.index_cast %swap3A_1571 : i32 to index
    %swap3A_1573 = arith.constant 16 : index
    %swap3A_1574 = tpu.vector_load %arg13[%swap3A_1572, %swap3A_1573] {strides = array<i32>} : memref<4x80xi32, #tpu.memory_space<vmem>>, vector<1x16xi32>,
    %swap3A_1575 = vector.shape_cast %swap3A_1574 : vector<1x16xi32> to vector<16xi32>
    %swap3A_1576 = vector.shape_cast %get3A_1570 : vector<16xi32> to vector<1x16xi32>
    tpu.vector_store %arg13[%swap3A_1572, %swap3A_1573], %swap3A_1576 {strides = array<i32>} : memref<4x80xi32, #tpu.memory_space<vmem>>, vector<1x16xi32>,
    %get3A_1577 = arith.constant 1 : i32
    %get3A_1578 = arith.index_cast %get3A_1577 : i32 to index
    %get3A_1579 = arith.constant 32 : index
    %get3A_1580 = tpu.vector_load %arg10[%get3A_1578, %get3A_1579] {strides = array<i32>} : memref<4x80xi32, #tpu.memory_space<vmem>>, vector<1x16xi32>,
    %get3A_1581 = vector.shape_cast %get3A_1580 : vector<1x16xi32> to vector<16xi32>
    %swap3A_1582 = arith.constant 1 : i32
    %swap3A_1583 = arith.index_cast %swap3A_1582 : i32 to index
    %swap3A_1584 = arith.constant 32 : index
    %swap3A_1585 = tpu.vector_load %arg12[%swap3A_1583, %swap3A_1584] {strides = array<i32>} : memref<4x80xi32, #tpu.memory_space<vmem>>, vector<1x16xi32>,
    %swap3A_1586 = vector.shape_cast %swap3A_1585 : vector<1x16xi32> to vector<16xi32>
    %swap3A_1587 = vector.shape_cast %get3A_1581 : vector<16xi32> to vector<1x16xi32>
    tpu.vector_store %arg12[%swap3A_1583, %swap3A_1584], %swap3A_1587 {strides = array<i32>} : memref<4x80xi32, #tpu.memory_space<vmem>>, vector<1x16xi32>,
    %get3A_1588 = arith.constant 1 : i32
    %get3A_1589 = arith.index_cast %get3A_1588 : i32 to index
    %get3A_1590 = arith.constant 32 : index
    %get3A_1591 = tpu.vector_load %arg11[%get3A_1589, %get3A_1590] {strides = array<i32>} : memref<4x80xi32, #tpu.memory_space<vmem>>, vector<1x16xi32>,
    %get3A_1592 = vector.shape_cast %get3A_1591 : vector<1x16xi32> to vector<16xi32>
    %swap3A_1593 = arith.constant 1 : i32
    %swap3A_1594 = arith.index_cast %swap3A_1593 : i32 to index
    %swap3A_1595 = arith.constant 32 : index
    %swap3A_1596 = tpu.vector_load %arg13[%swap3A_1594, %swap3A_1595] {strides = array<i32>} : memref<4x80xi32, #tpu.memory_space<vmem>>, vector<1x16xi32>,
    %swap3A_1597 = vector.shape_cast %swap3A_1596 : vector<1x16xi32> to vector<16xi32>
    %swap3A_1598 = vector.shape_cast %get3A_1592 : vector<16xi32> to vector<1x16xi32>
    tpu.vector_store %arg13[%swap3A_1594, %swap3A_1595], %swap3A_1598 {strides = array<i32>} : memref<4x80xi32, #tpu.memory_space<vmem>>, vector<1x16xi32>,
    %get3A_1599 = arith.constant 1 : i32
    %get3A_1600 = arith.index_cast %get3A_1599 : i32 to index
    %get3A_1601 = arith.constant 48 : index
    %get3A_1602 = tpu.vector_load %arg10[%get3A_1600, %get3A_1601] {strides = array<i32>} : memref<4x80xi32, #tpu.memory_space<vmem>>, vector<1x16xi32>,
    %get3A_1603 = vector.shape_cast %get3A_1602 : vector<1x16xi32> to vector<16xi32>
    %swap3A_1604 = arith.constant 1 : i32
    %swap3A_1605 = arith.index_cast %swap3A_1604 : i32 to index
    %swap3A_1606 = arith.constant 48 : index
    %swap3A_1607 = tpu.vector_load %arg12[%swap3A_1605, %swap3A_1606] {strides = array<i32>} : memref<4x80xi32, #tpu.memory_space<vmem>>, vector<1x16xi32>,
    %swap3A_1608 = vector.shape_cast %swap3A_1607 : vector<1x16xi32> to vector<16xi32>
    %swap3A_1609 = vector.shape_cast %get3A_1603 : vector<16xi32> to vector<1x16xi32>
    tpu.vector_store %arg12[%swap3A_1605, %swap3A_1606], %swap3A_1609 {strides = array<i32>} : memref<4x80xi32, #tpu.memory_space<vmem>>, vector<1x16xi32>,
    %get3A_1610 = arith.constant 1 : i32
    %get3A_1611 = arith.index_cast %get3A_1610 : i32 to index
    %get3A_1612 = arith.constant 48 : index
    %get3A_1613 = tpu.vector_load %arg11[%get3A_1611, %get3A_1612] {strides = array<i32>} : memref<4x80xi32, #tpu.memory_space<vmem>>, vector<1x16xi32>,
    %get3A_1614 = vector.shape_cast %get3A_1613 : vector<1x16xi32> to vector<16xi32>
    %swap3A_1615 = arith.constant 1 : i32
    %swap3A_1616 = arith.index_cast %swap3A_1615 : i32 to index
    %swap3A_1617 = arith.constant 48 : index
    %swap3A_1618 = tpu.vector_load %arg13[%swap3A_1616, %swap3A_1617] {strides = array<i32>} : memref<4x80xi32, #tpu.memory_space<vmem>>, vector<1x16xi32>,
    %swap3A_1619 = vector.shape_cast %swap3A_1618 : vector<1x16xi32> to vector<16xi32>
    %swap3A_1620 = vector.shape_cast %get3A_1614 : vector<16xi32> to vector<1x16xi32>
    tpu.vector_store %arg13[%swap3A_1616, %swap3A_1617], %swap3A_1620 {strides = array<i32>} : memref<4x80xi32, #tpu.memory_space<vmem>>, vector<1x16xi32>,
    %get3A_1621 = arith.constant 1 : i32
    %get3A_1622 = arith.index_cast %get3A_1621 : i32 to index
    %get3A_1623 = arith.constant 64 : index
    %get3A_1624 = tpu.vector_load %arg10[%get3A_1622, %get3A_1623] {strides = array<i32>} : memref<4x80xi32, #tpu.memory_space<vmem>>, vector<1x16xi32>,
    %get3A_1625 = vector.shape_cast %get3A_1624 : vector<1x16xi32> to vector<16xi32>
    %swap3A_1626 = arith.constant 1 : i32
    %swap3A_1627 = arith.index_cast %swap3A_1626 : i32 to index
    %swap3A_1628 = arith.constant 64 : index
    %swap3A_1629 = tpu.vector_load %arg12[%swap3A_1627, %swap3A_1628] {strides = array<i32>} : memref<4x80xi32, #tpu.memory_space<vmem>>, vector<1x16xi32>,
    %swap3A_1630 = vector.shape_cast %swap3A_1629 : vector<1x16xi32> to vector<16xi32>
    %swap3A_1631 = vector.shape_cast %get3A_1625 : vector<16xi32> to vector<1x16xi32>
    tpu.vector_store %arg12[%swap3A_1627, %swap3A_1628], %swap3A_1631 {strides = array<i32>} : memref<4x80xi32, #tpu.memory_space<vmem>>, vector<1x16xi32>,
    %get3A_1632 = arith.constant 1 : i32
    %get3A_1633 = arith.index_cast %get3A_1632 : i32 to index
    %get3A_1634 = arith.constant 64 : index
    %get3A_1635 = tpu.vector_load %arg11[%get3A_1633, %get3A_1634] {strides = array<i32>} : memref<4x80xi32, #tpu.memory_space<vmem>>, vector<1x16xi32>,
    %get3A_1636 = vector.shape_cast %get3A_1635 : vector<1x16xi32> to vector<16xi32>
    %swap3A_1637 = arith.constant 1 : i32
    %swap3A_1638 = arith.index_cast %swap3A_1637 : i32 to index
    %swap3A_1639 = arith.constant 64 : index
    %swap3A_1640 = tpu.vector_load %arg13[%swap3A_1638, %swap3A_1639] {strides = array<i32>} : memref<4x80xi32, #tpu.memory_space<vmem>>, vector<1x16xi32>,
    %swap3A_1641 = vector.shape_cast %swap3A_1640 : vector<1x16xi32> to vector<16xi32>
    %swap3A_1642 = vector.shape_cast %get3A_1636 : vector<16xi32> to vector<1x16xi32>
    tpu.vector_store %arg13[%swap3A_1638, %swap3A_1639], %swap3A_1642 {strides = array<i32>} : memref<4x80xi32, #tpu.memory_space<vmem>>, vector<1x16xi32>,
    %dma_start3A_1643 = arith.constant 1 : i32
    %dma_start3A_1644 = arith.constant 1 : i32
    %dma_start3A_1645 = arith.constant 0 : i32
    %dma_start3A_1646 = arith.constant 0 : i32
    %dma_start3A_1647 = tpu.memref_slice %arg14[%dma_start3A_1643, %dma_start3A_1645, %dma_start3A_1646] : memref<4x80x128xf32, #tpu.memory_space<vmem>> -> memref<1x80x128xf32, #tpu.memory_space<vmem>>
    %dma_start3A_1648 = tpu.memref_squeeze %dma_start3A_1647 : memref<1x80x128xf32, #tpu.memory_space<vmem>> -> memref<80x128xf32, #tpu.memory_space<vmem>>
    %dma_start3A_1649 = arith.constant 0 : i32
    %dma_start3A_1650 = tpu.memref_slice %arg13[%dma_start3A_1644, %dma_start3A_1649] : memref<4x80xi32, #tpu.memory_space<vmem>> -> memref<1x80xi32, #tpu.memory_space<vmem>>
    %dma_start3A_1651 = tpu.memref_squeeze %dma_start3A_1650 : memref<1x80xi32, #tpu.memory_space<vmem>> -> memref<80xi32, #tpu.memory_space<vmem>>
    %dma_start3A_1652 = arith.constant 0 : i32
    %dma_start3A_1653 = arith.constant 0 : i32
    %dma_start3A_1654 = tpu.memref_slice %arg8[%dma_start3A_1652, %dma_start3A_1653] : memref<10000x128xf32, #tpu.memory_space<vmem_shared>> -> memref<10000x128xf32, #tpu.memory_space<vmem_shared>>
    tpu.enqueue_indirect_dma source(%dma_start3A_1648 : memref<80x128xf32, #tpu.memory_space<vmem>>) target(%dma_start3A_1654 : memref<10000x128xf32, #tpu.memory_space<vmem_shared>>) offsets(%dma_start3A_1651 : memref<80xi32, #tpu.memory_space<vmem>>) semaphore(%arg30 : memref<!tpu.dma_semaphore, #tpu.memory_space<semaphore_mem>>) {add = true}
    %dma_start3A_1655 = arith.constant 1 : i32
    %dma_start3A_1656 = arith.constant 1 : i32
    %dma_start3A_1657 = arith.constant 0 : i32
    %dma_start3A_1658 = tpu.memref_slice %arg15[%dma_start3A_1655, %dma_start3A_1657] : memref<4x80xf32, #tpu.memory_space<vmem>> -> memref<1x80xf32, #tpu.memory_space<vmem>>
    %dma_start3A_1659 = tpu.memref_squeeze %dma_start3A_1658 : memref<1x80xf32, #tpu.memory_space<vmem>> -> memref<80xf32, #tpu.memory_space<vmem>>
    %dma_start3A_1660 = arith.constant 0 : i32
    %dma_start3A_1661 = tpu.memref_slice %arg12[%dma_start3A_1656, %dma_start3A_1660] : memref<4x80xi32, #tpu.memory_space<vmem>> -> memref<1x80xi32, #tpu.memory_space<vmem>>
    %dma_start3A_1662 = tpu.memref_squeeze %dma_start3A_1661 : memref<1x80xi32, #tpu.memory_space<vmem>> -> memref<80xi32, #tpu.memory_space<vmem>>
    %dma_start3A_1663 = arith.constant 0 : i32
    %dma_start3A_1664 = tpu.memref_slice %arg9[%dma_start3A_1663] : memref<10240xf32, #tpu.memory_space<vmem_shared>> -> memref<10240xf32, #tpu.memory_space<vmem_shared>>
    tpu.enqueue_indirect_dma source(%dma_start3A_1659 : memref<80xf32, #tpu.memory_space<vmem>>) target(%dma_start3A_1664 : memref<10240xf32, #tpu.memory_space<vmem_shared>>) offsets(%dma_start3A_1662 : memref<80xi32, #tpu.memory_space<vmem>>) semaphore(%arg34 : memref<!tpu.dma_semaphore, #tpu.memory_space<semaphore_mem>>) {add = true}
    %dma_wait3A_1665 = arith.constant 3 : i32
    %dma_wait3A_1666 = arith.constant 3 : i32
    %dma_wait3A_1667 = arith.constant 0 : i32
    %dma_wait3A_1668 = arith.constant 0 : i32
    %dma_wait3A_1669 = tpu.memref_slice %arg14[%dma_wait3A_1665, %dma_wait3A_1667, %dma_wait3A_1668] : memref<4x80x128xf32, #tpu.memory_space<vmem>> -> memref<1x80x128xf32, #tpu.memory_space<vmem>>
    %dma_wait3A_1670 = tpu.memref_squeeze %dma_wait3A_1669 : memref<1x80x128xf32, #tpu.memory_space<vmem>> -> memref<80x128xf32, #tpu.memory_space<vmem>>
    %dma_wait3A_1671 = arith.constant 0 : i32
    %dma_wait3A_1672 = tpu.memref_slice %arg13[%dma_wait3A_1666, %dma_wait3A_1671] : memref<4x80xi32, #tpu.memory_space<vmem>> -> memref<1x80xi32, #tpu.memory_space<vmem>>
    %dma_wait3A_1673 = tpu.memref_squeeze %dma_wait3A_1672 : memref<1x80xi32, #tpu.memory_space<vmem>> -> memref<80xi32, #tpu.memory_space<vmem>>
    %dma_wait3A_1674 = arith.constant 0 : i32
    %dma_wait3A_1675 = arith.constant 0 : i32
    %dma_wait3A_1676 = tpu.memref_slice %arg8[%dma_wait3A_1674, %dma_wait3A_1675] : memref<10000x128xf32, #tpu.memory_space<vmem_shared>> -> memref<10000x128xf32, #tpu.memory_space<vmem_shared>>
    tpu.wait_indirect_dma semaphore(%arg32 : memref<!tpu.dma_semaphore, #tpu.memory_space<semaphore_mem>>) src(%dma_wait3A_1670 : memref<80x128xf32, #tpu.memory_space<vmem>>) dst(%dma_wait3A_1676 : memref<10000x128xf32, #tpu.memory_space<vmem_shared>>)
    %dma_wait3A_1677 = arith.constant 3 : i32
    %dma_wait3A_1678 = arith.constant 3 : i32
    %dma_wait3A_1679 = arith.constant 0 : i32
    %dma_wait3A_1680 = tpu.memref_slice %arg15[%dma_wait3A_1677, %dma_wait3A_1679] : memref<4x80xf32, #tpu.memory_space<vmem>> -> memref<1x80xf32, #tpu.memory_space<vmem>>
    %dma_wait3A_1681 = tpu.memref_squeeze %dma_wait3A_1680 : memref<1x80xf32, #tpu.memory_space<vmem>> -> memref<80xf32, #tpu.memory_space<vmem>>
    %dma_wait3A_1682 = arith.constant 0 : i32
    %dma_wait3A_1683 = tpu.memref_slice %arg12[%dma_wait3A_1678, %dma_wait3A_1682] : memref<4x80xi32, #tpu.memory_space<vmem>> -> memref<1x80xi32, #tpu.memory_space<vmem>>
    %dma_wait3A_1684 = tpu.memref_squeeze %dma_wait3A_1683 : memref<1x80xi32, #tpu.memory_space<vmem>> -> memref<80xi32, #tpu.memory_space<vmem>>
    %dma_wait3A_1685 = arith.constant 0 : i32
    %dma_wait3A_1686 = tpu.memref_slice %arg9[%dma_wait3A_1685] : memref<10240xf32, #tpu.memory_space<vmem_shared>> -> memref<10240xf32, #tpu.memory_space<vmem_shared>>
    tpu.wait_indirect_dma semaphore(%arg36 : memref<!tpu.dma_semaphore, #tpu.memory_space<semaphore_mem>>) src(%dma_wait3A_1681 : memref<80xf32, #tpu.memory_space<vmem>>) dst(%dma_wait3A_1686 : memref<10240xf32, #tpu.memory_space<vmem_shared>>)
    %add3A_1687 = arith.constant 123 : i32
    %add3A_1688 = arith.addi %mul3A_3, %add3A_1687 : i32
    %dma_wait3A_1689 = arith.constant 3 : i32
    %dma_wait3A_1690 = arith.constant 0 : i32
    %dma_wait3A_1691 = tpu.memref_slice %arg10[%dma_wait3A_1689, %dma_wait3A_1690] : memref<4x80xi32, #tpu.memory_space<vmem>> -> memref<1x80xi32, #tpu.memory_space<vmem>>
    %dma_wait3A_1692 = tpu.memref_squeeze %dma_wait3A_1691 : memref<1x80xi32, #tpu.memory_space<vmem>> -> memref<80xi32, #tpu.memory_space<vmem>>
    %dma_wait3A_1693 = arith.constant 0 : i32
    %dma_wait3A_1694 = tpu.memref_slice %arg2[%add3A_1688, %dma_wait3A_1693] : memref<4000x80xi32, #tpu.memory_space<hbm>> -> memref<1x80xi32, #tpu.memory_space<hbm>>
    %dma_wait3A_1695 = tpu.memref_squeeze %dma_wait3A_1694 : memref<1x80xi32, #tpu.memory_space<hbm>> -> memref<80xi32, #tpu.memory_space<hbm>>
    %dma_wait3A_1696 = arith.constant 0 : i32
    %dma_wait3A_1697 = tpu.memref_slice %arg10[%dma_wait3A_1689, %dma_wait3A_1696] : memref<4x80xi32, #tpu.memory_space<vmem>> -> memref<1x80xi32, #tpu.memory_space<vmem>>
    %dma_wait3A_1698 = tpu.memref_squeeze %dma_wait3A_1697 : memref<1x80xi32, #tpu.memory_space<vmem>> -> memref<80xi32, #tpu.memory_space<vmem>>
    %dma_wait3A_1699 = arith.constant 0 : i32
    %dma_wait3A_1700 = tpu.memref_slice %arg2[%add3A_1688, %dma_wait3A_1699] : memref<4000x80xi32, #tpu.memory_space<hbm>> -> memref<1x80xi32, #tpu.memory_space<hbm>>
    %dma_wait3A_1701 = tpu.memref_squeeze %dma_wait3A_1700 : memref<1x80xi32, #tpu.memory_space<hbm>> -> memref<80xi32, #tpu.memory_space<hbm>>
    tpu.wait_dma2 semaphore(%arg20 : memref<!tpu.dma_semaphore, #tpu.memory_space<semaphore_mem>>) src(%dma_wait3A_1701 : memref<80xi32, #tpu.memory_space<hbm>>) dst(%dma_wait3A_1698 : memref<80xi32, #tpu.memory_space<vmem>>)
    %add3A_1702 = arith.constant 123 : i32
    %add3A_1703 = arith.addi %mul3A_3, %add3A_1702 : i32
    %dma_wait3A_1704 = arith.constant 3 : i32
    %dma_wait3A_1705 = arith.constant 0 : i32
    %dma_wait3A_1706 = tpu.memref_slice %arg11[%dma_wait3A_1704, %dma_wait3A_1705] : memref<4x80xi32, #tpu.memory_space<vmem>> -> memref<1x80xi32, #tpu.memory_space<vmem>>
    %dma_wait3A_1707 = tpu.memref_squeeze %dma_wait3A_1706 : memref<1x80xi32, #tpu.memory_space<vmem>> -> memref<80xi32, #tpu.memory_space<vmem>>
    %dma_wait3A_1708 = arith.constant 0 : i32
    %dma_wait3A_1709 = tpu.memref_slice %arg3[%add3A_1703, %dma_wait3A_1708] : memref<4000x80xi32, #tpu.memory_space<hbm>> -> memref<1x80xi32, #tpu.memory_space<hbm>>
    %dma_wait3A_1710 = tpu.memref_squeeze %dma_wait3A_1709 : memref<1x80xi32, #tpu.memory_space<hbm>> -> memref<80xi32, #tpu.memory_space<hbm>>
    %dma_wait3A_1711 = arith.constant 0 : i32
    %dma_wait3A_1712 = tpu.memref_slice %arg11[%dma_wait3A_1704, %dma_wait3A_1711] : memref<4x80xi32, #tpu.memory_space<vmem>> -> memref<1x80xi32, #tpu.memory_space<vmem>>
    %dma_wait3A_1713 = tpu.memref_squeeze %dma_wait3A_1712 : memref<1x80xi32, #tpu.memory_space<vmem>> -> memref<80xi32, #tpu.memory_space<vmem>>
    %dma_wait3A_1714 = arith.constant 0 : i32
    %dma_wait3A_1715 = tpu.memref_slice %arg3[%add3A_1703, %dma_wait3A_1714] : memref<4000x80xi32, #tpu.memory_space<hbm>> -> memref<1x80xi32, #tpu.memory_space<hbm>>
    %dma_wait3A_1716 = tpu.memref_squeeze %dma_wait3A_1715 : memref<1x80xi32, #tpu.memory_space<hbm>> -> memref<80xi32, #tpu.memory_space<hbm>>
    tpu.wait_dma2 semaphore(%arg20 : memref<!tpu.dma_semaphore, #tpu.memory_space<semaphore_mem>>) src(%dma_wait3A_1716 : memref<80xi32, #tpu.memory_space<hbm>>) dst(%dma_wait3A_1713 : memref<80xi32, #tpu.memory_space<vmem>>)
    %dma_start3A_1717 = arith.constant 3 : i32
    %dma_start3A_1718 = arith.constant 3 : i32
    %dma_start3A_1719 = arith.constant 0 : i32
    %dma_start3A_1720 = arith.constant 0 : i32
    %dma_start3A_1721 = tpu.memref_slice %arg14[%dma_start3A_1718, %dma_start3A_1719, %dma_start3A_1720] : memref<4x80x128xf32, #tpu.memory_space<vmem>> -> memref<1x80x128xf32, #tpu.memory_space<vmem>>
    %dma_start3A_1722 = tpu.memref_squeeze %dma_start3A_1721 : memref<1x80x128xf32, #tpu.memory_space<vmem>> -> memref<80x128xf32, #tpu.memory_space<vmem>>
    %dma_start3A_1723 = arith.constant 0 : i32
    %dma_start3A_1724 = tpu.memref_slice %arg10[%dma_start3A_1717, %dma_start3A_1723] : memref<4x80xi32, #tpu.memory_space<vmem>> -> memref<1x80xi32, #tpu.memory_space<vmem>>
    %dma_start3A_1725 = tpu.memref_squeeze %dma_start3A_1724 : memref<1x80xi32, #tpu.memory_space<vmem>> -> memref<80xi32, #tpu.memory_space<vmem>>
    %dma_start3A_1726 = arith.constant 0 : i32
    %dma_start3A_1727 = arith.constant 0 : i32
    %dma_start3A_1728 = tpu.memref_slice %arg4[%dma_start3A_1726, %dma_start3A_1727] : memref<10000x128xf32, #tpu.memory_space<hbm>> -> memref<10000x128xf32, #tpu.memory_space<hbm>>
    tpu.enqueue_indirect_dma source(%dma_start3A_1728 : memref<10000x128xf32, #tpu.memory_space<hbm>>) target(%dma_start3A_1722 : memref<80x128xf32, #tpu.memory_space<vmem>>) offsets(%dma_start3A_1725 : memref<80xi32, #tpu.memory_space<vmem>>) semaphore(%arg24 : memref<!tpu.dma_semaphore, #tpu.memory_space<semaphore_mem>>)
    %dma_start3A_1729 = arith.constant 3 : i32
    %dma_start3A_1730 = arith.constant 3 : i32
    %dma_start3A_1731 = arith.constant 0 : i32
    %dma_start3A_1732 = tpu.memref_slice %arg15[%dma_start3A_1730, %dma_start3A_1731] : memref<4x80xf32, #tpu.memory_space<vmem>> -> memref<1x80xf32, #tpu.memory_space<vmem>>
    %dma_start3A_1733 = tpu.memref_squeeze %dma_start3A_1732 : memref<1x80xf32, #tpu.memory_space<vmem>> -> memref<80xf32, #tpu.memory_space<vmem>>
    %dma_start3A_1734 = arith.constant 0 : i32
    %dma_start3A_1735 = tpu.memref_slice %arg11[%dma_start3A_1729, %dma_start3A_1734] : memref<4x80xi32, #tpu.memory_space<vmem>> -> memref<1x80xi32, #tpu.memory_space<vmem>>
    %dma_start3A_1736 = tpu.memref_squeeze %dma_start3A_1735 : memref<1x80xi32, #tpu.memory_space<vmem>> -> memref<80xi32, #tpu.memory_space<vmem>>
    %dma_start3A_1737 = arith.constant 0 : i32
    %dma_start3A_1738 = tpu.memref_slice %arg5[%dma_start3A_1737] : memref<10000xf32, #tpu.memory_space<hbm>> -> memref<10000xf32, #tpu.memory_space<hbm>>
    tpu.enqueue_indirect_dma source(%dma_start3A_1738 : memref<10000xf32, #tpu.memory_space<hbm>>) target(%dma_start3A_1733 : memref<80xf32, #tpu.memory_space<vmem>>) offsets(%dma_start3A_1736 : memref<80xi32, #tpu.memory_space<vmem>>) semaphore(%arg28 : memref<!tpu.dma_semaphore, #tpu.memory_space<semaphore_mem>>)
    %dma_wait3A_1739 = arith.constant 2 : i32
    %dma_wait3A_1740 = arith.constant 2 : i32
    %dma_wait3A_1741 = arith.constant 0 : i32
    %dma_wait3A_1742 = arith.constant 0 : i32
    %dma_wait3A_1743 = tpu.memref_slice %arg14[%dma_wait3A_1740, %dma_wait3A_1741, %dma_wait3A_1742] : memref<4x80x128xf32, #tpu.memory_space<vmem>> -> memref<1x80x128xf32, #tpu.memory_space<vmem>>
    %dma_wait3A_1744 = tpu.memref_squeeze %dma_wait3A_1743 : memref<1x80x128xf32, #tpu.memory_space<vmem>> -> memref<80x128xf32, #tpu.memory_space<vmem>>
    %dma_wait3A_1745 = arith.constant 0 : i32
    %dma_wait3A_1746 = tpu.memref_slice %arg10[%dma_wait3A_1739, %dma_wait3A_1745] : memref<4x80xi32, #tpu.memory_space<vmem>> -> memref<1x80xi32, #tpu.memory_space<vmem>>
    %dma_wait3A_1747 = tpu.memref_squeeze %dma_wait3A_1746 : memref<1x80xi32, #tpu.memory_space<vmem>> -> memref<80xi32, #tpu.memory_space<vmem>>
    %dma_wait3A_1748 = arith.constant 0 : i32
    %dma_wait3A_1749 = arith.constant 0 : i32
    %dma_wait3A_1750 = tpu.memref_slice %arg4[%dma_wait3A_1748, %dma_wait3A_1749] : memref<10000x128xf32, #tpu.memory_space<hbm>> -> memref<10000x128xf32, #tpu.memory_space<hbm>>
    tpu.wait_indirect_dma semaphore(%arg23 : memref<!tpu.dma_semaphore, #tpu.memory_space<semaphore_mem>>) src(%dma_wait3A_1750 : memref<10000x128xf32, #tpu.memory_space<hbm>>) dst(%dma_wait3A_1744 : memref<80x128xf32, #tpu.memory_space<vmem>>)
    %dma_wait3A_1751 = arith.constant 2 : i32
    %dma_wait3A_1752 = arith.constant 2 : i32
    %dma_wait3A_1753 = arith.constant 0 : i32
    %dma_wait3A_1754 = tpu.memref_slice %arg15[%dma_wait3A_1752, %dma_wait3A_1753] : memref<4x80xf32, #tpu.memory_space<vmem>> -> memref<1x80xf32, #tpu.memory_space<vmem>>
    %dma_wait3A_1755 = tpu.memref_squeeze %dma_wait3A_1754 : memref<1x80xf32, #tpu.memory_space<vmem>> -> memref<80xf32, #tpu.memory_space<vmem>>
    %dma_wait3A_1756 = arith.constant 0 : i32
    %dma_wait3A_1757 = tpu.memref_slice %arg11[%dma_wait3A_1751, %dma_wait3A_1756] : memref<4x80xi32, #tpu.memory_space<vmem>> -> memref<1x80xi32, #tpu.memory_space<vmem>>
    %dma_wait3A_1758 = tpu.memref_squeeze %dma_wait3A_1757 : memref<1x80xi32, #tpu.memory_space<vmem>> -> memref<80xi32, #tpu.memory_space<vmem>>
    %dma_wait3A_1759 = arith.constant 0 : i32
    %dma_wait3A_1760 = tpu.memref_slice %arg5[%dma_wait3A_1759] : memref<10000xf32, #tpu.memory_space<hbm>> -> memref<10000xf32, #tpu.memory_space<hbm>>
    tpu.wait_indirect_dma semaphore(%arg27 : memref<!tpu.dma_semaphore, #tpu.memory_space<semaphore_mem>>) src(%dma_wait3A_1760 : memref<10000xf32, #tpu.memory_space<hbm>>) dst(%dma_wait3A_1755 : memref<80xf32, #tpu.memory_space<vmem>>)
    %get3A_1761 = arith.constant 2 : i32
    %get3A_1762 = arith.index_cast %get3A_1761 : i32 to index
    %get3A_1763 = arith.constant 0 : index
    %get3A_1764 = tpu.vector_load %arg10[%get3A_1762, %get3A_1763] {strides = array<i32>} : memref<4x80xi32, #tpu.memory_space<vmem>>, vector<1x16xi32>,
    %get3A_1765 = vector.shape_cast %get3A_1764 : vector<1x16xi32> to vector<16xi32>
    %swap3A_1766 = arith.constant 2 : i32
    %swap3A_1767 = arith.index_cast %swap3A_1766 : i32 to index
    %swap3A_1768 = arith.constant 0 : index
    %swap3A_1769 = tpu.vector_load %arg12[%swap3A_1767, %swap3A_1768] {strides = array<i32>} : memref<4x80xi32, #tpu.memory_space<vmem>>, vector<1x16xi32>,
    %swap3A_1770 = vector.shape_cast %swap3A_1769 : vector<1x16xi32> to vector<16xi32>
    %swap3A_1771 = vector.shape_cast %get3A_1765 : vector<16xi32> to vector<1x16xi32>
    tpu.vector_store %arg12[%swap3A_1767, %swap3A_1768], %swap3A_1771 {strides = array<i32>} : memref<4x80xi32, #tpu.memory_space<vmem>>, vector<1x16xi32>,
    %get3A_1772 = arith.constant 2 : i32
    %get3A_1773 = arith.index_cast %get3A_1772 : i32 to index
    %get3A_1774 = arith.constant 0 : index
    %get3A_1775 = tpu.vector_load %arg11[%get3A_1773, %get3A_1774] {strides = array<i32>} : memref<4x80xi32, #tpu.memory_space<vmem>>, vector<1x16xi32>,
    %get3A_1776 = vector.shape_cast %get3A_1775 : vector<1x16xi32> to vector<16xi32>
    %swap3A_1777 = arith.constant 2 : i32
    %swap3A_1778 = arith.index_cast %swap3A_1777 : i32 to index
    %swap3A_1779 = arith.constant 0 : index
    %swap3A_1780 = tpu.vector_load %arg13[%swap3A_1778, %swap3A_1779] {strides = array<i32>} : memref<4x80xi32, #tpu.memory_space<vmem>>, vector<1x16xi32>,
    %swap3A_1781 = vector.shape_cast %swap3A_1780 : vector<1x16xi32> to vector<16xi32>
    %swap3A_1782 = vector.shape_cast %get3A_1776 : vector<16xi32> to vector<1x16xi32>
    tpu.vector_store %arg13[%swap3A_1778, %swap3A_1779], %swap3A_1782 {strides = array<i32>} : memref<4x80xi32, #tpu.memory_space<vmem>>, vector<1x16xi32>,
    %get3A_1783 = arith.constant 2 : i32
    %get3A_1784 = arith.index_cast %get3A_1783 : i32 to index
    %get3A_1785 = arith.constant 16 : index
    %get3A_1786 = tpu.vector_load %arg10[%get3A_1784, %get3A_1785] {strides = array<i32>} : memref<4x80xi32, #tpu.memory_space<vmem>>, vector<1x16xi32>,
    %get3A_1787 = vector.shape_cast %get3A_1786 : vector<1x16xi32> to vector<16xi32>
    %swap3A_1788 = arith.constant 2 : i32
    %swap3A_1789 = arith.index_cast %swap3A_1788 : i32 to index
    %swap3A_1790 = arith.constant 16 : index
    %swap3A_1791 = tpu.vector_load %arg12[%swap3A_1789, %swap3A_1790] {strides = array<i32>} : memref<4x80xi32, #tpu.memory_space<vmem>>, vector<1x16xi32>,
    %swap3A_1792 = vector.shape_cast %swap3A_1791 : vector<1x16xi32> to vector<16xi32>
    %swap3A_1793 = vector.shape_cast %get3A_1787 : vector<16xi32> to vector<1x16xi32>
    tpu.vector_store %arg12[%swap3A_1789, %swap3A_1790], %swap3A_1793 {strides = array<i32>} : memref<4x80xi32, #tpu.memory_space<vmem>>, vector<1x16xi32>,
    %get3A_1794 = arith.constant 2 : i32
    %get3A_1795 = arith.index_cast %get3A_1794 : i32 to index
    %get3A_1796 = arith.constant 16 : index
    %get3A_1797 = tpu.vector_load %arg11[%get3A_1795, %get3A_1796] {strides = array<i32>} : memref<4x80xi32, #tpu.memory_space<vmem>>, vector<1x16xi32>,
    %get3A_1798 = vector.shape_cast %get3A_1797 : vector<1x16xi32> to vector<16xi32>
    %swap3A_1799 = arith.constant 2 : i32
    %swap3A_1800 = arith.index_cast %swap3A_1799 : i32 to index
    %swap3A_1801 = arith.constant 16 : index
    %swap3A_1802 = tpu.vector_load %arg13[%swap3A_1800, %swap3A_1801] {strides = array<i32>} : memref<4x80xi32, #tpu.memory_space<vmem>>, vector<1x16xi32>,
    %swap3A_1803 = vector.shape_cast %swap3A_1802 : vector<1x16xi32> to vector<16xi32>
    %swap3A_1804 = vector.shape_cast %get3A_1798 : vector<16xi32> to vector<1x16xi32>
    tpu.vector_store %arg13[%swap3A_1800, %swap3A_1801], %swap3A_1804 {strides = array<i32>} : memref<4x80xi32, #tpu.memory_space<vmem>>, vector<1x16xi32>,
    %get3A_1805 = arith.constant 2 : i32
    %get3A_1806 = arith.index_cast %get3A_1805 : i32 to index
    %get3A_1807 = arith.constant 32 : index
    %get3A_1808 = tpu.vector_load %arg10[%get3A_1806, %get3A_1807] {strides = array<i32>} : memref<4x80xi32, #tpu.memory_space<vmem>>, vector<1x16xi32>,
    %get3A_1809 = vector.shape_cast %get3A_1808 : vector<1x16xi32> to vector<16xi32>
    %swap3A_1810 = arith.constant 2 : i32
    %swap3A_1811 = arith.index_cast %swap3A_1810 : i32 to index
    %swap3A_1812 = arith.constant 32 : index
    %swap3A_1813 = tpu.vector_load %arg12[%swap3A_1811, %swap3A_1812] {strides = array<i32>} : memref<4x80xi32, #tpu.memory_space<vmem>>, vector<1x16xi32>,
    %swap3A_1814 = vector.shape_cast %swap3A_1813 : vector<1x16xi32> to vector<16xi32>
    %swap3A_1815 = vector.shape_cast %get3A_1809 : vector<16xi32> to vector<1x16xi32>
    tpu.vector_store %arg12[%swap3A_1811, %swap3A_1812], %swap3A_1815 {strides = array<i32>} : memref<4x80xi32, #tpu.memory_space<vmem>>, vector<1x16xi32>,
    %get3A_1816 = arith.constant 2 : i32
    %get3A_1817 = arith.index_cast %get3A_1816 : i32 to index
    %get3A_1818 = arith.constant 32 : index
    %get3A_1819 = tpu.vector_load %arg11[%get3A_1817, %get3A_1818] {strides = array<i32>} : memref<4x80xi32, #tpu.memory_space<vmem>>, vector<1x16xi32>,
    %get3A_1820 = vector.shape_cast %get3A_1819 : vector<1x16xi32> to vector<16xi32>
    %swap3A_1821 = arith.constant 2 : i32
    %swap3A_1822 = arith.index_cast %swap3A_1821 : i32 to index
    %swap3A_1823 = arith.constant 32 : index
    %swap3A_1824 = tpu.vector_load %arg13[%swap3A_1822, %swap3A_1823] {strides = array<i32>} : memref<4x80xi32, #tpu.memory_space<vmem>>, vector<1x16xi32>,
    %swap3A_1825 = vector.shape_cast %swap3A_1824 : vector<1x16xi32> to vector<16xi32>
    %swap3A_1826 = vector.shape_cast %get3A_1820 : vector<16xi32> to vector<1x16xi32>
    tpu.vector_store %arg13[%swap3A_1822, %swap3A_1823], %swap3A_1826 {strides = array<i32>} : memref<4x80xi32, #tpu.memory_space<vmem>>, vector<1x16xi32>,
    %get3A_1827 = arith.constant 2 : i32
    %get3A_1828 = arith.index_cast %get3A_1827 : i32 to index
    %get3A_1829 = arith.constant 48 : index
    %get3A_1830 = tpu.vector_load %arg10[%get3A_1828, %get3A_1829] {strides = array<i32>} : memref<4x80xi32, #tpu.memory_space<vmem>>, vector<1x16xi32>,
    %get3A_1831 = vector.shape_cast %get3A_1830 : vector<1x16xi32> to vector<16xi32>
    %swap3A_1832 = arith.constant 2 : i32
    %swap3A_1833 = arith.index_cast %swap3A_1832 : i32 to index
    %swap3A_1834 = arith.constant 48 : index
    %swap3A_1835 = tpu.vector_load %arg12[%swap3A_1833, %swap3A_1834] {strides = array<i32>} : memref<4x80xi32, #tpu.memory_space<vmem>>, vector<1x16xi32>,
    %swap3A_1836 = vector.shape_cast %swap3A_1835 : vector<1x16xi32> to vector<16xi32>
    %swap3A_1837 = vector.shape_cast %get3A_1831 : vector<16xi32> to vector<1x16xi32>
    tpu.vector_store %arg12[%swap3A_1833, %swap3A_1834], %swap3A_1837 {strides = array<i32>} : memref<4x80xi32, #tpu.memory_space<vmem>>, vector<1x16xi32>,
    %get3A_1838 = arith.constant 2 : i32
    %get3A_1839 = arith.index_cast %get3A_1838 : i32 to index
    %get3A_1840 = arith.constant 48 : index
    %get3A_1841 = tpu.vector_load %arg11[%get3A_1839, %get3A_1840] {strides = array<i32>} : memref<4x80xi32, #tpu.memory_space<vmem>>, vector<1x16xi32>,
    %get3A_1842 = vector.shape_cast %get3A_1841 : vector<1x16xi32> to vector<16xi32>
    %swap3A_1843 = arith.constant 2 : i32
    %swap3A_1844 = arith.index_cast %swap3A_1843 : i32 to index
    %swap3A_1845 = arith.constant 48 : index
    %swap3A_1846 = tpu.vector_load %arg13[%swap3A_1844, %swap3A_1845] {strides = array<i32>} : memref<4x80xi32, #tpu.memory_space<vmem>>, vector<1x16xi32>,
    %swap3A_1847 = vector.shape_cast %swap3A_1846 : vector<1x16xi32> to vector<16xi32>
    %swap3A_1848 = vector.shape_cast %get3A_1842 : vector<16xi32> to vector<1x16xi32>
    tpu.vector_store %arg13[%swap3A_1844, %swap3A_1845], %swap3A_1848 {strides = array<i32>} : memref<4x80xi32, #tpu.memory_space<vmem>>, vector<1x16xi32>,
    %get3A_1849 = arith.constant 2 : i32
    %get3A_1850 = arith.index_cast %get3A_1849 : i32 to index
    %get3A_1851 = arith.constant 64 : index
    %get3A_1852 = tpu.vector_load %arg10[%get3A_1850, %get3A_1851] {strides = array<i32>} : memref<4x80xi32, #tpu.memory_space<vmem>>, vector<1x16xi32>,
    %get3A_1853 = vector.shape_cast %get3A_1852 : vector<1x16xi32> to vector<16xi32>
    %swap3A_1854 = arith.constant 2 : i32
    %swap3A_1855 = arith.index_cast %swap3A_1854 : i32 to index
    %swap3A_1856 = arith.constant 64 : index
    %swap3A_1857 = tpu.vector_load %arg12[%swap3A_1855, %swap3A_1856] {strides = array<i32>} : memref<4x80xi32, #tpu.memory_space<vmem>>, vector<1x16xi32>,
    %swap3A_1858 = vector.shape_cast %swap3A_1857 : vector<1x16xi32> to vector<16xi32>
    %swap3A_1859 = vector.shape_cast %get3A_1853 : vector<16xi32> to vector<1x16xi32>
    tpu.vector_store %arg12[%swap3A_1855, %swap3A_1856], %swap3A_1859 {strides = array<i32>} : memref<4x80xi32, #tpu.memory_space<vmem>>, vector<1x16xi32>,
    %get3A_1860 = arith.constant 2 : i32
    %get3A_1861 = arith.index_cast %get3A_1860 : i32 to index
    %get3A_1862 = arith.constant 64 : index
    %get3A_1863 = tpu.vector_load %arg11[%get3A_1861, %get3A_1862] {strides = array<i32>} : memref<4x80xi32, #tpu.memory_space<vmem>>, vector<1x16xi32>,
    %get3A_1864 = vector.shape_cast %get3A_1863 : vector<1x16xi32> to vector<16xi32>
    %swap3A_1865 = arith.constant 2 : i32
    %swap3A_1866 = arith.index_cast %swap3A_1865 : i32 to index
    %swap3A_1867 = arith.constant 64 : index
    %swap3A_1868 = tpu.vector_load %arg13[%swap3A_1866, %swap3A_1867] {strides = array<i32>} : memref<4x80xi32, #tpu.memory_space<vmem>>, vector<1x16xi32>,
    %swap3A_1869 = vector.shape_cast %swap3A_1868 : vector<1x16xi32> to vector<16xi32>
    %swap3A_1870 = vector.shape_cast %get3A_1864 : vector<16xi32> to vector<1x16xi32>
    tpu.vector_store %arg13[%swap3A_1866, %swap3A_1867], %swap3A_1870 {strides = array<i32>} : memref<4x80xi32, #tpu.memory_space<vmem>>, vector<1x16xi32>,
    %dma_start3A_1871 = arith.constant 2 : i32
    %dma_start3A_1872 = arith.constant 2 : i32
    %dma_start3A_1873 = arith.constant 0 : i32
    %dma_start3A_1874 = arith.constant 0 : i32
    %dma_start3A_1875 = tpu.memref_slice %arg14[%dma_start3A_1871, %dma_start3A_1873, %dma_start3A_1874] : memref<4x80x128xf32, #tpu.memory_space<vmem>> -> memref<1x80x128xf32, #tpu.memory_space<vmem>>
    %dma_start3A_1876 = tpu.memref_squeeze %dma_start3A_1875 : memref<1x80x128xf32, #tpu.memory_space<vmem>> -> memref<80x128xf32, #tpu.memory_space<vmem>>
    %dma_start3A_1877 = arith.constant 0 : i32
    %dma_start3A_1878 = tpu.memref_slice %arg13[%dma_start3A_1872, %dma_start3A_1877] : memref<4x80xi32, #tpu.memory_space<vmem>> -> memref<1x80xi32, #tpu.memory_space<vmem>>
    %dma_start3A_1879 = tpu.memref_squeeze %dma_start3A_1878 : memref<1x80xi32, #tpu.memory_space<vmem>> -> memref<80xi32, #tpu.memory_space<vmem>>
    %dma_start3A_1880 = arith.constant 0 : i32
    %dma_start3A_1881 = arith.constant 0 : i32
    %dma_start3A_1882 = tpu.memref_slice %arg8[%dma_start3A_1880, %dma_start3A_1881] : memref<10000x128xf32, #tpu.memory_space<vmem_shared>> -> memref<10000x128xf32, #tpu.memory_space<vmem_shared>>
    tpu.enqueue_indirect_dma source(%dma_start3A_1876 : memref<80x128xf32, #tpu.memory_space<vmem>>) target(%dma_start3A_1882 : memref<10000x128xf32, #tpu.memory_space<vmem_shared>>) offsets(%dma_start3A_1879 : memref<80xi32, #tpu.memory_space<vmem>>) semaphore(%arg31 : memref<!tpu.dma_semaphore, #tpu.memory_space<semaphore_mem>>) {add = true}
    %dma_start3A_1883 = arith.constant 2 : i32
    %dma_start3A_1884 = arith.constant 2 : i32
    %dma_start3A_1885 = arith.constant 0 : i32
    %dma_start3A_1886 = tpu.memref_slice %arg15[%dma_start3A_1883, %dma_start3A_1885] : memref<4x80xf32, #tpu.memory_space<vmem>> -> memref<1x80xf32, #tpu.memory_space<vmem>>
    %dma_start3A_1887 = tpu.memref_squeeze %dma_start3A_1886 : memref<1x80xf32, #tpu.memory_space<vmem>> -> memref<80xf32, #tpu.memory_space<vmem>>
    %dma_start3A_1888 = arith.constant 0 : i32
    %dma_start3A_1889 = tpu.memref_slice %arg12[%dma_start3A_1884, %dma_start3A_1888] : memref<4x80xi32, #tpu.memory_space<vmem>> -> memref<1x80xi32, #tpu.memory_space<vmem>>
    %dma_start3A_1890 = tpu.memref_squeeze %dma_start3A_1889 : memref<1x80xi32, #tpu.memory_space<vmem>> -> memref<80xi32, #tpu.memory_space<vmem>>
    %dma_start3A_1891 = arith.constant 0 : i32
    %dma_start3A_1892 = tpu.memref_slice %arg9[%dma_start3A_1891] : memref<10240xf32, #tpu.memory_space<vmem_shared>> -> memref<10240xf32, #tpu.memory_space<vmem_shared>>
    tpu.enqueue_indirect_dma source(%dma_start3A_1887 : memref<80xf32, #tpu.memory_space<vmem>>) target(%dma_start3A_1892 : memref<10240xf32, #tpu.memory_space<vmem_shared>>) offsets(%dma_start3A_1890 : memref<80xi32, #tpu.memory_space<vmem>>) semaphore(%arg35 : memref<!tpu.dma_semaphore, #tpu.memory_space<semaphore_mem>>) {add = true}
    %dma_wait3A_1893 = arith.constant 0 : i32
    %dma_wait3A_1894 = arith.constant 0 : i32
    %dma_wait3A_1895 = arith.constant 0 : i32
    %dma_wait3A_1896 = arith.constant 0 : i32
    %dma_wait3A_1897 = tpu.memref_slice %arg14[%dma_wait3A_1893, %dma_wait3A_1895, %dma_wait3A_1896] : memref<4x80x128xf32, #tpu.memory_space<vmem>> -> memref<1x80x128xf32, #tpu.memory_space<vmem>>
    %dma_wait3A_1898 = tpu.memref_squeeze %dma_wait3A_1897 : memref<1x80x128xf32, #tpu.memory_space<vmem>> -> memref<80x128xf32, #tpu.memory_space<vmem>>
    %dma_wait3A_1899 = arith.constant 0 : i32
    %dma_wait3A_1900 = tpu.memref_slice %arg13[%dma_wait3A_1894, %dma_wait3A_1899] : memref<4x80xi32, #tpu.memory_space<vmem>> -> memref<1x80xi32, #tpu.memory_space<vmem>>
    %dma_wait3A_1901 = tpu.memref_squeeze %dma_wait3A_1900 : memref<1x80xi32, #tpu.memory_space<vmem>> -> memref<80xi32, #tpu.memory_space<vmem>>
    %dma_wait3A_1902 = arith.constant 0 : i32
    %dma_wait3A_1903 = arith.constant 0 : i32
    %dma_wait3A_1904 = tpu.memref_slice %arg8[%dma_wait3A_1902, %dma_wait3A_1903] : memref<10000x128xf32, #tpu.memory_space<vmem_shared>> -> memref<10000x128xf32, #tpu.memory_space<vmem_shared>>
    tpu.wait_indirect_dma semaphore(%arg29 : memref<!tpu.dma_semaphore, #tpu.memory_space<semaphore_mem>>) src(%dma_wait3A_1898 : memref<80x128xf32, #tpu.memory_space<vmem>>) dst(%dma_wait3A_1904 : memref<10000x128xf32, #tpu.memory_space<vmem_shared>>)
    %dma_wait3A_1905 = arith.constant 0 : i32
    %dma_wait3A_1906 = arith.constant 0 : i32
    %dma_wait3A_1907 = arith.constant 0 : i32
    %dma_wait3A_1908 = tpu.memref_slice %arg15[%dma_wait3A_1905, %dma_wait3A_1907] : memref<4x80xf32, #tpu.memory_space<vmem>> -> memref<1x80xf32, #tpu.memory_space<vmem>>
    %dma_wait3A_1909 = tpu.memref_squeeze %dma_wait3A_1908 : memref<1x80xf32, #tpu.memory_space<vmem>> -> memref<80xf32, #tpu.memory_space<vmem>>
    %dma_wait3A_1910 = arith.constant 0 : i32
    %dma_wait3A_1911 = tpu.memref_slice %arg12[%dma_wait3A_1906, %dma_wait3A_1910] : memref<4x80xi32, #tpu.memory_space<vmem>> -> memref<1x80xi32, #tpu.memory_space<vmem>>
    %dma_wait3A_1912 = tpu.memref_squeeze %dma_wait3A_1911 : memref<1x80xi32, #tpu.memory_space<vmem>> -> memref<80xi32, #tpu.memory_space<vmem>>
    %dma_wait3A_1913 = arith.constant 0 : i32
    %dma_wait3A_1914 = tpu.memref_slice %arg9[%dma_wait3A_1913] : memref<10240xf32, #tpu.memory_space<vmem_shared>> -> memref<10240xf32, #tpu.memory_space<vmem_shared>>
    tpu.wait_indirect_dma semaphore(%arg33 : memref<!tpu.dma_semaphore, #tpu.memory_space<semaphore_mem>>) src(%dma_wait3A_1909 : memref<80xf32, #tpu.memory_space<vmem>>) dst(%dma_wait3A_1914 : memref<10240xf32, #tpu.memory_space<vmem_shared>>)
    %add3A_1915 = arith.constant 124 : i32
    %add3A_1916 = arith.addi %mul3A_3, %add3A_1915 : i32
    %dma_wait3A_1917 = arith.constant 0 : i32
    %dma_wait3A_1918 = arith.constant 0 : i32
    %dma_wait3A_1919 = tpu.memref_slice %arg10[%dma_wait3A_1917, %dma_wait3A_1918] : memref<4x80xi32, #tpu.memory_space<vmem>> -> memref<1x80xi32, #tpu.memory_space<vmem>>
    %dma_wait3A_1920 = tpu.memref_squeeze %dma_wait3A_1919 : memref<1x80xi32, #tpu.memory_space<vmem>> -> memref<80xi32, #tpu.memory_space<vmem>>
    %dma_wait3A_1921 = arith.constant 0 : i32
    %dma_wait3A_1922 = tpu.memref_slice %arg2[%add3A_1916, %dma_wait3A_1921] : memref<4000x80xi32, #tpu.memory_space<hbm>> -> memref<1x80xi32, #tpu.memory_space<hbm>>
    %dma_wait3A_1923 = tpu.memref_squeeze %dma_wait3A_1922 : memref<1x80xi32, #tpu.memory_space<hbm>> -> memref<80xi32, #tpu.memory_space<hbm>>
    %dma_wait3A_1924 = arith.constant 0 : i32
    %dma_wait3A_1925 = tpu.memref_slice %arg10[%dma_wait3A_1917, %dma_wait3A_1924] : memref<4x80xi32, #tpu.memory_space<vmem>> -> memref<1x80xi32, #tpu.memory_space<vmem>>
    %dma_wait3A_1926 = tpu.memref_squeeze %dma_wait3A_1925 : memref<1x80xi32, #tpu.memory_space<vmem>> -> memref<80xi32, #tpu.memory_space<vmem>>
    %dma_wait3A_1927 = arith.constant 0 : i32
    %dma_wait3A_1928 = tpu.memref_slice %arg2[%add3A_1916, %dma_wait3A_1927] : memref<4000x80xi32, #tpu.memory_space<hbm>> -> memref<1x80xi32, #tpu.memory_space<hbm>>
    %dma_wait3A_1929 = tpu.memref_squeeze %dma_wait3A_1928 : memref<1x80xi32, #tpu.memory_space<hbm>> -> memref<80xi32, #tpu.memory_space<hbm>>
    tpu.wait_dma2 semaphore(%arg17 : memref<!tpu.dma_semaphore, #tpu.memory_space<semaphore_mem>>) src(%dma_wait3A_1929 : memref<80xi32, #tpu.memory_space<hbm>>) dst(%dma_wait3A_1926 : memref<80xi32, #tpu.memory_space<vmem>>)
    %add3A_1930 = arith.constant 124 : i32
    %add3A_1931 = arith.addi %mul3A_3, %add3A_1930 : i32
    %dma_wait3A_1932 = arith.constant 0 : i32
    %dma_wait3A_1933 = arith.constant 0 : i32
    %dma_wait3A_1934 = tpu.memref_slice %arg11[%dma_wait3A_1932, %dma_wait3A_1933] : memref<4x80xi32, #tpu.memory_space<vmem>> -> memref<1x80xi32, #tpu.memory_space<vmem>>
    %dma_wait3A_1935 = tpu.memref_squeeze %dma_wait3A_1934 : memref<1x80xi32, #tpu.memory_space<vmem>> -> memref<80xi32, #tpu.memory_space<vmem>>
    %dma_wait3A_1936 = arith.constant 0 : i32
    %dma_wait3A_1937 = tpu.memref_slice %arg3[%add3A_1931, %dma_wait3A_1936] : memref<4000x80xi32, #tpu.memory_space<hbm>> -> memref<1x80xi32, #tpu.memory_space<hbm>>
    %dma_wait3A_1938 = tpu.memref_squeeze %dma_wait3A_1937 : memref<1x80xi32, #tpu.memory_space<hbm>> -> memref<80xi32, #tpu.memory_space<hbm>>
    %dma_wait3A_1939 = arith.constant 0 : i32
    %dma_wait3A_1940 = tpu.memref_slice %arg11[%dma_wait3A_1932, %dma_wait3A_1939] : memref<4x80xi32, #tpu.memory_space<vmem>> -> memref<1x80xi32, #tpu.memory_space<vmem>>
    %dma_wait3A_1941 = tpu.memref_squeeze %dma_wait3A_1940 : memref<1x80xi32, #tpu.memory_space<vmem>> -> memref<80xi32, #tpu.memory_space<vmem>>
    %dma_wait3A_1942 = arith.constant 0 : i32
    %dma_wait3A_1943 = tpu.memref_slice %arg3[%add3A_1931, %dma_wait3A_1942] : memref<4000x80xi32, #tpu.memory_space<hbm>> -> memref<1x80xi32, #tpu.memory_space<hbm>>
    %dma_wait3A_1944 = tpu.memref_squeeze %dma_wait3A_1943 : memref<1x80xi32, #tpu.memory_space<hbm>> -> memref<80xi32, #tpu.memory_space<hbm>>
    tpu.wait_dma2 semaphore(%arg17 : memref<!tpu.dma_semaphore, #tpu.memory_space<semaphore_mem>>) src(%dma_wait3A_1944 : memref<80xi32, #tpu.memory_space<hbm>>) dst(%dma_wait3A_1941 : memref<80xi32, #tpu.memory_space<vmem>>)
    %dma_start3A_1945 = arith.constant 0 : i32
    %dma_start3A_1946 = arith.constant 0 : i32
    %dma_start3A_1947 = arith.constant 0 : i32
    %dma_start3A_1948 = arith.constant 0 : i32
    %dma_start3A_1949 = tpu.memref_slice %arg14[%dma_start3A_1946, %dma_start3A_1947, %dma_start3A_1948] : memref<4x80x128xf32, #tpu.memory_space<vmem>> -> memref<1x80x128xf32, #tpu.memory_space<vmem>>
    %dma_start3A_1950 = tpu.memref_squeeze %dma_start3A_1949 : memref<1x80x128xf32, #tpu.memory_space<vmem>> -> memref<80x128xf32, #tpu.memory_space<vmem>>
    %dma_start3A_1951 = arith.constant 0 : i32
    %dma_start3A_1952 = tpu.memref_slice %arg10[%dma_start3A_1945, %dma_start3A_1951] : memref<4x80xi32, #tpu.memory_space<vmem>> -> memref<1x80xi32, #tpu.memory_space<vmem>>
    %dma_start3A_1953 = tpu.memref_squeeze %dma_start3A_1952 : memref<1x80xi32, #tpu.memory_space<vmem>> -> memref<80xi32, #tpu.memory_space<vmem>>
    %dma_start3A_1954 = arith.constant 0 : i32
    %dma_start3A_1955 = arith.constant 0 : i32
    %dma_start3A_1956 = tpu.memref_slice %arg4[%dma_start3A_1954, %dma_start3A_1955] : memref<10000x128xf32, #tpu.memory_space<hbm>> -> memref<10000x128xf32, #tpu.memory_space<hbm>>
    tpu.enqueue_indirect_dma source(%dma_start3A_1956 : memref<10000x128xf32, #tpu.memory_space<hbm>>) target(%dma_start3A_1950 : memref<80x128xf32, #tpu.memory_space<vmem>>) offsets(%dma_start3A_1953 : memref<80xi32, #tpu.memory_space<vmem>>) semaphore(%arg21 : memref<!tpu.dma_semaphore, #tpu.memory_space<semaphore_mem>>)
    %dma_start3A_1957 = arith.constant 0 : i32
    %dma_start3A_1958 = arith.constant 0 : i32
    %dma_start3A_1959 = arith.constant 0 : i32
    %dma_start3A_1960 = tpu.memref_slice %arg15[%dma_start3A_1958, %dma_start3A_1959] : memref<4x80xf32, #tpu.memory_space<vmem>> -> memref<1x80xf32, #tpu.memory_space<vmem>>
    %dma_start3A_1961 = tpu.memref_squeeze %dma_start3A_1960 : memref<1x80xf32, #tpu.memory_space<vmem>> -> memref<80xf32, #tpu.memory_space<vmem>>
    %dma_start3A_1962 = arith.constant 0 : i32
    %dma_start3A_1963 = tpu.memref_slice %arg11[%dma_start3A_1957, %dma_start3A_1962] : memref<4x80xi32, #tpu.memory_space<vmem>> -> memref<1x80xi32, #tpu.memory_space<vmem>>
    %dma_start3A_1964 = tpu.memref_squeeze %dma_start3A_1963 : memref<1x80xi32, #tpu.memory_space<vmem>> -> memref<80xi32, #tpu.memory_space<vmem>>
    %dma_start3A_1965 = arith.constant 0 : i32
    %dma_start3A_1966 = tpu.memref_slice %arg5[%dma_start3A_1965] : memref<10000xf32, #tpu.memory_space<hbm>> -> memref<10000xf32, #tpu.memory_space<hbm>>
    tpu.enqueue_indirect_dma source(%dma_start3A_1966 : memref<10000xf32, #tpu.memory_space<hbm>>) target(%dma_start3A_1961 : memref<80xf32, #tpu.memory_space<vmem>>) offsets(%dma_start3A_1964 : memref<80xi32, #tpu.memory_space<vmem>>) semaphore(%arg25 : memref<!tpu.dma_semaphore, #tpu.memory_space<semaphore_mem>>)
    %dma_wait3A_1967 = arith.constant 3 : i32
    %dma_wait3A_1968 = arith.constant 3 : i32
    %dma_wait3A_1969 = arith.constant 0 : i32
    %dma_wait3A_1970 = arith.constant 0 : i32
    %dma_wait3A_1971 = tpu.memref_slice %arg14[%dma_wait3A_1968, %dma_wait3A_1969, %dma_wait3A_1970] : memref<4x80x128xf32, #tpu.memory_space<vmem>> -> memref<1x80x128xf32, #tpu.memory_space<vmem>>
    %dma_wait3A_1972 = tpu.memref_squeeze %dma_wait3A_1971 : memref<1x80x128xf32, #tpu.memory_space<vmem>> -> memref<80x128xf32, #tpu.memory_space<vmem>>
    %dma_wait3A_1973 = arith.constant 0 : i32
    %dma_wait3A_1974 = tpu.memref_slice %arg10[%dma_wait3A_1967, %dma_wait3A_1973] : memref<4x80xi32, #tpu.memory_space<vmem>> -> memref<1x80xi32, #tpu.memory_space<vmem>>
    %dma_wait3A_1975 = tpu.memref_squeeze %dma_wait3A_1974 : memref<1x80xi32, #tpu.memory_space<vmem>> -> memref<80xi32, #tpu.memory_space<vmem>>
    %dma_wait3A_1976 = arith.constant 0 : i32
    %dma_wait3A_1977 = arith.constant 0 : i32
    %dma_wait3A_1978 = tpu.memref_slice %arg4[%dma_wait3A_1976, %dma_wait3A_1977] : memref<10000x128xf32, #tpu.memory_space<hbm>> -> memref<10000x128xf32, #tpu.memory_space<hbm>>
    tpu.wait_indirect_dma semaphore(%arg24 : memref<!tpu.dma_semaphore, #tpu.memory_space<semaphore_mem>>) src(%dma_wait3A_1978 : memref<10000x128xf32, #tpu.memory_space<hbm>>) dst(%dma_wait3A_1972 : memref<80x128xf32, #tpu.memory_space<vmem>>)
    %dma_wait3A_1979 = arith.constant 3 : i32
    %dma_wait3A_1980 = arith.constant 3 : i32
    %dma_wait3A_1981 = arith.constant 0 : i32
    %dma_wait3A_1982 = tpu.memref_slice %arg15[%dma_wait3A_1980, %dma_wait3A_1981] : memref<4x80xf32, #tpu.memory_space<vmem>> -> memref<1x80xf32, #tpu.memory_space<vmem>>
    %dma_wait3A_1983 = tpu.memref_squeeze %dma_wait3A_1982 : memref<1x80xf32, #tpu.memory_space<vmem>> -> memref<80xf32, #tpu.memory_space<vmem>>
    %dma_wait3A_1984 = arith.constant 0 : i32
    %dma_wait3A_1985 = tpu.memref_slice %arg11[%dma_wait3A_1979, %dma_wait3A_1984] : memref<4x80xi32, #tpu.memory_space<vmem>> -> memref<1x80xi32, #tpu.memory_space<vmem>>
    %dma_wait3A_1986 = tpu.memref_squeeze %dma_wait3A_1985 : memref<1x80xi32, #tpu.memory_space<vmem>> -> memref<80xi32, #tpu.memory_space<vmem>>
    %dma_wait3A_1987 = arith.constant 0 : i32
    %dma_wait3A_1988 = tpu.memref_slice %arg5[%dma_wait3A_1987] : memref<10000xf32, #tpu.memory_space<hbm>> -> memref<10000xf32, #tpu.memory_space<hbm>>
    tpu.wait_indirect_dma semaphore(%arg28 : memref<!tpu.dma_semaphore, #tpu.memory_space<semaphore_mem>>) src(%dma_wait3A_1988 : memref<10000xf32, #tpu.memory_space<hbm>>) dst(%dma_wait3A_1983 : memref<80xf32, #tpu.memory_space<vmem>>)
    %get3A_1989 = arith.constant 3 : i32
    %get3A_1990 = arith.index_cast %get3A_1989 : i32 to index
    %get3A_1991 = arith.constant 0 : index
    %get3A_1992 = tpu.vector_load %arg10[%get3A_1990, %get3A_1991] {strides = array<i32>} : memref<4x80xi32, #tpu.memory_space<vmem>>, vector<1x16xi32>,
    %get3A_1993 = vector.shape_cast %get3A_1992 : vector<1x16xi32> to vector<16xi32>
    %swap3A_1994 = arith.constant 3 : i32
    %swap3A_1995 = arith.index_cast %swap3A_1994 : i32 to index
    %swap3A_1996 = arith.constant 0 : index
    %swap3A_1997 = tpu.vector_load %arg12[%swap3A_1995, %swap3A_1996] {strides = array<i32>} : memref<4x80xi32, #tpu.memory_space<vmem>>, vector<1x16xi32>,
    %swap3A_1998 = vector.shape_cast %swap3A_1997 : vector<1x16xi32> to vector<16xi32>
    %swap3A_1999 = vector.shape_cast %get3A_1993 : vector<16xi32> to vector<1x16xi32>
    tpu.vector_store %arg12[%swap3A_1995, %swap3A_1996], %swap3A_1999 {strides = array<i32>} : memref<4x80xi32, #tpu.memory_space<vmem>>, vector<1x16xi32>,
    %get3A_2000 = arith.constant 3 : i32
    %get3A_2001 = arith.index_cast %get3A_2000 : i32 to index
    %get3A_2002 = arith.constant 0 : index
    %get3A_2003 = tpu.vector_load %arg11[%get3A_2001, %get3A_2002] {strides = array<i32>} : memref<4x80xi32, #tpu.memory_space<vmem>>, vector<1x16xi32>,
    %get3A_2004 = vector.shape_cast %get3A_2003 : vector<1x16xi32> to vector<16xi32>
    %swap3A_2005 = arith.constant 3 : i32
    %swap3A_2006 = arith.index_cast %swap3A_2005 : i32 to index
    %swap3A_2007 = arith.constant 0 : index
    %swap3A_2008 = tpu.vector_load %arg13[%swap3A_2006, %swap3A_2007] {strides = array<i32>} : memref<4x80xi32, #tpu.memory_space<vmem>>, vector<1x16xi32>,
    %swap3A_2009 = vector.shape_cast %swap3A_2008 : vector<1x16xi32> to vector<16xi32>
    %swap3A_2010 = vector.shape_cast %get3A_2004 : vector<16xi32> to vector<1x16xi32>
    tpu.vector_store %arg13[%swap3A_2006, %swap3A_2007], %swap3A_2010 {strides = array<i32>} : memref<4x80xi32, #tpu.memory_space<vmem>>, vector<1x16xi32>,
    %get3A_2011 = arith.constant 3 : i32
    %get3A_2012 = arith.index_cast %get3A_2011 : i32 to index
    %get3A_2013 = arith.constant 16 : index
    %get3A_2014 = tpu.vector_load %arg10[%get3A_2012, %get3A_2013] {strides = array<i32>} : memref<4x80xi32, #tpu.memory_space<vmem>>, vector<1x16xi32>,
    %get3A_2015 = vector.shape_cast %get3A_2014 : vector<1x16xi32> to vector<16xi32>
    %swap3A_2016 = arith.constant 3 : i32
    %swap3A_2017 = arith.index_cast %swap3A_2016 : i32 to index
    %swap3A_2018 = arith.constant 16 : index
    %swap3A_2019 = tpu.vector_load %arg12[%swap3A_2017, %swap3A_2018] {strides = array<i32>} : memref<4x80xi32, #tpu.memory_space<vmem>>, vector<1x16xi32>,
    %swap3A_2020 = vector.shape_cast %swap3A_2019 : vector<1x16xi32> to vector<16xi32>
    %swap3A_2021 = vector.shape_cast %get3A_2015 : vector<16xi32> to vector<1x16xi32>
    tpu.vector_store %arg12[%swap3A_2017, %swap3A_2018], %swap3A_2021 {strides = array<i32>} : memref<4x80xi32, #tpu.memory_space<vmem>>, vector<1x16xi32>,
    %get3A_2022 = arith.constant 3 : i32
    %get3A_2023 = arith.index_cast %get3A_2022 : i32 to index
    %get3A_2024 = arith.constant 16 : index
    %get3A_2025 = tpu.vector_load %arg11[%get3A_2023, %get3A_2024] {strides = array<i32>} : memref<4x80xi32, #tpu.memory_space<vmem>>, vector<1x16xi32>,
    %get3A_2026 = vector.shape_cast %get3A_2025 : vector<1x16xi32> to vector<16xi32>
    %swap3A_2027 = arith.constant 3 : i32
    %swap3A_2028 = arith.index_cast %swap3A_2027 : i32 to index
    %swap3A_2029 = arith.constant 16 : index
    %swap3A_2030 = tpu.vector_load %arg13[%swap3A_2028, %swap3A_2029] {strides = array<i32>} : memref<4x80xi32, #tpu.memory_space<vmem>>, vector<1x16xi32>,
    %swap3A_2031 = vector.shape_cast %swap3A_2030 : vector<1x16xi32> to vector<16xi32>
    %swap3A_2032 = vector.shape_cast %get3A_2026 : vector<16xi32> to vector<1x16xi32>
    tpu.vector_store %arg13[%swap3A_2028, %swap3A_2029], %swap3A_2032 {strides = array<i32>} : memref<4x80xi32, #tpu.memory_space<vmem>>, vector<1x16xi32>,
    %get3A_2033 = arith.constant 3 : i32
    %get3A_2034 = arith.index_cast %get3A_2033 : i32 to index
    %get3A_2035 = arith.constant 32 : index
    %get3A_2036 = tpu.vector_load %arg10[%get3A_2034, %get3A_2035] {strides = array<i32>} : memref<4x80xi32, #tpu.memory_space<vmem>>, vector<1x16xi32>,
    %get3A_2037 = vector.shape_cast %get3A_2036 : vector<1x16xi32> to vector<16xi32>
    %swap3A_2038 = arith.constant 3 : i32
    %swap3A_2039 = arith.index_cast %swap3A_2038 : i32 to index
    %swap3A_2040 = arith.constant 32 : index
    %swap3A_2041 = tpu.vector_load %arg12[%swap3A_2039, %swap3A_2040] {strides = array<i32>} : memref<4x80xi32, #tpu.memory_space<vmem>>, vector<1x16xi32>,
    %swap3A_2042 = vector.shape_cast %swap3A_2041 : vector<1x16xi32> to vector<16xi32>
    %swap3A_2043 = vector.shape_cast %get3A_2037 : vector<16xi32> to vector<1x16xi32>
    tpu.vector_store %arg12[%swap3A_2039, %swap3A_2040], %swap3A_2043 {strides = array<i32>} : memref<4x80xi32, #tpu.memory_space<vmem>>, vector<1x16xi32>,
    %get3A_2044 = arith.constant 3 : i32
    %get3A_2045 = arith.index_cast %get3A_2044 : i32 to index
    %get3A_2046 = arith.constant 32 : index
    %get3A_2047 = tpu.vector_load %arg11[%get3A_2045, %get3A_2046] {strides = array<i32>} : memref<4x80xi32, #tpu.memory_space<vmem>>, vector<1x16xi32>,
    %get3A_2048 = vector.shape_cast %get3A_2047 : vector<1x16xi32> to vector<16xi32>
    %swap3A_2049 = arith.constant 3 : i32
    %swap3A_2050 = arith.index_cast %swap3A_2049 : i32 to index
    %swap3A_2051 = arith.constant 32 : index
    %swap3A_2052 = tpu.vector_load %arg13[%swap3A_2050, %swap3A_2051] {strides = array<i32>} : memref<4x80xi32, #tpu.memory_space<vmem>>, vector<1x16xi32>,
    %swap3A_2053 = vector.shape_cast %swap3A_2052 : vector<1x16xi32> to vector<16xi32>
    %swap3A_2054 = vector.shape_cast %get3A_2048 : vector<16xi32> to vector<1x16xi32>
    tpu.vector_store %arg13[%swap3A_2050, %swap3A_2051], %swap3A_2054 {strides = array<i32>} : memref<4x80xi32, #tpu.memory_space<vmem>>, vector<1x16xi32>,
    %get3A_2055 = arith.constant 3 : i32
    %get3A_2056 = arith.index_cast %get3A_2055 : i32 to index
    %get3A_2057 = arith.constant 48 : index
    %get3A_2058 = tpu.vector_load %arg10[%get3A_2056, %get3A_2057] {strides = array<i32>} : memref<4x80xi32, #tpu.memory_space<vmem>>, vector<1x16xi32>,
    %get3A_2059 = vector.shape_cast %get3A_2058 : vector<1x16xi32> to vector<16xi32>
    %swap3A_2060 = arith.constant 3 : i32
    %swap3A_2061 = arith.index_cast %swap3A_2060 : i32 to index
    %swap3A_2062 = arith.constant 48 : index
    %swap3A_2063 = tpu.vector_load %arg12[%swap3A_2061, %swap3A_2062] {strides = array<i32>} : memref<4x80xi32, #tpu.memory_space<vmem>>, vector<1x16xi32>,
    %swap3A_2064 = vector.shape_cast %swap3A_2063 : vector<1x16xi32> to vector<16xi32>
    %swap3A_2065 = vector.shape_cast %get3A_2059 : vector<16xi32> to vector<1x16xi32>
    tpu.vector_store %arg12[%swap3A_2061, %swap3A_2062], %swap3A_2065 {strides = array<i32>} : memref<4x80xi32, #tpu.memory_space<vmem>>, vector<1x16xi32>,
    %get3A_2066 = arith.constant 3 : i32
    %get3A_2067 = arith.index_cast %get3A_2066 : i32 to index
    %get3A_2068 = arith.constant 48 : index
    %get3A_2069 = tpu.vector_load %arg11[%get3A_2067, %get3A_2068] {strides = array<i32>} : memref<4x80xi32, #tpu.memory_space<vmem>>, vector<1x16xi32>,
    %get3A_2070 = vector.shape_cast %get3A_2069 : vector<1x16xi32> to vector<16xi32>
    %swap3A_2071 = arith.constant 3 : i32
    %swap3A_2072 = arith.index_cast %swap3A_2071 : i32 to index
    %swap3A_2073 = arith.constant 48 : index
    %swap3A_2074 = tpu.vector_load %arg13[%swap3A_2072, %swap3A_2073] {strides = array<i32>} : memref<4x80xi32, #tpu.memory_space<vmem>>, vector<1x16xi32>,
    %swap3A_2075 = vector.shape_cast %swap3A_2074 : vector<1x16xi32> to vector<16xi32>
    %swap3A_2076 = vector.shape_cast %get3A_2070 : vector<16xi32> to vector<1x16xi32>
    tpu.vector_store %arg13[%swap3A_2072, %swap3A_2073], %swap3A_2076 {strides = array<i32>} : memref<4x80xi32, #tpu.memory_space<vmem>>, vector<1x16xi32>,
    %get3A_2077 = arith.constant 3 : i32
    %get3A_2078 = arith.index_cast %get3A_2077 : i32 to index
    %get3A_2079 = arith.constant 64 : index
    %get3A_2080 = tpu.vector_load %arg10[%get3A_2078, %get3A_2079] {strides = array<i32>} : memref<4x80xi32, #tpu.memory_space<vmem>>, vector<1x16xi32>,
    %get3A_2081 = vector.shape_cast %get3A_2080 : vector<1x16xi32> to vector<16xi32>
    %swap3A_2082 = arith.constant 3 : i32
    %swap3A_2083 = arith.index_cast %swap3A_2082 : i32 to index
    %swap3A_2084 = arith.constant 64 : index
    %swap3A_2085 = tpu.vector_load %arg12[%swap3A_2083, %swap3A_2084] {strides = array<i32>} : memref<4x80xi32, #tpu.memory_space<vmem>>, vector<1x16xi32>,
    %swap3A_2086 = vector.shape_cast %swap3A_2085 : vector<1x16xi32> to vector<16xi32>
    %swap3A_2087 = vector.shape_cast %get3A_2081 : vector<16xi32> to vector<1x16xi32>
    tpu.vector_store %arg12[%swap3A_2083, %swap3A_2084], %swap3A_2087 {strides = array<i32>} : memref<4x80xi32, #tpu.memory_space<vmem>>, vector<1x16xi32>,
    %get3A_2088 = arith.constant 3 : i32
    %get3A_2089 = arith.index_cast %get3A_2088 : i32 to index
    %get3A_2090 = arith.constant 64 : index
    %get3A_2091 = tpu.vector_load %arg11[%get3A_2089, %get3A_2090] {strides = array<i32>} : memref<4x80xi32, #tpu.memory_space<vmem>>, vector<1x16xi32>,
    %get3A_2092 = vector.shape_cast %get3A_2091 : vector<1x16xi32> to vector<16xi32>
    %swap3A_2093 = arith.constant 3 : i32
    %swap3A_2094 = arith.index_cast %swap3A_2093 : i32 to index
    %swap3A_2095 = arith.constant 64 : index
    %swap3A_2096 = tpu.vector_load %arg13[%swap3A_2094, %swap3A_2095] {strides = array<i32>} : memref<4x80xi32, #tpu.memory_space<vmem>>, vector<1x16xi32>,
    %swap3A_2097 = vector.shape_cast %swap3A_2096 : vector<1x16xi32> to vector<16xi32>
    %swap3A_2098 = vector.shape_cast %get3A_2092 : vector<16xi32> to vector<1x16xi32>
    tpu.vector_store %arg13[%swap3A_2094, %swap3A_2095], %swap3A_2098 {strides = array<i32>} : memref<4x80xi32, #tpu.memory_space<vmem>>, vector<1x16xi32>,
    %dma_start3A_2099 = arith.constant 3 : i32
    %dma_start3A_2100 = arith.constant 3 : i32
    %dma_start3A_2101 = arith.constant 0 : i32
    %dma_start3A_2102 = arith.constant 0 : i32
    %dma_start3A_2103 = tpu.memref_slice %arg14[%dma_start3A_2099, %dma_start3A_2101, %dma_start3A_2102] : memref<4x80x128xf32, #tpu.memory_space<vmem>> -> memref<1x80x128xf32, #tpu.memory_space<vmem>>
    %dma_start3A_2104 = tpu.memref_squeeze %dma_start3A_2103 : memref<1x80x128xf32, #tpu.memory_space<vmem>> -> memref<80x128xf32, #tpu.memory_space<vmem>>
    %dma_start3A_2105 = arith.constant 0 : i32
    %dma_start3A_2106 = tpu.memref_slice %arg13[%dma_start3A_2100, %dma_start3A_2105] : memref<4x80xi32, #tpu.memory_space<vmem>> -> memref<1x80xi32, #tpu.memory_space<vmem>>
    %dma_start3A_2107 = tpu.memref_squeeze %dma_start3A_2106 : memref<1x80xi32, #tpu.memory_space<vmem>> -> memref<80xi32, #tpu.memory_space<vmem>>
    %dma_start3A_2108 = arith.constant 0 : i32
    %dma_start3A_2109 = arith.constant 0 : i32
    %dma_start3A_2110 = tpu.memref_slice %arg8[%dma_start3A_2108, %dma_start3A_2109] : memref<10000x128xf32, #tpu.memory_space<vmem_shared>> -> memref<10000x128xf32, #tpu.memory_space<vmem_shared>>
    tpu.enqueue_indirect_dma source(%dma_start3A_2104 : memref<80x128xf32, #tpu.memory_space<vmem>>) target(%dma_start3A_2110 : memref<10000x128xf32, #tpu.memory_space<vmem_shared>>) offsets(%dma_start3A_2107 : memref<80xi32, #tpu.memory_space<vmem>>) semaphore(%arg32 : memref<!tpu.dma_semaphore, #tpu.memory_space<semaphore_mem>>) {add = true}
    %dma_start3A_2111 = arith.constant 3 : i32
    %dma_start3A_2112 = arith.constant 3 : i32
    %dma_start3A_2113 = arith.constant 0 : i32
    %dma_start3A_2114 = tpu.memref_slice %arg15[%dma_start3A_2111, %dma_start3A_2113] : memref<4x80xf32, #tpu.memory_space<vmem>> -> memref<1x80xf32, #tpu.memory_space<vmem>>
    %dma_start3A_2115 = tpu.memref_squeeze %dma_start3A_2114 : memref<1x80xf32, #tpu.memory_space<vmem>> -> memref<80xf32, #tpu.memory_space<vmem>>
    %dma_start3A_2116 = arith.constant 0 : i32
    %dma_start3A_2117 = tpu.memref_slice %arg12[%dma_start3A_2112, %dma_start3A_2116] : memref<4x80xi32, #tpu.memory_space<vmem>> -> memref<1x80xi32, #tpu.memory_space<vmem>>
    %dma_start3A_2118 = tpu.memref_squeeze %dma_start3A_2117 : memref<1x80xi32, #tpu.memory_space<vmem>> -> memref<80xi32, #tpu.memory_space<vmem>>
    %dma_start3A_2119 = arith.constant 0 : i32
    %dma_start3A_2120 = tpu.memref_slice %arg9[%dma_start3A_2119] : memref<10240xf32, #tpu.memory_space<vmem_shared>> -> memref<10240xf32, #tpu.memory_space<vmem_shared>>
    tpu.enqueue_indirect_dma source(%dma_start3A_2115 : memref<80xf32, #tpu.memory_space<vmem>>) target(%dma_start3A_2120 : memref<10240xf32, #tpu.memory_space<vmem_shared>>) offsets(%dma_start3A_2118 : memref<80xi32, #tpu.memory_space<vmem>>) semaphore(%arg36 : memref<!tpu.dma_semaphore, #tpu.memory_space<semaphore_mem>>) {add = true}
    %dma_wait3A_2121 = arith.constant 0 : i32
    %dma_wait3A_2122 = arith.constant 0 : i32
    %dma_wait3A_2123 = arith.constant 0 : i32
    %dma_wait3A_2124 = arith.constant 0 : i32
    %dma_wait3A_2125 = tpu.memref_slice %arg14[%dma_wait3A_2122, %dma_wait3A_2123, %dma_wait3A_2124] : memref<4x80x128xf32, #tpu.memory_space<vmem>> -> memref<1x80x128xf32, #tpu.memory_space<vmem>>
    %dma_wait3A_2126 = tpu.memref_squeeze %dma_wait3A_2125 : memref<1x80x128xf32, #tpu.memory_space<vmem>> -> memref<80x128xf32, #tpu.memory_space<vmem>>
    %dma_wait3A_2127 = arith.constant 0 : i32
    %dma_wait3A_2128 = tpu.memref_slice %arg10[%dma_wait3A_2121, %dma_wait3A_2127] : memref<4x80xi32, #tpu.memory_space<vmem>> -> memref<1x80xi32, #tpu.memory_space<vmem>>
    %dma_wait3A_2129 = tpu.memref_squeeze %dma_wait3A_2128 : memref<1x80xi32, #tpu.memory_space<vmem>> -> memref<80xi32, #tpu.memory_space<vmem>>
    %dma_wait3A_2130 = arith.constant 0 : i32
    %dma_wait3A_2131 = arith.constant 0 : i32
    %dma_wait3A_2132 = tpu.memref_slice %arg4[%dma_wait3A_2130, %dma_wait3A_2131] : memref<10000x128xf32, #tpu.memory_space<hbm>> -> memref<10000x128xf32, #tpu.memory_space<hbm>>
    tpu.wait_indirect_dma semaphore(%arg21 : memref<!tpu.dma_semaphore, #tpu.memory_space<semaphore_mem>>) src(%dma_wait3A_2132 : memref<10000x128xf32, #tpu.memory_space<hbm>>) dst(%dma_wait3A_2126 : memref<80x128xf32, #tpu.memory_space<vmem>>)
    %dma_wait3A_2133 = arith.constant 0 : i32
    %dma_wait3A_2134 = arith.constant 0 : i32
    %dma_wait3A_2135 = arith.constant 0 : i32
    %dma_wait3A_2136 = tpu.memref_slice %arg15[%dma_wait3A_2134, %dma_wait3A_2135] : memref<4x80xf32, #tpu.memory_space<vmem>> -> memref<1x80xf32, #tpu.memory_space<vmem>>
    %dma_wait3A_2137 = tpu.memref_squeeze %dma_wait3A_2136 : memref<1x80xf32, #tpu.memory_space<vmem>> -> memref<80xf32, #tpu.memory_space<vmem>>
    %dma_wait3A_2138 = arith.constant 0 : i32
    %dma_wait3A_2139 = tpu.memref_slice %arg11[%dma_wait3A_2133, %dma_wait3A_2138] : memref<4x80xi32, #tpu.memory_space<vmem>> -> memref<1x80xi32, #tpu.memory_space<vmem>>
    %dma_wait3A_2140 = tpu.memref_squeeze %dma_wait3A_2139 : memref<1x80xi32, #tpu.memory_space<vmem>> -> memref<80xi32, #tpu.memory_space<vmem>>
    %dma_wait3A_2141 = arith.constant 0 : i32
    %dma_wait3A_2142 = tpu.memref_slice %arg5[%dma_wait3A_2141] : memref<10000xf32, #tpu.memory_space<hbm>> -> memref<10000xf32, #tpu.memory_space<hbm>>
    tpu.wait_indirect_dma semaphore(%arg25 : memref<!tpu.dma_semaphore, #tpu.memory_space<semaphore_mem>>) src(%dma_wait3A_2142 : memref<10000xf32, #tpu.memory_space<hbm>>) dst(%dma_wait3A_2137 : memref<80xf32, #tpu.memory_space<vmem>>)
    %get3A_2143 = arith.constant 0 : i32
    %get3A_2144 = arith.index_cast %get3A_2143 : i32 to index
    %get3A_2145 = arith.constant 0 : index
    %get3A_2146 = tpu.vector_load %arg10[%get3A_2144, %get3A_2145] {strides = array<i32>} : memref<4x80xi32, #tpu.memory_space<vmem>>, vector<1x16xi32>,
    %get3A_2147 = vector.shape_cast %get3A_2146 : vector<1x16xi32> to vector<16xi32>
    %swap3A_2148 = arith.constant 0 : i32
    %swap3A_2149 = arith.index_cast %swap3A_2148 : i32 to index
    %swap3A_2150 = arith.constant 0 : index
    %swap3A_2151 = tpu.vector_load %arg12[%swap3A_2149, %swap3A_2150] {strides = array<i32>} : memref<4x80xi32, #tpu.memory_space<vmem>>, vector<1x16xi32>,
    %swap3A_2152 = vector.shape_cast %swap3A_2151 : vector<1x16xi32> to vector<16xi32>
    %swap3A_2153 = vector.shape_cast %get3A_2147 : vector<16xi32> to vector<1x16xi32>
    tpu.vector_store %arg12[%swap3A_2149, %swap3A_2150], %swap3A_2153 {strides = array<i32>} : memref<4x80xi32, #tpu.memory_space<vmem>>, vector<1x16xi32>,
    %get3A_2154 = arith.constant 0 : i32
    %get3A_2155 = arith.index_cast %get3A_2154 : i32 to index
    %get3A_2156 = arith.constant 0 : index
    %get3A_2157 = tpu.vector_load %arg11[%get3A_2155, %get3A_2156] {strides = array<i32>} : memref<4x80xi32, #tpu.memory_space<vmem>>, vector<1x16xi32>,
    %get3A_2158 = vector.shape_cast %get3A_2157 : vector<1x16xi32> to vector<16xi32>
    %swap3A_2159 = arith.constant 0 : i32
    %swap3A_2160 = arith.index_cast %swap3A_2159 : i32 to index
    %swap3A_2161 = arith.constant 0 : index
    %swap3A_2162 = tpu.vector_load %arg13[%swap3A_2160, %swap3A_2161] {strides = array<i32>} : memref<4x80xi32, #tpu.memory_space<vmem>>, vector<1x16xi32>,
    %swap3A_2163 = vector.shape_cast %swap3A_2162 : vector<1x16xi32> to vector<16xi32>
    %swap3A_2164 = vector.shape_cast %get3A_2158 : vector<16xi32> to vector<1x16xi32>
    tpu.vector_store %arg13[%swap3A_2160, %swap3A_2161], %swap3A_2164 {strides = array<i32>} : memref<4x80xi32, #tpu.memory_space<vmem>>, vector<1x16xi32>,
    %get3A_2165 = arith.constant 0 : i32
    %get3A_2166 = arith.index_cast %get3A_2165 : i32 to index
    %get3A_2167 = arith.constant 16 : index
    %get3A_2168 = tpu.vector_load %arg10[%get3A_2166, %get3A_2167] {strides = array<i32>} : memref<4x80xi32, #tpu.memory_space<vmem>>, vector<1x16xi32>,
    %get3A_2169 = vector.shape_cast %get3A_2168 : vector<1x16xi32> to vector<16xi32>
    %swap3A_2170 = arith.constant 0 : i32
    %swap3A_2171 = arith.index_cast %swap3A_2170 : i32 to index
    %swap3A_2172 = arith.constant 16 : index
    %swap3A_2173 = tpu.vector_load %arg12[%swap3A_2171, %swap3A_2172] {strides = array<i32>} : memref<4x80xi32, #tpu.memory_space<vmem>>, vector<1x16xi32>,
    %swap3A_2174 = vector.shape_cast %swap3A_2173 : vector<1x16xi32> to vector<16xi32>
    %swap3A_2175 = vector.shape_cast %get3A_2169 : vector<16xi32> to vector<1x16xi32>
    tpu.vector_store %arg12[%swap3A_2171, %swap3A_2172], %swap3A_2175 {strides = array<i32>} : memref<4x80xi32, #tpu.memory_space<vmem>>, vector<1x16xi32>,
    %get3A_2176 = arith.constant 0 : i32
    %get3A_2177 = arith.index_cast %get3A_2176 : i32 to index
    %get3A_2178 = arith.constant 16 : index
    %get3A_2179 = tpu.vector_load %arg11[%get3A_2177, %get3A_2178] {strides = array<i32>} : memref<4x80xi32, #tpu.memory_space<vmem>>, vector<1x16xi32>,
    %get3A_2180 = vector.shape_cast %get3A_2179 : vector<1x16xi32> to vector<16xi32>
    %swap3A_2181 = arith.constant 0 : i32
    %swap3A_2182 = arith.index_cast %swap3A_2181 : i32 to index
    %swap3A_2183 = arith.constant 16 : index
    %swap3A_2184 = tpu.vector_load %arg13[%swap3A_2182, %swap3A_2183] {strides = array<i32>} : memref<4x80xi32, #tpu.memory_space<vmem>>, vector<1x16xi32>,
    %swap3A_2185 = vector.shape_cast %swap3A_2184 : vector<1x16xi32> to vector<16xi32>
    %swap3A_2186 = vector.shape_cast %get3A_2180 : vector<16xi32> to vector<1x16xi32>
    tpu.vector_store %arg13[%swap3A_2182, %swap3A_2183], %swap3A_2186 {strides = array<i32>} : memref<4x80xi32, #tpu.memory_space<vmem>>, vector<1x16xi32>,
    %get3A_2187 = arith.constant 0 : i32
    %get3A_2188 = arith.index_cast %get3A_2187 : i32 to index
    %get3A_2189 = arith.constant 32 : index
    %get3A_2190 = tpu.vector_load %arg10[%get3A_2188, %get3A_2189] {strides = array<i32>} : memref<4x80xi32, #tpu.memory_space<vmem>>, vector<1x16xi32>,
    %get3A_2191 = vector.shape_cast %get3A_2190 : vector<1x16xi32> to vector<16xi32>
    %swap3A_2192 = arith.constant 0 : i32
    %swap3A_2193 = arith.index_cast %swap3A_2192 : i32 to index
    %swap3A_2194 = arith.constant 32 : index
    %swap3A_2195 = tpu.vector_load %arg12[%swap3A_2193, %swap3A_2194] {strides = array<i32>} : memref<4x80xi32, #tpu.memory_space<vmem>>, vector<1x16xi32>,
    %swap3A_2196 = vector.shape_cast %swap3A_2195 : vector<1x16xi32> to vector<16xi32>
    %swap3A_2197 = vector.shape_cast %get3A_2191 : vector<16xi32> to vector<1x16xi32>
    tpu.vector_store %arg12[%swap3A_2193, %swap3A_2194], %swap3A_2197 {strides = array<i32>} : memref<4x80xi32, #tpu.memory_space<vmem>>, vector<1x16xi32>,
    %get3A_2198 = arith.constant 0 : i32
    %get3A_2199 = arith.index_cast %get3A_2198 : i32 to index
    %get3A_2200 = arith.constant 32 : index
    %get3A_2201 = tpu.vector_load %arg11[%get3A_2199, %get3A_2200] {strides = array<i32>} : memref<4x80xi32, #tpu.memory_space<vmem>>, vector<1x16xi32>,
    %get3A_2202 = vector.shape_cast %get3A_2201 : vector<1x16xi32> to vector<16xi32>
    %swap3A_2203 = arith.constant 0 : i32
    %swap3A_2204 = arith.index_cast %swap3A_2203 : i32 to index
    %swap3A_2205 = arith.constant 32 : index
    %swap3A_2206 = tpu.vector_load %arg13[%swap3A_2204, %swap3A_2205] {strides = array<i32>} : memref<4x80xi32, #tpu.memory_space<vmem>>, vector<1x16xi32>,
    %swap3A_2207 = vector.shape_cast %swap3A_2206 : vector<1x16xi32> to vector<16xi32>
    %swap3A_2208 = vector.shape_cast %get3A_2202 : vector<16xi32> to vector<1x16xi32>
    tpu.vector_store %arg13[%swap3A_2204, %swap3A_2205], %swap3A_2208 {strides = array<i32>} : memref<4x80xi32, #tpu.memory_space<vmem>>, vector<1x16xi32>,
    %get3A_2209 = arith.constant 0 : i32
    %get3A_2210 = arith.index_cast %get3A_2209 : i32 to index
    %get3A_2211 = arith.constant 48 : index
    %get3A_2212 = tpu.vector_load %arg10[%get3A_2210, %get3A_2211] {strides = array<i32>} : memref<4x80xi32, #tpu.memory_space<vmem>>, vector<1x16xi32>,
    %get3A_2213 = vector.shape_cast %get3A_2212 : vector<1x16xi32> to vector<16xi32>
    %swap3A_2214 = arith.constant 0 : i32
    %swap3A_2215 = arith.index_cast %swap3A_2214 : i32 to index
    %swap3A_2216 = arith.constant 48 : index
    %swap3A_2217 = tpu.vector_load %arg12[%swap3A_2215, %swap3A_2216] {strides = array<i32>} : memref<4x80xi32, #tpu.memory_space<vmem>>, vector<1x16xi32>,
    %swap3A_2218 = vector.shape_cast %swap3A_2217 : vector<1x16xi32> to vector<16xi32>
    %swap3A_2219 = vector.shape_cast %get3A_2213 : vector<16xi32> to vector<1x16xi32>
    tpu.vector_store %arg12[%swap3A_2215, %swap3A_2216], %swap3A_2219 {strides = array<i32>} : memref<4x80xi32, #tpu.memory_space<vmem>>, vector<1x16xi32>,
    %get3A_2220 = arith.constant 0 : i32
    %get3A_2221 = arith.index_cast %get3A_2220 : i32 to index
    %get3A_2222 = arith.constant 48 : index
    %get3A_2223 = tpu.vector_load %arg11[%get3A_2221, %get3A_2222] {strides = array<i32>} : memref<4x80xi32, #tpu.memory_space<vmem>>, vector<1x16xi32>,
    %get3A_2224 = vector.shape_cast %get3A_2223 : vector<1x16xi32> to vector<16xi32>
    %swap3A_2225 = arith.constant 0 : i32
    %swap3A_2226 = arith.index_cast %swap3A_2225 : i32 to index
    %swap3A_2227 = arith.constant 48 : index
    %swap3A_2228 = tpu.vector_load %arg13[%swap3A_2226, %swap3A_2227] {strides = array<i32>} : memref<4x80xi32, #tpu.memory_space<vmem>>, vector<1x16xi32>,
    %swap3A_2229 = vector.shape_cast %swap3A_2228 : vector<1x16xi32> to vector<16xi32>
    %swap3A_2230 = vector.shape_cast %get3A_2224 : vector<16xi32> to vector<1x16xi32>
    tpu.vector_store %arg13[%swap3A_2226, %swap3A_2227], %swap3A_2230 {strides = array<i32>} : memref<4x80xi32, #tpu.memory_space<vmem>>, vector<1x16xi32>,
    %get3A_2231 = arith.constant 0 : i32
    %get3A_2232 = arith.index_cast %get3A_2231 : i32 to index
    %get3A_2233 = arith.constant 64 : index
    %get3A_2234 = tpu.vector_load %arg10[%get3A_2232, %get3A_2233] {strides = array<i32>} : memref<4x80xi32, #tpu.memory_space<vmem>>, vector<1x16xi32>,
    %get3A_2235 = vector.shape_cast %get3A_2234 : vector<1x16xi32> to vector<16xi32>
    %swap3A_2236 = arith.constant 0 : i32
    %swap3A_2237 = arith.index_cast %swap3A_2236 : i32 to index
    %swap3A_2238 = arith.constant 64 : index
    %swap3A_2239 = tpu.vector_load %arg12[%swap3A_2237, %swap3A_2238] {strides = array<i32>} : memref<4x80xi32, #tpu.memory_space<vmem>>, vector<1x16xi32>,
    %swap3A_2240 = vector.shape_cast %swap3A_2239 : vector<1x16xi32> to vector<16xi32>
    %swap3A_2241 = vector.shape_cast %get3A_2235 : vector<16xi32> to vector<1x16xi32>
    tpu.vector_store %arg12[%swap3A_2237, %swap3A_2238], %swap3A_2241 {strides = array<i32>} : memref<4x80xi32, #tpu.memory_space<vmem>>, vector<1x16xi32>,
    %get3A_2242 = arith.constant 0 : i32
    %get3A_2243 = arith.index_cast %get3A_2242 : i32 to index
    %get3A_2244 = arith.constant 64 : index
    %get3A_2245 = tpu.vector_load %arg11[%get3A_2243, %get3A_2244] {strides = array<i32>} : memref<4x80xi32, #tpu.memory_space<vmem>>, vector<1x16xi32>,
    %get3A_2246 = vector.shape_cast %get3A_2245 : vector<1x16xi32> to vector<16xi32>
    %swap3A_2247 = arith.constant 0 : i32
    %swap3A_2248 = arith.index_cast %swap3A_2247 : i32 to index
    %swap3A_2249 = arith.constant 64 : index
    %swap3A_2250 = tpu.vector_load %arg13[%swap3A_2248, %swap3A_2249] {strides = array<i32>} : memref<4x80xi32, #tpu.memory_space<vmem>>, vector<1x16xi32>,
    %swap3A_2251 = vector.shape_cast %swap3A_2250 : vector<1x16xi32> to vector<16xi32>
    %swap3A_2252 = vector.shape_cast %get3A_2246 : vector<16xi32> to vector<1x16xi32>
    tpu.vector_store %arg13[%swap3A_2248, %swap3A_2249], %swap3A_2252 {strides = array<i32>} : memref<4x80xi32, #tpu.memory_space<vmem>>, vector<1x16xi32>,
    %dma_start3A_2253 = arith.constant 0 : i32
    %dma_start3A_2254 = arith.constant 0 : i32
    %dma_start3A_2255 = arith.constant 0 : i32
    %dma_start3A_2256 = arith.constant 0 : i32
    %dma_start3A_2257 = tpu.memref_slice %arg14[%dma_start3A_2253, %dma_start3A_2255, %dma_start3A_2256] : memref<4x80x128xf32, #tpu.memory_space<vmem>> -> memref<1x80x128xf32, #tpu.memory_space<vmem>>
    %dma_start3A_2258 = tpu.memref_squeeze %dma_start3A_2257 : memref<1x80x128xf32, #tpu.memory_space<vmem>> -> memref<80x128xf32, #tpu.memory_space<vmem>>
    %dma_start3A_2259 = arith.constant 0 : i32
    %dma_start3A_2260 = tpu.memref_slice %arg13[%dma_start3A_2254, %dma_start3A_2259] : memref<4x80xi32, #tpu.memory_space<vmem>> -> memref<1x80xi32, #tpu.memory_space<vmem>>
    %dma_start3A_2261 = tpu.memref_squeeze %dma_start3A_2260 : memref<1x80xi32, #tpu.memory_space<vmem>> -> memref<80xi32, #tpu.memory_space<vmem>>
    %dma_start3A_2262 = arith.constant 0 : i32
    %dma_start3A_2263 = arith.constant 0 : i32
    %dma_start3A_2264 = tpu.memref_slice %arg8[%dma_start3A_2262, %dma_start3A_2263] : memref<10000x128xf32, #tpu.memory_space<vmem_shared>> -> memref<10000x128xf32, #tpu.memory_space<vmem_shared>>
    tpu.enqueue_indirect_dma source(%dma_start3A_2258 : memref<80x128xf32, #tpu.memory_space<vmem>>) target(%dma_start3A_2264 : memref<10000x128xf32, #tpu.memory_space<vmem_shared>>) offsets(%dma_start3A_2261 : memref<80xi32, #tpu.memory_space<vmem>>) semaphore(%arg29 : memref<!tpu.dma_semaphore, #tpu.memory_space<semaphore_mem>>) {add = true}
    %dma_start3A_2265 = arith.constant 0 : i32
    %dma_start3A_2266 = arith.constant 0 : i32
    %dma_start3A_2267 = arith.constant 0 : i32
    %dma_start3A_2268 = tpu.memref_slice %arg15[%dma_start3A_2265, %dma_start3A_2267] : memref<4x80xf32, #tpu.memory_space<vmem>> -> memref<1x80xf32, #tpu.memory_space<vmem>>
    %dma_start3A_2269 = tpu.memref_squeeze %dma_start3A_2268 : memref<1x80xf32, #tpu.memory_space<vmem>> -> memref<80xf32, #tpu.memory_space<vmem>>
    %dma_start3A_2270 = arith.constant 0 : i32
    %dma_start3A_2271 = tpu.memref_slice %arg12[%dma_start3A_2266, %dma_start3A_2270] : memref<4x80xi32, #tpu.memory_space<vmem>> -> memref<1x80xi32, #tpu.memory_space<vmem>>
    %dma_start3A_2272 = tpu.memref_squeeze %dma_start3A_2271 : memref<1x80xi32, #tpu.memory_space<vmem>> -> memref<80xi32, #tpu.memory_space<vmem>>
    %dma_start3A_2273 = arith.constant 0 : i32
    %dma_start3A_2274 = tpu.memref_slice %arg9[%dma_start3A_2273] : memref<10240xf32, #tpu.memory_space<vmem_shared>> -> memref<10240xf32, #tpu.memory_space<vmem_shared>>
    tpu.enqueue_indirect_dma source(%dma_start3A_2269 : memref<80xf32, #tpu.memory_space<vmem>>) target(%dma_start3A_2274 : memref<10240xf32, #tpu.memory_space<vmem_shared>>) offsets(%dma_start3A_2272 : memref<80xi32, #tpu.memory_space<vmem>>) semaphore(%arg33 : memref<!tpu.dma_semaphore, #tpu.memory_space<semaphore_mem>>) {add = true}
    %dma_wait3A_2275 = arith.constant 1 : i32
    %dma_wait3A_2276 = arith.constant 1 : i32
    %dma_wait3A_2277 = arith.constant 0 : i32
    %dma_wait3A_2278 = arith.constant 0 : i32
    %dma_wait3A_2279 = tpu.memref_slice %arg14[%dma_wait3A_2275, %dma_wait3A_2277, %dma_wait3A_2278] : memref<4x80x128xf32, #tpu.memory_space<vmem>> -> memref<1x80x128xf32, #tpu.memory_space<vmem>>
    %dma_wait3A_2280 = tpu.memref_squeeze %dma_wait3A_2279 : memref<1x80x128xf32, #tpu.memory_space<vmem>> -> memref<80x128xf32, #tpu.memory_space<vmem>>
    %dma_wait3A_2281 = arith.constant 0 : i32
    %dma_wait3A_2282 = tpu.memref_slice %arg13[%dma_wait3A_2276, %dma_wait3A_2281] : memref<4x80xi32, #tpu.memory_space<vmem>> -> memref<1x80xi32, #tpu.memory_space<vmem>>
    %dma_wait3A_2283 = tpu.memref_squeeze %dma_wait3A_2282 : memref<1x80xi32, #tpu.memory_space<vmem>> -> memref<80xi32, #tpu.memory_space<vmem>>
    %dma_wait3A_2284 = arith.constant 0 : i32
    %dma_wait3A_2285 = arith.constant 0 : i32
    %dma_wait3A_2286 = tpu.memref_slice %arg8[%dma_wait3A_2284, %dma_wait3A_2285] : memref<10000x128xf32, #tpu.memory_space<vmem_shared>> -> memref<10000x128xf32, #tpu.memory_space<vmem_shared>>
    tpu.wait_indirect_dma semaphore(%arg30 : memref<!tpu.dma_semaphore, #tpu.memory_space<semaphore_mem>>) src(%dma_wait3A_2280 : memref<80x128xf32, #tpu.memory_space<vmem>>) dst(%dma_wait3A_2286 : memref<10000x128xf32, #tpu.memory_space<vmem_shared>>)
    %dma_wait3A_2287 = arith.constant 1 : i32
    %dma_wait3A_2288 = arith.constant 1 : i32
    %dma_wait3A_2289 = arith.constant 0 : i32
    %dma_wait3A_2290 = tpu.memref_slice %arg15[%dma_wait3A_2287, %dma_wait3A_2289] : memref<4x80xf32, #tpu.memory_space<vmem>> -> memref<1x80xf32, #tpu.memory_space<vmem>>
    %dma_wait3A_2291 = tpu.memref_squeeze %dma_wait3A_2290 : memref<1x80xf32, #tpu.memory_space<vmem>> -> memref<80xf32, #tpu.memory_space<vmem>>
    %dma_wait3A_2292 = arith.constant 0 : i32
    %dma_wait3A_2293 = tpu.memref_slice %arg12[%dma_wait3A_2288, %dma_wait3A_2292] : memref<4x80xi32, #tpu.memory_space<vmem>> -> memref<1x80xi32, #tpu.memory_space<vmem>>
    %dma_wait3A_2294 = tpu.memref_squeeze %dma_wait3A_2293 : memref<1x80xi32, #tpu.memory_space<vmem>> -> memref<80xi32, #tpu.memory_space<vmem>>
    %dma_wait3A_2295 = arith.constant 0 : i32
    %dma_wait3A_2296 = tpu.memref_slice %arg9[%dma_wait3A_2295] : memref<10240xf32, #tpu.memory_space<vmem_shared>> -> memref<10240xf32, #tpu.memory_space<vmem_shared>>
    tpu.wait_indirect_dma semaphore(%arg34 : memref<!tpu.dma_semaphore, #tpu.memory_space<semaphore_mem>>) src(%dma_wait3A_2291 : memref<80xf32, #tpu.memory_space<vmem>>) dst(%dma_wait3A_2296 : memref<10240xf32, #tpu.memory_space<vmem_shared>>)
    %dma_wait3A_2297 = arith.constant 2 : i32
    %dma_wait3A_2298 = arith.constant 2 : i32
    %dma_wait3A_2299 = arith.constant 0 : i32
    %dma_wait3A_2300 = arith.constant 0 : i32
    %dma_wait3A_2301 = tpu.memref_slice %arg14[%dma_wait3A_2297, %dma_wait3A_2299, %dma_wait3A_2300] : memref<4x80x128xf32, #tpu.memory_space<vmem>> -> memref<1x80x128xf32, #tpu.memory_space<vmem>>
    %dma_wait3A_2302 = tpu.memref_squeeze %dma_wait3A_2301 : memref<1x80x128xf32, #tpu.memory_space<vmem>> -> memref<80x128xf32, #tpu.memory_space<vmem>>
    %dma_wait3A_2303 = arith.constant 0 : i32
    %dma_wait3A_2304 = tpu.memref_slice %arg13[%dma_wait3A_2298, %dma_wait3A_2303] : memref<4x80xi32, #tpu.memory_space<vmem>> -> memref<1x80xi32, #tpu.memory_space<vmem>>
    %dma_wait3A_2305 = tpu.memref_squeeze %dma_wait3A_2304 : memref<1x80xi32, #tpu.memory_space<vmem>> -> memref<80xi32, #tpu.memory_space<vmem>>
    %dma_wait3A_2306 = arith.constant 0 : i32
    %dma_wait3A_2307 = arith.constant 0 : i32
    %dma_wait3A_2308 = tpu.memref_slice %arg8[%dma_wait3A_2306, %dma_wait3A_2307] : memref<10000x128xf32, #tpu.memory_space<vmem_shared>> -> memref<10000x128xf32, #tpu.memory_space<vmem_shared>>
    tpu.wait_indirect_dma semaphore(%arg31 : memref<!tpu.dma_semaphore, #tpu.memory_space<semaphore_mem>>) src(%dma_wait3A_2302 : memref<80x128xf32, #tpu.memory_space<vmem>>) dst(%dma_wait3A_2308 : memref<10000x128xf32, #tpu.memory_space<vmem_shared>>)
    %dma_wait3A_2309 = arith.constant 2 : i32
    %dma_wait3A_2310 = arith.constant 2 : i32
    %dma_wait3A_2311 = arith.constant 0 : i32
    %dma_wait3A_2312 = tpu.memref_slice %arg15[%dma_wait3A_2309, %dma_wait3A_2311] : memref<4x80xf32, #tpu.memory_space<vmem>> -> memref<1x80xf32, #tpu.memory_space<vmem>>
    %dma_wait3A_2313 = tpu.memref_squeeze %dma_wait3A_2312 : memref<1x80xf32, #tpu.memory_space<vmem>> -> memref<80xf32, #tpu.memory_space<vmem>>
    %dma_wait3A_2314 = arith.constant 0 : i32
    %dma_wait3A_2315 = tpu.memref_slice %arg12[%dma_wait3A_2310, %dma_wait3A_2314] : memref<4x80xi32, #tpu.memory_space<vmem>> -> memref<1x80xi32, #tpu.memory_space<vmem>>
    %dma_wait3A_2316 = tpu.memref_squeeze %dma_wait3A_2315 : memref<1x80xi32, #tpu.memory_space<vmem>> -> memref<80xi32, #tpu.memory_space<vmem>>
    %dma_wait3A_2317 = arith.constant 0 : i32
    %dma_wait3A_2318 = tpu.memref_slice %arg9[%dma_wait3A_2317] : memref<10240xf32, #tpu.memory_space<vmem_shared>> -> memref<10240xf32, #tpu.memory_space<vmem_shared>>
    tpu.wait_indirect_dma semaphore(%arg35 : memref<!tpu.dma_semaphore, #tpu.memory_space<semaphore_mem>>) src(%dma_wait3A_2313 : memref<80xf32, #tpu.memory_space<vmem>>) dst(%dma_wait3A_2318 : memref<10240xf32, #tpu.memory_space<vmem_shared>>)
    %dma_wait3A_2319 = arith.constant 3 : i32
    %dma_wait3A_2320 = arith.constant 3 : i32
    %dma_wait3A_2321 = arith.constant 0 : i32
    %dma_wait3A_2322 = arith.constant 0 : i32
    %dma_wait3A_2323 = tpu.memref_slice %arg14[%dma_wait3A_2319, %dma_wait3A_2321, %dma_wait3A_2322] : memref<4x80x128xf32, #tpu.memory_space<vmem>> -> memref<1x80x128xf32, #tpu.memory_space<vmem>>
    %dma_wait3A_2324 = tpu.memref_squeeze %dma_wait3A_2323 : memref<1x80x128xf32, #tpu.memory_space<vmem>> -> memref<80x128xf32, #tpu.memory_space<vmem>>
    %dma_wait3A_2325 = arith.constant 0 : i32
    %dma_wait3A_2326 = tpu.memref_slice %arg13[%dma_wait3A_2320, %dma_wait3A_2325] : memref<4x80xi32, #tpu.memory_space<vmem>> -> memref<1x80xi32, #tpu.memory_space<vmem>>
    %dma_wait3A_2327 = tpu.memref_squeeze %dma_wait3A_2326 : memref<1x80xi32, #tpu.memory_space<vmem>> -> memref<80xi32, #tpu.memory_space<vmem>>
    %dma_wait3A_2328 = arith.constant 0 : i32
    %dma_wait3A_2329 = arith.constant 0 : i32
    %dma_wait3A_2330 = tpu.memref_slice %arg8[%dma_wait3A_2328, %dma_wait3A_2329] : memref<10000x128xf32, #tpu.memory_space<vmem_shared>> -> memref<10000x128xf32, #tpu.memory_space<vmem_shared>>
    tpu.wait_indirect_dma semaphore(%arg32 : memref<!tpu.dma_semaphore, #tpu.memory_space<semaphore_mem>>) src(%dma_wait3A_2324 : memref<80x128xf32, #tpu.memory_space<vmem>>) dst(%dma_wait3A_2330 : memref<10000x128xf32, #tpu.memory_space<vmem_shared>>)
    %dma_wait3A_2331 = arith.constant 3 : i32
    %dma_wait3A_2332 = arith.constant 3 : i32
    %dma_wait3A_2333 = arith.constant 0 : i32
    %dma_wait3A_2334 = tpu.memref_slice %arg15[%dma_wait3A_2331, %dma_wait3A_2333] : memref<4x80xf32, #tpu.memory_space<vmem>> -> memref<1x80xf32, #tpu.memory_space<vmem>>
    %dma_wait3A_2335 = tpu.memref_squeeze %dma_wait3A_2334 : memref<1x80xf32, #tpu.memory_space<vmem>> -> memref<80xf32, #tpu.memory_space<vmem>>
    %dma_wait3A_2336 = arith.constant 0 : i32
    %dma_wait3A_2337 = tpu.memref_slice %arg12[%dma_wait3A_2332, %dma_wait3A_2336] : memref<4x80xi32, #tpu.memory_space<vmem>> -> memref<1x80xi32, #tpu.memory_space<vmem>>
    %dma_wait3A_2338 = tpu.memref_squeeze %dma_wait3A_2337 : memref<1x80xi32, #tpu.memory_space<vmem>> -> memref<80xi32, #tpu.memory_space<vmem>>
    %dma_wait3A_2339 = arith.constant 0 : i32
    %dma_wait3A_2340 = tpu.memref_slice %arg9[%dma_wait3A_2339] : memref<10240xf32, #tpu.memory_space<vmem_shared>> -> memref<10240xf32, #tpu.memory_space<vmem_shared>>
    tpu.wait_indirect_dma semaphore(%arg36 : memref<!tpu.dma_semaphore, #tpu.memory_space<semaphore_mem>>) src(%dma_wait3A_2335 : memref<80xf32, #tpu.memory_space<vmem>>) dst(%dma_wait3A_2340 : memref<10240xf32, #tpu.memory_space<vmem_shared>>)
    %dma_wait3A_2341 = arith.constant 0 : i32
    %dma_wait3A_2342 = arith.constant 0 : i32
    %dma_wait3A_2343 = arith.constant 0 : i32
    %dma_wait3A_2344 = arith.constant 0 : i32
    %dma_wait3A_2345 = tpu.memref_slice %arg14[%dma_wait3A_2341, %dma_wait3A_2343, %dma_wait3A_2344] : memref<4x80x128xf32, #tpu.memory_space<vmem>> -> memref<1x80x128xf32, #tpu.memory_space<vmem>>
    %dma_wait3A_2346 = tpu.memref_squeeze %dma_wait3A_2345 : memref<1x80x128xf32, #tpu.memory_space<vmem>> -> memref<80x128xf32, #tpu.memory_space<vmem>>
    %dma_wait3A_2347 = arith.constant 0 : i32
    %dma_wait3A_2348 = tpu.memref_slice %arg13[%dma_wait3A_2342, %dma_wait3A_2347] : memref<4x80xi32, #tpu.memory_space<vmem>> -> memref<1x80xi32, #tpu.memory_space<vmem>>
    %dma_wait3A_2349 = tpu.memref_squeeze %dma_wait3A_2348 : memref<1x80xi32, #tpu.memory_space<vmem>> -> memref<80xi32, #tpu.memory_space<vmem>>
    %dma_wait3A_2350 = arith.constant 0 : i32
    %dma_wait3A_2351 = arith.constant 0 : i32
    %dma_wait3A_2352 = tpu.memref_slice %arg8[%dma_wait3A_2350, %dma_wait3A_2351] : memref<10000x128xf32, #tpu.memory_space<vmem_shared>> -> memref<10000x128xf32, #tpu.memory_space<vmem_shared>>
    tpu.wait_indirect_dma semaphore(%arg29 : memref<!tpu.dma_semaphore, #tpu.memory_space<semaphore_mem>>) src(%dma_wait3A_2346 : memref<80x128xf32, #tpu.memory_space<vmem>>) dst(%dma_wait3A_2352 : memref<10000x128xf32, #tpu.memory_space<vmem_shared>>)
    %dma_wait3A_2353 = arith.constant 0 : i32
    %dma_wait3A_2354 = arith.constant 0 : i32
    %dma_wait3A_2355 = arith.constant 0 : i32
    %dma_wait3A_2356 = tpu.memref_slice %arg15[%dma_wait3A_2353, %dma_wait3A_2355] : memref<4x80xf32, #tpu.memory_space<vmem>> -> memref<1x80xf32, #tpu.memory_space<vmem>>
    %dma_wait3A_2357 = tpu.memref_squeeze %dma_wait3A_2356 : memref<1x80xf32, #tpu.memory_space<vmem>> -> memref<80xf32, #tpu.memory_space<vmem>>
    %dma_wait3A_2358 = arith.constant 0 : i32
    %dma_wait3A_2359 = tpu.memref_slice %arg12[%dma_wait3A_2354, %dma_wait3A_2358] : memref<4x80xi32, #tpu.memory_space<vmem>> -> memref<1x80xi32, #tpu.memory_space<vmem>>
    %dma_wait3A_2360 = tpu.memref_squeeze %dma_wait3A_2359 : memref<1x80xi32, #tpu.memory_space<vmem>> -> memref<80xi32, #tpu.memory_space<vmem>>
    %dma_wait3A_2361 = arith.constant 0 : i32
    %dma_wait3A_2362 = tpu.memref_slice %arg9[%dma_wait3A_2361] : memref<10240xf32, #tpu.memory_space<vmem_shared>> -> memref<10240xf32, #tpu.memory_space<vmem_shared>>
    tpu.wait_indirect_dma semaphore(%arg33 : memref<!tpu.dma_semaphore, #tpu.memory_space<semaphore_mem>>) src(%dma_wait3A_2357 : memref<80xf32, #tpu.memory_space<vmem>>) dst(%dma_wait3A_2362 : memref<10240xf32, #tpu.memory_space<vmem_shared>>)
    %barrier3A_2363 = arith.constant 0 : index
    tpu.barrier barrier_id(%barrier3A_2363)
    %mul3A_2364 = arith.constant 640 : i32
    %mul3A_2365 = arith.muli %arg1, %mul3A_2364 : i32
    %mul3A_2366 = arith.constant 640 : i32
    %mul3A_2367 = arith.muli %arg1, %mul3A_2366 : i32
    "tpu.region"() ({
      %run_scoped3A = tpu.sem_alloc : memref<!tpu.dma_semaphore, #tpu.memory_space<semaphore_mem>>
      %dma_start3A_2378 = tpu.memref_slice %arg7[%arg0, %mul3A_2367] : memref<2x10240xf32, #tpu.memory_space<hbm>> -> memref<1x640xf32, #tpu.memory_space<hbm>>
      %dma_start3A_2379 = tpu.memref_squeeze %dma_start3A_2378 : memref<1x640xf32, #tpu.memory_space<hbm>> -> memref<640xf32, #tpu.memory_space<hbm>>
      %dma_start3A_2380 = tpu.memref_slice %arg9[%mul3A_2365] : memref<10240xf32, #tpu.memory_space<vmem_shared>> -> memref<640xf32, #tpu.memory_space<vmem_shared>>
      tpu.enqueue_dma source(%dma_start3A_2380 : memref<640xf32, #tpu.memory_space<vmem_shared>>) target(%dma_start3A_2379 : memref<640xf32, #tpu.memory_space<hbm>>) target_semaphore(%run_scoped3A : memref<!tpu.dma_semaphore, #tpu.memory_space<semaphore_mem>>)
      %dma_wait3A_2381 = tpu.memref_slice %arg7[%arg0, %mul3A_2367] : memref<2x10240xf32, #tpu.memory_space<hbm>> -> memref<1x640xf32, #tpu.memory_space<hbm>>
      %dma_wait3A_2382 = tpu.memref_squeeze %dma_wait3A_2381 : memref<1x640xf32, #tpu.memory_space<hbm>> -> memref<640xf32, #tpu.memory_space<hbm>>
      %dma_wait3A_2383 = tpu.memref_slice %arg9[%mul3A_2365] : memref<10240xf32, #tpu.memory_space<vmem_shared>> -> memref<640xf32, #tpu.memory_space<vmem_shared>>
      tpu.wait_dma2 semaphore(%run_scoped3A : memref<!tpu.dma_semaphore, #tpu.memory_space<semaphore_mem>>) src(%dma_wait3A_2383 : memref<640xf32, #tpu.memory_space<vmem_shared>>) dst(%dma_wait3A_2382 : memref<640xf32, #tpu.memory_space<hbm>>)
      tpu.yield
    }) : () -> ()
    %lt3A_2368 = arith.constant 15 : i32
    %lt3A_2369 = arith.cmpi slt, %arg1, %lt3A_2368 : i32
    %convert_element_type3A_2370 = arith.extui %lt3A_2369 : i1 to i32
    %cond3A_2371 = arith.constant 0 : i32
    %cond3A_2372 = arith.cmpi ne, %convert_element_type3A_2370, %cond3A_2371 : i32
    scf.if %cond3A_2372 {
      %mul3A_2378 = arith.constant 640 : i32
      %mul3A_2379 = arith.muli %arg1, %mul3A_2378 : i32
      %mul3A_2380 = arith.constant 640 : i32
      %mul3A_2381 = arith.muli %arg1, %mul3A_2380 : i32
      "tpu.region"() ({
        %run_scoped3A = tpu.sem_alloc : memref<!tpu.dma_semaphore, #tpu.memory_space<semaphore_mem>>
        %dma_start3A_2382 = arith.constant 0 : i32
        %dma_start3A_2383 = tpu.memref_slice %arg6[%arg0, %mul3A_2381, %dma_start3A_2382] : memref<2x10000x128xf32, #tpu.memory_space<hbm>> -> memref<1x640x128xf32, #tpu.memory_space<hbm>>
        %dma_start3A_2384 = tpu.memref_squeeze %dma_start3A_2383 : memref<1x640x128xf32, #tpu.memory_space<hbm>> -> memref<640x128xf32, #tpu.memory_space<hbm>>
        %dma_start3A_2385 = arith.constant 0 : i32
        %dma_start3A_2386 = tpu.memref_slice %arg8[%mul3A_2379, %dma_start3A_2385] : memref<10000x128xf32, #tpu.memory_space<vmem_shared>> -> memref<640x128xf32, #tpu.memory_space<vmem_shared>>
        tpu.enqueue_dma source(%dma_start3A_2386 : memref<640x128xf32, #tpu.memory_space<vmem_shared>>) target(%dma_start3A_2384 : memref<640x128xf32, #tpu.memory_space<hbm>>) target_semaphore(%run_scoped3A : memref<!tpu.dma_semaphore, #tpu.memory_space<semaphore_mem>>)
        %dma_wait3A_2387 = arith.constant 0 : i32
        %dma_wait3A_2388 = tpu.memref_slice %arg6[%arg0, %mul3A_2381, %dma_wait3A_2387] : memref<2x10000x128xf32, #tpu.memory_space<hbm>> -> memref<1x640x128xf32, #tpu.memory_space<hbm>>
        %dma_wait3A_2389 = tpu.memref_squeeze %dma_wait3A_2388 : memref<1x640x128xf32, #tpu.memory_space<hbm>> -> memref<640x128xf32, #tpu.memory_space<hbm>>
        %dma_wait3A_2390 = arith.constant 0 : i32
        %dma_wait3A_2391 = tpu.memref_slice %arg8[%mul3A_2379, %dma_wait3A_2390] : memref<10000x128xf32, #tpu.memory_space<vmem_shared>> -> memref<640x128xf32, #tpu.memory_space<vmem_shared>>
        tpu.wait_dma2 semaphore(%run_scoped3A : memref<!tpu.dma_semaphore, #tpu.memory_space<semaphore_mem>>) src(%dma_wait3A_2391 : memref<640x128xf32, #tpu.memory_space<vmem_shared>>) dst(%dma_wait3A_2389 : memref<640x128xf32, #tpu.memory_space<hbm>>)
        tpu.yield
      }) : () -> ()
    } else {
    }
    %eq3A_2373 = arith.constant 15 : i32
    %eq3A_2374 = arith.cmpi eq, %arg1, %eq3A_2373 : i32
    %convert_element_type3A_2375 = arith.extui %eq3A_2374 : i1 to i32
    %cond3A_2376 = arith.constant 0 : i32
    %cond3A_2377 = arith.cmpi ne, %convert_element_type3A_2375, %cond3A_2376 : i32
    scf.if %cond3A_2377 {
      "tpu.region"() ({
        %run_scoped3A = tpu.sem_alloc : memref<!tpu.dma_semaphore, #tpu.memory_space<semaphore_mem>>
        %dma_start3A_2378 = arith.constant 9600 : i32
        %dma_start3A_2379 = arith.constant 0 : i32
        %dma_start3A_2380 = tpu.memref_slice %arg6[%arg0, %dma_start3A_2378, %dma_start3A_2379] : memref<2x10000x128xf32, #tpu.memory_space<hbm>> -> memref<1x400x128xf32, #tpu.memory_space<hbm>>
        %dma_start3A_2381 = tpu.memref_squeeze %dma_start3A_2380 : memref<1x400x128xf32, #tpu.memory_space<hbm>> -> memref<400x128xf32, #tpu.memory_space<hbm>>
        %dma_start3A_2382 = arith.constant 9600 : i32
        %dma_start3A_2383 = arith.constant 0 : i32
        %dma_start3A_2384 = tpu.memref_slice %arg8[%dma_start3A_2382, %dma_start3A_2383] : memref<10000x128xf32, #tpu.memory_space<vmem_shared>> -> memref<400x128xf32, #tpu.memory_space<vmem_shared>>
        tpu.enqueue_dma source(%dma_start3A_2384 : memref<400x128xf32, #tpu.memory_space<vmem_shared>>) target(%dma_start3A_2381 : memref<400x128xf32, #tpu.memory_space<hbm>>) target_semaphore(%run_scoped3A : memref<!tpu.dma_semaphore, #tpu.memory_space<semaphore_mem>>)
        %dma_wait3A_2385 = arith.constant 9600 : i32
        %dma_wait3A_2386 = arith.constant 0 : i32
        %dma_wait3A_2387 = tpu.memref_slice %arg6[%arg0, %dma_wait3A_2385, %dma_wait3A_2386] : memref<2x10000x128xf32, #tpu.memory_space<hbm>> -> memref<1x400x128xf32, #tpu.memory_space<hbm>>
        %dma_wait3A_2388 = tpu.memref_squeeze %dma_wait3A_2387 : memref<1x400x128xf32, #tpu.memory_space<hbm>> -> memref<400x128xf32, #tpu.memory_space<hbm>>
        %dma_wait3A_2389 = arith.constant 9600 : i32
        %dma_wait3A_2390 = arith.constant 0 : i32
        %dma_wait3A_2391 = tpu.memref_slice %arg8[%dma_wait3A_2389, %dma_wait3A_2390] : memref<10000x128xf32, #tpu.memory_space<vmem_shared>> -> memref<400x128xf32, #tpu.memory_space<vmem_shared>>
        tpu.wait_dma2 semaphore(%run_scoped3A : memref<!tpu.dma_semaphore, #tpu.memory_space<semaphore_mem>>) src(%dma_wait3A_2391 : memref<400x128xf32, #tpu.memory_space<vmem_shared>>) dst(%dma_wait3A_2388 : memref<400x128xf32, #tpu.memory_space<hbm>>)
        tpu.yield
      }) : () -> ()
    } else {
    }
    return
  }
}

module attributes {stable_mosaic.version = 14 : i64} {
  func.func @body(%arg0: memref<2x10000x128xf32, #tpu.memory_space<vmem>>, %arg1: memref<2x10240xf32, #tpu.memory_space<vmem>>, %arg2: memref<128x128xf32, #tpu.memory_space<vmem>>, %arg3: memref<128xf32, #tpu.memory_space<vmem>>, %arg4: memref<128x16xf32, #tpu.memory_space<vmem>>, %arg5: memref<16xf32, #tpu.memory_space<vmem>>, %arg6: memref<10000xf32, #tpu.memory_space<vmem>>, %arg7: memref<1xf32, #tpu.memory_space<vmem>>, %arg8: memref<16x1xf32, #tpu.memory_space<vmem>>) attributes {dimension_semantics = [], scalar_prefetch = 0 : i64, scratch_operands = 0 : i64, tpu.core_type = #tpu.core_type<tc>} {
    %get3A = arith.constant 0 : index
    %get3A_0 = arith.constant 0 : index
    %get3A_1 = arith.constant 0 : index
    %get3A_2 = vector.load %arg0[%get3A, %get3A_0, %get3A_1] : memref<2x10000x128xf32, #tpu.memory_space<vmem>>, vector<1x10000x128xf32>
    %get3A_3 = vector.shape_cast %get3A_2 : vector<1x10000x128xf32> to vector<10000x128xf32>
    %get3A_4 = arith.constant 1 : index
    %get3A_5 = arith.constant 0 : index
    %get3A_6 = arith.constant 0 : index
    %get3A_7 = vector.load %arg0[%get3A_4, %get3A_5, %get3A_6] : memref<2x10000x128xf32, #tpu.memory_space<vmem>>, vector<1x10000x128xf32>
    %get3A_8 = vector.shape_cast %get3A_7 : vector<1x10000x128xf32> to vector<10000x128xf32>
    %add3A = arith.addf %get3A_3, %get3A_8 : vector<10000x128xf32>
    %get3A_9 = arith.constant 0 : index
    %get3A_10 = arith.constant 0 : index
    %get3A_11 = vector.load %arg2[%get3A_9, %get3A_10] : memref<128x128xf32, #tpu.memory_space<vmem>>, vector<128x128xf32>
    %dot_general3A = arith.constant dense<0.000000e+00> : vector<10000x128xf32>
    %dot_general3A_12 = tpu.matmul %add3A, %get3A_11, %dot_general3A {dimension_numbers = #tpu.dot_dimension_numbers<[1], [0], [0], [1], [0, 0, 1, 1], [], []>, transpose_lhs_hint = false} : vector<10000x128xf32>, vector<128x128xf32>, vector<10000x128xf32> -> vector<10000x128xf32>
    %get3A_13 = arith.constant 0 : index
    %get3A_14 = vector.load %arg3[%get3A_13] : memref<128xf32, #tpu.memory_space<vmem>>, vector<128xf32>
    %broadcast_in_dim3A = vector.shape_cast %get3A_14 : vector<128xf32> to vector<1x128xf32>
    %add3A_15 = vector.broadcast %broadcast_in_dim3A : vector<1x128xf32> to vector<10000x128xf32>
    %add3A_16 = arith.addf %dot_general3A_12, %add3A_15 : vector<10000x128xf32>
    %max3A = arith.constant 0.000000e+00 : f32
    %max3A_17 = vector.broadcast %max3A : f32 to vector<10000x128xf32>
    %max3A_18 = arith.maximumf %add3A_16, %max3A_17 : vector<10000x128xf32>
    %get3A_19 = arith.constant 0 : index
    %get3A_20 = arith.constant 0 : index
    %get3A_21 = vector.load %arg1[%get3A_19, %get3A_20] : memref<2x10240xf32, #tpu.memory_space<vmem>>, vector<1x10240xf32>
    %get3A_22 = vector.shape_cast %get3A_21 : vector<1x10240xf32> to vector<10240xf32>
    %get3A_23 = arith.constant 1 : index
    %get3A_24 = arith.constant 0 : index
    %get3A_25 = vector.load %arg1[%get3A_23, %get3A_24] : memref<2x10240xf32, #tpu.memory_space<vmem>>, vector<1x10240xf32>
    %get3A_26 = vector.shape_cast %get3A_25 : vector<1x10240xf32> to vector<10240xf32>
    %add3A_27 = arith.addf %get3A_22, %get3A_26 : vector<10240xf32>
    %slice3A = vector.extract_strided_slice %add3A_27 {offsets = [0], sizes = [10000], strides = [1]} : vector<10240xf32> to vector<10000xf32>
    %broadcast_in_dim3A_28 = vector.shape_cast %slice3A : vector<10000xf32> to vector<1x10000xf32>
    %dot_general3A_29 = arith.constant dense<0.000000e+00> : vector<1x128xf32>
    %dot_general3A_30 = tpu.matmul %broadcast_in_dim3A_28, %max3A_18, %dot_general3A_29 {dimension_numbers = #tpu.dot_dimension_numbers<[1], [0], [0], [1], [0, 0, 1, 1], [], []>, transpose_lhs_hint = false} : vector<1x10000xf32>, vector<10000x128xf32>, vector<1x128xf32> -> vector<1x128xf32>
    %get3A_31 = arith.constant 0 : index
    %get3A_32 = vector.load %arg6[%get3A_31] : memref<10000xf32, #tpu.memory_space<vmem>>, vector<10000xf32>
    %reduce_sum3A = vector.shape_cast %get3A_32 : vector<10000xf32> to vector<1x10000xf32>
    %reduce_sum3A_33 = arith.constant dense<0.000000e+00> : vector<1xf32>
    %reduce_sum3A_34 = vector.multi_reduction <add>, %reduce_sum3A, %reduce_sum3A_33 [1] : vector<1x10000xf32> to vector<1xf32>
    %reduce_sum3A_35 = vector.shape_cast %reduce_sum3A_34 : vector<1xf32> to vector<1x1xf32>
    %reduce_sum3A_36 = vector.extract %reduce_sum3A_35[0, 0] : f32 from vector<1x1xf32>
    %get3A_37 = arith.constant 0 : index
    %get3A_38 = arith.constant 0 : index
    %get3A_39 = vector.load %arg4[%get3A_37, %get3A_38] : memref<128x16xf32, #tpu.memory_space<vmem>>, vector<128x16xf32>
    %dot_general3A_40 = arith.constant dense<0.000000e+00> : vector<1x16xf32>
    %dot_general3A_41 = tpu.matmul %dot_general3A_30, %get3A_39, %dot_general3A_40 {dimension_numbers = #tpu.dot_dimension_numbers<[1], [0], [0], [1], [0, 0, 1, 1], [], []>, transpose_lhs_hint = false} : vector<1x128xf32>, vector<128x16xf32>, vector<1x16xf32> -> vector<1x16xf32>
    %get3A_42 = arith.constant 0 : index
    %get3A_43 = vector.load %arg5[%get3A_42] : memref<16xf32, #tpu.memory_space<vmem>>, vector<16xf32>
    %broadcast_in_dim3A_44 = vector.shape_cast %get3A_43 : vector<16xf32> to vector<1x16xf32>
    %mul3A = vector.broadcast %reduce_sum3A_36 : f32 to vector<1x16xf32>
    %mul3A_45 = arith.mulf %mul3A, %broadcast_in_dim3A_44 : vector<1x16xf32>
    %add3A_46 = arith.addf %dot_general3A_41, %mul3A_45 : vector<1x16xf32>
    %get3A_47 = arith.constant 0 : index
    %get3A_48 = vector.load %arg7[%get3A_47] : memref<1xf32, #tpu.memory_space<vmem>>, vector<1xf32>
    %broadcast_in_dim3A_49 = vector.shape_cast %get3A_48 : vector<1xf32> to vector<1x1xf32>
    %add3A_50 = vector.broadcast %broadcast_in_dim3A_49 : vector<1x1xf32> to vector<1x16xf32>
    %add3A_51 = arith.addf %add3A_46, %add3A_50 : vector<1x16xf32>
    %neg3A = arith.constant 0.000000e+00 : f32
    %neg3A_52 = vector.broadcast %neg3A : f32 to vector<1x16xf32>
    %neg3A_53 = arith.subf %neg3A_52, %add3A_51 : vector<1x16xf32>
    %exp3A = math.exp %neg3A_53 : vector<1x16xf32>
    %add3A_54 = arith.constant 1.000000e+00 : f32
    %add3A_55 = vector.broadcast %add3A_54 : f32 to vector<1x16xf32>
    %add3A_56 = arith.addf %add3A_55, %exp3A : vector<1x16xf32>
    %div3A = arith.constant 1.000000e+00 : f32
    %div3A_57 = vector.broadcast %div3A : f32 to vector<1x16xf32>
    %div3A_58 = arith.divf %div3A_57, %add3A_56 : vector<1x16xf32>
    %reshape3A = vector.shape_cast %div3A_58 : vector<1x16xf32> to vector<16x1xf32>
    %swap3A = arith.constant 0 : index
    %swap3A_59 = arith.constant 0 : index
    %swap3A_60 = vector.load %arg8[%swap3A, %swap3A_59] : memref<16x1xf32, #tpu.memory_space<vmem>>, vector<16x1xf32>
    tpu.vector_store %arg8[%swap3A, %swap3A_59], %reshape3A {strides = array<i32>} : memref<16x1xf32, #tpu.memory_space<vmem>>, vector<16x1xf32>,
    return
  }
}

</mosaic_0001>

<sc_bundles>
// kernel: kernel.4.cloned.1.call-start
scs
__scs_entry_jumppad:
0x0: {  	(pc) =	sbr.rel $0x88, $3  }
0x1: {  	(tag) =	ssettag $0x0;
	lr =	simm.s32 $0x1  }
0x2: {  	[smem:$0x3F99] =	sst lr;
	_ =	strace $0xD0000000  }
0x3: {  	_ = 	snop  }
0x4: {  	_ = 	snop  }
0x5: {  	_ = 	snop  }
0x6: {  	_ = 	snop  }
0x7: {  	_ = 	snop  }
__scs_overlays_trampoline_lowered:
0x8: {  	[smem:$0x3FA8] =	sst s0  }
0x9: {  	[smem:$0x3FA9] =	sst s1  }
0xa: {  	[smem:$0x3FAA] =	sst s2  }
0xb: {  	[smem:$0x3FAB] =	sst s3  }
0xc: {  	[smem:$0x3FAC] =	sst s4  }
0xd: {  	[smem:$0x3FAD] =	sst s5  }
0xe: {  	[smem:$0x3FAE] =	sst s6  }
0xf: {  	[smem:$0x3FAF] =	sst s7  }
0x10: {  	[smem:$0x3FB0] =	sst s8  }
0x11: {  	[smem:$0x3FB1] =	sst s9;
	s0 =	simm.s32 @!p0 $0x0  }
0x12: {  	s1 =	sld [smem:$0x3F97];
	s0 =	simm.s32 @p0 $0x1  }
0x13: {  	[smem:$0x3FB2] =	sst s0;
	s0 =	simm.s32 @!p1 $0x0  }
0x14: {  	s2 =	sld [smem:$0x3F96];
	s0 =	simm.s32 @p1 $0x1  }
0x15: {  	[smem:$0x3FB3] =	sst s0;
	s0 =	simm.s32 @!p2 $0x0  }
0x16: {  	s3 =	sld [smem:$0x3FDB];
	s0 =	simm.s32 @p2 $0x1  }
0x17: {  	s4 =	simm.s32 $0x1BF5;
	[smem:$0x3FB5] =	sst s0  }
0x18: {  	s0 =	sld [smem:$0x3F98];
	_ =	swait.ge [sflag:s4], $0x0  }
0x19: {  	s7 =	sld [smem:$0x3F99]  }
0x1a: {  	s8 =	sadd.s32 $0xFFFFE003, lr  }
0x1b: {  	s9 =	sadd.s32 $0xFFFFFEF7, lr;
	s5 =	simm.s32 $0xFFFFFFFF;
	p2 =	slt.u32 s8, $0xFFFFF086  }
0x1c: {  	p1 =	slt.u32 s9, $0xF7A;
	s5 =	simm.s32 @!p2 $0x0  }
0x1d: {  	s5 =	simm.s32 @p1 $0x1;
	p0 =	seq.s32 s7, s2  }
0x1e: {  	s7 =	smul.u32 @!p0 $0xF7A, s2;
	p2 =	seq.s32 @!p0 s5, $0x0  }
0x1f: {  	s9 =	smul.u32 $0xF7A, s1;
	s8 =	simm.s32 @!p0 $0x1BF5;
	p2 =	por !p2, p0  }
0x20: {  	[sflag:s8] =	ssyncset.s32 @!p0 $0xFFFFF086;
	s6 =	sadd.s32 @!p0 s3, s7;
	s7 =	simm.s32 @!p0 $0x108  }
0x21: {  	s3 =	sadd.s32 s3, s9;
	s6 =	sadd.s32 @!p0 $0x88, s6;
	s7 =	simm.s32 @p2 $0x1082  }
0x22: {  	[simem:s7], [sflag:s8] =	dma.local @!p0 [hbm:s6], $0xF7A  }
0x23: {  	s9 =	sor.u32 $0xD0000000, s2;
	s6 =	simm.s32 $0x108;
	_ =	swait.ge @!p0 [sflag:s8], $0x0  }
0x24: {  	s3 =	sadd.s32 $0x88, s3;
	s6 =	simm.s32 @!p1 $0x1082;
	[sflag:s4] =	ssyncset.s32 $0xFFFFF086  }
0x25: {  	[simem:s6], [sflag:s4] =	dma.local [hbm:s3], $0xF7A  }
0x26: {  	[smem:$0x3F99] =	sst s1;
	(tag) =	ssettag s2;
	_ =	strace s9  }
0x27: {  	s1 =	sld [smem:$0x3FA9]  }
0x28: {  	s2 =	sld [smem:$0x3FAA]  }
0x29: {  	s4 =	sld [smem:$0x3FAC]  }
0x2a: {  	p0 =	seq.s32 s5, $0x0;
	s5 =	sld [smem:$0x3FAD]  }
0x2b: {  	s6 =	sld [smem:$0x3FAE]  }
0x2c: {  	s7 =	sld [smem:$0x3FAF]  }
0x2d: {  	s3 =	simm.s32 $0x108;
	s8 =	sld [smem:$0x3FB0]  }
0x2e: {  	s3 =	simm.s32 @!p0 $0x1082;
	s9 =	sld [smem:$0x3FB1]  }
0x2f: {  	lr =	sadd.s32 s0, s3;
	s0 =	sld [smem:$0x3FA8]  }
0x30: {  	s3 =	sld [smem:$0x3FAB]  }
0x31: {  	[smem:$0x3FB4] =	sst s10  }
0x32: {  	s10 =	sld [smem:$0x3FB2];
	_ =	sdelay $0x3  }
0x33: {  	p0 =	seq.s32 s10, $0x1;
	s10 =	sld [smem:$0x3FB4];
	_ =	sdelay $0x3  }
0x34: {  	[smem:$0x3FB4] =	sst s10  }
0x35: {  	s10 =	sld [smem:$0x3FB3];
	_ =	sdelay $0x3  }
0x36: {  	p1 =	seq.s32 s10, $0x1;
	s10 =	sld [smem:$0x3FB4];
	_ =	sdelay $0x3  }
0x37: {  	[smem:$0x3FB4] =	sst s10  }
0x38: {  	s10 =	sld [smem:$0x3FB5]  }
0x39: {  	_ = 	snop;
	(pc) =	sbr.ind lr, $3  }
0x3a: {  	_ = 	snop  }
0x3b: {  	_ = 	snop  }
0x3c: {  	p2 =	seq.s32 s10, $0x1;
	s10 =	sld [smem:$0x3FB4]  }
0x3d: {  	_ =	shalt  }
0x3e: {  	_ =	shalt  }
0x3f: {  	_ =	shalt  }
0x40: {  	_ =	shalt  }
0x41: {  	_ =	shalt  }
0x42: {  	_ =	shalt  }
0x43: {  	_ =	shalt  }
0x44: {  	_ =	shalt  }
0x45: {  	_ =	shalt  }
0x46: {  	_ =	shalt  }
0x47: {  	_ =	shalt  }
0x48: {  	_ =	shalt  }
0x49: {  	_ =	shalt  }
0x4a: {  	_ =	shalt  }
0x4b: {  	_ =	shalt  }
0x4c: {  	_ =	shalt  }
0x4d: {  	_ =	shalt  }
0x4e: {  	_ =	shalt  }
0x4f: {  	_ =	shalt  }
0x50: {  	_ =	shalt  }
0x51: {  	_ =	shalt  }
0x52: {  	_ =	shalt  }
0x53: {  	_ =	shalt  }
0x54: {  	_ =	shalt  }
0x55: {  	_ =	shalt  }
0x56: {  	_ =	shalt  }
0x57: {  	_ =	shalt  }
0x58: {  	_ =	shalt  }
0x59: {  	_ =	shalt  }
0x5a: {  	_ =	shalt  }
0x5b: {  	_ =	shalt  }
0x5c: {  	_ =	shalt  }
0x5d: {  	_ =	shalt  }
0x5e: {  	_ =	shalt  }
0x5f: {  	_ =	shalt  }
0x60: {  	_ =	shalt  }
0x61: {  	_ =	shalt  }
0x62: {  	_ =	shalt  }
0x63: {  	_ =	shalt  }
0x64: {  	_ =	shalt  }
0x65: {  	_ =	shalt  }
0x66: {  	_ =	shalt  }
0x67: {  	_ =	shalt  }
0x68: {  	_ =	shalt  }
0x69: {  	_ =	shalt  }
0x6a: {  	_ =	shalt  }
0x6b: {  	_ =	shalt  }
0x6c: {  	_ =	shalt  }
0x6d: {  	_ =	shalt  }
0x6e: {  	_ =	shalt  }
0x6f: {  	_ =	shalt  }
0x70: {  	_ =	shalt  }
0x71: {  	_ =	shalt  }
0x72: {  	_ =	shalt  }
0x73: {  	_ =	shalt  }
0x74: {  	_ =	shalt  }
0x75: {  	_ =	shalt  }
0x76: {  	_ =	shalt  }
0x77: {  	_ =	shalt  }
0x78: {  	_ =	shalt  }
0x79: {  	_ =	shalt  }
0x7a: {  	_ =	shalt  }
0x7b: {  	_ =	shalt  }
0x7c: {  	_ =	shalt  }
0x7d: {  	_ =	shalt  }
0x7e: {  	_ =	shalt  }
0x7f: {  	_ =	shalt  }
0x80: {  	_ =	shalt  }
0x81: {  	_ =	shalt  }
0x82: {  	_ =	shalt  }
0x83: {  	_ =	shalt  }
0x84: {  	_ =	shalt  }
0x85: {  	_ =	shalt  }
0x86: {  	_ =	shalt  }
0x87: {  	_ =	shalt  }
.Lfunc_end0:
.L_simem_size_0:
called_computation_lowered:
.L_overlay_start_0:
0x88: {  	s2 =	sld [smem:$0x3FD9]  }
0x89: {  	s3 =	sld [smem:$0x3FFE];
	_ =	sdelay $0x1  }
0x8a: {  	s1 =	srdreg.scid  }
0x8b: {  	s0 =	sand.u32 $0x1, s1  }
0x8c: {  	s17 =	sshll.u32 s0, $0xA;
	s2 =	sadd.s32 s3, s2  }
0x8d: {  	s2 =	sadd.s32 s2, s17  }
0x8e: {  	[smem:$0x3FC0] =	sst s2  }
0x8f: {  	_ = 	snop  }
0x90: {  	s2 =	sld [smem:$0x3FC9];
	(tm) =	ssettm $0x1  }
0x91: {  	s18 =	sld [smem:$0x3FFB];
	_ =	sdelay $0x3  }
0x92: {  	_ =	strace s18  }
0x93: {  	s3 =	sld [smem:$0x3FFC];
	_ =	sdelay $0x3  }
0x94: {  	_ =	strace s3  }
0x95: {  	s3 =	sld [smem:$0x3FFD];
	_ =	sdelay $0x3  }
0x96: {  	_ =	strace s3  }
0x97: {  	_ =	strace $0x8FFFFFFF  }
0x98: {  	s19 =	sld [smem:$0x3FDB];
	_ =	sdelay $0x1  }
0x99: {  	s4 =	simm.s32 $_scs_section_size  }
0x9a: {  	s5 =	simm.s32 $_size__tile_overlayer_lowered;
	s6 =	simm.s32 $_tile_overlayer_lowered  }
0x9b: {  	s22 =	simm.s32 $0x1BFF;
	s21 =	sshll.u32 s6, $0x1;
	s3 =	sadd.s32 s4, s19  }
0x9c: {  	s7 =	simm.s32 $0x0;
	s20 =	sshll.u32 s5, $0x1;
	s5 =	sadd.s32 s21, s3  }
0x9d: {  	[timem:s7], [sflag:s22] =	dma.local [hbm:s5], s20  }
0x9e: {  	_ =	swait.ge [sflag:s22], s20  }
0x9f: {  	s4 =	ssub.s32 $0x0, s20;
	[sflag:s22] =	ssyncset.done $0x0  }
0xa0: {  	[sflag:s22] =	ssyncadd.s32 s4;
	_ =	sdelay $0x1  }
0xa1: {  	s23 =	simm.s32 $0x1B8B  }
0xa2: {  	_ =	swait.ge [sflag:s23], $0x1  }
0xa3: {  	[sflag:s23] =	ssyncset.done $0x0  }
0xa4: {  	s25 =	simm.s32 $0x1B8E;
	s24 =	sld [smem:$0x3FFE];
	[sflag:s23] =	ssyncadd.s32 $0xFFFFFFFF  }
0xa5: {  	s26 =	simm.s32 $execute0_lowered;
	[smem:$0x3FD2] =	sst s25  }
0xa6: {  	s5 =	sshll.u32 s26, $0x1;
	_ =	strace $0x80000046;
	[dreg:$0x1] =	wrdreg $0xFFFFFFFF  }
0xa7: {  	s28 =	simm.s32 $_size_execute0_lowered;
	s3 =	sadd.s32 s3, s5;
	[dreg:$0x0] =	wrdreg $0x0  }
0xa8: {  	s5 =	sshll.u32 s28, $0x1;
	[dreg:$0x2] =	wrdreg s3  }
0xa9: {  	[dreg:$0x3] =	wrdreg s5  }
0xaa: {  	[dreg:$0x4] =	wrdreg $0xC0  }
0xab: {  	_ =	task [dreg:s7], $0x5FFFF  }
0xac: {  	[dreg:$0x1] =	wrdreg $0xFFFFFFFF  }
0xad: {  	[dreg:$0x0] =	wrdreg $0x60  }
0xae: {  	[dreg:$0x2] =	wrdreg s24  }
0xaf: {  	[dreg:$0x3] =	wrdreg s2  }
0xb0: {  	[dreg:$0x4] =	wrdreg $0x0  }
0xb1: {  	[dreg:$0x5] =	wrdreg $0x138800  }
0xb2: {  	[dreg:$0x6] =	wrdreg $0x9  }
0xb3: {  	_ =	task.clear_ibuf [dreg:s7], $0x7FFFF;
	_ =	strace $0x90000046  }
0xb4: {  	s29 =	simm.s32 $0x9;
	_ =	strace $0x80000048  }
0xb5: {  	_ =	swait.ge [sflag:s29], $0x1  }
0xb6: {  	[sflag:s29] =	ssyncadd.s32 $0xFFFFFFFF  }
0xb7: {  	_ =	strace $0x90000048  }
0xb8: {  	_ =	sfence  }
0xb9: {  	s30 =	sld [smem:$0x0];
	_ =	sdelay $0x2  }
0xba: {  	s31 =	sshll.u32 s1, $0xD;
	s1 =	sshrl.u32 s1, $0x2  }
0xbb: {  	s3 =	sand.u32 $0x4000, s31;
	s1 =	sadd.s32 s1, s30  }
0xbc: {  	s0 =	sor.u32 s3, s0;
	s1 =	sshll.u32 s1, $0x11  }
0xbd: {  	s0 =	sor.u32 s1, s0  }
0xbe: {  	s0 =	sadd.s32 $0x8F2B, s0  }
0xbf: {  	[sflag:s0] =	ssyncadd.remote.s32 $0x1  }
0xc0: {  	_ =	sfence.sel $0xFFFF  }
0xc1: {  	[dreg:$0x0] =	wrdreg $0xFFFFFFFF;
	(pc) =	sbr.abs _section_cstart, $3  }
0xc2: {  	[dreg:$0x1] =	wrdreg $0xFFFFFFFF  }
0xc3: {  	_ =	task.clear_ibuf [dreg:s7], $0x2FFFF;
	_ =	strace $0x9FFFFFFF  }
0xc4: {  	(tm) =	ssettm $0x7FFFFFFF  }
0xc5: {  	_ =	shalt  }
tec
execute0_lowered:
.L_overlay_start_1:
0x0: {  	(tag) =	ssettag $0x1  }
0x1: {  	s0 =	rddreg [dreg:$0x0]  }
0x2: {  	s23 =	rddreg [dreg:$0x1]  }
0x3: {  	s3 =	rddreg [dreg:$0x2]  }
0x4: {  	s2 =	rddreg [dreg:$0x3];
	s4 =	srdreg.scid  }
0x5: {  	s5 =	simm.s32 $0x0;
	s15 =	stileid.u32;
	s8 =	sand.u32 $0x1, s4  }
0x6: {  	[smem:$0x7FF] =	sst s5;
	s6 =	smul.u32 $0x500, s15;
	s7 =	sadd.s32 $0xA00, s0  }
0x7: {  	s13 =	sadd.s32 $0x10400, s0;
	s14 =	smul.u32 $0x7D, s15;
	s4 =	sshll.u32 s8, $0x4  }
0x8: {  	s11 =	ssub.s32 $0x2, s8;
	s30 =	smul.u32 $0x7D0, s8;
	s4 =	sor.u32 s15, s4  }
0x9: {  	s10 =	sshll.u32 s8, $0x7;
	s24 =	sshrl.u32 s11, $0x1;
	s9 =	smul.u32 $0x3E80, s4  }
0xa: {  	s12 =	smul.u32 $0x280, s4;
	s4 =	ssub.s32 s11, s24;
	s11 =	sadd.s32 s14, s30  }
0xb: {  	_ =	strace $0x80000047;
	s6 =	sor.u32 s10, s6;
	s11 =	sshll.u32 s11, $0x4  }
0xc: {  	s4 =	smax.u32 s4, $0x1;
	s25 =	sand.u32 $0x7FC00, s9;
	s26 =	sand.u32 $0x380, s12  }
0xd: {  	s9 =	sshrl.u32 s9, $0x3;
	s22 =	sadd.s32 $0x90, s11;
	[smem:$0x7F9] =	sst s4  }
0xe: {  	s10 =	sor.u32 s26, s25;
	s1 =	sadd.s32 $0x10, s9;
	s25 =	sadd.s32 s22, s13  }
0xf: {  	s18 =	sadd.s32 $0x20, s9;
	s17 =	sadd.s32 s13, s1;
	[dreg:$0x5] =	wrdreg s25  }
0x10: {  	s20 =	sadd.s32 $0x30, s9;
	s19 =	sadd.s32 s7, s18;
	[dreg:$0x10] =	wrdreg s17  }
0x11: {  	s28 =	simm.s32 $0x14100;
	s21 =	sadd.s32 s7, s20;
	[dreg:$0x11] =	wrdreg s19  }
0x12: {  	s24 =	sadd.s32 $0x40, s9;
	s12 =	sadd.s32 s13, s20;
	[dreg:$0x13] =	wrdreg s21  }
0x13: {  	s26 =	sadd.s32 $0x80, s11;
	s30 =	sadd.s32 s7, s24;
	[dreg:$0x14] =	wrdreg s12  }
0x14: {  	s10 =	sshrl.u32 s10, $0x3;
	s14 =	sadd.s32 s26, s7;
	[dreg:$0x15] =	wrdreg s30  }
0x15: {  	s29 =	simm.s32 $0x3;
	s16 =	sadd.s32 s7, s10;
	[dreg:$0x8] =	wrdreg s14  }
0x16: {  	p0 =	seq.s32 s15, $0xF;
	s10 =	sadd.s32 s13, s10;
	[dreg:$0xd] =	wrdreg s16  }
0x17: {  	s31 =	sadd.s32 $0x1FE00, s0;
	s12 =	sadd.s32 s13, s24;
	[dreg:$0xe] =	wrdreg s10  }
0x18: {  	s8 =	smul.u32 $0x138800, s8;
	s16 =	sadd.s32 s7, s1;
	[dreg:$0x16] =	wrdreg s12  }
0x19: {  	s6 =	sshrl.u32 s6, $0x3;
	s10 =	sadd.s32 s13, s18;
	[dreg:$0xf] =	wrdreg s16  }
0x1a: {  	s19 =	sadd.s32 $0x50, s9;
	s1 =	sadd.s32 s26, s13;
	[dreg:$0x12] =	wrdreg s10  }
0x1b: {  	s6 =	sadd.s32 s6, s0;
	s21 =	sadd.s32 s7, s19;
	[dreg:$0x7] =	wrdreg s1  }
0x1c: {  	s4 =	simm.s32 $0x2;
	s12 =	sadd.s32 s13, s19;
	[dreg:$0x17] =	wrdreg s21  }
0x1d: {  	s26 =	sadd.s32 $0x7B0, s9;
	s10 =	sadd.s32 s22, s7;
	[dreg:$0x18] =	wrdreg s12  }
0x1e: {  	s25 =	smul.u32 $0x50000, s15;
	s30 =	sadd.s32 s7, s26;
	[dreg:$0x6] =	wrdreg s10  }
0x1f: {  	s16 =	sadd.s32 $0x70, s11;
	s12 =	sadd.s32 s13, s26;
	[dreg:$0x1b] =	wrdreg s30  }
0x20: {  	s14 =	simm.s32 $0x13E00;
	s17 =	sadd.s32 s16, s13;
	[dreg:$0x1c] =	wrdreg s12  }
0x21: {  	s11 =	sadd.s32 $0x60, s11;
	s18 =	sadd.s32 s16, s7;
	[dreg:$0x9] =	wrdreg s17  }
0x22: {  	s22 =	sadd.s32 $0x7A0, s9;
	s20 =	sadd.s32 s11, s13;
	[dreg:$0xa] =	wrdreg s18  }
0x23: {  	s19 =	sadd.s32 $0x20400, s0;
	s24 =	sadd.s32 s7, s22;
	[dreg:$0xb] =	wrdreg s20  }
0x24: {  	s9 =	sadd.s32 $0x7C0, s9;
	s10 =	sadd.s32 s13, s22;
	[dreg:$0x19] =	wrdreg s24  }
0x25: {  	s1 =	smul.u32 $0x14000, s15;
	s13 =	sadd.s32 s13, s9;
	[dreg:$0x1a] =	wrdreg s10  }
0x26: {  	s21 =	smul.u32 $0xA00, s15;
	s9 =	sadd.s32 s7, s9;
	[dreg:$0x1d] =	wrdreg s13  }
0x27: {  	s7 =	sadd.s32 s11, s7;
	s16 =	sshrl.u32 s25, $0x2;
	[dreg:$0x1e] =	wrdreg s9  }
0x28: {  	s11 =	sadd.s32 $0x131000, s3;
	s17 =	sadd.s32 s1, s8;
	[dreg:$0xc] =	wrdreg s7  }
0x29: {  	s16 =	sadd.s32 s16, s3;
	s10 =	sadd.s32 $0x12E800, s3;
	s20 =	sshrl.u32 s8, $0x3  }
0x2a: {  	s8 =	sadd.s32 $0x133800, s3;
	s9 =	sadd.s32 $0x136000, s3;
	s24 =	sadd.s32 $0x6E600, s6  }
0x2b: {  	s6 =	sadd.s32 $0x12C000, s3;
	s1 =	simm.s32 $0x14300;
	s18 =	sshrl.u32 s17, $0x3  }
0x2c: {  	s12 =	sadd.s32 $0xA000, s16;
	s13 =	sadd.s32 $0xC800, s16;
	[smem:$0x7F7] =	sst s24  }
0x2d: {  	s0 =	sadd.s32 $0x7800, s16;
	[smem:$0x7FA] =	sst s6;
	s26 =	sadd.s32 $0x2800, s16  }
0x2e: {  	s30 =	sadd.s32 $0x5000, s16;
	s24 =	simm.s32 $0x13C00;
	[dreg:$0x1f] =	wrdreg s16  }
0x2f: {  	s17 =	simm.s32 $0x1BB00;
	s12 =	smov.u32 @p0 s10;
	[smem:$0x7FC] =	sst s26  }
0x30: {  	s13 =	smov.u32 @p0 s11;
	s7 =	sadd.s32 s19, s18;
	[smem:$0x7FD] =	sst s30  }
0x31: {  	s10 =	sadd.s32 $0xF000, s16;
	s0 =	smov.u32 @p0 s6;
	[smem:$0x7F1] =	sst s12  }
0x32: {  	s18 =	simm.s32 $0x13D00;
	s11 =	simm.s32 $0x13C80;
	[smem:$0x7F2] =	sst s13  }
0x33: {  	s26 =	simm.s32 $0x13E80;
	s6 =	simm.s32 $0x0;
	[smem:$0x7F3] =	sst s7  }
0x34: {  	s7 =	sadd.s32 s19, s20;
	s10 =	smov.u32 @p0 s8;
	s8 =	sshrl.u32 s21, $0x2  }
0x35: {  	[smem:$0x7FB] =	sst s0;
	s21 =	simm.s32 $0x13B00;
	s0 =	simm.s32 $0x13B80  }
0x36: {  	s19 =	simm.s32 $0x1;
	s20 =	simm.s32 $0x50;
	[smem:$0x7F4] =	sst s10  }
0x37: {  	s10 =	sadd.s32 $0x11800, s16;
	s22 =	sadd.s32 s8, s2;
	s25 =	sadd.s32 $0x25800, s7  }
0x38: {  	s7 =	simm.s32 $0x9;
	s10 =	smov.u32 @p0 s9;
	[smem:$0x7F6] =	sst s22  }
0x39: {  	[smem:$0x7F8] =	sst s25;
	s22 =	simm.s32 $0x13D80;
	s9 =	simm.s32 $0x5  }
0x3a: {  	v0 =	vimm.f32 $0.0e+00;
	s25 =	simm.s32 $0x4;
	[smem:$0x7F5] =	sst s10;
	s10 =	simm.s32 $0x1E300  }
.LBB2_1:
0x3b: {  	[smem:$0x7F0] =	sst s6  }
0x3c: {  	s8 =	rddreg [dreg:$0xd]  }
0x3d: {  	[tilespmem:s21], [sflag:$0x1] =	stream.linear.gather [hbm4b:s8+s5], $0x80, $0x38;
	[tilespmem:$0x1E780] =	vst v63  }
0x3e: {  	s6 =	rddreg [dreg:$0xe]  }
0x3f: {  	[tilespmem:s18], [sflag:$0x1] =	stream.linear.gather [hbm4b:s6+s5], $0x80, $0x38;
	[tilespmem:$0x1E780] =	vst v63  }
0x40: {  	s12 =	rddreg [dreg:$0xf]  }
0x41: {  	[tilespmem:s0], [sflag:$0x2] =	stream.linear.gather [hbm4b:s12+s5], $0x80, $0x38;
	[tilespmem:$0x1E780] =	vst v63  }
0x42: {  	s13 =	rddreg [dreg:$0x10]  }
0x43: {  	[tilespmem:s22], [sflag:$0x2] =	stream.linear.gather [hbm4b:s13+s5], $0x80, $0x38;
	[tilespmem:$0x1E780] =	vst v63  }
0x44: {  	s15 =	rddreg [dreg:$0x11]  }
0x45: {  	[tilespmem:s24], [sflag:$0x3] =	stream.linear.gather [hbm4b:s15+s5], $0x80, $0x38;
	[tilespmem:$0x1E780] =	vst v63  }
0x46: {  	s30 =	rddreg [dreg:$0x12]  }
0x47: {  	[tilespmem:s14], [sflag:$0x3] =	stream.linear.gather [hbm4b:s30+s5], $0x80, $0x38;
	[tilespmem:$0x1E780] =	vst v63  }
0x48: {  	[tilespmem:$0x1E500] =	vst v0  }
0x49: {  	[tilespmem:$0x1E510] =	vst v0  }
0x4a: {  	[tilespmem:$0x1E520] =	vst v0  }
0x4b: {  	[tilespmem:$0x1E530] =	vst v0  }
0x4c: {  	[tilespmem:$0x1E540] =	vst v0  }
0x4d: {  	[tilespmem:$0x1E550] =	vst v0  }
0x4e: {  	[tilespmem:$0x1E560] =	vst v0  }
0x4f: {  	[tilespmem:$0x1E570] =	vst v0  }
0x50: {  	[tilespmem:$0x1E580] =	vst v0  }
0x51: {  	[tilespmem:$0x1E590] =	vst v0  }
0x52: {  	[tilespmem:$0x1E5A0] =	vst v0  }
0x53: {  	[tilespmem:$0x1E5B0] =	vst v0  }
0x54: {  	[tilespmem:$0x1E5C0] =	vst v0  }
0x55: {  	[tilespmem:$0x1E5D0] =	vst v0  }
0x56: {  	[tilespmem:$0x1E5E0] =	vst v0  }
0x57: {  	[tilespmem:$0x1E5F0] =	vst v0  }
0x58: {  	[tilespmem:$0x1E600] =	vst v0  }
0x59: {  	[tilespmem:$0x1E610] =	vst v0  }
0x5a: {  	[tilespmem:$0x1E620] =	vst v0  }
0x5b: {  	[tilespmem:$0x1E630] =	vst v0  }
0x5c: {  	[tilespmem:$0x1E640] =	vst v0  }
0x5d: {  	[tilespmem:$0x1E650] =	vst v0  }
0x5e: {  	[tilespmem:$0x1E660] =	vst v0  }
0x5f: {  	[tilespmem:$0x1E670] =	vst v0  }
0x60: {  	[tilespmem:$0x1E680] =	vst v0  }
0x61: {  	[tilespmem:$0x1E690] =	vst v0  }
0x62: {  	[tilespmem:$0x1E6A0] =	vst v0  }
0x63: {  	[tilespmem:$0x1E6B0] =	vst v0  }
0x64: {  	[tilespmem:$0x1E6C0] =	vst v0  }
0x65: {  	[tilespmem:$0x1E6D0] =	vst v0  }
0x66: {  	[tilespmem:$0x1E6E0] =	vst v0  }
0x67: {  	[tilespmem:$0x1E6F0] =	vst v0  }
0x68: {  	[tilespmem:$0x1E700] =	vst v0  }
0x69: {  	[tilespmem:$0x1E710] =	vst v0  }
0x6a: {  	[tilespmem:$0x1E720] =	vst v0  }
0x6b: {  	[tilespmem:$0x1E730] =	vst v0  }
0x6c: {  	[tilespmem:$0x1E740] =	vst v0  }
0x6d: {  	[tilespmem:$0x1E750] =	vst v0  }
0x6e: {  	[tilespmem:$0x1E760] =	vst v0  }
0x6f: {  	s8 =	simm.s32 $0x200;
	s13 =	simm.s32 $0x0;
	[tilespmem:$0x1E770] =	vst v0  }
.LBB2_2:
0x70: {  	p1 =	sne.s32 s8, $0x9E00;
	[tilespmem:s13+$0x1BB70] =	vst v0  }
0x71: {  	[tilespmem:s13+$0x1BB00] =	vst v0  }
0x72: {  	[tilespmem:s13+$0x1BB10] =	vst v0  }
.Ltmp0:
0x73: {  	[tilespmem:s13+$0x1BB20] =	vst v0;
	(pc) =	sbr.rel @p1 .LBB2_2-.Ltmp0, $4  }
0x74: {  	[tilespmem:s13+$0x1BB30] =	vst v0  }
0x75: {  	[tilespmem:s13+$0x1BB40] =	vst v0  }
0x76: {  	[tilespmem:s13+$0x1BB50] =	vst v0  }
0x77: {  	[tilespmem:s13+$0x1BB60] =	vst v0;
	s13 =	sshra.s32 s8, $0x2;
	s8 =	sadd.s32 $0x200, s8  }
0x78: {  	[tilespmem:s13+$0x1BB70] =	vst v0  }
0x79: {  	[tilespmem:s13+$0x1BB00] =	vst v0  }
0x7a: {  	[tilespmem:s13+$0x1BB10] =	vst v0  }
0x7b: {  	[tilespmem:s13+$0x1BB20] =	vst v0  }
0x7c: {  	[tilespmem:s13+$0x1BB30] =	vst v0  }
0x7d: {  	[tilespmem:s13+$0x1BB40] =	vst v0;
	s8 =	sld [smem:$0x7F6]  }
0x7e: {  	[tilespmem:s13+$0x1BB50] =	vst v0  }
0x7f: {  	[tilespmem:s13+$0x1BB60] =	vst v0;
	s30 =	simm.s32 $0x1E500  }
0x80: {  	[spmem:s8] =	stream.linear.scatter [tilespmem:s30], [sflag:$0x15], $0x280, $0x38;
	[tilespmem:$0x1E780] =	vst v63  }
0x81: {  	s13 =	sld [smem:$0x7FC];
	s8 =	simm.s32 @!p0 $0x1BB00  }
0x82: {  	[spmem:s16] =	stream.linear.scatter @!p0 [tilespmem:s8], [sflag:$0x15], $0x2800, $0x38;
	[tilespmem:$0x1E780] =	vst v63  }
0x83: {  	_ = 	snop  }
0x84: {  	[spmem:s13] =	stream.linear.scatter @!p0 [tilespmem:s8], [sflag:$0x15], $0x2800, $0x38;
	[tilespmem:$0x1E780] =	vst v63  }
0x85: {  	s13 =	sld [smem:$0x7FD];
	_ =	sdelay $0x1  }
0x86: {  	s6 =	sld [smem:$0x7FB]  }
0x87: {  	[spmem:s13] =	stream.linear.scatter @!p0 [tilespmem:s8], [sflag:$0x15], $0x2800, $0x38;
	[tilespmem:$0x1E780] =	vst v63  }
0x88: {  	s12 =	sld [smem:$0x7F1]  }
0x89: {  	[spmem:s6] =	stream.linear.scatter [tilespmem:s17], [sflag:$0x15], $0x2800, $0x38;
	[tilespmem:$0x1E780] =	vst v63  }
0x8a: {  	s13 =	sld [smem:$0x7F2]  }
0x8b: {  	[spmem:s12] =	stream.linear.scatter [tilespmem:s17], [sflag:$0x15], $0x2800, $0x38;
	[tilespmem:$0x1E780] =	vst v63  }
0x8c: {  	s15 =	sld [smem:$0x7F4]  }
0x8d: {  	[spmem:s13] =	stream.linear.scatter [tilespmem:s17], [sflag:$0x15], $0x2800, $0x38;
	[tilespmem:$0x1E780] =	vst v63  }
0x8e: {  	s16 =	sld [smem:$0x7F5]  }
0x8f: {  	[spmem:s15] =	stream.linear.scatter [tilespmem:s17], [sflag:$0x15], $0x2800, $0x38;
	[tilespmem:$0x1E780] =	vst v63  }
0x90: {  	_ = 	snop  }
0x91: {  	[spmem:s16] =	stream.linear.scatter [tilespmem:s17], [sflag:$0x15], $0x2800, $0x38;
	[tilespmem:$0x1E780] =	vst v63  }
0x92: {  	_ =	swait.ge [sflag:s19], $0x80  }
0x93: {  	[sflag:s19] =	ssyncset.done $0x0  }
0x94: {  	[sflag:s19] =	ssyncadd.s32 $0xFFFFFF80  }
0x95: {  	_ =	swait.ge [sflag:s19], $0x80  }
0x96: {  	[sflag:s19] =	ssyncset.done $0x0  }
0x97: {  	[sflag:s19] =	ssyncadd.s32 $0xFFFFFF80  }
0x98: {  	[tilespmem:s1], [sflag:$0x5] =	stream.indirect.gather [hbm4b:s23+s20], $0x80, s21, s20, $0xb8;
	[tilespmem:$0x1E780] =	vst v63  }
0x99: {  	_ = 	snop  }
0x9a: {  	[tilespmem:s10], [sflag:$0x9] =	stream.indirect.gather [hbm4b:s31+s20], $0x1, s18, s20, $0xb8;
	[tilespmem:$0x1E780] =	vst v63  }
0x9b: {  	s30 =	rddreg [dreg:$0x13]  }
0x9c: {  	[tilespmem:s11], [sflag:$0x4] =	stream.linear.gather [hbm4b:s30+s5], $0x80, $0x38;
	[tilespmem:$0x1E780] =	vst v63  }
0x9d: {  	s6 =	rddreg [dreg:$0x14]  }
0x9e: {  	[tilespmem:s26], [sflag:$0x4] =	stream.linear.gather [hbm4b:s6+s5], $0x80, $0x38;
	[tilespmem:$0x1E780] =	vst v63  }
0x9f: {  	_ =	swait.ge [sflag:s4], $0x80  }
0xa0: {  	[sflag:s4] =	ssyncset.done $0x0  }
0xa1: {  	[sflag:s4] =	ssyncadd.s32 $0xFFFFFF80  }
0xa2: {  	_ =	swait.ge [sflag:s4], $0x80  }
0xa3: {  	[sflag:s4] =	ssyncset.done $0x0  }
0xa4: {  	s12 =	simm.s32 $0x16B00;
	[sflag:s4] =	ssyncadd.s32 $0xFFFFFF80  }
0xa5: {  	[tilespmem:s12], [sflag:$0x6] =	stream.indirect.gather [hbm4b:s23+s20], $0x80, s0, s20, $0xb8;
	[tilespmem:$0x1E780] =	vst v63  }
0xa6: {  	s15 =	simm.s32 $0x1E380  }
0xa7: {  	[tilespmem:s15], [sflag:$0xA] =	stream.indirect.gather [hbm4b:s31+s20], $0x1, s22, s20, $0xb8;
	[tilespmem:$0x1E780] =	vst v63  }
0xa8: {  	_ =	swait.ge [sflag:s9], $0x2800  }
0xa9: {  	[sflag:s9] =	ssyncset.done $0x0  }
0xaa: {  	[sflag:s9] =	ssyncadd.s32 $0xFFFFD800  }
0xab: {  	_ =	swait.ge [sflag:s7], $0x50  }
0xac: {  	[sflag:s7] =	ssyncset.done $0x0  }
0xad: {  	[sflag:s7] =	ssyncadd.s32 $0xFFFFFFB0  }
0xae: {  	v1 =	vld [tilespmem:$0x13B00]  }
0xaf: {  	v2 =	vld [tilespmem:$0x13D00]  }
0xb0: {  	v3 =	vld [tilespmem:$0x13B10]  }
0xb1: {  	v4 =	vld [tilespmem:$0x13D10]  }
0xb2: {  	v5 =	vld [tilespmem:$0x13B20]  }
0xb3: {  	v54 =	vld [tilespmem:$0x13B40];
	[tilespmem:$0x13F00] =	vst v1  }
0xb4: {  	v55 =	vld [tilespmem:$0x13D40];
	[tilespmem:$0x14100] =	vst v2  }
0xb5: {  	v1 =	vld [tilespmem:$0x13D20];
	[tilespmem:$0x13F10] =	vst v3  }
0xb6: {  	v2 =	vld [tilespmem:$0x13B30];
	[tilespmem:$0x14110] =	vst v4  }
0xb7: {  	v3 =	vld [tilespmem:$0x13D30];
	[tilespmem:$0x13F20] =	vst v5  }
0xb8: {  	[tilespmem:$0x13F40] =	vst v54  }
0xb9: {  	[tilespmem:$0x14140] =	vst v55  }
0xba: {  	[tilespmem:$0x14120] =	vst v1  }
0xbb: {  	[tilespmem:$0x13F30] =	vst v2  }
0xbc: {  	s9 =	simm.s32 $0x15;
	[tilespmem:$0x14130] =	vst v3  }
0xbd: {  	_ =	swait.ge [sflag:s9], $0x280  }
0xbe: {  	[sflag:s9] =	ssyncset.done $0x0  }
0xbf: {  	s8 =	simm.s32 @!p0 $0x15;
	[sflag:s9] =	ssyncadd.s32 $0xFFFFFD80  }
0xc0: {  	_ =	swait.ge @!p0 [sflag:s8], $0x2800  }
0xc1: {  	[sflag:s8] =	ssyncset.done @!p0 $0x0  }
0xc2: {  	[sflag:s8] =	ssyncadd.s32 @!p0 $0xFFFFD800  }
0xc3: {  	_ =	swait.ge @!p0 [sflag:s8], $0x2800  }
0xc4: {  	[sflag:s8] =	ssyncset.done @!p0 $0x0  }
0xc5: {  	[sflag:s8] =	ssyncadd.s32 @!p0 $0xFFFFD800  }
0xc6: {  	_ =	swait.ge @!p0 [sflag:s8], $0x2800  }
0xc7: {  	[sflag:s8] =	ssyncset.done @!p0 $0x0  }
0xc8: {  	[sflag:s8] =	ssyncadd.s32 @!p0 $0xFFFFD800  }
0xc9: {  	_ =	swait.ge [sflag:s9], $0x2800  }
0xca: {  	[sflag:s9] =	ssyncset.done $0x0  }
0xcb: {  	[sflag:s9] =	ssyncadd.s32 $0xFFFFD800  }
0xcc: {  	_ =	swait.ge [sflag:s9], $0x2800  }
0xcd: {  	[sflag:s9] =	ssyncset.done $0x0  }
0xce: {  	[sflag:s9] =	ssyncadd.s32 $0xFFFFD800  }
0xcf: {  	_ =	swait.ge [sflag:s9], $0x2800  }
0xd0: {  	[sflag:s9] =	ssyncset.done $0x0  }
0xd1: {  	[sflag:s9] =	ssyncadd.s32 $0xFFFFD800  }
0xd2: {  	_ =	swait.ge [sflag:s9], $0x2800  }
0xd3: {  	[sflag:s9] =	ssyncset.done $0x0  }
0xd4: {  	[sflag:s9] =	ssyncadd.s32 $0xFFFFD800  }
0xd5: {  	_ =	swait.ge [sflag:s9], $0x2800  }
0xd6: {  	[sflag:s9] =	ssyncset.done $0x0  }
0xd7: {  	[sflag:s9] =	ssyncadd.s32 $0xFFFFD800  }
0xd8: {  	[bflag:$0x0] =	sbarrier.arrive $0xFFFF  }
0xd9: {  	[spmem:s3] =	stream.indirect.scatter.add.f32 [tilespmem:s1], [sflag:$0xD], $0x80, s28, s20, $0xb8;
	[tilespmem:$0x1E780] =	vst v63  }
0xda: {  	s13 =	simm.s32 $0x13F00  }
0xdb: {  	[spmem:s2] =	stream.indirect.scatter.add.f32 [tilespmem:s10], [sflag:$0x11], $0x1, s13, s20, $0xb8;
	[tilespmem:$0x1E780] =	vst v63  }
0xdc: {  	s16 =	rddreg [dreg:$0x15];
	s13 =	simm.s32 $0x0  }
0xdd: {  	[tilespmem:s21], [sflag:$0x1] =	stream.linear.gather [hbm4b:s16+s13], $0x80, $0x38;
	[tilespmem:$0x1E780] =	vst v63  }
0xde: {  	s28 =	rddreg [dreg:$0x16]  }
0xdf: {  	[tilespmem:s18], [sflag:$0x1] =	stream.linear.gather [hbm4b:s28+s13], $0x80, $0x38;
	[tilespmem:$0x1E780] =	vst v63  }
0xe0: {  	_ =	swait.ge [sflag:s29], $0x80  }
0xe1: {  	[sflag:s29] =	ssyncset.done $0x0  }
0xe2: {  	[sflag:s29] =	ssyncadd.s32 $0xFFFFFF80  }
0xe3: {  	_ =	swait.ge [sflag:s29], $0x80  }
0xe4: {  	[sflag:s29] =	ssyncset.done $0x0  }
0xe5: {  	s30 =	simm.s32 $0x19300;
	[sflag:s29] =	ssyncadd.s32 $0xFFFFFF80  }
0xe6: {  	[tilespmem:s30], [sflag:$0x7] =	stream.indirect.gather [hbm4b:s23+s20], $0x80, s24, s20, $0xb8;
	[tilespmem:$0x1E780] =	vst v63  }
0xe7: {  	s9 =	simm.s32 $0x1E400;
	s16 =	simm.s32 $0x6  }
0xe8: {  	[tilespmem:s9], [sflag:$0xB] =	stream.indirect.gather [hbm4b:s31+s20], $0x1, s14, s20, $0xb8;
	[tilespmem:$0x1E780] =	vst v63  }
0xe9: {  	_ =	swait.ge [sflag:s16], $0x2800  }
0xea: {  	[sflag:s16] =	ssyncset.done $0x0  }
0xeb: {  	s6 =	simm.s32 $0xA;
	[sflag:s16] =	ssyncadd.s32 $0xFFFFD800  }
0xec: {  	_ =	swait.ge [sflag:s6], $0x50  }
0xed: {  	[sflag:s6] =	ssyncset.done $0x0  }
0xee: {  	[sflag:s6] =	ssyncadd.s32 $0xFFFFFFB0  }
0xef: {  	v1 =	vld [tilespmem:$0x13B80]  }
0xf0: {  	v2 =	vld [tilespmem:$0x13D80]  }
0xf1: {  	v3 =	vld [tilespmem:$0x13B90]  }
0xf2: {  	v56 =	vld [tilespmem:$0x13D90]  }
0xf3: {  	v57 =	vld [tilespmem:$0x13BA0]  }
0xf4: {  	v58 =	vld [tilespmem:$0x13BC0];
	[tilespmem:$0x13F80] =	vst v1  }
0xf5: {  	v59 =	vld [tilespmem:$0x13DC0];
	[tilespmem:$0x14180] =	vst v2  }
0xf6: {  	v1 =	vld [tilespmem:$0x13DA0];
	[tilespmem:$0x13F90] =	vst v3  }
0xf7: {  	v2 =	vld [tilespmem:$0x13BB0];
	[tilespmem:$0x14190] =	vst v56  }
0xf8: {  	v3 =	vld [tilespmem:$0x13DB0];
	[tilespmem:$0x13FA0] =	vst v57  }
0xf9: {  	[tilespmem:$0x13FC0] =	vst v58  }
0xfa: {  	[tilespmem:$0x141C0] =	vst v59  }
0xfb: {  	[tilespmem:$0x141A0] =	vst v1  }
0xfc: {  	[tilespmem:$0x13FB0] =	vst v2  }
0xfd: {  	s10 =	simm.s32 $0x14180;
	[tilespmem:$0x141B0] =	vst v3  }
0xfe: {  	[spmem:s3] =	stream.indirect.scatter.add.f32 [tilespmem:s12], [sflag:$0xE], $0x80, s10, s20, $0xb8;
	[tilespmem:$0x1E780] =	vst v63  }
0xff: {  	s14 =	simm.s32 $0x13F80  }
0x100: {  	[spmem:s2] =	stream.indirect.scatter.add.f32 [tilespmem:s15], [sflag:$0x12], $0x1, s14, s20, $0xb8;
	[tilespmem:$0x1E780] =	vst v63  }
0x101: {  	s18 =	rddreg [dreg:$0x17]  }
0x102: {  	[tilespmem:s0], [sflag:$0x2] =	stream.linear.gather [hbm4b:s18+s13], $0x80, $0x38;
	[tilespmem:$0x1E780] =	vst v63  }
0x103: {  	s21 =	rddreg [dreg:$0x18]  }
0x104: {  	[tilespmem:s22], [sflag:$0x2] =	stream.linear.gather [hbm4b:s21+s13], $0x80, $0x38;
	[tilespmem:$0x1E780] =	vst v63  }
0x105: {  	_ =	swait.ge [sflag:s25], $0x80  }
0x106: {  	[sflag:s25] =	ssyncset.done $0x0  }
0x107: {  	[sflag:s25] =	ssyncadd.s32 $0xFFFFFF80  }
0x108: {  	_ =	swait.ge [sflag:s25], $0x80  }
0x109: {  	[sflag:s25] =	ssyncset.done $0x0  }
0x10a: {  	[sflag:s25] =	ssyncadd.s32 $0xFFFFFF80  }
0x10b: {  	[tilespmem:s17], [sflag:$0x8] =	stream.indirect.gather [hbm4b:s23+s20], $0x80, s11, s20, $0xb8;
	[tilespmem:$0x1E780] =	vst v63  }
0x10c: {  	s24 =	simm.s32 $0x1E480  }
0x10d: {  	[tilespmem:s24], [sflag:$0xC] =	stream.indirect.gather [hbm4b:s31+s20], $0x1, s26, s20, $0xb8;
	[tilespmem:$0x1E780] =	vst v63  }
0x10e: {  	s26 =	simm.s32 $0x7  }
0x10f: {  	_ =	swait.ge [sflag:s26], $0x2800  }
0x110: {  	[sflag:s26] =	ssyncset.done $0x0  }
0x111: {  	s1 =	simm.s32 $0xB;
	[sflag:s26] =	ssyncadd.s32 $0xFFFFD800  }
0x112: {  	_ =	swait.ge [sflag:s1], $0x50  }
0x113: {  	[sflag:s1] =	ssyncset.done $0x0  }
0x114: {  	[sflag:s1] =	ssyncadd.s32 $0xFFFFFFB0  }
0x115: {  	v1 =	vld [tilespmem:$0x13C00]  }
0x116: {  	v2 =	vld [tilespmem:$0x13E00]  }
0x117: {  	v3 =	vld [tilespmem:$0x13C10]  }
0x118: {  	v60 =	vld [tilespmem:$0x13E10]  }
0x119: {  	v61 =	vld [tilespmem:$0x13C20]  }
0x11a: {  	v62 =	vld [tilespmem:$0x13C40];
	[tilespmem:$0x14000] =	vst v1  }
0x11b: {  	v63 =	vld [tilespmem:$0x13E40];
	[tilespmem:$0x14200] =	vst v2  }
0x11c: {  	v1 =	vld [tilespmem:$0x13E20];
	[tilespmem:$0x14010] =	vst v3  }
0x11d: {  	v2 =	vld [tilespmem:$0x13C30];
	[tilespmem:$0x14210] =	vst v60  }
0x11e: {  	v3 =	vld [tilespmem:$0x13E30];
	[tilespmem:$0x14020] =	vst v61  }
0x11f: {  	[tilespmem:$0x14040] =	vst v62  }
0x120: {  	[tilespmem:$0x14240] =	vst v63  }
0x121: {  	[tilespmem:$0x14220] =	vst v1  }
0x122: {  	[tilespmem:$0x14030] =	vst v2  }
0x123: {  	s28 =	simm.s32 $0x14200;
	[tilespmem:$0x14230] =	vst v3  }
0x124: {  	[spmem:s3] =	stream.indirect.scatter.add.f32 [tilespmem:s30], [sflag:$0xF], $0x80, s28, s20, $0xb8;
	[tilespmem:$0x1E780] =	vst v63  }
0x125: {  	s12 =	smov.u32 s3;
	s30 =	simm.s32 $0x14000;
	s3 =	simm.s32 $0x8  }
0x126: {  	[spmem:s2] =	stream.indirect.scatter.add.f32 [tilespmem:s9], [sflag:$0x13], $0x1, s30, s20, $0xb8;
	[tilespmem:$0x1E780] =	vst v63  }
.LBB2_4:
0x127: {  	s8 =	simm.s32 $0xD  }
0x128: {  	_ =	swait.ge [sflag:s8], $0x2800  }
0x129: {  	[sflag:s8] =	ssyncset.done $0x0  }
0x12a: {  	s10 =	simm.s32 $0x11;
	[sflag:s8] =	ssyncadd.s32 $0xFFFFD800  }
0x12b: {  	_ =	swait.ge [sflag:s10], $0x50  }
0x12c: {  	s9 =	simm.s32 $0x13C00;
	s17 =	rddreg [dreg:$0xc];
	[sflag:s10] =	ssyncset.done $0x0  }
0x12d: {  	s21 =	rddreg [dreg:$0xb];
	[sflag:s10] =	ssyncadd.s32 $0xFFFFFFB0;
	s8 =	sadd.s32 s13, s17  }
0x12e: {  	[tilespmem:s9], [sflag:$0x3] =	stream.linear.gather [hbm4b:s8+s5], $0x80, $0x38;
	[tilespmem:$0x1E780] =	vst v63  }
0x12f: {  	s24 =	simm.s32 $0x13E00;
	s18 =	sadd.s32 s13, s21  }
0x130: {  	[tilespmem:s24], [sflag:$0x3] =	stream.linear.gather [hbm4b:s18+s5], $0x80, $0x38;
	[tilespmem:$0x1E780] =	vst v63  }
0x131: {  	_ =	swait.ge [sflag:s19], $0x80  }
0x132: {  	[sflag:s19] =	ssyncset.done $0x0  }
0x133: {  	[sflag:s19] =	ssyncadd.s32 $0xFFFFFF80  }
0x134: {  	_ =	swait.ge [sflag:s19], $0x80  }
0x135: {  	[sflag:s19] =	ssyncset.done $0x0  }
0x136: {  	s11 =	simm.s32 $0x14300;
	s18 =	simm.s32 $0x13B00;
	[sflag:s19] =	ssyncadd.s32 $0xFFFFFF80  }
0x137: {  	[tilespmem:s11], [sflag:$0x5] =	stream.indirect.gather [hbm4b:s23+s20], $0x80, s18, s20, $0xb8;
	[tilespmem:$0x1E780] =	vst v63  }
0x138: {  	s28 =	simm.s32 $0x13D00;
	s10 =	simm.s32 $0x1E300  }
0x139: {  	[tilespmem:s10], [sflag:$0x9] =	stream.indirect.gather [hbm4b:s31+s20], $0x1, s28, s20, $0xb8;
	[tilespmem:$0x1E780] =	vst v63  }
0x13a: {  	_ =	swait.ge [sflag:s3], $0x2800  }
0x13b: {  	[sflag:s3] =	ssyncset.done $0x0  }
0x13c: {  	s0 =	simm.s32 $0xC;
	[sflag:s3] =	ssyncadd.s32 $0xFFFFD800  }
0x13d: {  	_ =	swait.ge [sflag:s0], $0x50  }
0x13e: {  	[sflag:s0] =	ssyncset.done $0x0  }
0x13f: {  	[sflag:s0] =	ssyncadd.s32 $0xFFFFFFB0  }
0x140: {  	v1 =	vld [tilespmem:$0x13C80]  }
0x141: {  	v2 =	vld [tilespmem:$0x13E80]  }
0x142: {  	v3 =	vld [tilespmem:$0x13C90]  }
0x143: {  	v4 =	vld [tilespmem:$0x13E90]  }
0x144: {  	v5 =	vld [tilespmem:$0x13CA0]  }
0x145: {  	v50 =	vld [tilespmem:$0x13CC0];
	[tilespmem:$0x14080] =	vst v1  }
0x146: {  	v51 =	vld [tilespmem:$0x13EC0];
	[tilespmem:$0x14280] =	vst v2  }
0x147: {  	v1 =	vld [tilespmem:$0x13EA0];
	[tilespmem:$0x14090] =	vst v3  }
0x148: {  	v2 =	vld [tilespmem:$0x13CB0];
	[tilespmem:$0x14290] =	vst v4  }
0x149: {  	v3 =	vld [tilespmem:$0x13EB0];
	[tilespmem:$0x140A0] =	vst v5  }
0x14a: {  	[tilespmem:$0x140C0] =	vst v50  }
0x14b: {  	[tilespmem:$0x142C0] =	vst v51  }
0x14c: {  	[tilespmem:$0x142A0] =	vst v1  }
0x14d: {  	[tilespmem:$0x140B0] =	vst v2  }
0x14e: {  	s30 =	simm.s32 $0x1BB00;
	s21 =	simm.s32 $0x14280;
	[tilespmem:$0x142B0] =	vst v3  }
0x14f: {  	[spmem:s12] =	stream.indirect.scatter.add.f32 [tilespmem:s30], [sflag:$0x10], $0x80, s21, s20, $0xb8;
	[tilespmem:$0x1E780] =	vst v63  }
0x150: {  	s14 =	simm.s32 $0x1E480;
	s22 =	simm.s32 $0x14080;
	s26 =	simm.s32 $0xE  }
0x151: {  	[spmem:s2] =	stream.indirect.scatter.add.f32 [tilespmem:s14], [sflag:$0x14], $0x1, s22, s20, $0xb8;
	[tilespmem:$0x1E780] =	vst v63  }
0x152: {  	_ =	swait.ge [sflag:s26], $0x2800  }
0x153: {  	[sflag:s26] =	ssyncset.done $0x0  }
0x154: {  	s22 =	simm.s32 $0x12;
	[sflag:s26] =	ssyncadd.s32 $0xFFFFD800  }
0x155: {  	_ =	swait.ge [sflag:s22], $0x50  }
0x156: {  	s17 =	simm.s32 $0x13C80;
	s0 =	rddreg [dreg:$0xa];
	[sflag:s22] =	ssyncset.done $0x0  }
0x157: {  	s7 =	rddreg [dreg:$0x9];
	[sflag:s22] =	ssyncadd.s32 $0xFFFFFFB0;
	s8 =	sadd.s32 s13, s0  }
0x158: {  	[tilespmem:s17], [sflag:$0x4] =	stream.linear.gather [hbm4b:s8+s5], $0x80, $0x38;
	[tilespmem:$0x1E780] =	vst v63  }
0x159: {  	s15 =	sadd.s32 s13, s7;
	s7 =	simm.s32 $0x13E80  }
0x15a: {  	[tilespmem:s7], [sflag:$0x4] =	stream.linear.gather [hbm4b:s15+s5], $0x80, $0x38;
	[tilespmem:$0x1E780] =	vst v63  }
0x15b: {  	_ =	swait.ge [sflag:s4], $0x80  }
0x15c: {  	[sflag:s4] =	ssyncset.done $0x0  }
0x15d: {  	[sflag:s4] =	ssyncadd.s32 $0xFFFFFF80  }
0x15e: {  	_ =	swait.ge [sflag:s4], $0x80  }
0x15f: {  	[sflag:s4] =	ssyncset.done $0x0  }
0x160: {  	s26 =	simm.s32 $0x16B00;
	s15 =	simm.s32 $0x13B80;
	[sflag:s4] =	ssyncadd.s32 $0xFFFFFF80  }
0x161: {  	[tilespmem:s26], [sflag:$0x6] =	stream.indirect.gather [hbm4b:s23+s20], $0x80, s15, s20, $0xb8;
	[tilespmem:$0x1E780] =	vst v63  }
0x162: {  	s21 =	simm.s32 $0x5;
	s22 =	simm.s32 $0x1E380;
	s0 =	simm.s32 $0x13D80  }
0x163: {  	[tilespmem:s22], [sflag:$0xA] =	stream.indirect.gather [hbm4b:s31+s20], $0x1, s0, s20, $0xb8;
	[tilespmem:$0x1E780] =	vst v63  }
0x164: {  	_ =	swait.ge [sflag:s21], $0x2800  }
0x165: {  	[sflag:s21] =	ssyncset.done $0x0  }
0x166: {  	[sflag:s21] =	ssyncadd.s32 $0xFFFFD800;
	s21 =	simm.s32 $0x9  }
0x167: {  	_ =	swait.ge [sflag:s21], $0x50  }
0x168: {  	[sflag:s21] =	ssyncset.done $0x0  }
0x169: {  	[sflag:s21] =	ssyncadd.s32 $0xFFFFFFB0  }
0x16a: {  	v1 =	vld [tilespmem:$0x13B00]  }
0x16b: {  	v2 =	vld [tilespmem:$0x13D00]  }
0x16c: {  	v3 =	vld [tilespmem:$0x13B10]  }
0x16d: {  	v52 =	vld [tilespmem:$0x13D10]  }
0x16e: {  	v53 =	vld [tilespmem:$0x13B20]  }
0x16f: {  	v54 =	vld [tilespmem:$0x13B40];
	[tilespmem:$0x13F00] =	vst v1  }
0x170: {  	v55 =	vld [tilespmem:$0x13D40];
	[tilespmem:$0x14100] =	vst v2  }
0x171: {  	v1 =	vld [tilespmem:$0x13D20];
	[tilespmem:$0x13F10] =	vst v3  }
0x172: {  	v2 =	vld [tilespmem:$0x13B30];
	[tilespmem:$0x14110] =	vst v52  }
0x173: {  	v3 =	vld [tilespmem:$0x13D30];
	[tilespmem:$0x13F20] =	vst v53  }
0x174: {  	[tilespmem:$0x13F40] =	vst v54  }
0x175: {  	[tilespmem:$0x14140] =	vst v55  }
0x176: {  	[tilespmem:$0x14120] =	vst v1  }
0x177: {  	[tilespmem:$0x13F30] =	vst v2  }
0x178: {  	s21 =	simm.s32 $0x14100;
	[tilespmem:$0x14130] =	vst v3  }
0x179: {  	[spmem:s12] =	stream.indirect.scatter.add.f32 [tilespmem:s11], [sflag:$0xD], $0x80, s21, s20, $0xb8;
	[tilespmem:$0x1E780] =	vst v63  }
0x17a: {  	s11 =	simm.s32 $0x13F00;
	s21 =	simm.s32 $0xF  }
0x17b: {  	[spmem:s2] =	stream.indirect.scatter.add.f32 [tilespmem:s10], [sflag:$0x11], $0x1, s11, s20, $0xb8;
	[tilespmem:$0x1E780] =	vst v63  }
0x17c: {  	_ =	swait.ge [sflag:s21], $0x2800  }
0x17d: {  	[sflag:s21] =	ssyncset.done $0x0  }
0x17e: {  	s8 =	simm.s32 $0x13;
	[sflag:s21] =	ssyncadd.s32 $0xFFFFD800  }
0x17f: {  	_ =	swait.ge [sflag:s8], $0x50  }
0x180: {  	s21 =	rddreg [dreg:$0x8];
	[sflag:s8] =	ssyncset.done $0x0  }
0x181: {  	s11 =	rddreg [dreg:$0x7];
	[sflag:s8] =	ssyncadd.s32 $0xFFFFFFB0;
	s8 =	sadd.s32 s13, s21  }
0x182: {  	[tilespmem:s18], [sflag:$0x1] =	stream.linear.gather [hbm4b:s8+s5], $0x80, $0x38;
	[tilespmem:$0x1E780] =	vst v63  }
0x183: {  	s21 =	sadd.s32 s13, s11  }
0x184: {  	[tilespmem:s28], [sflag:$0x1] =	stream.linear.gather [hbm4b:s21+s5], $0x80, $0x38;
	[tilespmem:$0x1E780] =	vst v63  }
0x185: {  	_ =	swait.ge [sflag:s29], $0x80  }
0x186: {  	[sflag:s29] =	ssyncset.done $0x0  }
0x187: {  	[sflag:s29] =	ssyncadd.s32 $0xFFFFFF80  }
0x188: {  	_ =	swait.ge [sflag:s29], $0x80  }
0x189: {  	[sflag:s29] =	ssyncset.done $0x0  }
0x18a: {  	s10 =	simm.s32 $0x19300;
	[sflag:s29] =	ssyncadd.s32 $0xFFFFFF80  }
0x18b: {  	[tilespmem:s10], [sflag:$0x7] =	stream.indirect.gather [hbm4b:s23+s20], $0x80, s9, s20, $0xb8;
	[tilespmem:$0x1E780] =	vst v63  }
0x18c: {  	s11 =	simm.s32 $0x1E400  }
0x18d: {  	[tilespmem:s11], [sflag:$0xB] =	stream.indirect.gather [hbm4b:s31+s20], $0x1, s24, s20, $0xb8;
	[tilespmem:$0x1E780] =	vst v63  }
0x18e: {  	_ =	swait.ge [sflag:s16], $0x2800  }
0x18f: {  	[sflag:s16] =	ssyncset.done $0x0  }
0x190: {  	[sflag:s16] =	ssyncadd.s32 $0xFFFFD800  }
0x191: {  	_ =	swait.ge [sflag:s6], $0x50  }
0x192: {  	[sflag:s6] =	ssyncset.done $0x0  }
0x193: {  	[sflag:s6] =	ssyncadd.s32 $0xFFFFFFB0  }
0x194: {  	v1 =	vld [tilespmem:$0x13B80]  }
0x195: {  	v2 =	vld [tilespmem:$0x13D80]  }
0x196: {  	v3 =	vld [tilespmem:$0x13B90]  }
0x197: {  	v56 =	vld [tilespmem:$0x13D90]  }
0x198: {  	v57 =	vld [tilespmem:$0x13BA0]  }
0x199: {  	v58 =	vld [tilespmem:$0x13BC0];
	[tilespmem:$0x13F80] =	vst v1  }
0x19a: {  	v59 =	vld [tilespmem:$0x13DC0];
	[tilespmem:$0x14180] =	vst v2  }
0x19b: {  	v1 =	vld [tilespmem:$0x13DA0];
	[tilespmem:$0x13F90] =	vst v3  }
0x19c: {  	v2 =	vld [tilespmem:$0x13BB0];
	[tilespmem:$0x14190] =	vst v56  }
0x19d: {  	v3 =	vld [tilespmem:$0x13DB0];
	[tilespmem:$0x13FA0] =	vst v57  }
0x19e: {  	[tilespmem:$0x13FC0] =	vst v58  }
0x19f: {  	[tilespmem:$0x141C0] =	vst v59  }
0x1a0: {  	[tilespmem:$0x141A0] =	vst v1  }
0x1a1: {  	[tilespmem:$0x13FB0] =	vst v2  }
0x1a2: {  	s24 =	simm.s32 $0x14180;
	[tilespmem:$0x141B0] =	vst v3  }
0x1a3: {  	[spmem:s12] =	stream.indirect.scatter.add.f32 [tilespmem:s26], [sflag:$0xE], $0x80, s24, s20, $0xb8;
	[tilespmem:$0x1E780] =	vst v63  }
0x1a4: {  	s28 =	simm.s32 $0x13F80;
	s9 =	simm.s32 $0x10  }
0x1a5: {  	[spmem:s2] =	stream.indirect.scatter.add.f32 [tilespmem:s22], [sflag:$0x12], $0x1, s28, s20, $0xb8;
	[tilespmem:$0x1E780] =	vst v63  }
0x1a6: {  	_ =	swait.ge [sflag:s9], $0x2800  }
0x1a7: {  	[sflag:s9] =	ssyncset.done $0x0  }
0x1a8: {  	s18 =	simm.s32 $0x14;
	[sflag:s9] =	ssyncadd.s32 $0xFFFFD800  }
0x1a9: {  	_ =	swait.ge [sflag:s18], $0x50  }
0x1aa: {  	s21 =	rddreg [dreg:$0x6];
	[sflag:s18] =	ssyncset.done $0x0  }
0x1ab: {  	s24 =	rddreg [dreg:$0x5];
	[sflag:s18] =	ssyncadd.s32 $0xFFFFFFB0;
	s8 =	sadd.s32 s13, s21  }
0x1ac: {  	[tilespmem:s15], [sflag:$0x2] =	stream.linear.gather [hbm4b:s8+s5], $0x80, $0x38;
	[tilespmem:$0x1E780] =	vst v63  }
0x1ad: {  	s26 =	sadd.s32 s13, s24  }
0x1ae: {  	[tilespmem:s0], [sflag:$0x2] =	stream.linear.gather [hbm4b:s26+s5], $0x80, $0x38;
	[tilespmem:$0x1E780] =	vst v63  }
0x1af: {  	_ =	swait.ge [sflag:s25], $0x80  }
0x1b0: {  	[sflag:s25] =	ssyncset.done $0x0  }
0x1b1: {  	[sflag:s25] =	ssyncadd.s32 $0xFFFFFF80  }
0x1b2: {  	_ =	swait.ge [sflag:s25], $0x80  }
0x1b3: {  	[sflag:s25] =	ssyncset.done $0x0  }
0x1b4: {  	[sflag:s25] =	ssyncadd.s32 $0xFFFFFF80  }
0x1b5: {  	[tilespmem:s30], [sflag:$0x8] =	stream.indirect.gather [hbm4b:s23+s20], $0x80, s17, s20, $0xb8;
	[tilespmem:$0x1E780] =	vst v63  }
0x1b6: {  	s21 =	simm.s32 $0x7  }
0x1b7: {  	[tilespmem:s14], [sflag:$0xC] =	stream.indirect.gather [hbm4b:s31+s20], $0x1, s7, s20, $0xb8;
	[tilespmem:$0x1E780] =	vst v63  }
0x1b8: {  	_ =	swait.ge [sflag:s21], $0x2800  }
0x1b9: {  	[sflag:s21] =	ssyncset.done $0x0  }
0x1ba: {  	[sflag:s21] =	ssyncadd.s32 $0xFFFFD800  }
0x1bb: {  	_ =	swait.ge [sflag:s1], $0x50  }
0x1bc: {  	[sflag:s1] =	ssyncset.done $0x0  }
0x1bd: {  	[sflag:s1] =	ssyncadd.s32 $0xFFFFFFB0  }
0x1be: {  	v1 =	vld [tilespmem:$0x13C00]  }
0x1bf: {  	v2 =	vld [tilespmem:$0x13E00]  }
0x1c0: {  	v3 =	vld [tilespmem:$0x13C10]  }
0x1c1: {  	v60 =	vld [tilespmem:$0x13E10]  }
0x1c2: {  	v61 =	vld [tilespmem:$0x13C20]  }
0x1c3: {  	v62 =	vld [tilespmem:$0x13C40];
	[tilespmem:$0x14000] =	vst v1  }
0x1c4: {  	v63 =	vld [tilespmem:$0x13E40];
	[tilespmem:$0x14200] =	vst v2  }
0x1c5: {  	v1 =	vld [tilespmem:$0x13E20];
	[tilespmem:$0x14010] =	vst v3  }
0x1c6: {  	v2 =	vld [tilespmem:$0x13C30];
	[tilespmem:$0x14210] =	vst v60  }
0x1c7: {  	v3 =	vld [tilespmem:$0x13E30];
	[tilespmem:$0x14020] =	vst v61  }
0x1c8: {  	[tilespmem:$0x14040] =	vst v62  }
0x1c9: {  	[tilespmem:$0x14240] =	vst v63  }
0x1ca: {  	p1 =	sne.s32 s13, $0x700;
	[tilespmem:$0x14220] =	vst v1  }
.Ltmp1:
0x1cb: {  	[tilespmem:$0x14030] =	vst v2;
	(pc) =	sbr.rel @p1 .LBB2_4-.Ltmp1, $4  }
0x1cc: {  	s22 =	simm.s32 $0x13B80;
	s28 =	simm.s32 $0x14200;
	[tilespmem:$0x14230] =	vst v3  }
0x1cd: {  	[spmem:s12] =	stream.indirect.scatter.add.f32 [tilespmem:s10], [sflag:$0xF], $0x80, s28, s20, $0xb8;
	[tilespmem:$0x1E780] =	vst v63  }
0x1ce: {  	s9 =	simm.s32 $0x13D80;
	s13 =	sadd.s32 $0x40, s13;
	s30 =	simm.s32 $0x14000  }
0x1cf: {  	[spmem:s2] =	stream.indirect.scatter.add.f32 [tilespmem:s11], [sflag:$0x13], $0x1, s30, s20, $0xb8;
	[tilespmem:$0x1E780] =	vst v63  }
0x1d0: {  	s30 =	simm.s32 $0xD  }
0x1d1: {  	_ =	swait.ge [sflag:s30], $0x2800  }
0x1d2: {  	[sflag:s30] =	ssyncset.done $0x0  }
0x1d3: {  	s10 =	simm.s32 $0x11;
	[sflag:s30] =	ssyncadd.s32 $0xFFFFD800  }
0x1d4: {  	_ =	swait.ge [sflag:s10], $0x50  }
0x1d5: {  	[sflag:s10] =	ssyncset.done $0x0  }
0x1d6: {  	s7 =	simm.s32 $0x13C00;
	s8 =	rddreg [dreg:$0x19];
	[sflag:s10] =	ssyncadd.s32 $0xFFFFFFB0  }
0x1d7: {  	[tilespmem:s7], [sflag:$0x3] =	stream.linear.gather [hbm4b:s8+s5], $0x80, $0x38;
	[tilespmem:$0x1E780] =	vst v63  }
0x1d8: {  	s0 =	simm.s32 $0x13E00;
	s15 =	rddreg [dreg:$0x1a]  }
0x1d9: {  	[tilespmem:s0], [sflag:$0x3] =	stream.linear.gather [hbm4b:s15+s5], $0x80, $0x38;
	[tilespmem:$0x1E780] =	vst v63  }
0x1da: {  	_ =	swait.ge [sflag:s19], $0x80  }
0x1db: {  	[sflag:s19] =	ssyncset.done $0x0  }
0x1dc: {  	[sflag:s19] =	ssyncadd.s32 $0xFFFFFF80  }
0x1dd: {  	_ =	swait.ge [sflag:s19], $0x80  }
0x1de: {  	[sflag:s19] =	ssyncset.done $0x0  }
0x1df: {  	s17 =	simm.s32 $0x14300;
	s18 =	simm.s32 $0x13B00;
	[sflag:s19] =	ssyncadd.s32 $0xFFFFFF80  }
0x1e0: {  	[tilespmem:s17], [sflag:$0x5] =	stream.indirect.gather [hbm4b:s23+s20], $0x80, s18, s20, $0xb8;
	[tilespmem:$0x1E780] =	vst v63  }
0x1e1: {  	s24 =	simm.s32 $0x1E300;
	s26 =	simm.s32 $0x13D00  }
0x1e2: {  	[tilespmem:s24], [sflag:$0x9] =	stream.indirect.gather [hbm4b:s31+s20], $0x1, s26, s20, $0xb8;
	[tilespmem:$0x1E780] =	vst v63  }
0x1e3: {  	_ =	swait.ge [sflag:s3], $0x2800  }
0x1e4: {  	[sflag:s3] =	ssyncset.done $0x0  }
0x1e5: {  	s15 =	simm.s32 $0xC;
	[sflag:s3] =	ssyncadd.s32 $0xFFFFD800  }
0x1e6: {  	_ =	swait.ge [sflag:s15], $0x50  }
0x1e7: {  	[sflag:s15] =	ssyncset.done $0x0  }
0x1e8: {  	[sflag:s15] =	ssyncadd.s32 $0xFFFFFFB0  }
0x1e9: {  	v1 =	vld [tilespmem:$0x13C80]  }
0x1ea: {  	v2 =	vld [tilespmem:$0x13E80]  }
0x1eb: {  	v3 =	vld [tilespmem:$0x13C90]  }
0x1ec: {  	v4 =	vld [tilespmem:$0x13E90]  }
0x1ed: {  	v5 =	vld [tilespmem:$0x13CA0]  }
0x1ee: {  	v42 =	vld [tilespmem:$0x13CC0];
	[tilespmem:$0x14080] =	vst v1  }
0x1ef: {  	v43 =	vld [tilespmem:$0x13EC0];
	[tilespmem:$0x14280] =	vst v2  }
0x1f0: {  	v1 =	vld [tilespmem:$0x13EA0];
	[tilespmem:$0x14090] =	vst v3  }
0x1f1: {  	v2 =	vld [tilespmem:$0x13CB0];
	[tilespmem:$0x14290] =	vst v4  }
0x1f2: {  	v3 =	vld [tilespmem:$0x13EB0];
	[tilespmem:$0x140A0] =	vst v5  }
0x1f3: {  	[tilespmem:$0x140C0] =	vst v42  }
0x1f4: {  	[tilespmem:$0x142C0] =	vst v43  }
0x1f5: {  	[tilespmem:$0x142A0] =	vst v1  }
0x1f6: {  	[tilespmem:$0x140B0] =	vst v2  }
0x1f7: {  	s13 =	simm.s32 $0x1BB00;
	s14 =	simm.s32 $0x14280;
	[tilespmem:$0x142B0] =	vst v3  }
0x1f8: {  	[spmem:s12] =	stream.indirect.scatter.add.f32 [tilespmem:s13], [sflag:$0x10], $0x80, s14, s20, $0xb8;
	[tilespmem:$0x1E780] =	vst v63  }
0x1f9: {  	s17 =	simm.s32 $0x1E480;
	s18 =	simm.s32 $0x14080;
	s14 =	simm.s32 $0xE  }
0x1fa: {  	[spmem:s2] =	stream.indirect.scatter.add.f32 [tilespmem:s17], [sflag:$0x14], $0x1, s18, s20, $0xb8;
	[tilespmem:$0x1E780] =	vst v63  }
0x1fb: {  	_ =	swait.ge [sflag:s14], $0x2800  }
0x1fc: {  	[sflag:s14] =	ssyncset.done $0x0  }
0x1fd: {  	s18 =	simm.s32 $0x12;
	[sflag:s14] =	ssyncadd.s32 $0xFFFFD800  }
0x1fe: {  	_ =	swait.ge [sflag:s18], $0x50  }
0x1ff: {  	[sflag:s18] =	ssyncset.done $0x0  }
0x200: {  	s17 =	simm.s32 $0x13C80;
	s26 =	rddreg [dreg:$0x1b];
	[sflag:s18] =	ssyncadd.s32 $0xFFFFFFB0  }
0x201: {  	[tilespmem:s17], [sflag:$0x4] =	stream.linear.gather [hbm4b:s26+s5], $0x80, $0x38;
	[tilespmem:$0x1E780] =	vst v63  }
0x202: {  	s0 =	rddreg [dreg:$0x1c];
	s26 =	simm.s32 $0x13E80  }
0x203: {  	[tilespmem:s26], [sflag:$0x4] =	stream.linear.gather [hbm4b:s0+s5], $0x80, $0x38;
	[tilespmem:$0x1E780] =	vst v63  }
0x204: {  	_ =	swait.ge [sflag:s4], $0x80  }
0x205: {  	[sflag:s4] =	ssyncset.done $0x0  }
0x206: {  	[sflag:s4] =	ssyncadd.s32 $0xFFFFFF80  }
0x207: {  	_ =	swait.ge [sflag:s4], $0x80  }
0x208: {  	[sflag:s4] =	ssyncset.done $0x0  }
0x209: {  	s13 =	simm.s32 $0x16B00;
	[sflag:s4] =	ssyncadd.s32 $0xFFFFFF80  }
0x20a: {  	[tilespmem:s13], [sflag:$0x6] =	stream.indirect.gather [hbm4b:s23+s20], $0x80, s22, s20, $0xb8;
	[tilespmem:$0x1E780] =	vst v63  }
0x20b: {  	s22 =	simm.s32 $0x1E380  }
0x20c: {  	[tilespmem:s22], [sflag:$0xA] =	stream.indirect.gather [hbm4b:s31+s20], $0x1, s9, s20, $0xb8;
	[tilespmem:$0x1E780] =	vst v63  }
0x20d: {  	s9 =	simm.s32 $0x5  }
0x20e: {  	_ =	swait.ge [sflag:s9], $0x2800  }
0x20f: {  	[sflag:s9] =	ssyncset.done $0x0  }
0x210: {  	s0 =	simm.s32 $0x9;
	[sflag:s9] =	ssyncadd.s32 $0xFFFFD800  }
0x211: {  	_ =	swait.ge [sflag:s0], $0x50  }
0x212: {  	[sflag:s0] =	ssyncset.done $0x0  }
0x213: {  	[sflag:s0] =	ssyncadd.s32 $0xFFFFFFB0  }
0x214: {  	v1 =	vld [tilespmem:$0x13B00]  }
0x215: {  	v2 =	vld [tilespmem:$0x13D00]  }
0x216: {  	v3 =	vld [tilespmem:$0x13B10]  }
0x217: {  	v44 =	vld [tilespmem:$0x13D10]  }
0x218: {  	v45 =	vld [tilespmem:$0x13B20]  }
0x219: {  	v46 =	vld [tilespmem:$0x13B40];
	[tilespmem:$0x13F00] =	vst v1  }
0x21a: {  	v47 =	vld [tilespmem:$0x13D40];
	[tilespmem:$0x14100] =	vst v2  }
0x21b: {  	v1 =	vld [tilespmem:$0x13D20];
	[tilespmem:$0x13F10] =	vst v3  }
0x21c: {  	v2 =	vld [tilespmem:$0x13B30];
	[tilespmem:$0x14110] =	vst v44  }
0x21d: {  	v3 =	vld [tilespmem:$0x13D30];
	[tilespmem:$0x13F20] =	vst v45  }
0x21e: {  	[tilespmem:$0x13F40] =	vst v46  }
0x21f: {  	[tilespmem:$0x14140] =	vst v47  }
0x220: {  	[tilespmem:$0x14120] =	vst v1  }
0x221: {  	[tilespmem:$0x13F30] =	vst v2  }
0x222: {  	s11 =	simm.s32 $0x14300;
	s8 =	simm.s32 $0x14100;
	[tilespmem:$0x14130] =	vst v3  }
0x223: {  	[spmem:s12] =	stream.indirect.scatter.add.f32 [tilespmem:s11], [sflag:$0xD], $0x80, s8, s20, $0xb8;
	[tilespmem:$0x1E780] =	vst v63  }
0x224: {  	s28 =	simm.s32 $0xF;
	s24 =	simm.s32 $0x1E300;
	s11 =	simm.s32 $0x13F00  }
0x225: {  	[spmem:s2] =	stream.indirect.scatter.add.f32 [tilespmem:s24], [sflag:$0x11], $0x1, s11, s20, $0xb8;
	[tilespmem:$0x1E780] =	vst v63  }
0x226: {  	_ =	swait.ge [sflag:s28], $0x2800  }
0x227: {  	[sflag:s28] =	ssyncset.done $0x0  }
0x228: {  	s11 =	simm.s32 $0x13;
	[sflag:s28] =	ssyncadd.s32 $0xFFFFD800  }
0x229: {  	_ =	swait.ge [sflag:s11], $0x50  }
0x22a: {  	[sflag:s11] =	ssyncset.done $0x0  }
0x22b: {  	s24 =	simm.s32 $0x13B00;
	s8 =	rddreg [dreg:$0x1e];
	[sflag:s11] =	ssyncadd.s32 $0xFFFFFFB0  }
0x22c: {  	[tilespmem:s24], [sflag:$0x1] =	stream.linear.gather [hbm4b:s8+s5], $0x80, $0x38;
	[tilespmem:$0x1E780] =	vst v63  }
0x22d: {  	s8 =	rddreg [dreg:$0x1d];
	s24 =	simm.s32 $0x13D00  }
0x22e: {  	[tilespmem:s24], [sflag:$0x1] =	stream.linear.gather [hbm4b:s8+s5], $0x80, $0x38;
	[tilespmem:$0x1E780] =	vst v63  }
0x22f: {  	_ =	swait.ge [sflag:s29], $0x80  }
0x230: {  	[sflag:s29] =	ssyncset.done $0x0  }
0x231: {  	[sflag:s29] =	ssyncadd.s32 $0xFFFFFF80  }
0x232: {  	_ =	swait.ge [sflag:s29], $0x80  }
0x233: {  	[sflag:s29] =	ssyncset.done $0x0  }
0x234: {  	s24 =	simm.s32 $0x19300;
	[sflag:s29] =	ssyncadd.s32 $0xFFFFFF80  }
0x235: {  	[tilespmem:s24], [sflag:$0x7] =	stream.indirect.gather [hbm4b:s23+s20], $0x80, s7, s20, $0xb8;
	[tilespmem:$0x1E780] =	vst v63  }
0x236: {  	s8 =	simm.s32 $0x13E00;
	s7 =	simm.s32 $0x1E400  }
0x237: {  	[tilespmem:s7], [sflag:$0xB] =	stream.indirect.gather [hbm4b:s31+s20], $0x1, s8, s20, $0xb8;
	[tilespmem:$0x1E780] =	vst v63  }
0x238: {  	_ =	swait.ge [sflag:s16], $0x2800  }
0x239: {  	[sflag:s16] =	ssyncset.done $0x0  }
0x23a: {  	[sflag:s16] =	ssyncadd.s32 $0xFFFFD800  }
0x23b: {  	_ =	swait.ge [sflag:s6], $0x50  }
0x23c: {  	[sflag:s6] =	ssyncset.done $0x0  }
0x23d: {  	[sflag:s6] =	ssyncadd.s32 $0xFFFFFFB0  }
0x23e: {  	v1 =	vld [tilespmem:$0x13B80]  }
0x23f: {  	v2 =	vld [tilespmem:$0x13D80]  }
0x240: {  	v3 =	vld [tilespmem:$0x13B90]  }
0x241: {  	v48 =	vld [tilespmem:$0x13D90]  }
0x242: {  	v49 =	vld [tilespmem:$0x13BA0]  }
0x243: {  	v50 =	vld [tilespmem:$0x13BC0];
	[tilespmem:$0x13F80] =	vst v1  }
0x244: {  	v51 =	vld [tilespmem:$0x13DC0];
	[tilespmem:$0x14180] =	vst v2  }
0x245: {  	v1 =	vld [tilespmem:$0x13DA0];
	[tilespmem:$0x13F90] =	vst v3  }
0x246: {  	v2 =	vld [tilespmem:$0x13BB0];
	[tilespmem:$0x14190] =	vst v48  }
0x247: {  	v3 =	vld [tilespmem:$0x13DB0];
	[tilespmem:$0x13FA0] =	vst v49  }
0x248: {  	[tilespmem:$0x13FC0] =	vst v50  }
0x249: {  	[tilespmem:$0x141C0] =	vst v51  }
0x24a: {  	[tilespmem:$0x141A0] =	vst v1  }
0x24b: {  	[tilespmem:$0x13FB0] =	vst v2  }
0x24c: {  	s8 =	simm.s32 $0x14180;
	[tilespmem:$0x141B0] =	vst v3  }
0x24d: {  	[spmem:s12] =	stream.indirect.scatter.add.f32 [tilespmem:s13], [sflag:$0xE], $0x80, s8, s20, $0xb8;
	[tilespmem:$0x1E780] =	vst v63  }
0x24e: {  	s16 =	simm.s32 $0x13F80;
	s6 =	simm.s32 $0x10  }
0x24f: {  	[spmem:s2] =	stream.indirect.scatter.add.f32 [tilespmem:s22], [sflag:$0x12], $0x1, s16, s20, $0xb8;
	[tilespmem:$0x1E780] =	vst v63  }
0x250: {  	_ =	swait.ge [sflag:s6], $0x2800  }
0x251: {  	[sflag:s6] =	ssyncset.done $0x0  }
0x252: {  	s8 =	simm.s32 $0x14;
	[sflag:s6] =	ssyncadd.s32 $0xFFFFD800  }
0x253: {  	_ =	swait.ge [sflag:s8], $0x50  }
0x254: {  	[sflag:s8] =	ssyncset.done $0x0  }
0x255: {  	[sflag:s8] =	ssyncadd.s32 $0xFFFFFFB0  }
0x256: {  	_ =	swait.ge [sflag:s25], $0x80  }
0x257: {  	[sflag:s25] =	ssyncset.done $0x0  }
0x258: {  	[sflag:s25] =	ssyncadd.s32 $0xFFFFFF80  }
0x259: {  	_ =	swait.ge [sflag:s25], $0x80  }
0x25a: {  	[sflag:s25] =	ssyncset.done $0x0  }
0x25b: {  	s16 =	simm.s32 $0x1BB00;
	[sflag:s25] =	ssyncadd.s32 $0xFFFFFF80  }
0x25c: {  	[tilespmem:s16], [sflag:$0x8] =	stream.indirect.gather [hbm4b:s23+s20], $0x80, s17, s20, $0xb8;
	[tilespmem:$0x1E780] =	vst v63  }
0x25d: {  	s13 =	simm.s32 $0x1E480  }
0x25e: {  	[tilespmem:s13], [sflag:$0xC] =	stream.indirect.gather [hbm4b:s31+s20], $0x1, s26, s20, $0xb8;
	[tilespmem:$0x1E780] =	vst v63  }
0x25f: {  	_ =	swait.ge [sflag:s21], $0x2800  }
0x260: {  	[sflag:s21] =	ssyncset.done $0x0  }
0x261: {  	[sflag:s21] =	ssyncadd.s32 $0xFFFFD800  }
0x262: {  	_ =	swait.ge [sflag:s1], $0x50  }
0x263: {  	[sflag:s1] =	ssyncset.done $0x0  }
0x264: {  	[sflag:s1] =	ssyncadd.s32 $0xFFFFFFB0  }
0x265: {  	v1 =	vld [tilespmem:$0x13C00]  }
0x266: {  	v2 =	vld [tilespmem:$0x13E00]  }
0x267: {  	v3 =	vld [tilespmem:$0x13C10]  }
0x268: {  	v52 =	vld [tilespmem:$0x13E10]  }
0x269: {  	v53 =	vld [tilespmem:$0x13C20]  }
0x26a: {  	v54 =	vld [tilespmem:$0x13C40];
	[tilespmem:$0x14000] =	vst v1  }
0x26b: {  	v55 =	vld [tilespmem:$0x13E40];
	[tilespmem:$0x14200] =	vst v2  }
0x26c: {  	v1 =	vld [tilespmem:$0x13E20];
	[tilespmem:$0x14010] =	vst v3  }
0x26d: {  	v2 =	vld [tilespmem:$0x13C30];
	[tilespmem:$0x14210] =	vst v52  }
0x26e: {  	v3 =	vld [tilespmem:$0x13E30];
	[tilespmem:$0x14020] =	vst v53  }
0x26f: {  	[tilespmem:$0x14040] =	vst v54  }
0x270: {  	[tilespmem:$0x14240] =	vst v55  }
0x271: {  	[tilespmem:$0x14220] =	vst v1  }
0x272: {  	[tilespmem:$0x14030] =	vst v2  }
0x273: {  	s22 =	simm.s32 $0x14200;
	[tilespmem:$0x14230] =	vst v3  }
0x274: {  	[spmem:s12] =	stream.indirect.scatter.add.f32 [tilespmem:s24], [sflag:$0xF], $0x80, s22, s20, $0xb8;
	[tilespmem:$0x1E780] =	vst v63  }
0x275: {  	s26 =	simm.s32 $0x14000  }
0x276: {  	[spmem:s2] =	stream.indirect.scatter.add.f32 [tilespmem:s7], [sflag:$0x13], $0x1, s26, s20, $0xb8;
	[tilespmem:$0x1E780] =	vst v63  }
0x277: {  	_ =	swait.ge [sflag:s30], $0x2800  }
0x278: {  	[sflag:s30] =	ssyncset.done $0x0  }
0x279: {  	[sflag:s30] =	ssyncadd.s32 $0xFFFFD800  }
0x27a: {  	_ =	swait.ge [sflag:s10], $0x50  }
0x27b: {  	[sflag:s10] =	ssyncset.done $0x0  }
0x27c: {  	[sflag:s10] =	ssyncadd.s32 $0xFFFFFFB0  }
0x27d: {  	_ =	swait.ge [sflag:s19], $0x80  }
0x27e: {  	[sflag:s19] =	ssyncset.done $0x0  }
0x27f: {  	[sflag:s19] =	ssyncadd.s32 $0xFFFFFF80  }
0x280: {  	_ =	swait.ge [sflag:s19], $0x80  }
0x281: {  	[sflag:s19] =	ssyncset.done $0x0  }
0x282: {  	s17 =	simm.s32 $0x13B00;
	s1 =	simm.s32 $0x14300;
	[sflag:s19] =	ssyncadd.s32 $0xFFFFFF80  }
0x283: {  	[tilespmem:s1], [sflag:$0x5] =	stream.indirect.gather [hbm4b:s23+s20], $0x80, s17, s20, $0xb8;
	[tilespmem:$0x1E780] =	vst v63  }
0x284: {  	s21 =	simm.s32 $0x1E300;
	s22 =	simm.s32 $0x13D00  }
0x285: {  	[tilespmem:s21], [sflag:$0x9] =	stream.indirect.gather [hbm4b:s31+s20], $0x1, s22, s20, $0xb8;
	[tilespmem:$0x1E780] =	vst v63  }
0x286: {  	_ =	swait.ge [sflag:s3], $0x2800  }
0x287: {  	[sflag:s3] =	ssyncset.done $0x0  }
0x288: {  	[sflag:s3] =	ssyncadd.s32 $0xFFFFD800  }
0x289: {  	_ =	swait.ge [sflag:s15], $0x50  }
0x28a: {  	[sflag:s15] =	ssyncset.done $0x0  }
0x28b: {  	[sflag:s15] =	ssyncadd.s32 $0xFFFFFFB0  }
0x28c: {  	v1 =	vld [tilespmem:$0x13C80]  }
0x28d: {  	v2 =	vld [tilespmem:$0x13E80]  }
0x28e: {  	v3 =	vld [tilespmem:$0x13C90]  }
0x28f: {  	v56 =	vld [tilespmem:$0x13E90]  }
0x290: {  	v57 =	vld [tilespmem:$0x13CA0]  }
0x291: {  	v58 =	vld [tilespmem:$0x13CC0];
	[tilespmem:$0x14080] =	vst v1  }
0x292: {  	v59 =	vld [tilespmem:$0x13EC0];
	[tilespmem:$0x14280] =	vst v2  }
0x293: {  	v1 =	vld [tilespmem:$0x13EA0];
	[tilespmem:$0x14090] =	vst v3  }
0x294: {  	v2 =	vld [tilespmem:$0x13CB0];
	[tilespmem:$0x14290] =	vst v56  }
0x295: {  	v3 =	vld [tilespmem:$0x13EB0];
	[tilespmem:$0x140A0] =	vst v57  }
0x296: {  	[tilespmem:$0x140C0] =	vst v58  }
0x297: {  	[tilespmem:$0x142C0] =	vst v59  }
0x298: {  	[tilespmem:$0x142A0] =	vst v1  }
0x299: {  	[tilespmem:$0x140B0] =	vst v2  }
0x29a: {  	s24 =	simm.s32 $0x14280;
	[tilespmem:$0x142B0] =	vst v3  }
0x29b: {  	[spmem:s12] =	stream.indirect.scatter.add.f32 [tilespmem:s16], [sflag:$0x10], $0x80, s24, s20, $0xb8;
	[tilespmem:$0x1E780] =	vst v63  }
0x29c: {  	s26 =	simm.s32 $0x14080  }
0x29d: {  	[spmem:s2] =	stream.indirect.scatter.add.f32 [tilespmem:s13], [sflag:$0x14], $0x1, s26, s20, $0xb8;
	[tilespmem:$0x1E780] =	vst v63  }
0x29e: {  	_ =	swait.ge [sflag:s9], $0x2800  }
0x29f: {  	[sflag:s9] =	ssyncset.done $0x0  }
0x2a0: {  	[sflag:s9] =	ssyncadd.s32 $0xFFFFD800  }
0x2a1: {  	_ =	swait.ge [sflag:s0], $0x50  }
0x2a2: {  	[sflag:s0] =	ssyncset.done $0x0  }
0x2a3: {  	[sflag:s0] =	ssyncadd.s32 $0xFFFFFFB0  }
0x2a4: {  	v1 =	vld [tilespmem:$0x13B00]  }
0x2a5: {  	v2 =	vld [tilespmem:$0x13D00]  }
0x2a6: {  	v3 =	vld [tilespmem:$0x13B10]  }
0x2a7: {  	v60 =	vld [tilespmem:$0x13D10]  }
0x2a8: {  	v61 =	vld [tilespmem:$0x13B20]  }
0x2a9: {  	v62 =	vld [tilespmem:$0x13B40];
	[tilespmem:$0x13F00] =	vst v1  }
0x2aa: {  	v63 =	vld [tilespmem:$0x13D40];
	[tilespmem:$0x14100] =	vst v2  }
0x2ab: {  	v1 =	vld [tilespmem:$0x13D20];
	[tilespmem:$0x13F10] =	vst v3  }
0x2ac: {  	v2 =	vld [tilespmem:$0x13B30];
	[tilespmem:$0x14110] =	vst v60  }
0x2ad: {  	v3 =	vld [tilespmem:$0x13D30];
	[tilespmem:$0x13F20] =	vst v61  }
0x2ae: {  	[tilespmem:$0x13F40] =	vst v62  }
0x2af: {  	[tilespmem:$0x14140] =	vst v63  }
0x2b0: {  	[tilespmem:$0x14120] =	vst v1  }
0x2b1: {  	[tilespmem:$0x13F30] =	vst v2  }
0x2b2: {  	s13 =	simm.s32 $0x14100;
	[tilespmem:$0x14130] =	vst v3  }
0x2b3: {  	[spmem:s12] =	stream.indirect.scatter.add.f32 [tilespmem:s1], [sflag:$0xD], $0x80, s13, s20, $0xb8;
	[tilespmem:$0x1E780] =	vst v63  }
0x2b4: {  	s15 =	simm.s32 $0x13F00  }
0x2b5: {  	[spmem:s2] =	stream.indirect.scatter.add.f32 [tilespmem:s21], [sflag:$0x11], $0x1, s15, s20, $0xb8;
	[tilespmem:$0x1E780] =	vst v63  }
0x2b6: {  	_ =	swait.ge [sflag:s14], $0x2800  }
0x2b7: {  	[sflag:s14] =	ssyncset.done $0x0  }
0x2b8: {  	[sflag:s14] =	ssyncadd.s32 $0xFFFFD800  }
0x2b9: {  	_ =	swait.ge [sflag:s18], $0x50  }
0x2ba: {  	[sflag:s18] =	ssyncset.done $0x0  }
0x2bb: {  	[sflag:s18] =	ssyncadd.s32 $0xFFFFFFB0  }
0x2bc: {  	_ =	swait.ge [sflag:s28], $0x2800  }
0x2bd: {  	[sflag:s28] =	ssyncset.done $0x0  }
0x2be: {  	[sflag:s28] =	ssyncadd.s32 $0xFFFFD800  }
0x2bf: {  	_ =	swait.ge [sflag:s11], $0x50  }
0x2c0: {  	[sflag:s11] =	ssyncset.done $0x0  }
0x2c1: {  	[sflag:s11] =	ssyncadd.s32 $0xFFFFFFB0  }
0x2c2: {  	_ =	swait.ge [sflag:s6], $0x2800  }
0x2c3: {  	[sflag:s6] =	ssyncset.done $0x0  }
0x2c4: {  	[sflag:s6] =	ssyncadd.s32 $0xFFFFD800  }
0x2c5: {  	_ =	swait.ge [sflag:s8], $0x50  }
0x2c6: {  	[sflag:s8] =	ssyncset.done $0x0  }
0x2c7: {  	[sflag:s8] =	ssyncadd.s32 $0xFFFFFFB0  }
0x2c8: {  	_ =	swait.ge [sflag:s30], $0x2800  }
0x2c9: {  	[sflag:s30] =	ssyncset.done $0x0  }
0x2ca: {  	[sflag:s30] =	ssyncadd.s32 $0xFFFFD800  }
0x2cb: {  	_ =	swait.ge [sflag:s10], $0x50  }
0x2cc: {  	[sflag:s10] =	ssyncset.done $0x0  }
0x2cd: {  	[sflag:s10] =	ssyncadd.s32 $0xFFFFFFB0  }
0x2ce: {  	[bflag:$0x0] =	sbarrier.arrive $0xFFFF  }
0x2cf: {  	s17 =	sld [smem:$0x7F6]  }
0x2d0: {  	s16 =	stileid.u32;
	s18 =	sld [smem:$0x7F7]  }
0x2d1: {  	s22 =	simm.s32 $0x20;
	s8 =	sshll.u32 s16, $0x6  }
0x2d2: {  	s24 =	simm.s32 $0x16;
	s8 =	sor.u32 $0x1C16, s8;
	s13 =	sshrl.u32 s17, $0x3  }
0x2d3: {  	[hbm:s18@s22], [sflag:s8] =	dma.strided [spmem:s13@s6], $0x50, s19, $0x10   }
0x2d4: {  	_ =	swait.ge [sflag:s24], $0x50  }
0x2d5: {  	s13 =	sld [smem:$0x7FA]  }
0x2d6: {  	s21 =	sld [smem:$0x7F8]  }
0x2d7: {  	[sflag:s24] =	ssyncset.done $0x0  }
0x2d8: {  	[sflag:s24] =	ssyncadd.s32 $0xFFFFFFB0;
	s13 =	sshrl.u32 @p0 s13, $0x3  }
0x2d9: {  	[hbm:s21], [sflag:s8] =	dma.local @p0 [spmem:s13], $0x1900  }
0x2da: {  	s13 =	simm.s32 @p0 $0x16  }
0x2db: {  	_ =	swait.ge @p0 [sflag:s13], $0x1900  }
0x2dc: {  	s21 =	sld [smem:$0x7F3]  }
0x2dd: {  	[sflag:s13] =	ssyncset.done @p0 $0x0;
	s16 =	rddreg [dreg:$0x1f]  }
0x2de: {  	[sflag:s13] =	ssyncadd.s32 @p0 $0xFFFFE700;
	s13 =	sshrl.u32 @!p0 s16, $0x3  }
0x2df: {  	[hbm:s21], [sflag:s8] =	dma.local @!p0 [spmem:s13], $0x2800  }
0x2e0: {  	s8 =	simm.s32 @!p0 $0x16  }
0x2e1: {  	_ =	swait.ge @!p0 [sflag:s8], $0x2800  }
0x2e2: {  	s26 =	sld [smem:$0x7F0]  }
0x2e3: {  	s30 =	sld [smem:$0x7F9];
	_ =	sdelay $0x1  }
0x2e4: {  	s7 =	simm.s32 $0x9;
	s6 =	sadd.s32 $0x1, s26  }
0x2e5: {  	s3 =	smov.u32 s12;
	s9 =	simm.s32 $0x5;
	p1 =	sne.s32 s6, s30  }
.Ltmp2:
0x2e6: {  	s0 =	simm.s32 $0x13B80;
	s1 =	simm.s32 $0x14300;
	(pc) =	sbr.rel @p1 .LBB2_1-.Ltmp2, $4  }
0x2e7: {  	s14 =	simm.s32 $0x13E00;
	s28 =	simm.s32 $0x14100;
	s11 =	simm.s32 $0x13C80  }
0x2e8: {  	s10 =	simm.s32 $0x1E300;
	s17 =	simm.s32 $0x1BB00;
	s18 =	simm.s32 $0x13D00  }
0x2e9: {  	s22 =	simm.s32 $0x13D80;
	s24 =	simm.s32 $0x13C00;
	[sflag:s8] =	ssyncset.done @!p0 $0x0  }
0x2ea: {  	s21 =	simm.s32 $0x13B00;
	[sflag:s8] =	ssyncadd.s32 @!p0 $0xFFFFD800;
	s26 =	simm.s32 $0x13E80  }
0x2eb: {  	_ =	sfence.sel $0x180000  }
0x2ec: {  	[bflag:$0x0] =	sbarrier.arrive $0xFFFF  }
0x2ed: {  	_ =	strace $0x90000047  }
0x2ee: {  	s0 =	stileid.u32;
	[bflag:$0x2] =	sbarrier.arrive $0xFFFF  }
0x2ef: {  	p0 =	sne.s32 s0, $0x0;
	s0 =	rddreg [dreg:$0x4]  }
0x2f0: {  	s0 =	sadd.s32 @!p0 $0x100000, s0  }
0x2f1: {  	[sflag:s0] =	ssyncadd.tile.s32 @!p0 $0x1;
	_ =	shalt  }
.Lfunc_end2:
_tile_overlayer_lowered:
.L_overlay_start_2:
0x2f2: {  	(tag) =	ssettag $0x2  }
0x2f3: {  	s0 =	rddreg [dreg:$0x0];
	s2 =	stileid.u32  }
0x2f4: {  	s1 =	rddreg [dreg:$0x1];
	p0 =	sne.s32 s2, $0x0  }
0x2f5: {  	s3 =	rddreg [dreg:$0x2];
	[bflag:$0x3] =	sbarrier.arrive $0xFFFF;
	s2 =	simm.s32 @!p0 $0x1C16  }
0x2f6: {  	[timem:s3], [sflag:s2] =	dma.local @!p0 [hbm:s0], s1  }
0x2f7: {  	s0 =	simm.s32 @!p0 $0x16  }
0x2f8: {  	_ =	swait.ge @!p0 [sflag:s0], s1  }
0x2f9: {  	s1 =	ssub.s32 @!p0 $0x0, s1;
	[sflag:s0] =	ssyncset.done @!p0 $0x0  }
0x2fa: {  	[sflag:s0] =	ssyncadd.s32 @!p0 s1  }
0x2fb: {  	[bflag:$0x3] =	sbarrier.arrive $0xFFFF  }
0x2fc: {  	_ =	shalt  }

</sc_bundles>
